<compile_context>
chip_gen: v7x
topology: tpu7x:2x2x1
jax: 0.10.2.dev20260603
libtpu: 0.0.44.dev20260713+nightly
codegen_flags: <defaults>
</compile_context>

<pallas_src>
import functools

import jax
import jax.numpy as jnp
from jax import lax
from jax.experimental import pallas as pl
from jax.experimental.pallas import tpu as pltpu
from jax.experimental.pallas import tpu_sc as plsc

NX = 500
NY = 500
NB = 4
NC = 64
NPTS = 80000

SX = 16
SUB = 2
CSUB = SUB * NY
NSUBV = 63
CAP = 1024
CG = 8
NGRP = NC // CG
CHUNK = 800
NCHUNK = NPTS // CHUNK
WCELLS = NB * SX * NY
WPAD = WCELLS + 16

_SENT = 0xFFFFFFFF


def _splat(v):
    return jnp.full((16,), v, jnp.int32)


def _sc_body(fv, bi, xi, yi, zrow, out, W, rows, plist, wlist, sbi, sxi, syi,
             span, gsem, ssem0, ssem1, ssem2, stsem):
    it16 = lax.iota(jnp.int32, 16)
    wid = lax.axis_index("s") * 2 + lax.axis_index("c")
    x0 = wid * SX
    u = jnp.minimum(SX, NX - x0)

    m1 = _splat(-1)

    def initw(i, c):
        W[pl.ds(i * 16, 16)] = m1
        return c
    lax.fori_loop(0, WPAD // 16, initw, 0)

    pltpu.make_async_copy(zrow, span.at[0], ssem0).start()
    pltpu.make_async_copy(zrow, span.at[1], ssem1).start()
    pltpu.make_async_copy(zrow, span.at[2], ssem2).start()
    pltpu.make_async_copy(zrow, span.at[0], ssem0).wait()
    pltpu.make_async_copy(zrow, span.at[1], ssem1).wait()
    pltpu.make_async_copy(zrow, span.at[2], ssem2).wait()

    def stage_start(k, slot):
        src = pl.ds(k * CHUNK, CHUNK)
        dst = pl.ds(slot * CHUNK, CHUNK)
        pltpu.make_async_copy(bi.at[src], sbi.at[dst], stsem).start()
        pltpu.make_async_copy(xi.at[src], sxi.at[dst], stsem).start()
        pltpu.make_async_copy(yi.at[src], syi.at[dst], stsem).start()

    def stage_wait():
        d = pl.ds(0, CHUNK)
        pltpu.make_async_copy(bi.at[d], sbi.at[d], stsem).wait()
        pltpu.make_async_copy(xi.at[d], sxi.at[d], stsem).wait()
        pltpu.make_async_copy(yi.at[d], syi.at[d], stsem).wait()

    stage_start(0, 0)

    def chunk_body(k, carry):
        off = lax.rem(k, 2) * CHUNK
        stage_wait()

        @pl.when(k + 1 < NCHUNK)
        def _():
            stage_start(k + 1, lax.rem(k + 1, 2))

        def vec_body(j, c2):
            base = off + j * 16
            bv = sbi[pl.ds(base, 16)]
            xv = sxi[pl.ds(base, 16)]
            yv = syi[pl.ds(base, 16)]
            ids = k * CHUNK + j * 16 + it16
            dx = xv - x0
            inm = ((xv > 0) | (yv > 0)) & (dx >= 0) & (dx < u)
            key = jnp.clip(bv, 0, NB - 1) * (SX * NY) + dx * NY + yv
            pc = plsc.all_reduce_population_count(inm)[0]

            @pl.when(pc > 0)
            def _():
                @pl.when(pc <= 1)
                def _():
                    plsc.store_scatter(W, [key], ids, mask=inm)

                @pl.when(pc >= 2)
                def _():
                    comb = ((key.astype(jnp.uint32) << 17)
                            | ids.astype(jnp.uint32))
                    sent = jnp.full((16,), _SENT, jnp.uint32)
                    comb = jnp.where(inm, comb, sent)
                    comb_s, ids_s = plsc.sort_key_val(comb, ids)
                    key_s = (comb_s >> 17).astype(jnp.int32)
                    perm = jnp.minimum(it16 + 1, 15)
                    dn = lax.GatherDimensionNumbers(
                        offset_dims=(), collapsed_slice_dims=(0,),
                        start_index_map=(0,))
                    nxt = lax.gather(
                        key_s, perm[:, None], dn, slice_sizes=(1,),
                        mode=lax.GatherScatterMode.PROMISE_IN_BOUNDS)
                    keep = ((key_s != nxt) | (it16 == 15)) & (comb_s != sent)
                    plsc.store_scatter(W, [key_s], ids_s, mask=keep)
            return c2

        lax.fori_loop(0, CHUNK // 16, vec_body, 0)
        return carry

    lax.fori_loop(0, NCHUNK, chunk_body, 0)

    def unit_body(t, carry):
        sub = lax.rem(t, SX // SUB)
        b = t // (SX // SUB)

        @pl.when(sub * SUB < u)
        def _():
            cellbase = b * (SX * NY) + sub * CSUB
            xstart = x0 + sub * SUB

            def scan_vec(j, cnt):
                wv = W[pl.ds(cellbase + j * 16, 16)]
                pos = j * 16 + it16
                occ = (wv >= 0) & (pos < CSUB)
                plsc.store_compressed(plist.at[pl.ds(cnt, 16)], pos, mask=occ)
                plsc.store_compressed(wlist.at[pl.ds(cnt, 16)], wv, mask=occ)
                return cnt + plsc.all_reduce_population_count(occ)[0]

            n = lax.fori_loop(0, NSUBV, scan_vec, 0)
            wlist[pl.ds(n, 16)] = it16
            nv = (n + 15) // 16

            def gissue(j, c2):
                idxv = wlist[pl.ds(j * 16, 16)]
                pltpu.make_async_copy(
                    fv.at[idxv], rows.at[pl.ds(j * 16, 16)], gsem).start()
                return c2
            lax.fori_loop(0, nv, gissue, 0)

            def gdrain(j, c2):
                pltpu.make_async_copy(
                    fv.at[pl.ds(0, 16)], rows.at[pl.ds(0, 16)], gsem).wait()
                return c2
            lax.fori_loop(0, nv, gdrain, 0)

            sems = (ssem0, ssem1, ssem2)

            def span_copy(slot):
                return pltpu.make_async_copy(
                    span.at[slot],
                    out.at[b, pl.ds(0, CG), pl.ds(xstart * NY, CSUB)],
                    sems[slot])

            def span_copy_out(slot, cg):
                return pltpu.make_async_copy(
                    span.at[slot],
                    out.at[b, pl.ds(cg * CG, CG), pl.ds(xstart * NY, CSUB)],
                    sems[slot])

            for cg in range(NGRP):
                slot = cg % 3
                if cg >= 3:
                    span_copy(slot).wait()

                def cbody(j, c2, _cg=cg, _slot=slot):
                    ranks = j * 16 + it16
                    rm = ranks < n
                    posv = plist[pl.ds(j * 16, 16)]
                    for cc in range(CG):
                        vals = plsc.load_gather(
                            rows, [ranks, _splat(_cg * CG + cc)], mask=rm)
                        plsc.store_scatter(
                            span, [_splat(_slot), _splat(cc), posv],
                            vals, mask=rm)
                    return c2

                lax.fori_loop(0, nv, cbody, 0)
                span_copy_out(slot, cg).start()

            span_copy(2).wait()
            span_copy(0).wait()
            span_copy(1).wait()

            def zbody(j, c2):
                ranks = j * 16 + it16
                rm = ranks < n
                posv = plist[pl.ds(j * 16, 16)]
                zf = jnp.zeros((16,), jnp.float32)
                for slot2 in range(3):
                    for cc in range(CG):
                        plsc.store_scatter(
                            span, [_splat(slot2), _splat(cc), posv],
                            zf, mask=rm)
                return c2
            lax.fori_loop(0, nv, zbody, 0)
        return carry

    lax.fori_loop(0, NB * (SX // SUB), unit_body, 0)

    return


def kernel(pillar_features, coords):
    B, P, C = pillar_features.shape
    fv = pillar_features.reshape(-1, C)
    bi = coords[:, :, 0].reshape(-1)
    xi = coords[:, :, 1].reshape(-1)
    yi = coords[:, :, 2].reshape(-1)
    zrow = jnp.zeros((CG, CSUB), jnp.float32)

    f = functools.partial(
        pl.kernel,
        out_type=jax.ShapeDtypeStruct((NB, NC, NX * NY), jnp.float32),
        mesh=plsc.VectorSubcoreMesh(core_axis_name="c", subcore_axis_name="s"),
        compiler_params=pltpu.CompilerParams(
            needs_layout_passes=False, use_tc_tiling_on_sc=False),
        scratch_types=[
            pltpu.VMEM((WPAD,), jnp.int32),
            pltpu.VMEM((CAP, NC), jnp.float32),
            pltpu.VMEM((CAP + 32,), jnp.int32),
            pltpu.VMEM((CAP + 32,), jnp.int32),
            pltpu.VMEM((2 * CHUNK,), jnp.int32),
            pltpu.VMEM((2 * CHUNK,), jnp.int32),
            pltpu.VMEM((2 * CHUNK,), jnp.int32),
            pltpu.VMEM((3, CG, CSUB), jnp.float32),
            pltpu.SemaphoreType.DMA,
            pltpu.SemaphoreType.DMA,
            pltpu.SemaphoreType.DMA,
            pltpu.SemaphoreType.DMA,
            pltpu.SemaphoreType.DMA,
        ],
    )(_sc_body)
    return f(fv, bi, xi, yi, zrow).reshape(NB, NC, NX, NY)

# --- scband reference (transcript-rebuilt; emitter-appended) ---
"""Pipeline reference for scband-point-pillars-scatter-81509889344183 (READ-ONLY COPY).

The authoritative reference and input builder live on the scoring server;
editing this copy changes nothing except your own understanding.
"""

import jax, jax.numpy as jnp
import numpy as np

NX = 500
NY = 500
OUT_CHANNELS = 64


def setup_inputs(seed: int = 0) -> dict:
    key = jax.random.key(seed)
    k1, k2 = jax.random.split(key)
    pillar_features = jax.random.normal(k1, (4, 20000, 64), dtype=jnp.float32)
    coords = jax.random.randint(k2, (4, 20000, 3), 0, 500, dtype=jnp.int32)
    return {"pillar_features": pillar_features, "coords": coords}


def reference(pillar_features, coords):
    B, P, C = pillar_features.shape
    bi = coords[:, :, 0].reshape(-1)
    xi = coords[:, :, 1].reshape(-1)
    yi = coords[:, :, 2].reshape(-1)
    valid = (xi > 0) | (yi > 0)
    bi = jnp.where(valid, jnp.clip(bi, 0, B - 1), B)
    xi = jnp.clip(xi, 0, NX - 1)
    yi = jnp.clip(yi, 0, NY - 1)
    fv = pillar_features.reshape(-1, C)
    bev_map = jnp.zeros((B, C, NX, NY), dtype=pillar_features.dtype)
    bev_map = bev_map.at[bi, :, xi, yi].set(fv, mode="drop")
    return bev_map

if __name__ == "__main__":
    import jax
    _d = setup_inputs()
    print(jax.jit(kernel)(*tuple(_d.values())))

</pallas_src>

<mosaic_0001>
#map = affine_map<(d0, d1) -> (0, 0)>
#map1 = affine_map<(d0, d1) -> (0)>
#map2 = affine_map<(d0, d1) -> (0, 0, 0)>
module attributes {stable_mosaic.version = 14 : i64} {
  func.func @_sc_body(%arg0: i32, %arg1: i32, %arg2: memref<80000x64xf32, #tpu.memory_space<hbm>>, %arg3: memref<80000xi32, #tpu.memory_space<hbm>>, %arg4: memref<80000xi32, #tpu.memory_space<hbm>>, %arg5: memref<80000xi32, #tpu.memory_space<hbm>>, %arg6: memref<8x1000xf32, #tpu.memory_space<hbm>>, %arg7: memref<4x64x250000xf32, #tpu.memory_space<hbm>>, %arg8: memref<32016xi32, #tpu.memory_space<vmem>>, %arg9: memref<1024x64xf32, #tpu.memory_space<vmem>>, %arg10: memref<1056xi32, #tpu.memory_space<vmem>>, %arg11: memref<1056xi32, #tpu.memory_space<vmem>>, %arg12: memref<1600xi32, #tpu.memory_space<vmem>>, %arg13: memref<1600xi32, #tpu.memory_space<vmem>>, %arg14: memref<1600xi32, #tpu.memory_space<vmem>>, %arg15: memref<3x8x1000xf32, #tpu.memory_space<vmem>>, %arg16: memref<!tpu.dma_semaphore, #tpu.memory_space<semaphore_mem>>, %arg17: memref<!tpu.dma_semaphore, #tpu.memory_space<semaphore_mem>>, %arg18: memref<!tpu.dma_semaphore, #tpu.memory_space<semaphore_mem>>, %arg19: memref<!tpu.dma_semaphore, #tpu.memory_space<semaphore_mem>>, %arg20: memref<!tpu.dma_semaphore, #tpu.memory_space<semaphore_mem>>) attributes {dimension_semantics = [#tpu.dimension_semantics<core_parallel>, #tpu.dimension_semantics<subcore_parallel>], iteration_bounds = array<i64: 2, 16>, scalar_prefetch = 0 : i64, scratch_operands = 13 : i64, tpu.core_type = #tpu.core_type<sc_vector_subcore>, window_params = [{transform_indices = #map}, {transform_indices = #map1}, {transform_indices = #map1}, {transform_indices = #map1}, {transform_indices = #map}, {transform_indices = #map2}]} {
    %iota3A = tpu.iota {dimensions = array<i32: 0>} : vector<16xi32>
    %mul3A = arith.constant 2 : i32
    %mul3A_0 = arith.muli %arg1, %mul3A : i32
    %add3A = arith.addi %mul3A_0, %arg0 : i32
    %mul3A_1 = arith.constant 16 : i32
    %mul3A_2 = arith.muli %add3A, %mul3A_1 : i32
    %sub3A = arith.constant 500 : i32
    %sub3A_3 = arith.subi %sub3A, %mul3A_2 : i32
    %min3A = arith.constant 16 : i32
    %min3A_4 = arith.minsi %min3A, %sub3A_3 : i32
    %broadcast_in_dim3A = arith.constant -1 : i32
    %broadcast_in_dim3A_5 = vector.broadcast %broadcast_in_dim3A : i32 to vector<16xi32>
    %scan3A = arith.constant 0 : i32
    %scan3A_6 = arith.constant 0 : i32
    %scan3A_7 = arith.constant 2001 : i32
    %scan3A_8 = arith.addi %scan3A_6, %scan3A_7 : i32
    %scan3A_9 = arith.constant 1 : i32
    scf.for %scan3A_99 = %scan3A_6 to %scan3A_8 step %scan3A_9  : i32 {
      %mul3A_100 = arith.constant 16 : i32
      %mul3A_101 = arith.muli %scan3A_99, %mul3A_100 : i32
      %swap3A = arith.index_cast %mul3A_101 : i32 to index
      %swap3A_102 = tpu.vector_load %arg8[%swap3A] {strides = array<i32>} : memref<32016xi32, #tpu.memory_space<vmem>>, vector<16xi32>,
      tpu.vector_store %arg8[%swap3A], %broadcast_in_dim3A_5 {strides = array<i32>} : memref<32016xi32, #tpu.memory_space<vmem>>, vector<16xi32>,
    }
    %scan3A_10 = arith.constant 2001 : i32
    %dma_start3A = arith.constant 0 : i32
    %dma_start3A_11 = arith.constant 0 : i32
    %dma_start3A_12 = arith.constant 0 : i32
    %dma_start3A_13 = tpu.memref_slice %arg15[%dma_start3A, %dma_start3A_11, %dma_start3A_12] : memref<3x8x1000xf32, #tpu.memory_space<vmem>> -> memref<1x8x1000xf32, #tpu.memory_space<vmem>>
    %dma_start3A_14 = tpu.memref_squeeze %dma_start3A_13 : memref<1x8x1000xf32, #tpu.memory_space<vmem>> -> memref<8x1000xf32, #tpu.memory_space<vmem>>
    %dma_start3A_15 = arith.constant 0 : i32
    %dma_start3A_16 = arith.constant 0 : i32
    %dma_start3A_17 = tpu.memref_slice %arg15[%dma_start3A, %dma_start3A_15, %dma_start3A_16] : memref<3x8x1000xf32, #tpu.memory_space<vmem>> -> memref<1x8x1000xf32, #tpu.memory_space<vmem>>
    %dma_start3A_18 = tpu.memref_squeeze %dma_start3A_17 : memref<1x8x1000xf32, #tpu.memory_space<vmem>> -> memref<8x1000xf32, #tpu.memory_space<vmem>>
    tpu.enqueue_dma source(%arg6 : memref<8x1000xf32, #tpu.memory_space<hbm>>) target(%dma_start3A_18 : memref<8x1000xf32, #tpu.memory_space<vmem>>) target_semaphore(%arg17 : memref<!tpu.dma_semaphore, #tpu.memory_space<semaphore_mem>>)
    %dma_start3A_19 = arith.constant 1 : i32
    %dma_start3A_20 = arith.constant 0 : i32
    %dma_start3A_21 = arith.constant 0 : i32
    %dma_start3A_22 = tpu.memref_slice %arg15[%dma_start3A_19, %dma_start3A_20, %dma_start3A_21] : memref<3x8x1000xf32, #tpu.memory_space<vmem>> -> memref<1x8x1000xf32, #tpu.memory_space<vmem>>
    %dma_start3A_23 = tpu.memref_squeeze %dma_start3A_22 : memref<1x8x1000xf32, #tpu.memory_space<vmem>> -> memref<8x1000xf32, #tpu.memory_space<vmem>>
    %dma_start3A_24 = arith.constant 0 : i32
    %dma_start3A_25 = arith.constant 0 : i32
    %dma_start3A_26 = tpu.memref_slice %arg15[%dma_start3A_19, %dma_start3A_24, %dma_start3A_25] : memref<3x8x1000xf32, #tpu.memory_space<vmem>> -> memref<1x8x1000xf32, #tpu.memory_space<vmem>>
    %dma_start3A_27 = tpu.memref_squeeze %dma_start3A_26 : memref<1x8x1000xf32, #tpu.memory_space<vmem>> -> memref<8x1000xf32, #tpu.memory_space<vmem>>
    tpu.enqueue_dma source(%arg6 : memref<8x1000xf32, #tpu.memory_space<hbm>>) target(%dma_start3A_27 : memref<8x1000xf32, #tpu.memory_space<vmem>>) target_semaphore(%arg18 : memref<!tpu.dma_semaphore, #tpu.memory_space<semaphore_mem>>)
    %dma_start3A_28 = arith.constant 2 : i32
    %dma_start3A_29 = arith.constant 0 : i32
    %dma_start3A_30 = arith.constant 0 : i32
    %dma_start3A_31 = tpu.memref_slice %arg15[%dma_start3A_28, %dma_start3A_29, %dma_start3A_30] : memref<3x8x1000xf32, #tpu.memory_space<vmem>> -> memref<1x8x1000xf32, #tpu.memory_space<vmem>>
    %dma_start3A_32 = tpu.memref_squeeze %dma_start3A_31 : memref<1x8x1000xf32, #tpu.memory_space<vmem>> -> memref<8x1000xf32, #tpu.memory_space<vmem>>
    %dma_start3A_33 = arith.constant 0 : i32
    %dma_start3A_34 = arith.constant 0 : i32
    %dma_start3A_35 = tpu.memref_slice %arg15[%dma_start3A_28, %dma_start3A_33, %dma_start3A_34] : memref<3x8x1000xf32, #tpu.memory_space<vmem>> -> memref<1x8x1000xf32, #tpu.memory_space<vmem>>
    %dma_start3A_36 = tpu.memref_squeeze %dma_start3A_35 : memref<1x8x1000xf32, #tpu.memory_space<vmem>> -> memref<8x1000xf32, #tpu.memory_space<vmem>>
    tpu.enqueue_dma source(%arg6 : memref<8x1000xf32, #tpu.memory_space<hbm>>) target(%dma_start3A_36 : memref<8x1000xf32, #tpu.memory_space<vmem>>) target_semaphore(%arg19 : memref<!tpu.dma_semaphore, #tpu.memory_space<semaphore_mem>>)
    %dma_wait3A = arith.constant 0 : i32
    %dma_wait3A_37 = arith.constant 0 : i32
    %dma_wait3A_38 = arith.constant 0 : i32
    %dma_wait3A_39 = tpu.memref_slice %arg15[%dma_wait3A, %dma_wait3A_37, %dma_wait3A_38] : memref<3x8x1000xf32, #tpu.memory_space<vmem>> -> memref<1x8x1000xf32, #tpu.memory_space<vmem>>
    %dma_wait3A_40 = tpu.memref_squeeze %dma_wait3A_39 : memref<1x8x1000xf32, #tpu.memory_space<vmem>> -> memref<8x1000xf32, #tpu.memory_space<vmem>>
    %dma_wait3A_41 = arith.constant 0 : i32
    %dma_wait3A_42 = arith.constant 0 : i32
    %dma_wait3A_43 = tpu.memref_slice %arg15[%dma_wait3A, %dma_wait3A_41, %dma_wait3A_42] : memref<3x8x1000xf32, #tpu.memory_space<vmem>> -> memref<1x8x1000xf32, #tpu.memory_space<vmem>>
    %dma_wait3A_44 = tpu.memref_squeeze %dma_wait3A_43 : memref<1x8x1000xf32, #tpu.memory_space<vmem>> -> memref<8x1000xf32, #tpu.memory_space<vmem>>
    tpu.wait_dma2 semaphore(%arg17 : memref<!tpu.dma_semaphore, #tpu.memory_space<semaphore_mem>>) src(%arg6 : memref<8x1000xf32, #tpu.memory_space<hbm>>) dst(%dma_wait3A_44 : memref<8x1000xf32, #tpu.memory_space<vmem>>)
    %dma_wait3A_45 = arith.constant 1 : i32
    %dma_wait3A_46 = arith.constant 0 : i32
    %dma_wait3A_47 = arith.constant 0 : i32
    %dma_wait3A_48 = tpu.memref_slice %arg15[%dma_wait3A_45, %dma_wait3A_46, %dma_wait3A_47] : memref<3x8x1000xf32, #tpu.memory_space<vmem>> -> memref<1x8x1000xf32, #tpu.memory_space<vmem>>
    %dma_wait3A_49 = tpu.memref_squeeze %dma_wait3A_48 : memref<1x8x1000xf32, #tpu.memory_space<vmem>> -> memref<8x1000xf32, #tpu.memory_space<vmem>>
    %dma_wait3A_50 = arith.constant 0 : i32
    %dma_wait3A_51 = arith.constant 0 : i32
    %dma_wait3A_52 = tpu.memref_slice %arg15[%dma_wait3A_45, %dma_wait3A_50, %dma_wait3A_51] : memref<3x8x1000xf32, #tpu.memory_space<vmem>> -> memref<1x8x1000xf32, #tpu.memory_space<vmem>>
    %dma_wait3A_53 = tpu.memref_squeeze %dma_wait3A_52 : memref<1x8x1000xf32, #tpu.memory_space<vmem>> -> memref<8x1000xf32, #tpu.memory_space<vmem>>
    tpu.wait_dma2 semaphore(%arg18 : memref<!tpu.dma_semaphore, #tpu.memory_space<semaphore_mem>>) src(%arg6 : memref<8x1000xf32, #tpu.memory_space<hbm>>) dst(%dma_wait3A_53 : memref<8x1000xf32, #tpu.memory_space<vmem>>)
    %dma_wait3A_54 = arith.constant 2 : i32
    %dma_wait3A_55 = arith.constant 0 : i32
    %dma_wait3A_56 = arith.constant 0 : i32
    %dma_wait3A_57 = tpu.memref_slice %arg15[%dma_wait3A_54, %dma_wait3A_55, %dma_wait3A_56] : memref<3x8x1000xf32, #tpu.memory_space<vmem>> -> memref<1x8x1000xf32, #tpu.memory_space<vmem>>
    %dma_wait3A_58 = tpu.memref_squeeze %dma_wait3A_57 : memref<1x8x1000xf32, #tpu.memory_space<vmem>> -> memref<8x1000xf32, #tpu.memory_space<vmem>>
    %dma_wait3A_59 = arith.constant 0 : i32
    %dma_wait3A_60 = arith.constant 0 : i32
    %dma_wait3A_61 = tpu.memref_slice %arg15[%dma_wait3A_54, %dma_wait3A_59, %dma_wait3A_60] : memref<3x8x1000xf32, #tpu.memory_space<vmem>> -> memref<1x8x1000xf32, #tpu.memory_space<vmem>>
    %dma_wait3A_62 = tpu.memref_squeeze %dma_wait3A_61 : memref<1x8x1000xf32, #tpu.memory_space<vmem>> -> memref<8x1000xf32, #tpu.memory_space<vmem>>
    tpu.wait_dma2 semaphore(%arg19 : memref<!tpu.dma_semaphore, #tpu.memory_space<semaphore_mem>>) src(%arg6 : memref<8x1000xf32, #tpu.memory_space<hbm>>) dst(%dma_wait3A_62 : memref<8x1000xf32, #tpu.memory_space<vmem>>)
    %dma_start3A_63 = arith.constant 0 : i32
    %dma_start3A_64 = tpu.memref_slice %arg12[%dma_start3A_63] : memref<1600xi32, #tpu.memory_space<vmem>> -> memref<800xi32, #tpu.memory_space<vmem>>
    %dma_start3A_65 = arith.constant 0 : i32
    %dma_start3A_66 = tpu.memref_slice %arg3[%dma_start3A_65] : memref<80000xi32, #tpu.memory_space<hbm>> -> memref<800xi32, #tpu.memory_space<hbm>>
    %dma_start3A_67 = arith.constant 0 : i32
    %dma_start3A_68 = tpu.memref_slice %arg12[%dma_start3A_67] : memref<1600xi32, #tpu.memory_space<vmem>> -> memref<800xi32, #tpu.memory_space<vmem>>
    %dma_start3A_69 = arith.constant 0 : i32
    %dma_start3A_70 = tpu.memref_slice %arg3[%dma_start3A_69] : memref<80000xi32, #tpu.memory_space<hbm>> -> memref<800xi32, #tpu.memory_space<hbm>>
    tpu.enqueue_dma source(%dma_start3A_70 : memref<800xi32, #tpu.memory_space<hbm>>) target(%dma_start3A_68 : memref<800xi32, #tpu.memory_space<vmem>>) target_semaphore(%arg20 : memref<!tpu.dma_semaphore, #tpu.memory_space<semaphore_mem>>)
    %dma_start3A_71 = arith.constant 0 : i32
    %dma_start3A_72 = tpu.memref_slice %arg13[%dma_start3A_71] : memref<1600xi32, #tpu.memory_space<vmem>> -> memref<800xi32, #tpu.memory_space<vmem>>
    %dma_start3A_73 = arith.constant 0 : i32
    %dma_start3A_74 = tpu.memref_slice %arg4[%dma_start3A_73] : memref<80000xi32, #tpu.memory_space<hbm>> -> memref<800xi32, #tpu.memory_space<hbm>>
    %dma_start3A_75 = arith.constant 0 : i32
    %dma_start3A_76 = tpu.memref_slice %arg13[%dma_start3A_75] : memref<1600xi32, #tpu.memory_space<vmem>> -> memref<800xi32, #tpu.memory_space<vmem>>
    %dma_start3A_77 = arith.constant 0 : i32
    %dma_start3A_78 = tpu.memref_slice %arg4[%dma_start3A_77] : memref<80000xi32, #tpu.memory_space<hbm>> -> memref<800xi32, #tpu.memory_space<hbm>>
    tpu.enqueue_dma source(%dma_start3A_78 : memref<800xi32, #tpu.memory_space<hbm>>) target(%dma_start3A_76 : memref<800xi32, #tpu.memory_space<vmem>>) target_semaphore(%arg20 : memref<!tpu.dma_semaphore, #tpu.memory_space<semaphore_mem>>)
    %dma_start3A_79 = arith.constant 0 : i32
    %dma_start3A_80 = tpu.memref_slice %arg14[%dma_start3A_79] : memref<1600xi32, #tpu.memory_space<vmem>> -> memref<800xi32, #tpu.memory_space<vmem>>
    %dma_start3A_81 = arith.constant 0 : i32
    %dma_start3A_82 = tpu.memref_slice %arg5[%dma_start3A_81] : memref<80000xi32, #tpu.memory_space<hbm>> -> memref<800xi32, #tpu.memory_space<hbm>>
    %dma_start3A_83 = arith.constant 0 : i32
    %dma_start3A_84 = tpu.memref_slice %arg14[%dma_start3A_83] : memref<1600xi32, #tpu.memory_space<vmem>> -> memref<800xi32, #tpu.memory_space<vmem>>
    %dma_start3A_85 = arith.constant 0 : i32
    %dma_start3A_86 = tpu.memref_slice %arg5[%dma_start3A_85] : memref<80000xi32, #tpu.memory_space<hbm>> -> memref<800xi32, #tpu.memory_space<hbm>>
    tpu.enqueue_dma source(%dma_start3A_86 : memref<800xi32, #tpu.memory_space<hbm>>) target(%dma_start3A_84 : memref<800xi32, #tpu.memory_space<vmem>>) target_semaphore(%arg20 : memref<!tpu.dma_semaphore, #tpu.memory_space<semaphore_mem>>)
    %scan3A_87 = arith.constant 0 : i32
    %scan3A_88 = arith.constant 0 : i32
    %scan3A_89 = arith.constant 100 : i32
    %scan3A_90 = arith.addi %scan3A_88, %scan3A_89 : i32
    %scan3A_91 = arith.constant 1 : i32
    scf.for %scan3A_99 = %scan3A_88 to %scan3A_90 step %scan3A_91  : i32 {
      %rem3A = arith.constant 2 : i32
      %rem3A_100 = arith.remsi %scan3A_99, %rem3A : i32
      %mul3A_101 = arith.constant 800 : i32
      %mul3A_102 = arith.muli %rem3A_100, %mul3A_101 : i32
      %dma_wait3A_103 = arith.constant 0 : i32
      %dma_wait3A_104 = tpu.memref_slice %arg12[%dma_wait3A_103] : memref<1600xi32, #tpu.memory_space<vmem>> -> memref<800xi32, #tpu.memory_space<vmem>>
      %dma_wait3A_105 = arith.constant 0 : i32
      %dma_wait3A_106 = tpu.memref_slice %arg3[%dma_wait3A_105] : memref<80000xi32, #tpu.memory_space<hbm>> -> memref<800xi32, #tpu.memory_space<hbm>>
      %dma_wait3A_107 = arith.constant 0 : i32
      %dma_wait3A_108 = tpu.memref_slice %arg12[%dma_wait3A_107] : memref<1600xi32, #tpu.memory_space<vmem>> -> memref<800xi32, #tpu.memory_space<vmem>>
      %dma_wait3A_109 = arith.constant 0 : i32
      %dma_wait3A_110 = tpu.memref_slice %arg3[%dma_wait3A_109] : memref<80000xi32, #tpu.memory_space<hbm>> -> memref<800xi32, #tpu.memory_space<hbm>>
      tpu.wait_dma2 semaphore(%arg20 : memref<!tpu.dma_semaphore, #tpu.memory_space<semaphore_mem>>) src(%dma_wait3A_110 : memref<800xi32, #tpu.memory_space<hbm>>) dst(%dma_wait3A_108 : memref<800xi32, #tpu.memory_space<vmem>>)
      %dma_wait3A_111 = arith.constant 0 : i32
      %dma_wait3A_112 = tpu.memref_slice %arg13[%dma_wait3A_111] : memref<1600xi32, #tpu.memory_space<vmem>> -> memref<800xi32, #tpu.memory_space<vmem>>
      %dma_wait3A_113 = arith.constant 0 : i32
      %dma_wait3A_114 = tpu.memref_slice %arg4[%dma_wait3A_113] : memref<80000xi32, #tpu.memory_space<hbm>> -> memref<800xi32, #tpu.memory_space<hbm>>
      %dma_wait3A_115 = arith.constant 0 : i32
      %dma_wait3A_116 = tpu.memref_slice %arg13[%dma_wait3A_115] : memref<1600xi32, #tpu.memory_space<vmem>> -> memref<800xi32, #tpu.memory_space<vmem>>
      %dma_wait3A_117 = arith.constant 0 : i32
      %dma_wait3A_118 = tpu.memref_slice %arg4[%dma_wait3A_117] : memref<80000xi32, #tpu.memory_space<hbm>> -> memref<800xi32, #tpu.memory_space<hbm>>
      tpu.wait_dma2 semaphore(%arg20 : memref<!tpu.dma_semaphore, #tpu.memory_space<semaphore_mem>>) src(%dma_wait3A_118 : memref<800xi32, #tpu.memory_space<hbm>>) dst(%dma_wait3A_116 : memref<800xi32, #tpu.memory_space<vmem>>)
      %dma_wait3A_119 = arith.constant 0 : i32
      %dma_wait3A_120 = tpu.memref_slice %arg14[%dma_wait3A_119] : memref<1600xi32, #tpu.memory_space<vmem>> -> memref<800xi32, #tpu.memory_space<vmem>>
      %dma_wait3A_121 = arith.constant 0 : i32
      %dma_wait3A_122 = tpu.memref_slice %arg5[%dma_wait3A_121] : memref<80000xi32, #tpu.memory_space<hbm>> -> memref<800xi32, #tpu.memory_space<hbm>>
      %dma_wait3A_123 = arith.constant 0 : i32
      %dma_wait3A_124 = tpu.memref_slice %arg14[%dma_wait3A_123] : memref<1600xi32, #tpu.memory_space<vmem>> -> memref<800xi32, #tpu.memory_space<vmem>>
      %dma_wait3A_125 = arith.constant 0 : i32
      %dma_wait3A_126 = tpu.memref_slice %arg5[%dma_wait3A_125] : memref<80000xi32, #tpu.memory_space<hbm>> -> memref<800xi32, #tpu.memory_space<hbm>>
      tpu.wait_dma2 semaphore(%arg20 : memref<!tpu.dma_semaphore, #tpu.memory_space<semaphore_mem>>) src(%dma_wait3A_126 : memref<800xi32, #tpu.memory_space<hbm>>) dst(%dma_wait3A_124 : memref<800xi32, #tpu.memory_space<vmem>>)
      %add3A_127 = arith.constant 1 : i32
      %add3A_128 = arith.addi %scan3A_99, %add3A_127 : i32
      %lt3A = arith.constant 100 : i32
      %lt3A_129 = arith.cmpi slt, %add3A_128, %lt3A : i32
      %convert_element_type3A = arith.extui %lt3A_129 : i1 to i32
      %cond3A = arith.constant 0 : i32
      %cond3A_130 = arith.cmpi ne, %convert_element_type3A, %cond3A : i32
      scf.if %cond3A_130 {
        %add3A_137 = arith.constant 1 : i32
        %add3A_138 = arith.addi %scan3A_99, %add3A_137 : i32
        %add3A_139 = arith.constant 1 : i32
        %add3A_140 = arith.addi %scan3A_99, %add3A_139 : i32
        %rem3A_141 = arith.constant 2 : i32
        %rem3A_142 = arith.remsi %add3A_140, %rem3A_141 : i32
        %mul3A_143 = arith.constant 800 : i32
        %mul3A_144 = arith.muli %add3A_138, %mul3A_143 : i32
        %mul3A_145 = arith.constant 800 : i32
        %mul3A_146 = arith.muli %rem3A_142, %mul3A_145 : i32
        %dma_start3A_147 = tpu.memref_slice %arg12[%mul3A_146] : memref<1600xi32, #tpu.memory_space<vmem>> -> memref<800xi32, #tpu.memory_space<vmem>>
        %dma_start3A_148 = tpu.memref_slice %arg3[%mul3A_144] : memref<80000xi32, #tpu.memory_space<hbm>> -> memref<800xi32, #tpu.memory_space<hbm>>
        %dma_start3A_149 = tpu.memref_slice %arg12[%mul3A_146] : memref<1600xi32, #tpu.memory_space<vmem>> -> memref<800xi32, #tpu.memory_space<vmem>>
        %dma_start3A_150 = tpu.memref_slice %arg3[%mul3A_144] : memref<80000xi32, #tpu.memory_space<hbm>> -> memref<800xi32, #tpu.memory_space<hbm>>
        tpu.enqueue_dma source(%dma_start3A_150 : memref<800xi32, #tpu.memory_space<hbm>>) target(%dma_start3A_149 : memref<800xi32, #tpu.memory_space<vmem>>) target_semaphore(%arg20 : memref<!tpu.dma_semaphore, #tpu.memory_space<semaphore_mem>>)
        %dma_start3A_151 = tpu.memref_slice %arg13[%mul3A_146] : memref<1600xi32, #tpu.memory_space<vmem>> -> memref<800xi32, #tpu.memory_space<vmem>>
        %dma_start3A_152 = tpu.memref_slice %arg4[%mul3A_144] : memref<80000xi32, #tpu.memory_space<hbm>> -> memref<800xi32, #tpu.memory_space<hbm>>
        %dma_start3A_153 = tpu.memref_slice %arg13[%mul3A_146] : memref<1600xi32, #tpu.memory_space<vmem>> -> memref<800xi32, #tpu.memory_space<vmem>>
        %dma_start3A_154 = tpu.memref_slice %arg4[%mul3A_144] : memref<80000xi32, #tpu.memory_space<hbm>> -> memref<800xi32, #tpu.memory_space<hbm>>
        tpu.enqueue_dma source(%dma_start3A_154 : memref<800xi32, #tpu.memory_space<hbm>>) target(%dma_start3A_153 : memref<800xi32, #tpu.memory_space<vmem>>) target_semaphore(%arg20 : memref<!tpu.dma_semaphore, #tpu.memory_space<semaphore_mem>>)
        %dma_start3A_155 = tpu.memref_slice %arg14[%mul3A_146] : memref<1600xi32, #tpu.memory_space<vmem>> -> memref<800xi32, #tpu.memory_space<vmem>>
        %dma_start3A_156 = tpu.memref_slice %arg5[%mul3A_144] : memref<80000xi32, #tpu.memory_space<hbm>> -> memref<800xi32, #tpu.memory_space<hbm>>
        %dma_start3A_157 = tpu.memref_slice %arg14[%mul3A_146] : memref<1600xi32, #tpu.memory_space<vmem>> -> memref<800xi32, #tpu.memory_space<vmem>>
        %dma_start3A_158 = tpu.memref_slice %arg5[%mul3A_144] : memref<80000xi32, #tpu.memory_space<hbm>> -> memref<800xi32, #tpu.memory_space<hbm>>
        tpu.enqueue_dma source(%dma_start3A_158 : memref<800xi32, #tpu.memory_space<hbm>>) target(%dma_start3A_157 : memref<800xi32, #tpu.memory_space<vmem>>) target_semaphore(%arg20 : memref<!tpu.dma_semaphore, #tpu.memory_space<semaphore_mem>>)
      } else {
      }
      %scan3A_131 = arith.constant 0 : i32
      %scan3A_132 = arith.constant 0 : i32
      %scan3A_133 = arith.constant 50 : i32
      %scan3A_134 = arith.addi %scan3A_132, %scan3A_133 : i32
      %scan3A_135 = arith.constant 1 : i32
      scf.for %scan3A_137 = %scan3A_132 to %scan3A_134 step %scan3A_135  : i32 {
        %mul3A_138 = arith.constant 16 : i32
        %mul3A_139 = arith.muli %scan3A_137, %mul3A_138 : i32
        %add3A_140 = arith.addi %mul3A_102, %mul3A_139 : i32
        %get3A = arith.index_cast %add3A_140 : i32 to index
        %get3A_141 = tpu.vector_load %arg12[%get3A] {strides = array<i32>} : memref<1600xi32, #tpu.memory_space<vmem>>, vector<16xi32>,
        %get3A_142 = arith.index_cast %add3A_140 : i32 to index
        %get3A_143 = tpu.vector_load %arg13[%get3A_142] {strides = array<i32>} : memref<1600xi32, #tpu.memory_space<vmem>>, vector<16xi32>,
        %get3A_144 = arith.index_cast %add3A_140 : i32 to index
        %get3A_145 = tpu.vector_load %arg14[%get3A_144] {strides = array<i32>} : memref<1600xi32, #tpu.memory_space<vmem>>, vector<16xi32>,
        %mul3A_146 = arith.constant 800 : i32
        %mul3A_147 = arith.muli %scan3A_99, %mul3A_146 : i32
        %mul3A_148 = arith.constant 16 : i32
        %mul3A_149 = arith.muli %scan3A_137, %mul3A_148 : i32
        %add3A_150 = arith.addi %mul3A_147, %mul3A_149 : i32
        %add3A_151 = vector.broadcast %add3A_150 : i32 to vector<16xi32>
        %add3A_152 = arith.addi %add3A_151, %iota3A : vector<16xi32>
        %sub3A_153 = vector.broadcast %mul3A_2 : i32 to vector<16xi32>
        %sub3A_154 = arith.subi %get3A_143, %sub3A_153 : vector<16xi32>
        %gt3A = arith.constant 0 : i32
        %gt3A_155 = vector.broadcast %gt3A : i32 to vector<16xi32>
        %gt3A_156 = arith.cmpi sgt, %get3A_143, %gt3A_155 : vector<16xi32>
        %gt3A_157 = arith.constant 0 : i32
        %gt3A_158 = vector.broadcast %gt3A_157 : i32 to vector<16xi32>
        %gt3A_159 = arith.cmpi sgt, %get3A_145, %gt3A_158 : vector<16xi32>
        %or3A = arith.ori %gt3A_156, %gt3A_159 : vector<16xi1>
        %ge3A = arith.constant 0 : i32
        %ge3A_160 = vector.broadcast %ge3A : i32 to vector<16xi32>
        %ge3A_161 = arith.cmpi sge, %sub3A_154, %ge3A_160 : vector<16xi32>
        %and3A = arith.andi %or3A, %ge3A_161 : vector<16xi1>
        %lt3A_162 = vector.broadcast %min3A_4 : i32 to vector<16xi32>
        %lt3A_163 = arith.cmpi slt, %sub3A_154, %lt3A_162 : vector<16xi32>
        %and3A_164 = arith.andi %and3A, %lt3A_163 : vector<16xi1>
        %jit3A = arith.constant 0 : i32
        %jit3A_165 = arith.constant 3 : i32
        %max3A = vector.broadcast %jit3A : i32 to vector<16xi32>
        %max3A_166 = arith.maxsi %max3A, %get3A_141 : vector<16xi32>
        %min3A_167 = vector.broadcast %jit3A_165 : i32 to vector<16xi32>
        %min3A_168 = arith.minsi %min3A_167, %max3A_166 : vector<16xi32>
        %mul3A_169 = arith.constant 8000 : i32
        %mul3A_170 = vector.broadcast %mul3A_169 : i32 to vector<16xi32>
        %mul3A_171 = arith.muli %min3A_168, %mul3A_170 : vector<16xi32>
        %mul3A_172 = arith.constant 500 : i32
        %mul3A_173 = vector.broadcast %mul3A_172 : i32 to vector<16xi32>
        %mul3A_174 = arith.muli %sub3A_154, %mul3A_173 : vector<16xi32>
        %add3A_175 = arith.addi %mul3A_171, %mul3A_174 : vector<16xi32>
        %add3A_176 = arith.addi %add3A_175, %get3A_145 : vector<16xi32>
        %all_reduce_population_count3A = tpu.all_reduce %and3A_164 {dim = 0 : i64, kind = #tpu.reduction_kind<sum>} : vector<16xi1> -> vector<16xi32>
        %slice3A = vector.extract_strided_slice %all_reduce_population_count3A {offsets = [0], sizes = [1], strides = [1]} : vector<16xi32> to vector<1xi32>
        %squeeze3A = vector.extract %slice3A[0] : i32 from vector<1xi32>
        %gt3A_177 = arith.constant 0 : i32
        %gt3A_178 = arith.cmpi sgt, %squeeze3A, %gt3A_177 : i32
        %convert_element_type3A_179 = arith.extui %gt3A_178 : i1 to i32
        %cond3A_180 = arith.constant 0 : i32
        %cond3A_181 = arith.cmpi ne, %convert_element_type3A_179, %cond3A_180 : i32
        scf.if %cond3A_181 {
          %le3A = arith.constant 1 : i32
          %le3A_182 = arith.cmpi sle, %squeeze3A, %le3A : i32
          %convert_element_type3A_183 = arith.extui %le3A_182 : i1 to i32
          %cond3A_184 = arith.constant 0 : i32
          %cond3A_185 = arith.cmpi ne, %convert_element_type3A_183, %cond3A_184 : i32
          scf.if %cond3A_185 {
            tpu.vector_store_idx %arg8[%add3A_176], %add3A_152 masked %and3A_164 : memref<32016xi32, #tpu.memory_space<vmem>>[vector<16xi32>], vector<16xi32>, vector<16xi1>
          } else {
          }
          %ge3A_186 = arith.constant 2 : i32
          %ge3A_187 = arith.cmpi sge, %squeeze3A, %ge3A_186 : i32
          %convert_element_type3A_188 = arith.extui %ge3A_187 : i1 to i32
          %cond3A_189 = arith.constant 0 : i32
          %cond3A_190 = arith.cmpi ne, %convert_element_type3A_188, %cond3A_189 : i32
          scf.if %cond3A_190 {
            %shift_left3A = arith.constant 17 : i32
            %shift_left3A_191 = vector.broadcast %shift_left3A : i32 to vector<16xi32>
            %shift_left3A_192 = arith.shli %add3A_176, %shift_left3A_191 : vector<16xi32>
            %or3A_193 = arith.ori %shift_left3A_192, %add3A_152 : vector<16xi32>
            %broadcast_in_dim3A_194 = arith.constant -1 : i32
            %broadcast_in_dim3A_195 = vector.broadcast %broadcast_in_dim3A_194 : i32 to vector<16xi32>
            %select_n3A = arith.select %and3A_164, %or3A_193, %broadcast_in_dim3A_195 : vector<16xi1>, vector<16xi32>
            %masked_sort3A = arith.constant dense<true> : vector<16xi1>
            %masked_sort3A_196, %masked_sort3A_197, %masked_sort3A_198 = tpu.sort %select_n3A, %add3A_152 masked %masked_sort3A : (vector<16xi32>, vector<16xi32>, vector<16xi1>) -> (vector<16xi1>, vector<16xi32>, vector<16xi32>)
            %shift_right_logical3A = arith.constant 17 : i32
            %shift_right_logical3A_199 = vector.broadcast %shift_right_logical3A : i32 to vector<16xi32>
            %shift_right_logical3A_200 = arith.shrui %masked_sort3A_197, %shift_right_logical3A_199 : vector<16xi32>
            %add3A_201 = arith.constant 1 : i32
            %add3A_202 = vector.broadcast %add3A_201 : i32 to vector<16xi32>
            %add3A_203 = arith.addi %iota3A, %add3A_202 : vector<16xi32>
            %min3A_204 = arith.constant 15 : i32
            %min3A_205 = vector.broadcast %min3A_204 : i32 to vector<16xi32>
            %min3A_206 = arith.minsi %add3A_203, %min3A_205 : vector<16xi32>
            %broadcast_in_dim3A_207 = vector.shape_cast %min3A_206 : vector<16xi32> to vector<16x1xi32>
            %gather3A = vector.shape_cast %broadcast_in_dim3A_207 : vector<16x1xi32> to vector<16xi32>
            %gather3A_208 = tpu.dynamic_gather %shift_right_logical3A_200[%gather3A] in [0] : vector<16xi32>, vector<16xi32> -> vector<16xi32>
            %ne3A = arith.cmpi ne, %shift_right_logical3A_200, %gather3A_208 : vector<16xi32>
            %eq3A = arith.constant 15 : i32
            %eq3A_209 = vector.broadcast %eq3A : i32 to vector<16xi32>
            %eq3A_210 = arith.cmpi eq, %iota3A, %eq3A_209 : vector<16xi32>
            %or3A_211 = arith.ori %ne3A, %eq3A_210 : vector<16xi1>
            %ne3A_212 = arith.cmpi ne, %masked_sort3A_197, %broadcast_in_dim3A_195 : vector<16xi32>
            %and3A_213 = arith.andi %or3A_211, %ne3A_212 : vector<16xi1>
            tpu.vector_store_idx %arg8[%shift_right_logical3A_200], %masked_sort3A_198 masked %and3A_213 : memref<32016xi32, #tpu.memory_space<vmem>>[vector<16xi32>], vector<16xi32>, vector<16xi1>
          } else {
          }
        } else {
        }
      }
      %scan3A_136 = arith.constant 50 : i32
    }
    %scan3A_92 = arith.constant 100 : i32
    %scan3A_93 = arith.constant 0 : i32
    %scan3A_94 = arith.constant 0 : i32
    %scan3A_95 = arith.constant 32 : i32
    %scan3A_96 = arith.addi %scan3A_94, %scan3A_95 : i32
    %scan3A_97 = arith.constant 1 : i32
    scf.for %scan3A_99 = %scan3A_94 to %scan3A_96 step %scan3A_97  : i32 {
      %rem3A = arith.constant 8 : i32
      %rem3A_100 = arith.remsi %scan3A_99, %rem3A : i32
      %jit3A = arith.constant 8 : i32
      %div3A = arith.divsi %scan3A_99, %jit3A : i32
      %sign3A = arith.constant 0 : i32
      %sign3A_101 = arith.cmpi sgt, %scan3A_99, %sign3A : i32
      %sign3A_102 = arith.extui %sign3A_101 : i1 to i32
      %sign3A_103 = arith.constant 0 : i32
      %sign3A_104 = arith.cmpi slt, %scan3A_99, %sign3A_103 : i32
      %sign3A_105 = arith.extui %sign3A_104 : i1 to i32
      %sign3A_106 = arith.subi %sign3A_102, %sign3A_105 : i32
      %sign3A_107 = arith.constant 0 : i32
      %sign3A_108 = arith.cmpi sgt, %jit3A, %sign3A_107 : i32
      %sign3A_109 = arith.extui %sign3A_108 : i1 to i32
      %sign3A_110 = arith.constant 0 : i32
      %sign3A_111 = arith.cmpi slt, %jit3A, %sign3A_110 : i32
      %sign3A_112 = arith.extui %sign3A_111 : i1 to i32
      %sign3A_113 = arith.subi %sign3A_109, %sign3A_112 : i32
      %ne3A = arith.cmpi ne, %sign3A_106, %sign3A_113 : i32
      %rem3A_114 = arith.remsi %scan3A_99, %jit3A : i32
      %ne3A_115 = arith.constant 0 : i32
      %ne3A_116 = arith.cmpi ne, %rem3A_114, %ne3A_115 : i32
      %and3A = arith.andi %ne3A, %ne3A_116 : i1
      %sub3A_117 = arith.constant 1 : i32
      %sub3A_118 = arith.subi %div3A, %sub3A_117 : i32
      %select_n3A = arith.select %and3A, %sub3A_118, %div3A : i32
      %mul3A_119 = arith.constant 2 : i32
      %mul3A_120 = arith.muli %rem3A_100, %mul3A_119 : i32
      %lt3A = arith.cmpi slt, %mul3A_120, %min3A_4 : i32
      %convert_element_type3A = arith.extui %lt3A : i1 to i32
      %cond3A = arith.constant 0 : i32
      %cond3A_121 = arith.cmpi ne, %convert_element_type3A, %cond3A : i32
      scf.if %cond3A_121 {
        %mul3A_122 = arith.constant 8000 : i32
        %mul3A_123 = arith.muli %select_n3A, %mul3A_122 : i32
        %mul3A_124 = arith.constant 1000 : i32
        %mul3A_125 = arith.muli %rem3A_100, %mul3A_124 : i32
        %add3A_126 = arith.addi %mul3A_123, %mul3A_125 : i32
        %mul3A_127 = arith.constant 2 : i32
        %mul3A_128 = arith.muli %rem3A_100, %mul3A_127 : i32
        %add3A_129 = arith.addi %mul3A_2, %mul3A_128 : i32
        %scan3A_130 = arith.constant 0 : i32
        %scan3A_131 = arith.constant 0 : i32
        %scan3A_132 = arith.constant 63 : i32
        %scan3A_133 = arith.addi %scan3A_131, %scan3A_132 : i32
        %scan3A_134 = arith.constant 1 : i32
        %scan3A_135 = scf.for %scan3A_545 = %scan3A_131 to %scan3A_133 step %scan3A_134 iter_args(%scan3A_546 = %scan3A_130) -> (i32)  : i32 {
          %mul3A_547 = arith.constant 16 : i32
          %mul3A_548 = arith.muli %scan3A_545, %mul3A_547 : i32
          %add3A_549 = arith.addi %add3A_126, %mul3A_548 : i32
          %get3A = arith.index_cast %add3A_549 : i32 to index
          %get3A_550 = tpu.vector_load %arg8[%get3A] {strides = array<i32>} : memref<32016xi32, #tpu.memory_space<vmem>>, vector<16xi32>,
          %mul3A_551 = arith.constant 16 : i32
          %mul3A_552 = arith.muli %scan3A_545, %mul3A_551 : i32
          %add3A_553 = vector.broadcast %mul3A_552 : i32 to vector<16xi32>
          %add3A_554 = arith.addi %add3A_553, %iota3A : vector<16xi32>
          %ge3A = arith.constant 0 : i32
          %ge3A_555 = vector.broadcast %ge3A : i32 to vector<16xi32>
          %ge3A_556 = arith.cmpi sge, %get3A_550, %ge3A_555 : vector<16xi32>
          %lt3A_557 = arith.constant 1000 : i32
          %lt3A_558 = vector.broadcast %lt3A_557 : i32 to vector<16xi32>
          %lt3A_559 = arith.cmpi slt, %add3A_554, %lt3A_558 : vector<16xi32>
          %and3A_560 = arith.andi %ge3A_556, %lt3A_559 : vector<16xi1>
          %swap3A_561 = arith.index_cast %scan3A_546 : i32 to index
          %swap3A_562 = tpu.vector_load %arg10[%swap3A_561] masked %and3A_560 {strides = array<i32>} : memref<1056xi32, #tpu.memory_space<vmem>>, vector<16xi32>, vector<16xi1>
          tpu.vector_store %arg10[%swap3A_561], %add3A_554 masked %and3A_560 {strides = array<i32>} : memref<1056xi32, #tpu.memory_space<vmem>>, vector<16xi32>, vector<16xi1>
          %swap3A_563 = arith.index_cast %scan3A_546 : i32 to index
          %swap3A_564 = tpu.vector_load %arg11[%swap3A_563] masked %and3A_560 {strides = array<i32>} : memref<1056xi32, #tpu.memory_space<vmem>>, vector<16xi32>, vector<16xi1>
          tpu.vector_store %arg11[%swap3A_563], %get3A_550 masked %and3A_560 {strides = array<i32>} : memref<1056xi32, #tpu.memory_space<vmem>>, vector<16xi32>, vector<16xi1>
          %all_reduce_population_count3A = tpu.all_reduce %and3A_560 {dim = 0 : i64, kind = #tpu.reduction_kind<sum>} : vector<16xi1> -> vector<16xi32>
          %slice3A = vector.extract_strided_slice %all_reduce_population_count3A {offsets = [0], sizes = [1], strides = [1]} : vector<16xi32> to vector<1xi32>
          %squeeze3A = vector.extract %slice3A[0] : i32 from vector<1xi32>
          %add3A_565 = arith.addi %scan3A_546, %squeeze3A : i32
          scf.yield %add3A_565 : i32
        }
        %scan3A_136 = arith.constant 63 : i32
        %swap3A = arith.index_cast %scan3A_135 : i32 to index
        %swap3A_137 = tpu.vector_load %arg11[%swap3A] {strides = array<i32>} : memref<1056xi32, #tpu.memory_space<vmem>>, vector<16xi32>,
        tpu.vector_store %arg11[%swap3A], %iota3A {strides = array<i32>} : memref<1056xi32, #tpu.memory_space<vmem>>, vector<16xi32>,
        %add3A_138 = arith.constant 15 : i32
        %add3A_139 = arith.addi %scan3A_135, %add3A_138 : i32
        %jit3A_140 = arith.constant 16 : i32
        %div3A_141 = arith.divsi %add3A_139, %jit3A_140 : i32
        %sign3A_142 = arith.constant 0 : i32
        %sign3A_143 = arith.cmpi sgt, %add3A_139, %sign3A_142 : i32
        %sign3A_144 = arith.extui %sign3A_143 : i1 to i32
        %sign3A_145 = arith.constant 0 : i32
        %sign3A_146 = arith.cmpi slt, %add3A_139, %sign3A_145 : i32
        %sign3A_147 = arith.extui %sign3A_146 : i1 to i32
        %sign3A_148 = arith.subi %sign3A_144, %sign3A_147 : i32
        %sign3A_149 = arith.constant 0 : i32
        %sign3A_150 = arith.cmpi sgt, %jit3A_140, %sign3A_149 : i32
        %sign3A_151 = arith.extui %sign3A_150 : i1 to i32
        %sign3A_152 = arith.constant 0 : i32
        %sign3A_153 = arith.cmpi slt, %jit3A_140, %sign3A_152 : i32
        %sign3A_154 = arith.extui %sign3A_153 : i1 to i32
        %sign3A_155 = arith.subi %sign3A_151, %sign3A_154 : i32
        %ne3A_156 = arith.cmpi ne, %sign3A_148, %sign3A_155 : i32
        %rem3A_157 = arith.remsi %add3A_139, %jit3A_140 : i32
        %ne3A_158 = arith.constant 0 : i32
        %ne3A_159 = arith.cmpi ne, %rem3A_157, %ne3A_158 : i32
        %and3A_160 = arith.andi %ne3A_156, %ne3A_159 : i1
        %sub3A_161 = arith.constant 1 : i32
        %sub3A_162 = arith.subi %div3A_141, %sub3A_161 : i32
        %select_n3A_163 = arith.select %and3A_160, %sub3A_162, %div3A_141 : i32
        %while3A = arith.constant 0 : i32
        %while3A_164 = arith.constant 0 : i32
        %while3A_165 = arith.subi %select_n3A_163, %while3A_164 : i32
        %while3A_166 = arith.addi %while3A_164, %while3A_165 : i32
        %while3A_167 = arith.constant 1 : i32
        %while3A_168 = arith.divsi %while3A_165, %while3A_167 : i32
        %while3A_169 = arith.muli %while3A_168, %while3A_167 : i32
        %while3A_170 = arith.addi %while3A_164, %while3A_169 : i32
        %while3A_171 = arith.constant 1 : i32
        scf.for %while3A_545 = %while3A_164 to %while3A_170 step %while3A_171  : i32 {
          %mul3A_546 = arith.constant 16 : i32
          %mul3A_547 = arith.muli %while3A_545, %mul3A_546 : i32
          %get3A = arith.index_cast %mul3A_547 : i32 to index
          %get3A_548 = tpu.vector_load %arg11[%get3A] {strides = array<i32>} : memref<1056xi32, #tpu.memory_space<vmem>>, vector<16xi32>,
          %mul3A_549 = arith.constant 16 : i32
          %mul3A_550 = arith.muli %while3A_545, %mul3A_549 : i32
          %dma_start3A_551 = arith.constant 0 : i32
          %dma_start3A_552 = tpu.memref_slice %arg9[%mul3A_550, %dma_start3A_551] : memref<1024x64xf32, #tpu.memory_space<vmem>> -> memref<16x64xf32, #tpu.memory_space<vmem>>
          %dma_start3A_553 = arith.constant 0 : i32
          %dma_start3A_554 = arith.constant 0 : i32
          %dma_start3A_555 = tpu.memref_slice %arg2[%dma_start3A_553, %dma_start3A_554] : memref<80000x64xf32, #tpu.memory_space<hbm>> -> memref<80000x64xf32, #tpu.memory_space<hbm>>
          tpu.enqueue_indirect_dma source(%dma_start3A_555 : memref<80000x64xf32, #tpu.memory_space<hbm>>) target(%dma_start3A_552 : memref<16x64xf32, #tpu.memory_space<vmem>>) offsets(%get3A_548 : vector<16xi32>) semaphore(%arg16 : memref<!tpu.dma_semaphore, #tpu.memory_space<semaphore_mem>>)
        }
        %while3A_172 = arith.constant 1 : i32
        scf.for %while3A_545 = %while3A_170 to %while3A_166 step %while3A_172  : i32 {
          %mul3A_546 = arith.constant 16 : i32
          %mul3A_547 = arith.muli %while3A_545, %mul3A_546 : i32
          %get3A = arith.index_cast %mul3A_547 : i32 to index
          %get3A_548 = tpu.vector_load %arg11[%get3A] {strides = array<i32>} : memref<1056xi32, #tpu.memory_space<vmem>>, vector<16xi32>,
          %mul3A_549 = arith.constant 16 : i32
          %mul3A_550 = arith.muli %while3A_545, %mul3A_549 : i32
          %dma_start3A_551 = arith.constant 0 : i32
          %dma_start3A_552 = tpu.memref_slice %arg9[%mul3A_550, %dma_start3A_551] : memref<1024x64xf32, #tpu.memory_space<vmem>> -> memref<16x64xf32, #tpu.memory_space<vmem>>
          %dma_start3A_553 = arith.constant 0 : i32
          %dma_start3A_554 = arith.constant 0 : i32
          %dma_start3A_555 = tpu.memref_slice %arg2[%dma_start3A_553, %dma_start3A_554] : memref<80000x64xf32, #tpu.memory_space<hbm>> -> memref<80000x64xf32, #tpu.memory_space<hbm>>
          tpu.enqueue_indirect_dma source(%dma_start3A_555 : memref<80000x64xf32, #tpu.memory_space<hbm>>) target(%dma_start3A_552 : memref<16x64xf32, #tpu.memory_space<vmem>>) offsets(%get3A_548 : vector<16xi32>) semaphore(%arg16 : memref<!tpu.dma_semaphore, #tpu.memory_space<semaphore_mem>>)
        }
        %while3A_173 = arith.constant 0 : i32
        %while3A_174 = arith.constant 0 : i32
        %while3A_175 = arith.subi %select_n3A_163, %while3A_174 : i32
        %while3A_176 = arith.addi %while3A_174, %while3A_175 : i32
        %while3A_177 = arith.constant 1 : i32
        %while3A_178 = arith.divsi %while3A_175, %while3A_177 : i32
        %while3A_179 = arith.muli %while3A_178, %while3A_177 : i32
        %while3A_180 = arith.addi %while3A_174, %while3A_179 : i32
        %while3A_181 = arith.constant 1 : i32
        scf.for %while3A_545 = %while3A_174 to %while3A_180 step %while3A_181  : i32 {
          %dma_wait3A_546 = arith.constant 0 : i32
          %dma_wait3A_547 = arith.constant 0 : i32
          %dma_wait3A_548 = tpu.memref_slice %arg9[%dma_wait3A_546, %dma_wait3A_547] : memref<1024x64xf32, #tpu.memory_space<vmem>> -> memref<16x64xf32, #tpu.memory_space<vmem>>
          %dma_wait3A_549 = arith.constant 0 : i32
          %dma_wait3A_550 = arith.constant 0 : i32
          %dma_wait3A_551 = tpu.memref_slice %arg2[%dma_wait3A_549, %dma_wait3A_550] : memref<80000x64xf32, #tpu.memory_space<hbm>> -> memref<16x64xf32, #tpu.memory_space<hbm>>
          %dma_wait3A_552 = arith.constant 0 : i32
          %dma_wait3A_553 = arith.constant 0 : i32
          %dma_wait3A_554 = tpu.memref_slice %arg9[%dma_wait3A_552, %dma_wait3A_553] : memref<1024x64xf32, #tpu.memory_space<vmem>> -> memref<16x64xf32, #tpu.memory_space<vmem>>
          %dma_wait3A_555 = arith.constant 0 : i32
          %dma_wait3A_556 = arith.constant 0 : i32
          %dma_wait3A_557 = tpu.memref_slice %arg2[%dma_wait3A_555, %dma_wait3A_556] : memref<80000x64xf32, #tpu.memory_space<hbm>> -> memref<16x64xf32, #tpu.memory_space<hbm>>
          tpu.wait_dma2 semaphore(%arg16 : memref<!tpu.dma_semaphore, #tpu.memory_space<semaphore_mem>>) src(%dma_wait3A_557 : memref<16x64xf32, #tpu.memory_space<hbm>>) dst(%dma_wait3A_554 : memref<16x64xf32, #tpu.memory_space<vmem>>)
        }
        %while3A_182 = arith.constant 1 : i32
        scf.for %while3A_545 = %while3A_180 to %while3A_176 step %while3A_182  : i32 {
          %dma_wait3A_546 = arith.constant 0 : i32
          %dma_wait3A_547 = arith.constant 0 : i32
          %dma_wait3A_548 = tpu.memref_slice %arg9[%dma_wait3A_546, %dma_wait3A_547] : memref<1024x64xf32, #tpu.memory_space<vmem>> -> memref<16x64xf32, #tpu.memory_space<vmem>>
          %dma_wait3A_549 = arith.constant 0 : i32
          %dma_wait3A_550 = arith.constant 0 : i32
          %dma_wait3A_551 = tpu.memref_slice %arg2[%dma_wait3A_549, %dma_wait3A_550] : memref<80000x64xf32, #tpu.memory_space<hbm>> -> memref<16x64xf32, #tpu.memory_space<hbm>>
          %dma_wait3A_552 = arith.constant 0 : i32
          %dma_wait3A_553 = arith.constant 0 : i32
          %dma_wait3A_554 = tpu.memref_slice %arg9[%dma_wait3A_552, %dma_wait3A_553] : memref<1024x64xf32, #tpu.memory_space<vmem>> -> memref<16x64xf32, #tpu.memory_space<vmem>>
          %dma_wait3A_555 = arith.constant 0 : i32
          %dma_wait3A_556 = arith.constant 0 : i32
          %dma_wait3A_557 = tpu.memref_slice %arg2[%dma_wait3A_555, %dma_wait3A_556] : memref<80000x64xf32, #tpu.memory_space<hbm>> -> memref<16x64xf32, #tpu.memory_space<hbm>>
          tpu.wait_dma2 semaphore(%arg16 : memref<!tpu.dma_semaphore, #tpu.memory_space<semaphore_mem>>) src(%dma_wait3A_557 : memref<16x64xf32, #tpu.memory_space<hbm>>) dst(%dma_wait3A_554 : memref<16x64xf32, #tpu.memory_space<vmem>>)
        }
        %while3A_183 = arith.constant 0 : i32
        %while3A_184 = arith.constant 0 : i32
        %while3A_185 = arith.subi %select_n3A_163, %while3A_184 : i32
        %while3A_186 = arith.addi %while3A_184, %while3A_185 : i32
        %while3A_187 = arith.constant 1 : i32
        %while3A_188 = arith.divsi %while3A_185, %while3A_187 : i32
        %while3A_189 = arith.muli %while3A_188, %while3A_187 : i32
        %while3A_190 = arith.addi %while3A_184, %while3A_189 : i32
        %while3A_191 = arith.constant 1 : i32
        scf.for %while3A_545 = %while3A_184 to %while3A_190 step %while3A_191  : i32 {
          %mul3A_546 = arith.constant 16 : i32
          %mul3A_547 = arith.muli %while3A_545, %mul3A_546 : i32
          %add3A_548 = vector.broadcast %mul3A_547 : i32 to vector<16xi32>
          %add3A_549 = arith.addi %add3A_548, %iota3A : vector<16xi32>
          %lt3A_550 = vector.broadcast %scan3A_135 : i32 to vector<16xi32>
          %lt3A_551 = arith.cmpi slt, %add3A_549, %lt3A_550 : vector<16xi32>
          %mul3A_552 = arith.constant 16 : i32
          %mul3A_553 = arith.muli %while3A_545, %mul3A_552 : i32
          %get3A = arith.index_cast %mul3A_553 : i32 to index
          %get3A_554 = tpu.vector_load %arg10[%get3A] {strides = array<i32>} : memref<1056xi32, #tpu.memory_space<vmem>>, vector<16xi32>,
          %broadcast_in_dim3A_555 = arith.constant 0 : i32
          %broadcast_in_dim3A_556 = vector.broadcast %broadcast_in_dim3A_555 : i32 to vector<16xi32>
          %gather3A = tpu.vector_load_idx %arg9[%add3A_549, %broadcast_in_dim3A_556] masked %lt3A_551 : memref<1024x64xf32, #tpu.memory_space<vmem>>[vector<16xi32>, vector<16xi32>], vector<16xf32>, vector<16xi1>
          %broadcast_in_dim3A_557 = arith.constant 0 : i32
          %broadcast_in_dim3A_558 = vector.broadcast %broadcast_in_dim3A_557 : i32 to vector<16xi32>
          %broadcast_in_dim3A_559 = arith.constant 0 : i32
          %broadcast_in_dim3A_560 = vector.broadcast %broadcast_in_dim3A_559 : i32 to vector<16xi32>
          tpu.vector_store_idx %arg15[%broadcast_in_dim3A_558, %broadcast_in_dim3A_560, %get3A_554], %gather3A masked %lt3A_551 : memref<3x8x1000xf32, #tpu.memory_space<vmem>>[vector<16xi32>, vector<16xi32>, vector<16xi32>], vector<16xf32>, vector<16xi1>
          %broadcast_in_dim3A_561 = arith.constant 1 : i32
          %broadcast_in_dim3A_562 = vector.broadcast %broadcast_in_dim3A_561 : i32 to vector<16xi32>
          %gather3A_563 = tpu.vector_load_idx %arg9[%add3A_549, %broadcast_in_dim3A_562] masked %lt3A_551 : memref<1024x64xf32, #tpu.memory_space<vmem>>[vector<16xi32>, vector<16xi32>], vector<16xf32>, vector<16xi1>
          %broadcast_in_dim3A_564 = arith.constant 0 : i32
          %broadcast_in_dim3A_565 = vector.broadcast %broadcast_in_dim3A_564 : i32 to vector<16xi32>
          %broadcast_in_dim3A_566 = arith.constant 1 : i32
          %broadcast_in_dim3A_567 = vector.broadcast %broadcast_in_dim3A_566 : i32 to vector<16xi32>
          tpu.vector_store_idx %arg15[%broadcast_in_dim3A_565, %broadcast_in_dim3A_567, %get3A_554], %gather3A_563 masked %lt3A_551 : memref<3x8x1000xf32, #tpu.memory_space<vmem>>[vector<16xi32>, vector<16xi32>, vector<16xi32>], vector<16xf32>, vector<16xi1>
          %broadcast_in_dim3A_568 = arith.constant 2 : i32
          %broadcast_in_dim3A_569 = vector.broadcast %broadcast_in_dim3A_568 : i32 to vector<16xi32>
          %gather3A_570 = tpu.vector_load_idx %arg9[%add3A_549, %broadcast_in_dim3A_569] masked %lt3A_551 : memref<1024x64xf32, #tpu.memory_space<vmem>>[vector<16xi32>, vector<16xi32>], vector<16xf32>, vector<16xi1>
          %broadcast_in_dim3A_571 = arith.constant 0 : i32
          %broadcast_in_dim3A_572 = vector.broadcast %broadcast_in_dim3A_571 : i32 to vector<16xi32>
          %broadcast_in_dim3A_573 = arith.constant 2 : i32
          %broadcast_in_dim3A_574 = vector.broadcast %broadcast_in_dim3A_573 : i32 to vector<16xi32>
          tpu.vector_store_idx %arg15[%broadcast_in_dim3A_572, %broadcast_in_dim3A_574, %get3A_554], %gather3A_570 masked %lt3A_551 : memref<3x8x1000xf32, #tpu.memory_space<vmem>>[vector<16xi32>, vector<16xi32>, vector<16xi32>], vector<16xf32>, vector<16xi1>
          %broadcast_in_dim3A_575 = arith.constant 3 : i32
          %broadcast_in_dim3A_576 = vector.broadcast %broadcast_in_dim3A_575 : i32 to vector<16xi32>
          %gather3A_577 = tpu.vector_load_idx %arg9[%add3A_549, %broadcast_in_dim3A_576] masked %lt3A_551 : memref<1024x64xf32, #tpu.memory_space<vmem>>[vector<16xi32>, vector<16xi32>], vector<16xf32>, vector<16xi1>
          %broadcast_in_dim3A_578 = arith.constant 0 : i32
          %broadcast_in_dim3A_579 = vector.broadcast %broadcast_in_dim3A_578 : i32 to vector<16xi32>
          %broadcast_in_dim3A_580 = arith.constant 3 : i32
          %broadcast_in_dim3A_581 = vector.broadcast %broadcast_in_dim3A_580 : i32 to vector<16xi32>
          tpu.vector_store_idx %arg15[%broadcast_in_dim3A_579, %broadcast_in_dim3A_581, %get3A_554], %gather3A_577 masked %lt3A_551 : memref<3x8x1000xf32, #tpu.memory_space<vmem>>[vector<16xi32>, vector<16xi32>, vector<16xi32>], vector<16xf32>, vector<16xi1>
          %broadcast_in_dim3A_582 = arith.constant 4 : i32
          %broadcast_in_dim3A_583 = vector.broadcast %broadcast_in_dim3A_582 : i32 to vector<16xi32>
          %gather3A_584 = tpu.vector_load_idx %arg9[%add3A_549, %broadcast_in_dim3A_583] masked %lt3A_551 : memref<1024x64xf32, #tpu.memory_space<vmem>>[vector<16xi32>, vector<16xi32>], vector<16xf32>, vector<16xi1>
          %broadcast_in_dim3A_585 = arith.constant 0 : i32
          %broadcast_in_dim3A_586 = vector.broadcast %broadcast_in_dim3A_585 : i32 to vector<16xi32>
          %broadcast_in_dim3A_587 = arith.constant 4 : i32
          %broadcast_in_dim3A_588 = vector.broadcast %broadcast_in_dim3A_587 : i32 to vector<16xi32>
          tpu.vector_store_idx %arg15[%broadcast_in_dim3A_586, %broadcast_in_dim3A_588, %get3A_554], %gather3A_584 masked %lt3A_551 : memref<3x8x1000xf32, #tpu.memory_space<vmem>>[vector<16xi32>, vector<16xi32>, vector<16xi32>], vector<16xf32>, vector<16xi1>
          %broadcast_in_dim3A_589 = arith.constant 5 : i32
          %broadcast_in_dim3A_590 = vector.broadcast %broadcast_in_dim3A_589 : i32 to vector<16xi32>
          %gather3A_591 = tpu.vector_load_idx %arg9[%add3A_549, %broadcast_in_dim3A_590] masked %lt3A_551 : memref<1024x64xf32, #tpu.memory_space<vmem>>[vector<16xi32>, vector<16xi32>], vector<16xf32>, vector<16xi1>
          %broadcast_in_dim3A_592 = arith.constant 0 : i32
          %broadcast_in_dim3A_593 = vector.broadcast %broadcast_in_dim3A_592 : i32 to vector<16xi32>
          %broadcast_in_dim3A_594 = arith.constant 5 : i32
          %broadcast_in_dim3A_595 = vector.broadcast %broadcast_in_dim3A_594 : i32 to vector<16xi32>
          tpu.vector_store_idx %arg15[%broadcast_in_dim3A_593, %broadcast_in_dim3A_595, %get3A_554], %gather3A_591 masked %lt3A_551 : memref<3x8x1000xf32, #tpu.memory_space<vmem>>[vector<16xi32>, vector<16xi32>, vector<16xi32>], vector<16xf32>, vector<16xi1>
          %broadcast_in_dim3A_596 = arith.constant 6 : i32
          %broadcast_in_dim3A_597 = vector.broadcast %broadcast_in_dim3A_596 : i32 to vector<16xi32>
          %gather3A_598 = tpu.vector_load_idx %arg9[%add3A_549, %broadcast_in_dim3A_597] masked %lt3A_551 : memref<1024x64xf32, #tpu.memory_space<vmem>>[vector<16xi32>, vector<16xi32>], vector<16xf32>, vector<16xi1>
          %broadcast_in_dim3A_599 = arith.constant 0 : i32
          %broadcast_in_dim3A_600 = vector.broadcast %broadcast_in_dim3A_599 : i32 to vector<16xi32>
          %broadcast_in_dim3A_601 = arith.constant 6 : i32
          %broadcast_in_dim3A_602 = vector.broadcast %broadcast_in_dim3A_601 : i32 to vector<16xi32>
          tpu.vector_store_idx %arg15[%broadcast_in_dim3A_600, %broadcast_in_dim3A_602, %get3A_554], %gather3A_598 masked %lt3A_551 : memref<3x8x1000xf32, #tpu.memory_space<vmem>>[vector<16xi32>, vector<16xi32>, vector<16xi32>], vector<16xf32>, vector<16xi1>
          %broadcast_in_dim3A_603 = arith.constant 7 : i32
          %broadcast_in_dim3A_604 = vector.broadcast %broadcast_in_dim3A_603 : i32 to vector<16xi32>
          %gather3A_605 = tpu.vector_load_idx %arg9[%add3A_549, %broadcast_in_dim3A_604] masked %lt3A_551 : memref<1024x64xf32, #tpu.memory_space<vmem>>[vector<16xi32>, vector<16xi32>], vector<16xf32>, vector<16xi1>
          %broadcast_in_dim3A_606 = arith.constant 0 : i32
          %broadcast_in_dim3A_607 = vector.broadcast %broadcast_in_dim3A_606 : i32 to vector<16xi32>
          %broadcast_in_dim3A_608 = arith.constant 7 : i32
          %broadcast_in_dim3A_609 = vector.broadcast %broadcast_in_dim3A_608 : i32 to vector<16xi32>
          tpu.vector_store_idx %arg15[%broadcast_in_dim3A_607, %broadcast_in_dim3A_609, %get3A_554], %gather3A_605 masked %lt3A_551 : memref<3x8x1000xf32, #tpu.memory_space<vmem>>[vector<16xi32>, vector<16xi32>, vector<16xi32>], vector<16xf32>, vector<16xi1>
        }
        %while3A_192 = arith.constant 1 : i32
        scf.for %while3A_545 = %while3A_190 to %while3A_186 step %while3A_192  : i32 {
          %mul3A_546 = arith.constant 16 : i32
          %mul3A_547 = arith.muli %while3A_545, %mul3A_546 : i32
          %add3A_548 = vector.broadcast %mul3A_547 : i32 to vector<16xi32>
          %add3A_549 = arith.addi %add3A_548, %iota3A : vector<16xi32>
          %lt3A_550 = vector.broadcast %scan3A_135 : i32 to vector<16xi32>
          %lt3A_551 = arith.cmpi slt, %add3A_549, %lt3A_550 : vector<16xi32>
          %mul3A_552 = arith.constant 16 : i32
          %mul3A_553 = arith.muli %while3A_545, %mul3A_552 : i32
          %get3A = arith.index_cast %mul3A_553 : i32 to index
          %get3A_554 = tpu.vector_load %arg10[%get3A] {strides = array<i32>} : memref<1056xi32, #tpu.memory_space<vmem>>, vector<16xi32>,
          %broadcast_in_dim3A_555 = arith.constant 0 : i32
          %broadcast_in_dim3A_556 = vector.broadcast %broadcast_in_dim3A_555 : i32 to vector<16xi32>
          %gather3A = tpu.vector_load_idx %arg9[%add3A_549, %broadcast_in_dim3A_556] masked %lt3A_551 : memref<1024x64xf32, #tpu.memory_space<vmem>>[vector<16xi32>, vector<16xi32>], vector<16xf32>, vector<16xi1>
          %broadcast_in_dim3A_557 = arith.constant 0 : i32
          %broadcast_in_dim3A_558 = vector.broadcast %broadcast_in_dim3A_557 : i32 to vector<16xi32>
          %broadcast_in_dim3A_559 = arith.constant 0 : i32
          %broadcast_in_dim3A_560 = vector.broadcast %broadcast_in_dim3A_559 : i32 to vector<16xi32>
          tpu.vector_store_idx %arg15[%broadcast_in_dim3A_558, %broadcast_in_dim3A_560, %get3A_554], %gather3A masked %lt3A_551 : memref<3x8x1000xf32, #tpu.memory_space<vmem>>[vector<16xi32>, vector<16xi32>, vector<16xi32>], vector<16xf32>, vector<16xi1>
          %broadcast_in_dim3A_561 = arith.constant 1 : i32
          %broadcast_in_dim3A_562 = vector.broadcast %broadcast_in_dim3A_561 : i32 to vector<16xi32>
          %gather3A_563 = tpu.vector_load_idx %arg9[%add3A_549, %broadcast_in_dim3A_562] masked %lt3A_551 : memref<1024x64xf32, #tpu.memory_space<vmem>>[vector<16xi32>, vector<16xi32>], vector<16xf32>, vector<16xi1>
          %broadcast_in_dim3A_564 = arith.constant 0 : i32
          %broadcast_in_dim3A_565 = vector.broadcast %broadcast_in_dim3A_564 : i32 to vector<16xi32>
          %broadcast_in_dim3A_566 = arith.constant 1 : i32
          %broadcast_in_dim3A_567 = vector.broadcast %broadcast_in_dim3A_566 : i32 to vector<16xi32>
          tpu.vector_store_idx %arg15[%broadcast_in_dim3A_565, %broadcast_in_dim3A_567, %get3A_554], %gather3A_563 masked %lt3A_551 : memref<3x8x1000xf32, #tpu.memory_space<vmem>>[vector<16xi32>, vector<16xi32>, vector<16xi32>], vector<16xf32>, vector<16xi1>
          %broadcast_in_dim3A_568 = arith.constant 2 : i32
          %broadcast_in_dim3A_569 = vector.broadcast %broadcast_in_dim3A_568 : i32 to vector<16xi32>
          %gather3A_570 = tpu.vector_load_idx %arg9[%add3A_549, %broadcast_in_dim3A_569] masked %lt3A_551 : memref<1024x64xf32, #tpu.memory_space<vmem>>[vector<16xi32>, vector<16xi32>], vector<16xf32>, vector<16xi1>
          %broadcast_in_dim3A_571 = arith.constant 0 : i32
          %broadcast_in_dim3A_572 = vector.broadcast %broadcast_in_dim3A_571 : i32 to vector<16xi32>
          %broadcast_in_dim3A_573 = arith.constant 2 : i32
          %broadcast_in_dim3A_574 = vector.broadcast %broadcast_in_dim3A_573 : i32 to vector<16xi32>
          tpu.vector_store_idx %arg15[%broadcast_in_dim3A_572, %broadcast_in_dim3A_574, %get3A_554], %gather3A_570 masked %lt3A_551 : memref<3x8x1000xf32, #tpu.memory_space<vmem>>[vector<16xi32>, vector<16xi32>, vector<16xi32>], vector<16xf32>, vector<16xi1>
          %broadcast_in_dim3A_575 = arith.constant 3 : i32
          %broadcast_in_dim3A_576 = vector.broadcast %broadcast_in_dim3A_575 : i32 to vector<16xi32>
          %gather3A_577 = tpu.vector_load_idx %arg9[%add3A_549, %broadcast_in_dim3A_576] masked %lt3A_551 : memref<1024x64xf32, #tpu.memory_space<vmem>>[vector<16xi32>, vector<16xi32>], vector<16xf32>, vector<16xi1>
          %broadcast_in_dim3A_578 = arith.constant 0 : i32
          %broadcast_in_dim3A_579 = vector.broadcast %broadcast_in_dim3A_578 : i32 to vector<16xi32>
          %broadcast_in_dim3A_580 = arith.constant 3 : i32
          %broadcast_in_dim3A_581 = vector.broadcast %broadcast_in_dim3A_580 : i32 to vector<16xi32>
          tpu.vector_store_idx %arg15[%broadcast_in_dim3A_579, %broadcast_in_dim3A_581, %get3A_554], %gather3A_577 masked %lt3A_551 : memref<3x8x1000xf32, #tpu.memory_space<vmem>>[vector<16xi32>, vector<16xi32>, vector<16xi32>], vector<16xf32>, vector<16xi1>
          %broadcast_in_dim3A_582 = arith.constant 4 : i32
          %broadcast_in_dim3A_583 = vector.broadcast %broadcast_in_dim3A_582 : i32 to vector<16xi32>
          %gather3A_584 = tpu.vector_load_idx %arg9[%add3A_549, %broadcast_in_dim3A_583] masked %lt3A_551 : memref<1024x64xf32, #tpu.memory_space<vmem>>[vector<16xi32>, vector<16xi32>], vector<16xf32>, vector<16xi1>
          %broadcast_in_dim3A_585 = arith.constant 0 : i32
          %broadcast_in_dim3A_586 = vector.broadcast %broadcast_in_dim3A_585 : i32 to vector<16xi32>
          %broadcast_in_dim3A_587 = arith.constant 4 : i32
          %broadcast_in_dim3A_588 = vector.broadcast %broadcast_in_dim3A_587 : i32 to vector<16xi32>
          tpu.vector_store_idx %arg15[%broadcast_in_dim3A_586, %broadcast_in_dim3A_588, %get3A_554], %gather3A_584 masked %lt3A_551 : memref<3x8x1000xf32, #tpu.memory_space<vmem>>[vector<16xi32>, vector<16xi32>, vector<16xi32>], vector<16xf32>, vector<16xi1>
          %broadcast_in_dim3A_589 = arith.constant 5 : i32
          %broadcast_in_dim3A_590 = vector.broadcast %broadcast_in_dim3A_589 : i32 to vector<16xi32>
          %gather3A_591 = tpu.vector_load_idx %arg9[%add3A_549, %broadcast_in_dim3A_590] masked %lt3A_551 : memref<1024x64xf32, #tpu.memory_space<vmem>>[vector<16xi32>, vector<16xi32>], vector<16xf32>, vector<16xi1>
          %broadcast_in_dim3A_592 = arith.constant 0 : i32
          %broadcast_in_dim3A_593 = vector.broadcast %broadcast_in_dim3A_592 : i32 to vector<16xi32>
          %broadcast_in_dim3A_594 = arith.constant 5 : i32
          %broadcast_in_dim3A_595 = vector.broadcast %broadcast_in_dim3A_594 : i32 to vector<16xi32>
          tpu.vector_store_idx %arg15[%broadcast_in_dim3A_593, %broadcast_in_dim3A_595, %get3A_554], %gather3A_591 masked %lt3A_551 : memref<3x8x1000xf32, #tpu.memory_space<vmem>>[vector<16xi32>, vector<16xi32>, vector<16xi32>], vector<16xf32>, vector<16xi1>
          %broadcast_in_dim3A_596 = arith.constant 6 : i32
          %broadcast_in_dim3A_597 = vector.broadcast %broadcast_in_dim3A_596 : i32 to vector<16xi32>
          %gather3A_598 = tpu.vector_load_idx %arg9[%add3A_549, %broadcast_in_dim3A_597] masked %lt3A_551 : memref<1024x64xf32, #tpu.memory_space<vmem>>[vector<16xi32>, vector<16xi32>], vector<16xf32>, vector<16xi1>
          %broadcast_in_dim3A_599 = arith.constant 0 : i32
          %broadcast_in_dim3A_600 = vector.broadcast %broadcast_in_dim3A_599 : i32 to vector<16xi32>
          %broadcast_in_dim3A_601 = arith.constant 6 : i32
          %broadcast_in_dim3A_602 = vector.broadcast %broadcast_in_dim3A_601 : i32 to vector<16xi32>
          tpu.vector_store_idx %arg15[%broadcast_in_dim3A_600, %broadcast_in_dim3A_602, %get3A_554], %gather3A_598 masked %lt3A_551 : memref<3x8x1000xf32, #tpu.memory_space<vmem>>[vector<16xi32>, vector<16xi32>, vector<16xi32>], vector<16xf32>, vector<16xi1>
          %broadcast_in_dim3A_603 = arith.constant 7 : i32
          %broadcast_in_dim3A_604 = vector.broadcast %broadcast_in_dim3A_603 : i32 to vector<16xi32>
          %gather3A_605 = tpu.vector_load_idx %arg9[%add3A_549, %broadcast_in_dim3A_604] masked %lt3A_551 : memref<1024x64xf32, #tpu.memory_space<vmem>>[vector<16xi32>, vector<16xi32>], vector<16xf32>, vector<16xi1>
          %broadcast_in_dim3A_606 = arith.constant 0 : i32
          %broadcast_in_dim3A_607 = vector.broadcast %broadcast_in_dim3A_606 : i32 to vector<16xi32>
          %broadcast_in_dim3A_608 = arith.constant 7 : i32
          %broadcast_in_dim3A_609 = vector.broadcast %broadcast_in_dim3A_608 : i32 to vector<16xi32>
          tpu.vector_store_idx %arg15[%broadcast_in_dim3A_607, %broadcast_in_dim3A_609, %get3A_554], %gather3A_605 masked %lt3A_551 : memref<3x8x1000xf32, #tpu.memory_space<vmem>>[vector<16xi32>, vector<16xi32>, vector<16xi32>], vector<16xf32>, vector<16xi1>
        }
        %mul3A_193 = arith.constant 500 : i32
        %mul3A_194 = arith.muli %add3A_129, %mul3A_193 : i32
        %dma_start3A_195 = arith.constant 0 : i32
        %dma_start3A_196 = arith.constant 0 : i32
        %dma_start3A_197 = arith.constant 0 : i32
        %dma_start3A_198 = tpu.memref_slice %arg15[%dma_start3A_195, %dma_start3A_196, %dma_start3A_197] : memref<3x8x1000xf32, #tpu.memory_space<vmem>> -> memref<1x8x1000xf32, #tpu.memory_space<vmem>>
        %dma_start3A_199 = tpu.memref_squeeze %dma_start3A_198 : memref<1x8x1000xf32, #tpu.memory_space<vmem>> -> memref<8x1000xf32, #tpu.memory_space<vmem>>
        %dma_start3A_200 = arith.constant 0 : i32
        %dma_start3A_201 = tpu.memref_slice %arg7[%select_n3A, %dma_start3A_200, %mul3A_194] : memref<4x64x250000xf32, #tpu.memory_space<hbm>> -> memref<1x8x1000xf32, #tpu.memory_space<hbm>>
        %dma_start3A_202 = tpu.memref_squeeze %dma_start3A_201 : memref<1x8x1000xf32, #tpu.memory_space<hbm>> -> memref<8x1000xf32, #tpu.memory_space<hbm>>
        %dma_start3A_203 = arith.constant 0 : i32
        %dma_start3A_204 = tpu.memref_slice %arg7[%select_n3A, %dma_start3A_203, %mul3A_194] : memref<4x64x250000xf32, #tpu.memory_space<hbm>> -> memref<1x8x1000xf32, #tpu.memory_space<hbm>>
        %dma_start3A_205 = tpu.memref_squeeze %dma_start3A_204 : memref<1x8x1000xf32, #tpu.memory_space<hbm>> -> memref<8x1000xf32, #tpu.memory_space<hbm>>
        %dma_start3A_206 = arith.constant 0 : i32
        %dma_start3A_207 = arith.constant 0 : i32
        %dma_start3A_208 = tpu.memref_slice %arg15[%dma_start3A_195, %dma_start3A_206, %dma_start3A_207] : memref<3x8x1000xf32, #tpu.memory_space<vmem>> -> memref<1x8x1000xf32, #tpu.memory_space<vmem>>
        %dma_start3A_209 = tpu.memref_squeeze %dma_start3A_208 : memref<1x8x1000xf32, #tpu.memory_space<vmem>> -> memref<8x1000xf32, #tpu.memory_space<vmem>>
        tpu.enqueue_dma source(%dma_start3A_209 : memref<8x1000xf32, #tpu.memory_space<vmem>>) target(%dma_start3A_205 : memref<8x1000xf32, #tpu.memory_space<hbm>>) target_semaphore(%arg17 : memref<!tpu.dma_semaphore, #tpu.memory_space<semaphore_mem>>)
        %while3A_210 = arith.constant 0 : i32
        %while3A_211 = arith.constant 0 : i32
        %while3A_212 = arith.subi %select_n3A_163, %while3A_211 : i32
        %while3A_213 = arith.addi %while3A_211, %while3A_212 : i32
        %while3A_214 = arith.constant 1 : i32
        %while3A_215 = arith.divsi %while3A_212, %while3A_214 : i32
        %while3A_216 = arith.muli %while3A_215, %while3A_214 : i32
        %while3A_217 = arith.addi %while3A_211, %while3A_216 : i32
        %while3A_218 = arith.constant 1 : i32
        scf.for %while3A_545 = %while3A_211 to %while3A_217 step %while3A_218  : i32 {
          %mul3A_546 = arith.constant 16 : i32
          %mul3A_547 = arith.muli %while3A_545, %mul3A_546 : i32
          %add3A_548 = vector.broadcast %mul3A_547 : i32 to vector<16xi32>
          %add3A_549 = arith.addi %add3A_548, %iota3A : vector<16xi32>
          %lt3A_550 = vector.broadcast %scan3A_135 : i32 to vector<16xi32>
          %lt3A_551 = arith.cmpi slt, %add3A_549, %lt3A_550 : vector<16xi32>
          %mul3A_552 = arith.constant 16 : i32
          %mul3A_553 = arith.muli %while3A_545, %mul3A_552 : i32
          %get3A = arith.index_cast %mul3A_553 : i32 to index
          %get3A_554 = tpu.vector_load %arg10[%get3A] {strides = array<i32>} : memref<1056xi32, #tpu.memory_space<vmem>>, vector<16xi32>,
          %broadcast_in_dim3A_555 = arith.constant 8 : i32
          %broadcast_in_dim3A_556 = vector.broadcast %broadcast_in_dim3A_555 : i32 to vector<16xi32>
          %gather3A = tpu.vector_load_idx %arg9[%add3A_549, %broadcast_in_dim3A_556] masked %lt3A_551 : memref<1024x64xf32, #tpu.memory_space<vmem>>[vector<16xi32>, vector<16xi32>], vector<16xf32>, vector<16xi1>
          %broadcast_in_dim3A_557 = arith.constant 1 : i32
          %broadcast_in_dim3A_558 = vector.broadcast %broadcast_in_dim3A_557 : i32 to vector<16xi32>
          %broadcast_in_dim3A_559 = arith.constant 0 : i32
          %broadcast_in_dim3A_560 = vector.broadcast %broadcast_in_dim3A_559 : i32 to vector<16xi32>
          tpu.vector_store_idx %arg15[%broadcast_in_dim3A_558, %broadcast_in_dim3A_560, %get3A_554], %gather3A masked %lt3A_551 : memref<3x8x1000xf32, #tpu.memory_space<vmem>>[vector<16xi32>, vector<16xi32>, vector<16xi32>], vector<16xf32>, vector<16xi1>
          %broadcast_in_dim3A_561 = arith.constant 9 : i32
          %broadcast_in_dim3A_562 = vector.broadcast %broadcast_in_dim3A_561 : i32 to vector<16xi32>
          %gather3A_563 = tpu.vector_load_idx %arg9[%add3A_549, %broadcast_in_dim3A_562] masked %lt3A_551 : memref<1024x64xf32, #tpu.memory_space<vmem>>[vector<16xi32>, vector<16xi32>], vector<16xf32>, vector<16xi1>
          %broadcast_in_dim3A_564 = arith.constant 1 : i32
          %broadcast_in_dim3A_565 = vector.broadcast %broadcast_in_dim3A_564 : i32 to vector<16xi32>
          %broadcast_in_dim3A_566 = arith.constant 1 : i32
          %broadcast_in_dim3A_567 = vector.broadcast %broadcast_in_dim3A_566 : i32 to vector<16xi32>
          tpu.vector_store_idx %arg15[%broadcast_in_dim3A_565, %broadcast_in_dim3A_567, %get3A_554], %gather3A_563 masked %lt3A_551 : memref<3x8x1000xf32, #tpu.memory_space<vmem>>[vector<16xi32>, vector<16xi32>, vector<16xi32>], vector<16xf32>, vector<16xi1>
          %broadcast_in_dim3A_568 = arith.constant 10 : i32
          %broadcast_in_dim3A_569 = vector.broadcast %broadcast_in_dim3A_568 : i32 to vector<16xi32>
          %gather3A_570 = tpu.vector_load_idx %arg9[%add3A_549, %broadcast_in_dim3A_569] masked %lt3A_551 : memref<1024x64xf32, #tpu.memory_space<vmem>>[vector<16xi32>, vector<16xi32>], vector<16xf32>, vector<16xi1>
          %broadcast_in_dim3A_571 = arith.constant 1 : i32
          %broadcast_in_dim3A_572 = vector.broadcast %broadcast_in_dim3A_571 : i32 to vector<16xi32>
          %broadcast_in_dim3A_573 = arith.constant 2 : i32
          %broadcast_in_dim3A_574 = vector.broadcast %broadcast_in_dim3A_573 : i32 to vector<16xi32>
          tpu.vector_store_idx %arg15[%broadcast_in_dim3A_572, %broadcast_in_dim3A_574, %get3A_554], %gather3A_570 masked %lt3A_551 : memref<3x8x1000xf32, #tpu.memory_space<vmem>>[vector<16xi32>, vector<16xi32>, vector<16xi32>], vector<16xf32>, vector<16xi1>
          %broadcast_in_dim3A_575 = arith.constant 11 : i32
          %broadcast_in_dim3A_576 = vector.broadcast %broadcast_in_dim3A_575 : i32 to vector<16xi32>
          %gather3A_577 = tpu.vector_load_idx %arg9[%add3A_549, %broadcast_in_dim3A_576] masked %lt3A_551 : memref<1024x64xf32, #tpu.memory_space<vmem>>[vector<16xi32>, vector<16xi32>], vector<16xf32>, vector<16xi1>
          %broadcast_in_dim3A_578 = arith.constant 1 : i32
          %broadcast_in_dim3A_579 = vector.broadcast %broadcast_in_dim3A_578 : i32 to vector<16xi32>
          %broadcast_in_dim3A_580 = arith.constant 3 : i32
          %broadcast_in_dim3A_581 = vector.broadcast %broadcast_in_dim3A_580 : i32 to vector<16xi32>
          tpu.vector_store_idx %arg15[%broadcast_in_dim3A_579, %broadcast_in_dim3A_581, %get3A_554], %gather3A_577 masked %lt3A_551 : memref<3x8x1000xf32, #tpu.memory_space<vmem>>[vector<16xi32>, vector<16xi32>, vector<16xi32>], vector<16xf32>, vector<16xi1>
          %broadcast_in_dim3A_582 = arith.constant 12 : i32
          %broadcast_in_dim3A_583 = vector.broadcast %broadcast_in_dim3A_582 : i32 to vector<16xi32>
          %gather3A_584 = tpu.vector_load_idx %arg9[%add3A_549, %broadcast_in_dim3A_583] masked %lt3A_551 : memref<1024x64xf32, #tpu.memory_space<vmem>>[vector<16xi32>, vector<16xi32>], vector<16xf32>, vector<16xi1>
          %broadcast_in_dim3A_585 = arith.constant 1 : i32
          %broadcast_in_dim3A_586 = vector.broadcast %broadcast_in_dim3A_585 : i32 to vector<16xi32>
          %broadcast_in_dim3A_587 = arith.constant 4 : i32
          %broadcast_in_dim3A_588 = vector.broadcast %broadcast_in_dim3A_587 : i32 to vector<16xi32>
          tpu.vector_store_idx %arg15[%broadcast_in_dim3A_586, %broadcast_in_dim3A_588, %get3A_554], %gather3A_584 masked %lt3A_551 : memref<3x8x1000xf32, #tpu.memory_space<vmem>>[vector<16xi32>, vector<16xi32>, vector<16xi32>], vector<16xf32>, vector<16xi1>
          %broadcast_in_dim3A_589 = arith.constant 13 : i32
          %broadcast_in_dim3A_590 = vector.broadcast %broadcast_in_dim3A_589 : i32 to vector<16xi32>
          %gather3A_591 = tpu.vector_load_idx %arg9[%add3A_549, %broadcast_in_dim3A_590] masked %lt3A_551 : memref<1024x64xf32, #tpu.memory_space<vmem>>[vector<16xi32>, vector<16xi32>], vector<16xf32>, vector<16xi1>
          %broadcast_in_dim3A_592 = arith.constant 1 : i32
          %broadcast_in_dim3A_593 = vector.broadcast %broadcast_in_dim3A_592 : i32 to vector<16xi32>
          %broadcast_in_dim3A_594 = arith.constant 5 : i32
          %broadcast_in_dim3A_595 = vector.broadcast %broadcast_in_dim3A_594 : i32 to vector<16xi32>
          tpu.vector_store_idx %arg15[%broadcast_in_dim3A_593, %broadcast_in_dim3A_595, %get3A_554], %gather3A_591 masked %lt3A_551 : memref<3x8x1000xf32, #tpu.memory_space<vmem>>[vector<16xi32>, vector<16xi32>, vector<16xi32>], vector<16xf32>, vector<16xi1>
          %broadcast_in_dim3A_596 = arith.constant 14 : i32
          %broadcast_in_dim3A_597 = vector.broadcast %broadcast_in_dim3A_596 : i32 to vector<16xi32>
          %gather3A_598 = tpu.vector_load_idx %arg9[%add3A_549, %broadcast_in_dim3A_597] masked %lt3A_551 : memref<1024x64xf32, #tpu.memory_space<vmem>>[vector<16xi32>, vector<16xi32>], vector<16xf32>, vector<16xi1>
          %broadcast_in_dim3A_599 = arith.constant 1 : i32
          %broadcast_in_dim3A_600 = vector.broadcast %broadcast_in_dim3A_599 : i32 to vector<16xi32>
          %broadcast_in_dim3A_601 = arith.constant 6 : i32
          %broadcast_in_dim3A_602 = vector.broadcast %broadcast_in_dim3A_601 : i32 to vector<16xi32>
          tpu.vector_store_idx %arg15[%broadcast_in_dim3A_600, %broadcast_in_dim3A_602, %get3A_554], %gather3A_598 masked %lt3A_551 : memref<3x8x1000xf32, #tpu.memory_space<vmem>>[vector<16xi32>, vector<16xi32>, vector<16xi32>], vector<16xf32>, vector<16xi1>
          %broadcast_in_dim3A_603 = arith.constant 15 : i32
          %broadcast_in_dim3A_604 = vector.broadcast %broadcast_in_dim3A_603 : i32 to vector<16xi32>
          %gather3A_605 = tpu.vector_load_idx %arg9[%add3A_549, %broadcast_in_dim3A_604] masked %lt3A_551 : memref<1024x64xf32, #tpu.memory_space<vmem>>[vector<16xi32>, vector<16xi32>], vector<16xf32>, vector<16xi1>
          %broadcast_in_dim3A_606 = arith.constant 1 : i32
          %broadcast_in_dim3A_607 = vector.broadcast %broadcast_in_dim3A_606 : i32 to vector<16xi32>
          %broadcast_in_dim3A_608 = arith.constant 7 : i32
          %broadcast_in_dim3A_609 = vector.broadcast %broadcast_in_dim3A_608 : i32 to vector<16xi32>
          tpu.vector_store_idx %arg15[%broadcast_in_dim3A_607, %broadcast_in_dim3A_609, %get3A_554], %gather3A_605 masked %lt3A_551 : memref<3x8x1000xf32, #tpu.memory_space<vmem>>[vector<16xi32>, vector<16xi32>, vector<16xi32>], vector<16xf32>, vector<16xi1>
        }
        %while3A_219 = arith.constant 1 : i32
        scf.for %while3A_545 = %while3A_217 to %while3A_213 step %while3A_219  : i32 {
          %mul3A_546 = arith.constant 16 : i32
          %mul3A_547 = arith.muli %while3A_545, %mul3A_546 : i32
          %add3A_548 = vector.broadcast %mul3A_547 : i32 to vector<16xi32>
          %add3A_549 = arith.addi %add3A_548, %iota3A : vector<16xi32>
          %lt3A_550 = vector.broadcast %scan3A_135 : i32 to vector<16xi32>
          %lt3A_551 = arith.cmpi slt, %add3A_549, %lt3A_550 : vector<16xi32>
          %mul3A_552 = arith.constant 16 : i32
          %mul3A_553 = arith.muli %while3A_545, %mul3A_552 : i32
          %get3A = arith.index_cast %mul3A_553 : i32 to index
          %get3A_554 = tpu.vector_load %arg10[%get3A] {strides = array<i32>} : memref<1056xi32, #tpu.memory_space<vmem>>, vector<16xi32>,
          %broadcast_in_dim3A_555 = arith.constant 8 : i32
          %broadcast_in_dim3A_556 = vector.broadcast %broadcast_in_dim3A_555 : i32 to vector<16xi32>
          %gather3A = tpu.vector_load_idx %arg9[%add3A_549, %broadcast_in_dim3A_556] masked %lt3A_551 : memref<1024x64xf32, #tpu.memory_space<vmem>>[vector<16xi32>, vector<16xi32>], vector<16xf32>, vector<16xi1>
          %broadcast_in_dim3A_557 = arith.constant 1 : i32
          %broadcast_in_dim3A_558 = vector.broadcast %broadcast_in_dim3A_557 : i32 to vector<16xi32>
          %broadcast_in_dim3A_559 = arith.constant 0 : i32
          %broadcast_in_dim3A_560 = vector.broadcast %broadcast_in_dim3A_559 : i32 to vector<16xi32>
          tpu.vector_store_idx %arg15[%broadcast_in_dim3A_558, %broadcast_in_dim3A_560, %get3A_554], %gather3A masked %lt3A_551 : memref<3x8x1000xf32, #tpu.memory_space<vmem>>[vector<16xi32>, vector<16xi32>, vector<16xi32>], vector<16xf32>, vector<16xi1>
          %broadcast_in_dim3A_561 = arith.constant 9 : i32
          %broadcast_in_dim3A_562 = vector.broadcast %broadcast_in_dim3A_561 : i32 to vector<16xi32>
          %gather3A_563 = tpu.vector_load_idx %arg9[%add3A_549, %broadcast_in_dim3A_562] masked %lt3A_551 : memref<1024x64xf32, #tpu.memory_space<vmem>>[vector<16xi32>, vector<16xi32>], vector<16xf32>, vector<16xi1>
          %broadcast_in_dim3A_564 = arith.constant 1 : i32
          %broadcast_in_dim3A_565 = vector.broadcast %broadcast_in_dim3A_564 : i32 to vector<16xi32>
          %broadcast_in_dim3A_566 = arith.constant 1 : i32
          %broadcast_in_dim3A_567 = vector.broadcast %broadcast_in_dim3A_566 : i32 to vector<16xi32>
          tpu.vector_store_idx %arg15[%broadcast_in_dim3A_565, %broadcast_in_dim3A_567, %get3A_554], %gather3A_563 masked %lt3A_551 : memref<3x8x1000xf32, #tpu.memory_space<vmem>>[vector<16xi32>, vector<16xi32>, vector<16xi32>], vector<16xf32>, vector<16xi1>
          %broadcast_in_dim3A_568 = arith.constant 10 : i32
          %broadcast_in_dim3A_569 = vector.broadcast %broadcast_in_dim3A_568 : i32 to vector<16xi32>
          %gather3A_570 = tpu.vector_load_idx %arg9[%add3A_549, %broadcast_in_dim3A_569] masked %lt3A_551 : memref<1024x64xf32, #tpu.memory_space<vmem>>[vector<16xi32>, vector<16xi32>], vector<16xf32>, vector<16xi1>
          %broadcast_in_dim3A_571 = arith.constant 1 : i32
          %broadcast_in_dim3A_572 = vector.broadcast %broadcast_in_dim3A_571 : i32 to vector<16xi32>
          %broadcast_in_dim3A_573 = arith.constant 2 : i32
          %broadcast_in_dim3A_574 = vector.broadcast %broadcast_in_dim3A_573 : i32 to vector<16xi32>
          tpu.vector_store_idx %arg15[%broadcast_in_dim3A_572, %broadcast_in_dim3A_574, %get3A_554], %gather3A_570 masked %lt3A_551 : memref<3x8x1000xf32, #tpu.memory_space<vmem>>[vector<16xi32>, vector<16xi32>, vector<16xi32>], vector<16xf32>, vector<16xi1>
          %broadcast_in_dim3A_575 = arith.constant 11 : i32
          %broadcast_in_dim3A_576 = vector.broadcast %broadcast_in_dim3A_575 : i32 to vector<16xi32>
          %gather3A_577 = tpu.vector_load_idx %arg9[%add3A_549, %broadcast_in_dim3A_576] masked %lt3A_551 : memref<1024x64xf32, #tpu.memory_space<vmem>>[vector<16xi32>, vector<16xi32>], vector<16xf32>, vector<16xi1>
          %broadcast_in_dim3A_578 = arith.constant 1 : i32
          %broadcast_in_dim3A_579 = vector.broadcast %broadcast_in_dim3A_578 : i32 to vector<16xi32>
          %broadcast_in_dim3A_580 = arith.constant 3 : i32
          %broadcast_in_dim3A_581 = vector.broadcast %broadcast_in_dim3A_580 : i32 to vector<16xi32>
          tpu.vector_store_idx %arg15[%broadcast_in_dim3A_579, %broadcast_in_dim3A_581, %get3A_554], %gather3A_577 masked %lt3A_551 : memref<3x8x1000xf32, #tpu.memory_space<vmem>>[vector<16xi32>, vector<16xi32>, vector<16xi32>], vector<16xf32>, vector<16xi1>
          %broadcast_in_dim3A_582 = arith.constant 12 : i32
          %broadcast_in_dim3A_583 = vector.broadcast %broadcast_in_dim3A_582 : i32 to vector<16xi32>
          %gather3A_584 = tpu.vector_load_idx %arg9[%add3A_549, %broadcast_in_dim3A_583] masked %lt3A_551 : memref<1024x64xf32, #tpu.memory_space<vmem>>[vector<16xi32>, vector<16xi32>], vector<16xf32>, vector<16xi1>
          %broadcast_in_dim3A_585 = arith.constant 1 : i32
          %broadcast_in_dim3A_586 = vector.broadcast %broadcast_in_dim3A_585 : i32 to vector<16xi32>
          %broadcast_in_dim3A_587 = arith.constant 4 : i32
          %broadcast_in_dim3A_588 = vector.broadcast %broadcast_in_dim3A_587 : i32 to vector<16xi32>
          tpu.vector_store_idx %arg15[%broadcast_in_dim3A_586, %broadcast_in_dim3A_588, %get3A_554], %gather3A_584 masked %lt3A_551 : memref<3x8x1000xf32, #tpu.memory_space<vmem>>[vector<16xi32>, vector<16xi32>, vector<16xi32>], vector<16xf32>, vector<16xi1>
          %broadcast_in_dim3A_589 = arith.constant 13 : i32
          %broadcast_in_dim3A_590 = vector.broadcast %broadcast_in_dim3A_589 : i32 to vector<16xi32>
          %gather3A_591 = tpu.vector_load_idx %arg9[%add3A_549, %broadcast_in_dim3A_590] masked %lt3A_551 : memref<1024x64xf32, #tpu.memory_space<vmem>>[vector<16xi32>, vector<16xi32>], vector<16xf32>, vector<16xi1>
          %broadcast_in_dim3A_592 = arith.constant 1 : i32
          %broadcast_in_dim3A_593 = vector.broadcast %broadcast_in_dim3A_592 : i32 to vector<16xi32>
          %broadcast_in_dim3A_594 = arith.constant 5 : i32
          %broadcast_in_dim3A_595 = vector.broadcast %broadcast_in_dim3A_594 : i32 to vector<16xi32>
          tpu.vector_store_idx %arg15[%broadcast_in_dim3A_593, %broadcast_in_dim3A_595, %get3A_554], %gather3A_591 masked %lt3A_551 : memref<3x8x1000xf32, #tpu.memory_space<vmem>>[vector<16xi32>, vector<16xi32>, vector<16xi32>], vector<16xf32>, vector<16xi1>
          %broadcast_in_dim3A_596 = arith.constant 14 : i32
          %broadcast_in_dim3A_597 = vector.broadcast %broadcast_in_dim3A_596 : i32 to vector<16xi32>
          %gather3A_598 = tpu.vector_load_idx %arg9[%add3A_549, %broadcast_in_dim3A_597] masked %lt3A_551 : memref<1024x64xf32, #tpu.memory_space<vmem>>[vector<16xi32>, vector<16xi32>], vector<16xf32>, vector<16xi1>
          %broadcast_in_dim3A_599 = arith.constant 1 : i32
          %broadcast_in_dim3A_600 = vector.broadcast %broadcast_in_dim3A_599 : i32 to vector<16xi32>
          %broadcast_in_dim3A_601 = arith.constant 6 : i32
          %broadcast_in_dim3A_602 = vector.broadcast %broadcast_in_dim3A_601 : i32 to vector<16xi32>
          tpu.vector_store_idx %arg15[%broadcast_in_dim3A_600, %broadcast_in_dim3A_602, %get3A_554], %gather3A_598 masked %lt3A_551 : memref<3x8x1000xf32, #tpu.memory_space<vmem>>[vector<16xi32>, vector<16xi32>, vector<16xi32>], vector<16xf32>, vector<16xi1>
          %broadcast_in_dim3A_603 = arith.constant 15 : i32
          %broadcast_in_dim3A_604 = vector.broadcast %broadcast_in_dim3A_603 : i32 to vector<16xi32>
          %gather3A_605 = tpu.vector_load_idx %arg9[%add3A_549, %broadcast_in_dim3A_604] masked %lt3A_551 : memref<1024x64xf32, #tpu.memory_space<vmem>>[vector<16xi32>, vector<16xi32>], vector<16xf32>, vector<16xi1>
          %broadcast_in_dim3A_606 = arith.constant 1 : i32
          %broadcast_in_dim3A_607 = vector.broadcast %broadcast_in_dim3A_606 : i32 to vector<16xi32>
          %broadcast_in_dim3A_608 = arith.constant 7 : i32
          %broadcast_in_dim3A_609 = vector.broadcast %broadcast_in_dim3A_608 : i32 to vector<16xi32>
          tpu.vector_store_idx %arg15[%broadcast_in_dim3A_607, %broadcast_in_dim3A_609, %get3A_554], %gather3A_605 masked %lt3A_551 : memref<3x8x1000xf32, #tpu.memory_space<vmem>>[vector<16xi32>, vector<16xi32>, vector<16xi32>], vector<16xf32>, vector<16xi1>
        }
        %mul3A_220 = arith.constant 500 : i32
        %mul3A_221 = arith.muli %add3A_129, %mul3A_220 : i32
        %dma_start3A_222 = arith.constant 1 : i32
        %dma_start3A_223 = arith.constant 0 : i32
        %dma_start3A_224 = arith.constant 0 : i32
        %dma_start3A_225 = tpu.memref_slice %arg15[%dma_start3A_222, %dma_start3A_223, %dma_start3A_224] : memref<3x8x1000xf32, #tpu.memory_space<vmem>> -> memref<1x8x1000xf32, #tpu.memory_space<vmem>>
        %dma_start3A_226 = tpu.memref_squeeze %dma_start3A_225 : memref<1x8x1000xf32, #tpu.memory_space<vmem>> -> memref<8x1000xf32, #tpu.memory_space<vmem>>
        %dma_start3A_227 = arith.constant 8 : i32
        %dma_start3A_228 = tpu.memref_slice %arg7[%select_n3A, %dma_start3A_227, %mul3A_221] : memref<4x64x250000xf32, #tpu.memory_space<hbm>> -> memref<1x8x1000xf32, #tpu.memory_space<hbm>>
        %dma_start3A_229 = tpu.memref_squeeze %dma_start3A_228 : memref<1x8x1000xf32, #tpu.memory_space<hbm>> -> memref<8x1000xf32, #tpu.memory_space<hbm>>
        %dma_start3A_230 = arith.constant 8 : i32
        %dma_start3A_231 = tpu.memref_slice %arg7[%select_n3A, %dma_start3A_230, %mul3A_221] : memref<4x64x250000xf32, #tpu.memory_space<hbm>> -> memref<1x8x1000xf32, #tpu.memory_space<hbm>>
        %dma_start3A_232 = tpu.memref_squeeze %dma_start3A_231 : memref<1x8x1000xf32, #tpu.memory_space<hbm>> -> memref<8x1000xf32, #tpu.memory_space<hbm>>
        %dma_start3A_233 = arith.constant 0 : i32
        %dma_start3A_234 = arith.constant 0 : i32
        %dma_start3A_235 = tpu.memref_slice %arg15[%dma_start3A_222, %dma_start3A_233, %dma_start3A_234] : memref<3x8x1000xf32, #tpu.memory_space<vmem>> -> memref<1x8x1000xf32, #tpu.memory_space<vmem>>
        %dma_start3A_236 = tpu.memref_squeeze %dma_start3A_235 : memref<1x8x1000xf32, #tpu.memory_space<vmem>> -> memref<8x1000xf32, #tpu.memory_space<vmem>>
        tpu.enqueue_dma source(%dma_start3A_236 : memref<8x1000xf32, #tpu.memory_space<vmem>>) target(%dma_start3A_232 : memref<8x1000xf32, #tpu.memory_space<hbm>>) target_semaphore(%arg18 : memref<!tpu.dma_semaphore, #tpu.memory_space<semaphore_mem>>)
        %while3A_237 = arith.constant 0 : i32
        %while3A_238 = arith.constant 0 : i32
        %while3A_239 = arith.subi %select_n3A_163, %while3A_238 : i32
        %while3A_240 = arith.addi %while3A_238, %while3A_239 : i32
        %while3A_241 = arith.constant 1 : i32
        %while3A_242 = arith.divsi %while3A_239, %while3A_241 : i32
        %while3A_243 = arith.muli %while3A_242, %while3A_241 : i32
        %while3A_244 = arith.addi %while3A_238, %while3A_243 : i32
        %while3A_245 = arith.constant 1 : i32
        scf.for %while3A_545 = %while3A_238 to %while3A_244 step %while3A_245  : i32 {
          %mul3A_546 = arith.constant 16 : i32
          %mul3A_547 = arith.muli %while3A_545, %mul3A_546 : i32
          %add3A_548 = vector.broadcast %mul3A_547 : i32 to vector<16xi32>
          %add3A_549 = arith.addi %add3A_548, %iota3A : vector<16xi32>
          %lt3A_550 = vector.broadcast %scan3A_135 : i32 to vector<16xi32>
          %lt3A_551 = arith.cmpi slt, %add3A_549, %lt3A_550 : vector<16xi32>
          %mul3A_552 = arith.constant 16 : i32
          %mul3A_553 = arith.muli %while3A_545, %mul3A_552 : i32
          %get3A = arith.index_cast %mul3A_553 : i32 to index
          %get3A_554 = tpu.vector_load %arg10[%get3A] {strides = array<i32>} : memref<1056xi32, #tpu.memory_space<vmem>>, vector<16xi32>,
          %broadcast_in_dim3A_555 = arith.constant 16 : i32
          %broadcast_in_dim3A_556 = vector.broadcast %broadcast_in_dim3A_555 : i32 to vector<16xi32>
          %gather3A = tpu.vector_load_idx %arg9[%add3A_549, %broadcast_in_dim3A_556] masked %lt3A_551 : memref<1024x64xf32, #tpu.memory_space<vmem>>[vector<16xi32>, vector<16xi32>], vector<16xf32>, vector<16xi1>
          %broadcast_in_dim3A_557 = arith.constant 2 : i32
          %broadcast_in_dim3A_558 = vector.broadcast %broadcast_in_dim3A_557 : i32 to vector<16xi32>
          %broadcast_in_dim3A_559 = arith.constant 0 : i32
          %broadcast_in_dim3A_560 = vector.broadcast %broadcast_in_dim3A_559 : i32 to vector<16xi32>
          tpu.vector_store_idx %arg15[%broadcast_in_dim3A_558, %broadcast_in_dim3A_560, %get3A_554], %gather3A masked %lt3A_551 : memref<3x8x1000xf32, #tpu.memory_space<vmem>>[vector<16xi32>, vector<16xi32>, vector<16xi32>], vector<16xf32>, vector<16xi1>
          %broadcast_in_dim3A_561 = arith.constant 17 : i32
          %broadcast_in_dim3A_562 = vector.broadcast %broadcast_in_dim3A_561 : i32 to vector<16xi32>
          %gather3A_563 = tpu.vector_load_idx %arg9[%add3A_549, %broadcast_in_dim3A_562] masked %lt3A_551 : memref<1024x64xf32, #tpu.memory_space<vmem>>[vector<16xi32>, vector<16xi32>], vector<16xf32>, vector<16xi1>
          %broadcast_in_dim3A_564 = arith.constant 2 : i32
          %broadcast_in_dim3A_565 = vector.broadcast %broadcast_in_dim3A_564 : i32 to vector<16xi32>
          %broadcast_in_dim3A_566 = arith.constant 1 : i32
          %broadcast_in_dim3A_567 = vector.broadcast %broadcast_in_dim3A_566 : i32 to vector<16xi32>
          tpu.vector_store_idx %arg15[%broadcast_in_dim3A_565, %broadcast_in_dim3A_567, %get3A_554], %gather3A_563 masked %lt3A_551 : memref<3x8x1000xf32, #tpu.memory_space<vmem>>[vector<16xi32>, vector<16xi32>, vector<16xi32>], vector<16xf32>, vector<16xi1>
          %broadcast_in_dim3A_568 = arith.constant 18 : i32
          %broadcast_in_dim3A_569 = vector.broadcast %broadcast_in_dim3A_568 : i32 to vector<16xi32>
          %gather3A_570 = tpu.vector_load_idx %arg9[%add3A_549, %broadcast_in_dim3A_569] masked %lt3A_551 : memref<1024x64xf32, #tpu.memory_space<vmem>>[vector<16xi32>, vector<16xi32>], vector<16xf32>, vector<16xi1>
          %broadcast_in_dim3A_571 = arith.constant 2 : i32
          %broadcast_in_dim3A_572 = vector.broadcast %broadcast_in_dim3A_571 : i32 to vector<16xi32>
          %broadcast_in_dim3A_573 = arith.constant 2 : i32
          %broadcast_in_dim3A_574 = vector.broadcast %broadcast_in_dim3A_573 : i32 to vector<16xi32>
          tpu.vector_store_idx %arg15[%broadcast_in_dim3A_572, %broadcast_in_dim3A_574, %get3A_554], %gather3A_570 masked %lt3A_551 : memref<3x8x1000xf32, #tpu.memory_space<vmem>>[vector<16xi32>, vector<16xi32>, vector<16xi32>], vector<16xf32>, vector<16xi1>
          %broadcast_in_dim3A_575 = arith.constant 19 : i32
          %broadcast_in_dim3A_576 = vector.broadcast %broadcast_in_dim3A_575 : i32 to vector<16xi32>
          %gather3A_577 = tpu.vector_load_idx %arg9[%add3A_549, %broadcast_in_dim3A_576] masked %lt3A_551 : memref<1024x64xf32, #tpu.memory_space<vmem>>[vector<16xi32>, vector<16xi32>], vector<16xf32>, vector<16xi1>
          %broadcast_in_dim3A_578 = arith.constant 2 : i32
          %broadcast_in_dim3A_579 = vector.broadcast %broadcast_in_dim3A_578 : i32 to vector<16xi32>
          %broadcast_in_dim3A_580 = arith.constant 3 : i32
          %broadcast_in_dim3A_581 = vector.broadcast %broadcast_in_dim3A_580 : i32 to vector<16xi32>
          tpu.vector_store_idx %arg15[%broadcast_in_dim3A_579, %broadcast_in_dim3A_581, %get3A_554], %gather3A_577 masked %lt3A_551 : memref<3x8x1000xf32, #tpu.memory_space<vmem>>[vector<16xi32>, vector<16xi32>, vector<16xi32>], vector<16xf32>, vector<16xi1>
          %broadcast_in_dim3A_582 = arith.constant 20 : i32
          %broadcast_in_dim3A_583 = vector.broadcast %broadcast_in_dim3A_582 : i32 to vector<16xi32>
          %gather3A_584 = tpu.vector_load_idx %arg9[%add3A_549, %broadcast_in_dim3A_583] masked %lt3A_551 : memref<1024x64xf32, #tpu.memory_space<vmem>>[vector<16xi32>, vector<16xi32>], vector<16xf32>, vector<16xi1>
          %broadcast_in_dim3A_585 = arith.constant 2 : i32
          %broadcast_in_dim3A_586 = vector.broadcast %broadcast_in_dim3A_585 : i32 to vector<16xi32>
          %broadcast_in_dim3A_587 = arith.constant 4 : i32
          %broadcast_in_dim3A_588 = vector.broadcast %broadcast_in_dim3A_587 : i32 to vector<16xi32>
          tpu.vector_store_idx %arg15[%broadcast_in_dim3A_586, %broadcast_in_dim3A_588, %get3A_554], %gather3A_584 masked %lt3A_551 : memref<3x8x1000xf32, #tpu.memory_space<vmem>>[vector<16xi32>, vector<16xi32>, vector<16xi32>], vector<16xf32>, vector<16xi1>
          %broadcast_in_dim3A_589 = arith.constant 21 : i32
          %broadcast_in_dim3A_590 = vector.broadcast %broadcast_in_dim3A_589 : i32 to vector<16xi32>
          %gather3A_591 = tpu.vector_load_idx %arg9[%add3A_549, %broadcast_in_dim3A_590] masked %lt3A_551 : memref<1024x64xf32, #tpu.memory_space<vmem>>[vector<16xi32>, vector<16xi32>], vector<16xf32>, vector<16xi1>
          %broadcast_in_dim3A_592 = arith.constant 2 : i32
          %broadcast_in_dim3A_593 = vector.broadcast %broadcast_in_dim3A_592 : i32 to vector<16xi32>
          %broadcast_in_dim3A_594 = arith.constant 5 : i32
          %broadcast_in_dim3A_595 = vector.broadcast %broadcast_in_dim3A_594 : i32 to vector<16xi32>
          tpu.vector_store_idx %arg15[%broadcast_in_dim3A_593, %broadcast_in_dim3A_595, %get3A_554], %gather3A_591 masked %lt3A_551 : memref<3x8x1000xf32, #tpu.memory_space<vmem>>[vector<16xi32>, vector<16xi32>, vector<16xi32>], vector<16xf32>, vector<16xi1>
          %broadcast_in_dim3A_596 = arith.constant 22 : i32
          %broadcast_in_dim3A_597 = vector.broadcast %broadcast_in_dim3A_596 : i32 to vector<16xi32>
          %gather3A_598 = tpu.vector_load_idx %arg9[%add3A_549, %broadcast_in_dim3A_597] masked %lt3A_551 : memref<1024x64xf32, #tpu.memory_space<vmem>>[vector<16xi32>, vector<16xi32>], vector<16xf32>, vector<16xi1>
          %broadcast_in_dim3A_599 = arith.constant 2 : i32
          %broadcast_in_dim3A_600 = vector.broadcast %broadcast_in_dim3A_599 : i32 to vector<16xi32>
          %broadcast_in_dim3A_601 = arith.constant 6 : i32
          %broadcast_in_dim3A_602 = vector.broadcast %broadcast_in_dim3A_601 : i32 to vector<16xi32>
          tpu.vector_store_idx %arg15[%broadcast_in_dim3A_600, %broadcast_in_dim3A_602, %get3A_554], %gather3A_598 masked %lt3A_551 : memref<3x8x1000xf32, #tpu.memory_space<vmem>>[vector<16xi32>, vector<16xi32>, vector<16xi32>], vector<16xf32>, vector<16xi1>
          %broadcast_in_dim3A_603 = arith.constant 23 : i32
          %broadcast_in_dim3A_604 = vector.broadcast %broadcast_in_dim3A_603 : i32 to vector<16xi32>
          %gather3A_605 = tpu.vector_load_idx %arg9[%add3A_549, %broadcast_in_dim3A_604] masked %lt3A_551 : memref<1024x64xf32, #tpu.memory_space<vmem>>[vector<16xi32>, vector<16xi32>], vector<16xf32>, vector<16xi1>
          %broadcast_in_dim3A_606 = arith.constant 2 : i32
          %broadcast_in_dim3A_607 = vector.broadcast %broadcast_in_dim3A_606 : i32 to vector<16xi32>
          %broadcast_in_dim3A_608 = arith.constant 7 : i32
          %broadcast_in_dim3A_609 = vector.broadcast %broadcast_in_dim3A_608 : i32 to vector<16xi32>
          tpu.vector_store_idx %arg15[%broadcast_in_dim3A_607, %broadcast_in_dim3A_609, %get3A_554], %gather3A_605 masked %lt3A_551 : memref<3x8x1000xf32, #tpu.memory_space<vmem>>[vector<16xi32>, vector<16xi32>, vector<16xi32>], vector<16xf32>, vector<16xi1>
        }
        %while3A_246 = arith.constant 1 : i32
        scf.for %while3A_545 = %while3A_244 to %while3A_240 step %while3A_246  : i32 {
          %mul3A_546 = arith.constant 16 : i32
          %mul3A_547 = arith.muli %while3A_545, %mul3A_546 : i32
          %add3A_548 = vector.broadcast %mul3A_547 : i32 to vector<16xi32>
          %add3A_549 = arith.addi %add3A_548, %iota3A : vector<16xi32>
          %lt3A_550 = vector.broadcast %scan3A_135 : i32 to vector<16xi32>
          %lt3A_551 = arith.cmpi slt, %add3A_549, %lt3A_550 : vector<16xi32>
          %mul3A_552 = arith.constant 16 : i32
          %mul3A_553 = arith.muli %while3A_545, %mul3A_552 : i32
          %get3A = arith.index_cast %mul3A_553 : i32 to index
          %get3A_554 = tpu.vector_load %arg10[%get3A] {strides = array<i32>} : memref<1056xi32, #tpu.memory_space<vmem>>, vector<16xi32>,
          %broadcast_in_dim3A_555 = arith.constant 16 : i32
          %broadcast_in_dim3A_556 = vector.broadcast %broadcast_in_dim3A_555 : i32 to vector<16xi32>
          %gather3A = tpu.vector_load_idx %arg9[%add3A_549, %broadcast_in_dim3A_556] masked %lt3A_551 : memref<1024x64xf32, #tpu.memory_space<vmem>>[vector<16xi32>, vector<16xi32>], vector<16xf32>, vector<16xi1>
          %broadcast_in_dim3A_557 = arith.constant 2 : i32
          %broadcast_in_dim3A_558 = vector.broadcast %broadcast_in_dim3A_557 : i32 to vector<16xi32>
          %broadcast_in_dim3A_559 = arith.constant 0 : i32
          %broadcast_in_dim3A_560 = vector.broadcast %broadcast_in_dim3A_559 : i32 to vector<16xi32>
          tpu.vector_store_idx %arg15[%broadcast_in_dim3A_558, %broadcast_in_dim3A_560, %get3A_554], %gather3A masked %lt3A_551 : memref<3x8x1000xf32, #tpu.memory_space<vmem>>[vector<16xi32>, vector<16xi32>, vector<16xi32>], vector<16xf32>, vector<16xi1>
          %broadcast_in_dim3A_561 = arith.constant 17 : i32
          %broadcast_in_dim3A_562 = vector.broadcast %broadcast_in_dim3A_561 : i32 to vector<16xi32>
          %gather3A_563 = tpu.vector_load_idx %arg9[%add3A_549, %broadcast_in_dim3A_562] masked %lt3A_551 : memref<1024x64xf32, #tpu.memory_space<vmem>>[vector<16xi32>, vector<16xi32>], vector<16xf32>, vector<16xi1>
          %broadcast_in_dim3A_564 = arith.constant 2 : i32
          %broadcast_in_dim3A_565 = vector.broadcast %broadcast_in_dim3A_564 : i32 to vector<16xi32>
          %broadcast_in_dim3A_566 = arith.constant 1 : i32
          %broadcast_in_dim3A_567 = vector.broadcast %broadcast_in_dim3A_566 : i32 to vector<16xi32>
          tpu.vector_store_idx %arg15[%broadcast_in_dim3A_565, %broadcast_in_dim3A_567, %get3A_554], %gather3A_563 masked %lt3A_551 : memref<3x8x1000xf32, #tpu.memory_space<vmem>>[vector<16xi32>, vector<16xi32>, vector<16xi32>], vector<16xf32>, vector<16xi1>
          %broadcast_in_dim3A_568 = arith.constant 18 : i32
          %broadcast_in_dim3A_569 = vector.broadcast %broadcast_in_dim3A_568 : i32 to vector<16xi32>
          %gather3A_570 = tpu.vector_load_idx %arg9[%add3A_549, %broadcast_in_dim3A_569] masked %lt3A_551 : memref<1024x64xf32, #tpu.memory_space<vmem>>[vector<16xi32>, vector<16xi32>], vector<16xf32>, vector<16xi1>
          %broadcast_in_dim3A_571 = arith.constant 2 : i32
          %broadcast_in_dim3A_572 = vector.broadcast %broadcast_in_dim3A_571 : i32 to vector<16xi32>
          %broadcast_in_dim3A_573 = arith.constant 2 : i32
          %broadcast_in_dim3A_574 = vector.broadcast %broadcast_in_dim3A_573 : i32 to vector<16xi32>
          tpu.vector_store_idx %arg15[%broadcast_in_dim3A_572, %broadcast_in_dim3A_574, %get3A_554], %gather3A_570 masked %lt3A_551 : memref<3x8x1000xf32, #tpu.memory_space<vmem>>[vector<16xi32>, vector<16xi32>, vector<16xi32>], vector<16xf32>, vector<16xi1>
          %broadcast_in_dim3A_575 = arith.constant 19 : i32
          %broadcast_in_dim3A_576 = vector.broadcast %broadcast_in_dim3A_575 : i32 to vector<16xi32>
          %gather3A_577 = tpu.vector_load_idx %arg9[%add3A_549, %broadcast_in_dim3A_576] masked %lt3A_551 : memref<1024x64xf32, #tpu.memory_space<vmem>>[vector<16xi32>, vector<16xi32>], vector<16xf32>, vector<16xi1>
          %broadcast_in_dim3A_578 = arith.constant 2 : i32
          %broadcast_in_dim3A_579 = vector.broadcast %broadcast_in_dim3A_578 : i32 to vector<16xi32>
          %broadcast_in_dim3A_580 = arith.constant 3 : i32
          %broadcast_in_dim3A_581 = vector.broadcast %broadcast_in_dim3A_580 : i32 to vector<16xi32>
          tpu.vector_store_idx %arg15[%broadcast_in_dim3A_579, %broadcast_in_dim3A_581, %get3A_554], %gather3A_577 masked %lt3A_551 : memref<3x8x1000xf32, #tpu.memory_space<vmem>>[vector<16xi32>, vector<16xi32>, vector<16xi32>], vector<16xf32>, vector<16xi1>
          %broadcast_in_dim3A_582 = arith.constant 20 : i32
          %broadcast_in_dim3A_583 = vector.broadcast %broadcast_in_dim3A_582 : i32 to vector<16xi32>
          %gather3A_584 = tpu.vector_load_idx %arg9[%add3A_549, %broadcast_in_dim3A_583] masked %lt3A_551 : memref<1024x64xf32, #tpu.memory_space<vmem>>[vector<16xi32>, vector<16xi32>], vector<16xf32>, vector<16xi1>
          %broadcast_in_dim3A_585 = arith.constant 2 : i32
          %broadcast_in_dim3A_586 = vector.broadcast %broadcast_in_dim3A_585 : i32 to vector<16xi32>
          %broadcast_in_dim3A_587 = arith.constant 4 : i32
          %broadcast_in_dim3A_588 = vector.broadcast %broadcast_in_dim3A_587 : i32 to vector<16xi32>
          tpu.vector_store_idx %arg15[%broadcast_in_dim3A_586, %broadcast_in_dim3A_588, %get3A_554], %gather3A_584 masked %lt3A_551 : memref<3x8x1000xf32, #tpu.memory_space<vmem>>[vector<16xi32>, vector<16xi32>, vector<16xi32>], vector<16xf32>, vector<16xi1>
          %broadcast_in_dim3A_589 = arith.constant 21 : i32
          %broadcast_in_dim3A_590 = vector.broadcast %broadcast_in_dim3A_589 : i32 to vector<16xi32>
          %gather3A_591 = tpu.vector_load_idx %arg9[%add3A_549, %broadcast_in_dim3A_590] masked %lt3A_551 : memref<1024x64xf32, #tpu.memory_space<vmem>>[vector<16xi32>, vector<16xi32>], vector<16xf32>, vector<16xi1>
          %broadcast_in_dim3A_592 = arith.constant 2 : i32
          %broadcast_in_dim3A_593 = vector.broadcast %broadcast_in_dim3A_592 : i32 to vector<16xi32>
          %broadcast_in_dim3A_594 = arith.constant 5 : i32
          %broadcast_in_dim3A_595 = vector.broadcast %broadcast_in_dim3A_594 : i32 to vector<16xi32>
          tpu.vector_store_idx %arg15[%broadcast_in_dim3A_593, %broadcast_in_dim3A_595, %get3A_554], %gather3A_591 masked %lt3A_551 : memref<3x8x1000xf32, #tpu.memory_space<vmem>>[vector<16xi32>, vector<16xi32>, vector<16xi32>], vector<16xf32>, vector<16xi1>
          %broadcast_in_dim3A_596 = arith.constant 22 : i32
          %broadcast_in_dim3A_597 = vector.broadcast %broadcast_in_dim3A_596 : i32 to vector<16xi32>
          %gather3A_598 = tpu.vector_load_idx %arg9[%add3A_549, %broadcast_in_dim3A_597] masked %lt3A_551 : memref<1024x64xf32, #tpu.memory_space<vmem>>[vector<16xi32>, vector<16xi32>], vector<16xf32>, vector<16xi1>
          %broadcast_in_dim3A_599 = arith.constant 2 : i32
          %broadcast_in_dim3A_600 = vector.broadcast %broadcast_in_dim3A_599 : i32 to vector<16xi32>
          %broadcast_in_dim3A_601 = arith.constant 6 : i32
          %broadcast_in_dim3A_602 = vector.broadcast %broadcast_in_dim3A_601 : i32 to vector<16xi32>
          tpu.vector_store_idx %arg15[%broadcast_in_dim3A_600, %broadcast_in_dim3A_602, %get3A_554], %gather3A_598 masked %lt3A_551 : memref<3x8x1000xf32, #tpu.memory_space<vmem>>[vector<16xi32>, vector<16xi32>, vector<16xi32>], vector<16xf32>, vector<16xi1>
          %broadcast_in_dim3A_603 = arith.constant 23 : i32
          %broadcast_in_dim3A_604 = vector.broadcast %broadcast_in_dim3A_603 : i32 to vector<16xi32>
          %gather3A_605 = tpu.vector_load_idx %arg9[%add3A_549, %broadcast_in_dim3A_604] masked %lt3A_551 : memref<1024x64xf32, #tpu.memory_space<vmem>>[vector<16xi32>, vector<16xi32>], vector<16xf32>, vector<16xi1>
          %broadcast_in_dim3A_606 = arith.constant 2 : i32
          %broadcast_in_dim3A_607 = vector.broadcast %broadcast_in_dim3A_606 : i32 to vector<16xi32>
          %broadcast_in_dim3A_608 = arith.constant 7 : i32
          %broadcast_in_dim3A_609 = vector.broadcast %broadcast_in_dim3A_608 : i32 to vector<16xi32>
          tpu.vector_store_idx %arg15[%broadcast_in_dim3A_607, %broadcast_in_dim3A_609, %get3A_554], %gather3A_605 masked %lt3A_551 : memref<3x8x1000xf32, #tpu.memory_space<vmem>>[vector<16xi32>, vector<16xi32>, vector<16xi32>], vector<16xf32>, vector<16xi1>
        }
        %mul3A_247 = arith.constant 500 : i32
        %mul3A_248 = arith.muli %add3A_129, %mul3A_247 : i32
        %dma_start3A_249 = arith.constant 2 : i32
        %dma_start3A_250 = arith.constant 0 : i32
        %dma_start3A_251 = arith.constant 0 : i32
        %dma_start3A_252 = tpu.memref_slice %arg15[%dma_start3A_249, %dma_start3A_250, %dma_start3A_251] : memref<3x8x1000xf32, #tpu.memory_space<vmem>> -> memref<1x8x1000xf32, #tpu.memory_space<vmem>>
        %dma_start3A_253 = tpu.memref_squeeze %dma_start3A_252 : memref<1x8x1000xf32, #tpu.memory_space<vmem>> -> memref<8x1000xf32, #tpu.memory_space<vmem>>
        %dma_start3A_254 = arith.constant 16 : i32
        %dma_start3A_255 = tpu.memref_slice %arg7[%select_n3A, %dma_start3A_254, %mul3A_248] : memref<4x64x250000xf32, #tpu.memory_space<hbm>> -> memref<1x8x1000xf32, #tpu.memory_space<hbm>>
        %dma_start3A_256 = tpu.memref_squeeze %dma_start3A_255 : memref<1x8x1000xf32, #tpu.memory_space<hbm>> -> memref<8x1000xf32, #tpu.memory_space<hbm>>
        %dma_start3A_257 = arith.constant 16 : i32
        %dma_start3A_258 = tpu.memref_slice %arg7[%select_n3A, %dma_start3A_257, %mul3A_248] : memref<4x64x250000xf32, #tpu.memory_space<hbm>> -> memref<1x8x1000xf32, #tpu.memory_space<hbm>>
        %dma_start3A_259 = tpu.memref_squeeze %dma_start3A_258 : memref<1x8x1000xf32, #tpu.memory_space<hbm>> -> memref<8x1000xf32, #tpu.memory_space<hbm>>
        %dma_start3A_260 = arith.constant 0 : i32
        %dma_start3A_261 = arith.constant 0 : i32
        %dma_start3A_262 = tpu.memref_slice %arg15[%dma_start3A_249, %dma_start3A_260, %dma_start3A_261] : memref<3x8x1000xf32, #tpu.memory_space<vmem>> -> memref<1x8x1000xf32, #tpu.memory_space<vmem>>
        %dma_start3A_263 = tpu.memref_squeeze %dma_start3A_262 : memref<1x8x1000xf32, #tpu.memory_space<vmem>> -> memref<8x1000xf32, #tpu.memory_space<vmem>>
        tpu.enqueue_dma source(%dma_start3A_263 : memref<8x1000xf32, #tpu.memory_space<vmem>>) target(%dma_start3A_259 : memref<8x1000xf32, #tpu.memory_space<hbm>>) target_semaphore(%arg19 : memref<!tpu.dma_semaphore, #tpu.memory_space<semaphore_mem>>)
        %mul3A_264 = arith.constant 500 : i32
        %mul3A_265 = arith.muli %add3A_129, %mul3A_264 : i32
        %dma_wait3A_266 = arith.constant 0 : i32
        %dma_wait3A_267 = arith.constant 0 : i32
        %dma_wait3A_268 = arith.constant 0 : i32
        %dma_wait3A_269 = tpu.memref_slice %arg15[%dma_wait3A_266, %dma_wait3A_267, %dma_wait3A_268] : memref<3x8x1000xf32, #tpu.memory_space<vmem>> -> memref<1x8x1000xf32, #tpu.memory_space<vmem>>
        %dma_wait3A_270 = tpu.memref_squeeze %dma_wait3A_269 : memref<1x8x1000xf32, #tpu.memory_space<vmem>> -> memref<8x1000xf32, #tpu.memory_space<vmem>>
        %dma_wait3A_271 = arith.constant 0 : i32
        %dma_wait3A_272 = tpu.memref_slice %arg7[%select_n3A, %dma_wait3A_271, %mul3A_265] : memref<4x64x250000xf32, #tpu.memory_space<hbm>> -> memref<1x8x1000xf32, #tpu.memory_space<hbm>>
        %dma_wait3A_273 = tpu.memref_squeeze %dma_wait3A_272 : memref<1x8x1000xf32, #tpu.memory_space<hbm>> -> memref<8x1000xf32, #tpu.memory_space<hbm>>
        %dma_wait3A_274 = arith.constant 0 : i32
        %dma_wait3A_275 = tpu.memref_slice %arg7[%select_n3A, %dma_wait3A_274, %mul3A_265] : memref<4x64x250000xf32, #tpu.memory_space<hbm>> -> memref<1x8x1000xf32, #tpu.memory_space<hbm>>
        %dma_wait3A_276 = tpu.memref_squeeze %dma_wait3A_275 : memref<1x8x1000xf32, #tpu.memory_space<hbm>> -> memref<8x1000xf32, #tpu.memory_space<hbm>>
        %dma_wait3A_277 = arith.constant 0 : i32
        %dma_wait3A_278 = arith.constant 0 : i32
        %dma_wait3A_279 = tpu.memref_slice %arg15[%dma_wait3A_266, %dma_wait3A_277, %dma_wait3A_278] : memref<3x8x1000xf32, #tpu.memory_space<vmem>> -> memref<1x8x1000xf32, #tpu.memory_space<vmem>>
        %dma_wait3A_280 = tpu.memref_squeeze %dma_wait3A_279 : memref<1x8x1000xf32, #tpu.memory_space<vmem>> -> memref<8x1000xf32, #tpu.memory_space<vmem>>
        tpu.wait_dma2 semaphore(%arg17 : memref<!tpu.dma_semaphore, #tpu.memory_space<semaphore_mem>>) src(%dma_wait3A_280 : memref<8x1000xf32, #tpu.memory_space<vmem>>) dst(%dma_wait3A_276 : memref<8x1000xf32, #tpu.memory_space<hbm>>)
        %while3A_281 = arith.constant 0 : i32
        %while3A_282 = arith.constant 0 : i32
        %while3A_283 = arith.subi %select_n3A_163, %while3A_282 : i32
        %while3A_284 = arith.addi %while3A_282, %while3A_283 : i32
        %while3A_285 = arith.constant 1 : i32
        %while3A_286 = arith.divsi %while3A_283, %while3A_285 : i32
        %while3A_287 = arith.muli %while3A_286, %while3A_285 : i32
        %while3A_288 = arith.addi %while3A_282, %while3A_287 : i32
        %while3A_289 = arith.constant 1 : i32
        scf.for %while3A_545 = %while3A_282 to %while3A_288 step %while3A_289  : i32 {
          %mul3A_546 = arith.constant 16 : i32
          %mul3A_547 = arith.muli %while3A_545, %mul3A_546 : i32
          %add3A_548 = vector.broadcast %mul3A_547 : i32 to vector<16xi32>
          %add3A_549 = arith.addi %add3A_548, %iota3A : vector<16xi32>
          %lt3A_550 = vector.broadcast %scan3A_135 : i32 to vector<16xi32>
          %lt3A_551 = arith.cmpi slt, %add3A_549, %lt3A_550 : vector<16xi32>
          %mul3A_552 = arith.constant 16 : i32
          %mul3A_553 = arith.muli %while3A_545, %mul3A_552 : i32
          %get3A = arith.index_cast %mul3A_553 : i32 to index
          %get3A_554 = tpu.vector_load %arg10[%get3A] {strides = array<i32>} : memref<1056xi32, #tpu.memory_space<vmem>>, vector<16xi32>,
          %broadcast_in_dim3A_555 = arith.constant 24 : i32
          %broadcast_in_dim3A_556 = vector.broadcast %broadcast_in_dim3A_555 : i32 to vector<16xi32>
          %gather3A = tpu.vector_load_idx %arg9[%add3A_549, %broadcast_in_dim3A_556] masked %lt3A_551 : memref<1024x64xf32, #tpu.memory_space<vmem>>[vector<16xi32>, vector<16xi32>], vector<16xf32>, vector<16xi1>
          %broadcast_in_dim3A_557 = arith.constant 0 : i32
          %broadcast_in_dim3A_558 = vector.broadcast %broadcast_in_dim3A_557 : i32 to vector<16xi32>
          %broadcast_in_dim3A_559 = arith.constant 0 : i32
          %broadcast_in_dim3A_560 = vector.broadcast %broadcast_in_dim3A_559 : i32 to vector<16xi32>
          tpu.vector_store_idx %arg15[%broadcast_in_dim3A_558, %broadcast_in_dim3A_560, %get3A_554], %gather3A masked %lt3A_551 : memref<3x8x1000xf32, #tpu.memory_space<vmem>>[vector<16xi32>, vector<16xi32>, vector<16xi32>], vector<16xf32>, vector<16xi1>
          %broadcast_in_dim3A_561 = arith.constant 25 : i32
          %broadcast_in_dim3A_562 = vector.broadcast %broadcast_in_dim3A_561 : i32 to vector<16xi32>
          %gather3A_563 = tpu.vector_load_idx %arg9[%add3A_549, %broadcast_in_dim3A_562] masked %lt3A_551 : memref<1024x64xf32, #tpu.memory_space<vmem>>[vector<16xi32>, vector<16xi32>], vector<16xf32>, vector<16xi1>
          %broadcast_in_dim3A_564 = arith.constant 0 : i32
          %broadcast_in_dim3A_565 = vector.broadcast %broadcast_in_dim3A_564 : i32 to vector<16xi32>
          %broadcast_in_dim3A_566 = arith.constant 1 : i32
          %broadcast_in_dim3A_567 = vector.broadcast %broadcast_in_dim3A_566 : i32 to vector<16xi32>
          tpu.vector_store_idx %arg15[%broadcast_in_dim3A_565, %broadcast_in_dim3A_567, %get3A_554], %gather3A_563 masked %lt3A_551 : memref<3x8x1000xf32, #tpu.memory_space<vmem>>[vector<16xi32>, vector<16xi32>, vector<16xi32>], vector<16xf32>, vector<16xi1>
          %broadcast_in_dim3A_568 = arith.constant 26 : i32
          %broadcast_in_dim3A_569 = vector.broadcast %broadcast_in_dim3A_568 : i32 to vector<16xi32>
          %gather3A_570 = tpu.vector_load_idx %arg9[%add3A_549, %broadcast_in_dim3A_569] masked %lt3A_551 : memref<1024x64xf32, #tpu.memory_space<vmem>>[vector<16xi32>, vector<16xi32>], vector<16xf32>, vector<16xi1>
          %broadcast_in_dim3A_571 = arith.constant 0 : i32
          %broadcast_in_dim3A_572 = vector.broadcast %broadcast_in_dim3A_571 : i32 to vector<16xi32>
          %broadcast_in_dim3A_573 = arith.constant 2 : i32
          %broadcast_in_dim3A_574 = vector.broadcast %broadcast_in_dim3A_573 : i32 to vector<16xi32>
          tpu.vector_store_idx %arg15[%broadcast_in_dim3A_572, %broadcast_in_dim3A_574, %get3A_554], %gather3A_570 masked %lt3A_551 : memref<3x8x1000xf32, #tpu.memory_space<vmem>>[vector<16xi32>, vector<16xi32>, vector<16xi32>], vector<16xf32>, vector<16xi1>
          %broadcast_in_dim3A_575 = arith.constant 27 : i32
          %broadcast_in_dim3A_576 = vector.broadcast %broadcast_in_dim3A_575 : i32 to vector<16xi32>
          %gather3A_577 = tpu.vector_load_idx %arg9[%add3A_549, %broadcast_in_dim3A_576] masked %lt3A_551 : memref<1024x64xf32, #tpu.memory_space<vmem>>[vector<16xi32>, vector<16xi32>], vector<16xf32>, vector<16xi1>
          %broadcast_in_dim3A_578 = arith.constant 0 : i32
          %broadcast_in_dim3A_579 = vector.broadcast %broadcast_in_dim3A_578 : i32 to vector<16xi32>
          %broadcast_in_dim3A_580 = arith.constant 3 : i32
          %broadcast_in_dim3A_581 = vector.broadcast %broadcast_in_dim3A_580 : i32 to vector<16xi32>
          tpu.vector_store_idx %arg15[%broadcast_in_dim3A_579, %broadcast_in_dim3A_581, %get3A_554], %gather3A_577 masked %lt3A_551 : memref<3x8x1000xf32, #tpu.memory_space<vmem>>[vector<16xi32>, vector<16xi32>, vector<16xi32>], vector<16xf32>, vector<16xi1>
          %broadcast_in_dim3A_582 = arith.constant 28 : i32
          %broadcast_in_dim3A_583 = vector.broadcast %broadcast_in_dim3A_582 : i32 to vector<16xi32>
          %gather3A_584 = tpu.vector_load_idx %arg9[%add3A_549, %broadcast_in_dim3A_583] masked %lt3A_551 : memref<1024x64xf32, #tpu.memory_space<vmem>>[vector<16xi32>, vector<16xi32>], vector<16xf32>, vector<16xi1>
          %broadcast_in_dim3A_585 = arith.constant 0 : i32
          %broadcast_in_dim3A_586 = vector.broadcast %broadcast_in_dim3A_585 : i32 to vector<16xi32>
          %broadcast_in_dim3A_587 = arith.constant 4 : i32
          %broadcast_in_dim3A_588 = vector.broadcast %broadcast_in_dim3A_587 : i32 to vector<16xi32>
          tpu.vector_store_idx %arg15[%broadcast_in_dim3A_586, %broadcast_in_dim3A_588, %get3A_554], %gather3A_584 masked %lt3A_551 : memref<3x8x1000xf32, #tpu.memory_space<vmem>>[vector<16xi32>, vector<16xi32>, vector<16xi32>], vector<16xf32>, vector<16xi1>
          %broadcast_in_dim3A_589 = arith.constant 29 : i32
          %broadcast_in_dim3A_590 = vector.broadcast %broadcast_in_dim3A_589 : i32 to vector<16xi32>
          %gather3A_591 = tpu.vector_load_idx %arg9[%add3A_549, %broadcast_in_dim3A_590] masked %lt3A_551 : memref<1024x64xf32, #tpu.memory_space<vmem>>[vector<16xi32>, vector<16xi32>], vector<16xf32>, vector<16xi1>
          %broadcast_in_dim3A_592 = arith.constant 0 : i32
          %broadcast_in_dim3A_593 = vector.broadcast %broadcast_in_dim3A_592 : i32 to vector<16xi32>
          %broadcast_in_dim3A_594 = arith.constant 5 : i32
          %broadcast_in_dim3A_595 = vector.broadcast %broadcast_in_dim3A_594 : i32 to vector<16xi32>
          tpu.vector_store_idx %arg15[%broadcast_in_dim3A_593, %broadcast_in_dim3A_595, %get3A_554], %gather3A_591 masked %lt3A_551 : memref<3x8x1000xf32, #tpu.memory_space<vmem>>[vector<16xi32>, vector<16xi32>, vector<16xi32>], vector<16xf32>, vector<16xi1>
          %broadcast_in_dim3A_596 = arith.constant 30 : i32
          %broadcast_in_dim3A_597 = vector.broadcast %broadcast_in_dim3A_596 : i32 to vector<16xi32>
          %gather3A_598 = tpu.vector_load_idx %arg9[%add3A_549, %broadcast_in_dim3A_597] masked %lt3A_551 : memref<1024x64xf32, #tpu.memory_space<vmem>>[vector<16xi32>, vector<16xi32>], vector<16xf32>, vector<16xi1>
          %broadcast_in_dim3A_599 = arith.constant 0 : i32
          %broadcast_in_dim3A_600 = vector.broadcast %broadcast_in_dim3A_599 : i32 to vector<16xi32>
          %broadcast_in_dim3A_601 = arith.constant 6 : i32
          %broadcast_in_dim3A_602 = vector.broadcast %broadcast_in_dim3A_601 : i32 to vector<16xi32>
          tpu.vector_store_idx %arg15[%broadcast_in_dim3A_600, %broadcast_in_dim3A_602, %get3A_554], %gather3A_598 masked %lt3A_551 : memref<3x8x1000xf32, #tpu.memory_space<vmem>>[vector<16xi32>, vector<16xi32>, vector<16xi32>], vector<16xf32>, vector<16xi1>
          %broadcast_in_dim3A_603 = arith.constant 31 : i32
          %broadcast_in_dim3A_604 = vector.broadcast %broadcast_in_dim3A_603 : i32 to vector<16xi32>
          %gather3A_605 = tpu.vector_load_idx %arg9[%add3A_549, %broadcast_in_dim3A_604] masked %lt3A_551 : memref<1024x64xf32, #tpu.memory_space<vmem>>[vector<16xi32>, vector<16xi32>], vector<16xf32>, vector<16xi1>
          %broadcast_in_dim3A_606 = arith.constant 0 : i32
          %broadcast_in_dim3A_607 = vector.broadcast %broadcast_in_dim3A_606 : i32 to vector<16xi32>
          %broadcast_in_dim3A_608 = arith.constant 7 : i32
          %broadcast_in_dim3A_609 = vector.broadcast %broadcast_in_dim3A_608 : i32 to vector<16xi32>
          tpu.vector_store_idx %arg15[%broadcast_in_dim3A_607, %broadcast_in_dim3A_609, %get3A_554], %gather3A_605 masked %lt3A_551 : memref<3x8x1000xf32, #tpu.memory_space<vmem>>[vector<16xi32>, vector<16xi32>, vector<16xi32>], vector<16xf32>, vector<16xi1>
        }
        %while3A_290 = arith.constant 1 : i32
        scf.for %while3A_545 = %while3A_288 to %while3A_284 step %while3A_290  : i32 {
          %mul3A_546 = arith.constant 16 : i32
          %mul3A_547 = arith.muli %while3A_545, %mul3A_546 : i32
          %add3A_548 = vector.broadcast %mul3A_547 : i32 to vector<16xi32>
          %add3A_549 = arith.addi %add3A_548, %iota3A : vector<16xi32>
          %lt3A_550 = vector.broadcast %scan3A_135 : i32 to vector<16xi32>
          %lt3A_551 = arith.cmpi slt, %add3A_549, %lt3A_550 : vector<16xi32>
          %mul3A_552 = arith.constant 16 : i32
          %mul3A_553 = arith.muli %while3A_545, %mul3A_552 : i32
          %get3A = arith.index_cast %mul3A_553 : i32 to index
          %get3A_554 = tpu.vector_load %arg10[%get3A] {strides = array<i32>} : memref<1056xi32, #tpu.memory_space<vmem>>, vector<16xi32>,
          %broadcast_in_dim3A_555 = arith.constant 24 : i32
          %broadcast_in_dim3A_556 = vector.broadcast %broadcast_in_dim3A_555 : i32 to vector<16xi32>
          %gather3A = tpu.vector_load_idx %arg9[%add3A_549, %broadcast_in_dim3A_556] masked %lt3A_551 : memref<1024x64xf32, #tpu.memory_space<vmem>>[vector<16xi32>, vector<16xi32>], vector<16xf32>, vector<16xi1>
          %broadcast_in_dim3A_557 = arith.constant 0 : i32
          %broadcast_in_dim3A_558 = vector.broadcast %broadcast_in_dim3A_557 : i32 to vector<16xi32>
          %broadcast_in_dim3A_559 = arith.constant 0 : i32
          %broadcast_in_dim3A_560 = vector.broadcast %broadcast_in_dim3A_559 : i32 to vector<16xi32>
          tpu.vector_store_idx %arg15[%broadcast_in_dim3A_558, %broadcast_in_dim3A_560, %get3A_554], %gather3A masked %lt3A_551 : memref<3x8x1000xf32, #tpu.memory_space<vmem>>[vector<16xi32>, vector<16xi32>, vector<16xi32>], vector<16xf32>, vector<16xi1>
          %broadcast_in_dim3A_561 = arith.constant 25 : i32
          %broadcast_in_dim3A_562 = vector.broadcast %broadcast_in_dim3A_561 : i32 to vector<16xi32>
          %gather3A_563 = tpu.vector_load_idx %arg9[%add3A_549, %broadcast_in_dim3A_562] masked %lt3A_551 : memref<1024x64xf32, #tpu.memory_space<vmem>>[vector<16xi32>, vector<16xi32>], vector<16xf32>, vector<16xi1>
          %broadcast_in_dim3A_564 = arith.constant 0 : i32
          %broadcast_in_dim3A_565 = vector.broadcast %broadcast_in_dim3A_564 : i32 to vector<16xi32>
          %broadcast_in_dim3A_566 = arith.constant 1 : i32
          %broadcast_in_dim3A_567 = vector.broadcast %broadcast_in_dim3A_566 : i32 to vector<16xi32>
          tpu.vector_store_idx %arg15[%broadcast_in_dim3A_565, %broadcast_in_dim3A_567, %get3A_554], %gather3A_563 masked %lt3A_551 : memref<3x8x1000xf32, #tpu.memory_space<vmem>>[vector<16xi32>, vector<16xi32>, vector<16xi32>], vector<16xf32>, vector<16xi1>
          %broadcast_in_dim3A_568 = arith.constant 26 : i32
          %broadcast_in_dim3A_569 = vector.broadcast %broadcast_in_dim3A_568 : i32 to vector<16xi32>
          %gather3A_570 = tpu.vector_load_idx %arg9[%add3A_549, %broadcast_in_dim3A_569] masked %lt3A_551 : memref<1024x64xf32, #tpu.memory_space<vmem>>[vector<16xi32>, vector<16xi32>], vector<16xf32>, vector<16xi1>
          %broadcast_in_dim3A_571 = arith.constant 0 : i32
          %broadcast_in_dim3A_572 = vector.broadcast %broadcast_in_dim3A_571 : i32 to vector<16xi32>
          %broadcast_in_dim3A_573 = arith.constant 2 : i32
          %broadcast_in_dim3A_574 = vector.broadcast %broadcast_in_dim3A_573 : i32 to vector<16xi32>
          tpu.vector_store_idx %arg15[%broadcast_in_dim3A_572, %broadcast_in_dim3A_574, %get3A_554], %gather3A_570 masked %lt3A_551 : memref<3x8x1000xf32, #tpu.memory_space<vmem>>[vector<16xi32>, vector<16xi32>, vector<16xi32>], vector<16xf32>, vector<16xi1>
          %broadcast_in_dim3A_575 = arith.constant 27 : i32
          %broadcast_in_dim3A_576 = vector.broadcast %broadcast_in_dim3A_575 : i32 to vector<16xi32>
          %gather3A_577 = tpu.vector_load_idx %arg9[%add3A_549, %broadcast_in_dim3A_576] masked %lt3A_551 : memref<1024x64xf32, #tpu.memory_space<vmem>>[vector<16xi32>, vector<16xi32>], vector<16xf32>, vector<16xi1>
          %broadcast_in_dim3A_578 = arith.constant 0 : i32
          %broadcast_in_dim3A_579 = vector.broadcast %broadcast_in_dim3A_578 : i32 to vector<16xi32>
          %broadcast_in_dim3A_580 = arith.constant 3 : i32
          %broadcast_in_dim3A_581 = vector.broadcast %broadcast_in_dim3A_580 : i32 to vector<16xi32>
          tpu.vector_store_idx %arg15[%broadcast_in_dim3A_579, %broadcast_in_dim3A_581, %get3A_554], %gather3A_577 masked %lt3A_551 : memref<3x8x1000xf32, #tpu.memory_space<vmem>>[vector<16xi32>, vector<16xi32>, vector<16xi32>], vector<16xf32>, vector<16xi1>
          %broadcast_in_dim3A_582 = arith.constant 28 : i32
          %broadcast_in_dim3A_583 = vector.broadcast %broadcast_in_dim3A_582 : i32 to vector<16xi32>
          %gather3A_584 = tpu.vector_load_idx %arg9[%add3A_549, %broadcast_in_dim3A_583] masked %lt3A_551 : memref<1024x64xf32, #tpu.memory_space<vmem>>[vector<16xi32>, vector<16xi32>], vector<16xf32>, vector<16xi1>
          %broadcast_in_dim3A_585 = arith.constant 0 : i32
          %broadcast_in_dim3A_586 = vector.broadcast %broadcast_in_dim3A_585 : i32 to vector<16xi32>
          %broadcast_in_dim3A_587 = arith.constant 4 : i32
          %broadcast_in_dim3A_588 = vector.broadcast %broadcast_in_dim3A_587 : i32 to vector<16xi32>
          tpu.vector_store_idx %arg15[%broadcast_in_dim3A_586, %broadcast_in_dim3A_588, %get3A_554], %gather3A_584 masked %lt3A_551 : memref<3x8x1000xf32, #tpu.memory_space<vmem>>[vector<16xi32>, vector<16xi32>, vector<16xi32>], vector<16xf32>, vector<16xi1>
          %broadcast_in_dim3A_589 = arith.constant 29 : i32
          %broadcast_in_dim3A_590 = vector.broadcast %broadcast_in_dim3A_589 : i32 to vector<16xi32>
          %gather3A_591 = tpu.vector_load_idx %arg9[%add3A_549, %broadcast_in_dim3A_590] masked %lt3A_551 : memref<1024x64xf32, #tpu.memory_space<vmem>>[vector<16xi32>, vector<16xi32>], vector<16xf32>, vector<16xi1>
          %broadcast_in_dim3A_592 = arith.constant 0 : i32
          %broadcast_in_dim3A_593 = vector.broadcast %broadcast_in_dim3A_592 : i32 to vector<16xi32>
          %broadcast_in_dim3A_594 = arith.constant 5 : i32
          %broadcast_in_dim3A_595 = vector.broadcast %broadcast_in_dim3A_594 : i32 to vector<16xi32>
          tpu.vector_store_idx %arg15[%broadcast_in_dim3A_593, %broadcast_in_dim3A_595, %get3A_554], %gather3A_591 masked %lt3A_551 : memref<3x8x1000xf32, #tpu.memory_space<vmem>>[vector<16xi32>, vector<16xi32>, vector<16xi32>], vector<16xf32>, vector<16xi1>
          %broadcast_in_dim3A_596 = arith.constant 30 : i32
          %broadcast_in_dim3A_597 = vector.broadcast %broadcast_in_dim3A_596 : i32 to vector<16xi32>
          %gather3A_598 = tpu.vector_load_idx %arg9[%add3A_549, %broadcast_in_dim3A_597] masked %lt3A_551 : memref<1024x64xf32, #tpu.memory_space<vmem>>[vector<16xi32>, vector<16xi32>], vector<16xf32>, vector<16xi1>
          %broadcast_in_dim3A_599 = arith.constant 0 : i32
          %broadcast_in_dim3A_600 = vector.broadcast %broadcast_in_dim3A_599 : i32 to vector<16xi32>
          %broadcast_in_dim3A_601 = arith.constant 6 : i32
          %broadcast_in_dim3A_602 = vector.broadcast %broadcast_in_dim3A_601 : i32 to vector<16xi32>
          tpu.vector_store_idx %arg15[%broadcast_in_dim3A_600, %broadcast_in_dim3A_602, %get3A_554], %gather3A_598 masked %lt3A_551 : memref<3x8x1000xf32, #tpu.memory_space<vmem>>[vector<16xi32>, vector<16xi32>, vector<16xi32>], vector<16xf32>, vector<16xi1>
          %broadcast_in_dim3A_603 = arith.constant 31 : i32
          %broadcast_in_dim3A_604 = vector.broadcast %broadcast_in_dim3A_603 : i32 to vector<16xi32>
          %gather3A_605 = tpu.vector_load_idx %arg9[%add3A_549, %broadcast_in_dim3A_604] masked %lt3A_551 : memref<1024x64xf32, #tpu.memory_space<vmem>>[vector<16xi32>, vector<16xi32>], vector<16xf32>, vector<16xi1>
          %broadcast_in_dim3A_606 = arith.constant 0 : i32
          %broadcast_in_dim3A_607 = vector.broadcast %broadcast_in_dim3A_606 : i32 to vector<16xi32>
          %broadcast_in_dim3A_608 = arith.constant 7 : i32
          %broadcast_in_dim3A_609 = vector.broadcast %broadcast_in_dim3A_608 : i32 to vector<16xi32>
          tpu.vector_store_idx %arg15[%broadcast_in_dim3A_607, %broadcast_in_dim3A_609, %get3A_554], %gather3A_605 masked %lt3A_551 : memref<3x8x1000xf32, #tpu.memory_space<vmem>>[vector<16xi32>, vector<16xi32>, vector<16xi32>], vector<16xf32>, vector<16xi1>
        }
        %mul3A_291 = arith.constant 500 : i32
        %mul3A_292 = arith.muli %add3A_129, %mul3A_291 : i32
        %dma_start3A_293 = arith.constant 0 : i32
        %dma_start3A_294 = arith.constant 0 : i32
        %dma_start3A_295 = arith.constant 0 : i32
        %dma_start3A_296 = tpu.memref_slice %arg15[%dma_start3A_293, %dma_start3A_294, %dma_start3A_295] : memref<3x8x1000xf32, #tpu.memory_space<vmem>> -> memref<1x8x1000xf32, #tpu.memory_space<vmem>>
        %dma_start3A_297 = tpu.memref_squeeze %dma_start3A_296 : memref<1x8x1000xf32, #tpu.memory_space<vmem>> -> memref<8x1000xf32, #tpu.memory_space<vmem>>
        %dma_start3A_298 = arith.constant 24 : i32
        %dma_start3A_299 = tpu.memref_slice %arg7[%select_n3A, %dma_start3A_298, %mul3A_292] : memref<4x64x250000xf32, #tpu.memory_space<hbm>> -> memref<1x8x1000xf32, #tpu.memory_space<hbm>>
        %dma_start3A_300 = tpu.memref_squeeze %dma_start3A_299 : memref<1x8x1000xf32, #tpu.memory_space<hbm>> -> memref<8x1000xf32, #tpu.memory_space<hbm>>
        %dma_start3A_301 = arith.constant 24 : i32
        %dma_start3A_302 = tpu.memref_slice %arg7[%select_n3A, %dma_start3A_301, %mul3A_292] : memref<4x64x250000xf32, #tpu.memory_space<hbm>> -> memref<1x8x1000xf32, #tpu.memory_space<hbm>>
        %dma_start3A_303 = tpu.memref_squeeze %dma_start3A_302 : memref<1x8x1000xf32, #tpu.memory_space<hbm>> -> memref<8x1000xf32, #tpu.memory_space<hbm>>
        %dma_start3A_304 = arith.constant 0 : i32
        %dma_start3A_305 = arith.constant 0 : i32
        %dma_start3A_306 = tpu.memref_slice %arg15[%dma_start3A_293, %dma_start3A_304, %dma_start3A_305] : memref<3x8x1000xf32, #tpu.memory_space<vmem>> -> memref<1x8x1000xf32, #tpu.memory_space<vmem>>
        %dma_start3A_307 = tpu.memref_squeeze %dma_start3A_306 : memref<1x8x1000xf32, #tpu.memory_space<vmem>> -> memref<8x1000xf32, #tpu.memory_space<vmem>>
        tpu.enqueue_dma source(%dma_start3A_307 : memref<8x1000xf32, #tpu.memory_space<vmem>>) target(%dma_start3A_303 : memref<8x1000xf32, #tpu.memory_space<hbm>>) target_semaphore(%arg17 : memref<!tpu.dma_semaphore, #tpu.memory_space<semaphore_mem>>)
        %mul3A_308 = arith.constant 500 : i32
        %mul3A_309 = arith.muli %add3A_129, %mul3A_308 : i32
        %dma_wait3A_310 = arith.constant 1 : i32
        %dma_wait3A_311 = arith.constant 0 : i32
        %dma_wait3A_312 = arith.constant 0 : i32
        %dma_wait3A_313 = tpu.memref_slice %arg15[%dma_wait3A_310, %dma_wait3A_311, %dma_wait3A_312] : memref<3x8x1000xf32, #tpu.memory_space<vmem>> -> memref<1x8x1000xf32, #tpu.memory_space<vmem>>
        %dma_wait3A_314 = tpu.memref_squeeze %dma_wait3A_313 : memref<1x8x1000xf32, #tpu.memory_space<vmem>> -> memref<8x1000xf32, #tpu.memory_space<vmem>>
        %dma_wait3A_315 = arith.constant 0 : i32
        %dma_wait3A_316 = tpu.memref_slice %arg7[%select_n3A, %dma_wait3A_315, %mul3A_309] : memref<4x64x250000xf32, #tpu.memory_space<hbm>> -> memref<1x8x1000xf32, #tpu.memory_space<hbm>>
        %dma_wait3A_317 = tpu.memref_squeeze %dma_wait3A_316 : memref<1x8x1000xf32, #tpu.memory_space<hbm>> -> memref<8x1000xf32, #tpu.memory_space<hbm>>
        %dma_wait3A_318 = arith.constant 0 : i32
        %dma_wait3A_319 = tpu.memref_slice %arg7[%select_n3A, %dma_wait3A_318, %mul3A_309] : memref<4x64x250000xf32, #tpu.memory_space<hbm>> -> memref<1x8x1000xf32, #tpu.memory_space<hbm>>
        %dma_wait3A_320 = tpu.memref_squeeze %dma_wait3A_319 : memref<1x8x1000xf32, #tpu.memory_space<hbm>> -> memref<8x1000xf32, #tpu.memory_space<hbm>>
        %dma_wait3A_321 = arith.constant 0 : i32
        %dma_wait3A_322 = arith.constant 0 : i32
        %dma_wait3A_323 = tpu.memref_slice %arg15[%dma_wait3A_310, %dma_wait3A_321, %dma_wait3A_322] : memref<3x8x1000xf32, #tpu.memory_space<vmem>> -> memref<1x8x1000xf32, #tpu.memory_space<vmem>>
        %dma_wait3A_324 = tpu.memref_squeeze %dma_wait3A_323 : memref<1x8x1000xf32, #tpu.memory_space<vmem>> -> memref<8x1000xf32, #tpu.memory_space<vmem>>
        tpu.wait_dma2 semaphore(%arg18 : memref<!tpu.dma_semaphore, #tpu.memory_space<semaphore_mem>>) src(%dma_wait3A_324 : memref<8x1000xf32, #tpu.memory_space<vmem>>) dst(%dma_wait3A_320 : memref<8x1000xf32, #tpu.memory_space<hbm>>)
        %while3A_325 = arith.constant 0 : i32
        %while3A_326 = arith.constant 0 : i32
        %while3A_327 = arith.subi %select_n3A_163, %while3A_326 : i32
        %while3A_328 = arith.addi %while3A_326, %while3A_327 : i32
        %while3A_329 = arith.constant 1 : i32
        %while3A_330 = arith.divsi %while3A_327, %while3A_329 : i32
        %while3A_331 = arith.muli %while3A_330, %while3A_329 : i32
        %while3A_332 = arith.addi %while3A_326, %while3A_331 : i32
        %while3A_333 = arith.constant 1 : i32
        scf.for %while3A_545 = %while3A_326 to %while3A_332 step %while3A_333  : i32 {
          %mul3A_546 = arith.constant 16 : i32
          %mul3A_547 = arith.muli %while3A_545, %mul3A_546 : i32
          %add3A_548 = vector.broadcast %mul3A_547 : i32 to vector<16xi32>
          %add3A_549 = arith.addi %add3A_548, %iota3A : vector<16xi32>
          %lt3A_550 = vector.broadcast %scan3A_135 : i32 to vector<16xi32>
          %lt3A_551 = arith.cmpi slt, %add3A_549, %lt3A_550 : vector<16xi32>
          %mul3A_552 = arith.constant 16 : i32
          %mul3A_553 = arith.muli %while3A_545, %mul3A_552 : i32
          %get3A = arith.index_cast %mul3A_553 : i32 to index
          %get3A_554 = tpu.vector_load %arg10[%get3A] {strides = array<i32>} : memref<1056xi32, #tpu.memory_space<vmem>>, vector<16xi32>,
          %broadcast_in_dim3A_555 = arith.constant 32 : i32
          %broadcast_in_dim3A_556 = vector.broadcast %broadcast_in_dim3A_555 : i32 to vector<16xi32>
          %gather3A = tpu.vector_load_idx %arg9[%add3A_549, %broadcast_in_dim3A_556] masked %lt3A_551 : memref<1024x64xf32, #tpu.memory_space<vmem>>[vector<16xi32>, vector<16xi32>], vector<16xf32>, vector<16xi1>
          %broadcast_in_dim3A_557 = arith.constant 1 : i32
          %broadcast_in_dim3A_558 = vector.broadcast %broadcast_in_dim3A_557 : i32 to vector<16xi32>
          %broadcast_in_dim3A_559 = arith.constant 0 : i32
          %broadcast_in_dim3A_560 = vector.broadcast %broadcast_in_dim3A_559 : i32 to vector<16xi32>
          tpu.vector_store_idx %arg15[%broadcast_in_dim3A_558, %broadcast_in_dim3A_560, %get3A_554], %gather3A masked %lt3A_551 : memref<3x8x1000xf32, #tpu.memory_space<vmem>>[vector<16xi32>, vector<16xi32>, vector<16xi32>], vector<16xf32>, vector<16xi1>
          %broadcast_in_dim3A_561 = arith.constant 33 : i32
          %broadcast_in_dim3A_562 = vector.broadcast %broadcast_in_dim3A_561 : i32 to vector<16xi32>
          %gather3A_563 = tpu.vector_load_idx %arg9[%add3A_549, %broadcast_in_dim3A_562] masked %lt3A_551 : memref<1024x64xf32, #tpu.memory_space<vmem>>[vector<16xi32>, vector<16xi32>], vector<16xf32>, vector<16xi1>
          %broadcast_in_dim3A_564 = arith.constant 1 : i32
          %broadcast_in_dim3A_565 = vector.broadcast %broadcast_in_dim3A_564 : i32 to vector<16xi32>
          %broadcast_in_dim3A_566 = arith.constant 1 : i32
          %broadcast_in_dim3A_567 = vector.broadcast %broadcast_in_dim3A_566 : i32 to vector<16xi32>
          tpu.vector_store_idx %arg15[%broadcast_in_dim3A_565, %broadcast_in_dim3A_567, %get3A_554], %gather3A_563 masked %lt3A_551 : memref<3x8x1000xf32, #tpu.memory_space<vmem>>[vector<16xi32>, vector<16xi32>, vector<16xi32>], vector<16xf32>, vector<16xi1>
          %broadcast_in_dim3A_568 = arith.constant 34 : i32
          %broadcast_in_dim3A_569 = vector.broadcast %broadcast_in_dim3A_568 : i32 to vector<16xi32>
          %gather3A_570 = tpu.vector_load_idx %arg9[%add3A_549, %broadcast_in_dim3A_569] masked %lt3A_551 : memref<1024x64xf32, #tpu.memory_space<vmem>>[vector<16xi32>, vector<16xi32>], vector<16xf32>, vector<16xi1>
          %broadcast_in_dim3A_571 = arith.constant 1 : i32
          %broadcast_in_dim3A_572 = vector.broadcast %broadcast_in_dim3A_571 : i32 to vector<16xi32>
          %broadcast_in_dim3A_573 = arith.constant 2 : i32
          %broadcast_in_dim3A_574 = vector.broadcast %broadcast_in_dim3A_573 : i32 to vector<16xi32>
          tpu.vector_store_idx %arg15[%broadcast_in_dim3A_572, %broadcast_in_dim3A_574, %get3A_554], %gather3A_570 masked %lt3A_551 : memref<3x8x1000xf32, #tpu.memory_space<vmem>>[vector<16xi32>, vector<16xi32>, vector<16xi32>], vector<16xf32>, vector<16xi1>
          %broadcast_in_dim3A_575 = arith.constant 35 : i32
          %broadcast_in_dim3A_576 = vector.broadcast %broadcast_in_dim3A_575 : i32 to vector<16xi32>
          %gather3A_577 = tpu.vector_load_idx %arg9[%add3A_549, %broadcast_in_dim3A_576] masked %lt3A_551 : memref<1024x64xf32, #tpu.memory_space<vmem>>[vector<16xi32>, vector<16xi32>], vector<16xf32>, vector<16xi1>
          %broadcast_in_dim3A_578 = arith.constant 1 : i32
          %broadcast_in_dim3A_579 = vector.broadcast %broadcast_in_dim3A_578 : i32 to vector<16xi32>
          %broadcast_in_dim3A_580 = arith.constant 3 : i32
          %broadcast_in_dim3A_581 = vector.broadcast %broadcast_in_dim3A_580 : i32 to vector<16xi32>
          tpu.vector_store_idx %arg15[%broadcast_in_dim3A_579, %broadcast_in_dim3A_581, %get3A_554], %gather3A_577 masked %lt3A_551 : memref<3x8x1000xf32, #tpu.memory_space<vmem>>[vector<16xi32>, vector<16xi32>, vector<16xi32>], vector<16xf32>, vector<16xi1>
          %broadcast_in_dim3A_582 = arith.constant 36 : i32
          %broadcast_in_dim3A_583 = vector.broadcast %broadcast_in_dim3A_582 : i32 to vector<16xi32>
          %gather3A_584 = tpu.vector_load_idx %arg9[%add3A_549, %broadcast_in_dim3A_583] masked %lt3A_551 : memref<1024x64xf32, #tpu.memory_space<vmem>>[vector<16xi32>, vector<16xi32>], vector<16xf32>, vector<16xi1>
          %broadcast_in_dim3A_585 = arith.constant 1 : i32
          %broadcast_in_dim3A_586 = vector.broadcast %broadcast_in_dim3A_585 : i32 to vector<16xi32>
          %broadcast_in_dim3A_587 = arith.constant 4 : i32
          %broadcast_in_dim3A_588 = vector.broadcast %broadcast_in_dim3A_587 : i32 to vector<16xi32>
          tpu.vector_store_idx %arg15[%broadcast_in_dim3A_586, %broadcast_in_dim3A_588, %get3A_554], %gather3A_584 masked %lt3A_551 : memref<3x8x1000xf32, #tpu.memory_space<vmem>>[vector<16xi32>, vector<16xi32>, vector<16xi32>], vector<16xf32>, vector<16xi1>
          %broadcast_in_dim3A_589 = arith.constant 37 : i32
          %broadcast_in_dim3A_590 = vector.broadcast %broadcast_in_dim3A_589 : i32 to vector<16xi32>
          %gather3A_591 = tpu.vector_load_idx %arg9[%add3A_549, %broadcast_in_dim3A_590] masked %lt3A_551 : memref<1024x64xf32, #tpu.memory_space<vmem>>[vector<16xi32>, vector<16xi32>], vector<16xf32>, vector<16xi1>
          %broadcast_in_dim3A_592 = arith.constant 1 : i32
          %broadcast_in_dim3A_593 = vector.broadcast %broadcast_in_dim3A_592 : i32 to vector<16xi32>
          %broadcast_in_dim3A_594 = arith.constant 5 : i32
          %broadcast_in_dim3A_595 = vector.broadcast %broadcast_in_dim3A_594 : i32 to vector<16xi32>
          tpu.vector_store_idx %arg15[%broadcast_in_dim3A_593, %broadcast_in_dim3A_595, %get3A_554], %gather3A_591 masked %lt3A_551 : memref<3x8x1000xf32, #tpu.memory_space<vmem>>[vector<16xi32>, vector<16xi32>, vector<16xi32>], vector<16xf32>, vector<16xi1>
          %broadcast_in_dim3A_596 = arith.constant 38 : i32
          %broadcast_in_dim3A_597 = vector.broadcast %broadcast_in_dim3A_596 : i32 to vector<16xi32>
          %gather3A_598 = tpu.vector_load_idx %arg9[%add3A_549, %broadcast_in_dim3A_597] masked %lt3A_551 : memref<1024x64xf32, #tpu.memory_space<vmem>>[vector<16xi32>, vector<16xi32>], vector<16xf32>, vector<16xi1>
          %broadcast_in_dim3A_599 = arith.constant 1 : i32
          %broadcast_in_dim3A_600 = vector.broadcast %broadcast_in_dim3A_599 : i32 to vector<16xi32>
          %broadcast_in_dim3A_601 = arith.constant 6 : i32
          %broadcast_in_dim3A_602 = vector.broadcast %broadcast_in_dim3A_601 : i32 to vector<16xi32>
          tpu.vector_store_idx %arg15[%broadcast_in_dim3A_600, %broadcast_in_dim3A_602, %get3A_554], %gather3A_598 masked %lt3A_551 : memref<3x8x1000xf32, #tpu.memory_space<vmem>>[vector<16xi32>, vector<16xi32>, vector<16xi32>], vector<16xf32>, vector<16xi1>
          %broadcast_in_dim3A_603 = arith.constant 39 : i32
          %broadcast_in_dim3A_604 = vector.broadcast %broadcast_in_dim3A_603 : i32 to vector<16xi32>
          %gather3A_605 = tpu.vector_load_idx %arg9[%add3A_549, %broadcast_in_dim3A_604] masked %lt3A_551 : memref<1024x64xf32, #tpu.memory_space<vmem>>[vector<16xi32>, vector<16xi32>], vector<16xf32>, vector<16xi1>
          %broadcast_in_dim3A_606 = arith.constant 1 : i32
          %broadcast_in_dim3A_607 = vector.broadcast %broadcast_in_dim3A_606 : i32 to vector<16xi32>
          %broadcast_in_dim3A_608 = arith.constant 7 : i32
          %broadcast_in_dim3A_609 = vector.broadcast %broadcast_in_dim3A_608 : i32 to vector<16xi32>
          tpu.vector_store_idx %arg15[%broadcast_in_dim3A_607, %broadcast_in_dim3A_609, %get3A_554], %gather3A_605 masked %lt3A_551 : memref<3x8x1000xf32, #tpu.memory_space<vmem>>[vector<16xi32>, vector<16xi32>, vector<16xi32>], vector<16xf32>, vector<16xi1>
        }
        %while3A_334 = arith.constant 1 : i32
        scf.for %while3A_545 = %while3A_332 to %while3A_328 step %while3A_334  : i32 {
          %mul3A_546 = arith.constant 16 : i32
          %mul3A_547 = arith.muli %while3A_545, %mul3A_546 : i32
          %add3A_548 = vector.broadcast %mul3A_547 : i32 to vector<16xi32>
          %add3A_549 = arith.addi %add3A_548, %iota3A : vector<16xi32>
          %lt3A_550 = vector.broadcast %scan3A_135 : i32 to vector<16xi32>
          %lt3A_551 = arith.cmpi slt, %add3A_549, %lt3A_550 : vector<16xi32>
          %mul3A_552 = arith.constant 16 : i32
          %mul3A_553 = arith.muli %while3A_545, %mul3A_552 : i32
          %get3A = arith.index_cast %mul3A_553 : i32 to index
          %get3A_554 = tpu.vector_load %arg10[%get3A] {strides = array<i32>} : memref<1056xi32, #tpu.memory_space<vmem>>, vector<16xi32>,
          %broadcast_in_dim3A_555 = arith.constant 32 : i32
          %broadcast_in_dim3A_556 = vector.broadcast %broadcast_in_dim3A_555 : i32 to vector<16xi32>
          %gather3A = tpu.vector_load_idx %arg9[%add3A_549, %broadcast_in_dim3A_556] masked %lt3A_551 : memref<1024x64xf32, #tpu.memory_space<vmem>>[vector<16xi32>, vector<16xi32>], vector<16xf32>, vector<16xi1>
          %broadcast_in_dim3A_557 = arith.constant 1 : i32
          %broadcast_in_dim3A_558 = vector.broadcast %broadcast_in_dim3A_557 : i32 to vector<16xi32>
          %broadcast_in_dim3A_559 = arith.constant 0 : i32
          %broadcast_in_dim3A_560 = vector.broadcast %broadcast_in_dim3A_559 : i32 to vector<16xi32>
          tpu.vector_store_idx %arg15[%broadcast_in_dim3A_558, %broadcast_in_dim3A_560, %get3A_554], %gather3A masked %lt3A_551 : memref<3x8x1000xf32, #tpu.memory_space<vmem>>[vector<16xi32>, vector<16xi32>, vector<16xi32>], vector<16xf32>, vector<16xi1>
          %broadcast_in_dim3A_561 = arith.constant 33 : i32
          %broadcast_in_dim3A_562 = vector.broadcast %broadcast_in_dim3A_561 : i32 to vector<16xi32>
          %gather3A_563 = tpu.vector_load_idx %arg9[%add3A_549, %broadcast_in_dim3A_562] masked %lt3A_551 : memref<1024x64xf32, #tpu.memory_space<vmem>>[vector<16xi32>, vector<16xi32>], vector<16xf32>, vector<16xi1>
          %broadcast_in_dim3A_564 = arith.constant 1 : i32
          %broadcast_in_dim3A_565 = vector.broadcast %broadcast_in_dim3A_564 : i32 to vector<16xi32>
          %broadcast_in_dim3A_566 = arith.constant 1 : i32
          %broadcast_in_dim3A_567 = vector.broadcast %broadcast_in_dim3A_566 : i32 to vector<16xi32>
          tpu.vector_store_idx %arg15[%broadcast_in_dim3A_565, %broadcast_in_dim3A_567, %get3A_554], %gather3A_563 masked %lt3A_551 : memref<3x8x1000xf32, #tpu.memory_space<vmem>>[vector<16xi32>, vector<16xi32>, vector<16xi32>], vector<16xf32>, vector<16xi1>
          %broadcast_in_dim3A_568 = arith.constant 34 : i32
          %broadcast_in_dim3A_569 = vector.broadcast %broadcast_in_dim3A_568 : i32 to vector<16xi32>
          %gather3A_570 = tpu.vector_load_idx %arg9[%add3A_549, %broadcast_in_dim3A_569] masked %lt3A_551 : memref<1024x64xf32, #tpu.memory_space<vmem>>[vector<16xi32>, vector<16xi32>], vector<16xf32>, vector<16xi1>
          %broadcast_in_dim3A_571 = arith.constant 1 : i32
          %broadcast_in_dim3A_572 = vector.broadcast %broadcast_in_dim3A_571 : i32 to vector<16xi32>
          %broadcast_in_dim3A_573 = arith.constant 2 : i32
          %broadcast_in_dim3A_574 = vector.broadcast %broadcast_in_dim3A_573 : i32 to vector<16xi32>
          tpu.vector_store_idx %arg15[%broadcast_in_dim3A_572, %broadcast_in_dim3A_574, %get3A_554], %gather3A_570 masked %lt3A_551 : memref<3x8x1000xf32, #tpu.memory_space<vmem>>[vector<16xi32>, vector<16xi32>, vector<16xi32>], vector<16xf32>, vector<16xi1>
          %broadcast_in_dim3A_575 = arith.constant 35 : i32
          %broadcast_in_dim3A_576 = vector.broadcast %broadcast_in_dim3A_575 : i32 to vector<16xi32>
          %gather3A_577 = tpu.vector_load_idx %arg9[%add3A_549, %broadcast_in_dim3A_576] masked %lt3A_551 : memref<1024x64xf32, #tpu.memory_space<vmem>>[vector<16xi32>, vector<16xi32>], vector<16xf32>, vector<16xi1>
          %broadcast_in_dim3A_578 = arith.constant 1 : i32
          %broadcast_in_dim3A_579 = vector.broadcast %broadcast_in_dim3A_578 : i32 to vector<16xi32>
          %broadcast_in_dim3A_580 = arith.constant 3 : i32
          %broadcast_in_dim3A_581 = vector.broadcast %broadcast_in_dim3A_580 : i32 to vector<16xi32>
          tpu.vector_store_idx %arg15[%broadcast_in_dim3A_579, %broadcast_in_dim3A_581, %get3A_554], %gather3A_577 masked %lt3A_551 : memref<3x8x1000xf32, #tpu.memory_space<vmem>>[vector<16xi32>, vector<16xi32>, vector<16xi32>], vector<16xf32>, vector<16xi1>
          %broadcast_in_dim3A_582 = arith.constant 36 : i32
          %broadcast_in_dim3A_583 = vector.broadcast %broadcast_in_dim3A_582 : i32 to vector<16xi32>
          %gather3A_584 = tpu.vector_load_idx %arg9[%add3A_549, %broadcast_in_dim3A_583] masked %lt3A_551 : memref<1024x64xf32, #tpu.memory_space<vmem>>[vector<16xi32>, vector<16xi32>], vector<16xf32>, vector<16xi1>
          %broadcast_in_dim3A_585 = arith.constant 1 : i32
          %broadcast_in_dim3A_586 = vector.broadcast %broadcast_in_dim3A_585 : i32 to vector<16xi32>
          %broadcast_in_dim3A_587 = arith.constant 4 : i32
          %broadcast_in_dim3A_588 = vector.broadcast %broadcast_in_dim3A_587 : i32 to vector<16xi32>
          tpu.vector_store_idx %arg15[%broadcast_in_dim3A_586, %broadcast_in_dim3A_588, %get3A_554], %gather3A_584 masked %lt3A_551 : memref<3x8x1000xf32, #tpu.memory_space<vmem>>[vector<16xi32>, vector<16xi32>, vector<16xi32>], vector<16xf32>, vector<16xi1>
          %broadcast_in_dim3A_589 = arith.constant 37 : i32
          %broadcast_in_dim3A_590 = vector.broadcast %broadcast_in_dim3A_589 : i32 to vector<16xi32>
          %gather3A_591 = tpu.vector_load_idx %arg9[%add3A_549, %broadcast_in_dim3A_590] masked %lt3A_551 : memref<1024x64xf32, #tpu.memory_space<vmem>>[vector<16xi32>, vector<16xi32>], vector<16xf32>, vector<16xi1>
          %broadcast_in_dim3A_592 = arith.constant 1 : i32
          %broadcast_in_dim3A_593 = vector.broadcast %broadcast_in_dim3A_592 : i32 to vector<16xi32>
          %broadcast_in_dim3A_594 = arith.constant 5 : i32
          %broadcast_in_dim3A_595 = vector.broadcast %broadcast_in_dim3A_594 : i32 to vector<16xi32>
          tpu.vector_store_idx %arg15[%broadcast_in_dim3A_593, %broadcast_in_dim3A_595, %get3A_554], %gather3A_591 masked %lt3A_551 : memref<3x8x1000xf32, #tpu.memory_space<vmem>>[vector<16xi32>, vector<16xi32>, vector<16xi32>], vector<16xf32>, vector<16xi1>
          %broadcast_in_dim3A_596 = arith.constant 38 : i32
          %broadcast_in_dim3A_597 = vector.broadcast %broadcast_in_dim3A_596 : i32 to vector<16xi32>
          %gather3A_598 = tpu.vector_load_idx %arg9[%add3A_549, %broadcast_in_dim3A_597] masked %lt3A_551 : memref<1024x64xf32, #tpu.memory_space<vmem>>[vector<16xi32>, vector<16xi32>], vector<16xf32>, vector<16xi1>
          %broadcast_in_dim3A_599 = arith.constant 1 : i32
          %broadcast_in_dim3A_600 = vector.broadcast %broadcast_in_dim3A_599 : i32 to vector<16xi32>
          %broadcast_in_dim3A_601 = arith.constant 6 : i32
          %broadcast_in_dim3A_602 = vector.broadcast %broadcast_in_dim3A_601 : i32 to vector<16xi32>
          tpu.vector_store_idx %arg15[%broadcast_in_dim3A_600, %broadcast_in_dim3A_602, %get3A_554], %gather3A_598 masked %lt3A_551 : memref<3x8x1000xf32, #tpu.memory_space<vmem>>[vector<16xi32>, vector<16xi32>, vector<16xi32>], vector<16xf32>, vector<16xi1>
          %broadcast_in_dim3A_603 = arith.constant 39 : i32
          %broadcast_in_dim3A_604 = vector.broadcast %broadcast_in_dim3A_603 : i32 to vector<16xi32>
          %gather3A_605 = tpu.vector_load_idx %arg9[%add3A_549, %broadcast_in_dim3A_604] masked %lt3A_551 : memref<1024x64xf32, #tpu.memory_space<vmem>>[vector<16xi32>, vector<16xi32>], vector<16xf32>, vector<16xi1>
          %broadcast_in_dim3A_606 = arith.constant 1 : i32
          %broadcast_in_dim3A_607 = vector.broadcast %broadcast_in_dim3A_606 : i32 to vector<16xi32>
          %broadcast_in_dim3A_608 = arith.constant 7 : i32
          %broadcast_in_dim3A_609 = vector.broadcast %broadcast_in_dim3A_608 : i32 to vector<16xi32>
          tpu.vector_store_idx %arg15[%broadcast_in_dim3A_607, %broadcast_in_dim3A_609, %get3A_554], %gather3A_605 masked %lt3A_551 : memref<3x8x1000xf32, #tpu.memory_space<vmem>>[vector<16xi32>, vector<16xi32>, vector<16xi32>], vector<16xf32>, vector<16xi1>
        }
        %mul3A_335 = arith.constant 500 : i32
        %mul3A_336 = arith.muli %add3A_129, %mul3A_335 : i32
        %dma_start3A_337 = arith.constant 1 : i32
        %dma_start3A_338 = arith.constant 0 : i32
        %dma_start3A_339 = arith.constant 0 : i32
        %dma_start3A_340 = tpu.memref_slice %arg15[%dma_start3A_337, %dma_start3A_338, %dma_start3A_339] : memref<3x8x1000xf32, #tpu.memory_space<vmem>> -> memref<1x8x1000xf32, #tpu.memory_space<vmem>>
        %dma_start3A_341 = tpu.memref_squeeze %dma_start3A_340 : memref<1x8x1000xf32, #tpu.memory_space<vmem>> -> memref<8x1000xf32, #tpu.memory_space<vmem>>
        %dma_start3A_342 = arith.constant 32 : i32
        %dma_start3A_343 = tpu.memref_slice %arg7[%select_n3A, %dma_start3A_342, %mul3A_336] : memref<4x64x250000xf32, #tpu.memory_space<hbm>> -> memref<1x8x1000xf32, #tpu.memory_space<hbm>>
        %dma_start3A_344 = tpu.memref_squeeze %dma_start3A_343 : memref<1x8x1000xf32, #tpu.memory_space<hbm>> -> memref<8x1000xf32, #tpu.memory_space<hbm>>
        %dma_start3A_345 = arith.constant 32 : i32
        %dma_start3A_346 = tpu.memref_slice %arg7[%select_n3A, %dma_start3A_345, %mul3A_336] : memref<4x64x250000xf32, #tpu.memory_space<hbm>> -> memref<1x8x1000xf32, #tpu.memory_space<hbm>>
        %dma_start3A_347 = tpu.memref_squeeze %dma_start3A_346 : memref<1x8x1000xf32, #tpu.memory_space<hbm>> -> memref<8x1000xf32, #tpu.memory_space<hbm>>
        %dma_start3A_348 = arith.constant 0 : i32
        %dma_start3A_349 = arith.constant 0 : i32
        %dma_start3A_350 = tpu.memref_slice %arg15[%dma_start3A_337, %dma_start3A_348, %dma_start3A_349] : memref<3x8x1000xf32, #tpu.memory_space<vmem>> -> memref<1x8x1000xf32, #tpu.memory_space<vmem>>
        %dma_start3A_351 = tpu.memref_squeeze %dma_start3A_350 : memref<1x8x1000xf32, #tpu.memory_space<vmem>> -> memref<8x1000xf32, #tpu.memory_space<vmem>>
        tpu.enqueue_dma source(%dma_start3A_351 : memref<8x1000xf32, #tpu.memory_space<vmem>>) target(%dma_start3A_347 : memref<8x1000xf32, #tpu.memory_space<hbm>>) target_semaphore(%arg18 : memref<!tpu.dma_semaphore, #tpu.memory_space<semaphore_mem>>)
        %mul3A_352 = arith.constant 500 : i32
        %mul3A_353 = arith.muli %add3A_129, %mul3A_352 : i32
        %dma_wait3A_354 = arith.constant 2 : i32
        %dma_wait3A_355 = arith.constant 0 : i32
        %dma_wait3A_356 = arith.constant 0 : i32
        %dma_wait3A_357 = tpu.memref_slice %arg15[%dma_wait3A_354, %dma_wait3A_355, %dma_wait3A_356] : memref<3x8x1000xf32, #tpu.memory_space<vmem>> -> memref<1x8x1000xf32, #tpu.memory_space<vmem>>
        %dma_wait3A_358 = tpu.memref_squeeze %dma_wait3A_357 : memref<1x8x1000xf32, #tpu.memory_space<vmem>> -> memref<8x1000xf32, #tpu.memory_space<vmem>>
        %dma_wait3A_359 = arith.constant 0 : i32
        %dma_wait3A_360 = tpu.memref_slice %arg7[%select_n3A, %dma_wait3A_359, %mul3A_353] : memref<4x64x250000xf32, #tpu.memory_space<hbm>> -> memref<1x8x1000xf32, #tpu.memory_space<hbm>>
        %dma_wait3A_361 = tpu.memref_squeeze %dma_wait3A_360 : memref<1x8x1000xf32, #tpu.memory_space<hbm>> -> memref<8x1000xf32, #tpu.memory_space<hbm>>
        %dma_wait3A_362 = arith.constant 0 : i32
        %dma_wait3A_363 = tpu.memref_slice %arg7[%select_n3A, %dma_wait3A_362, %mul3A_353] : memref<4x64x250000xf32, #tpu.memory_space<hbm>> -> memref<1x8x1000xf32, #tpu.memory_space<hbm>>
        %dma_wait3A_364 = tpu.memref_squeeze %dma_wait3A_363 : memref<1x8x1000xf32, #tpu.memory_space<hbm>> -> memref<8x1000xf32, #tpu.memory_space<hbm>>
        %dma_wait3A_365 = arith.constant 0 : i32
        %dma_wait3A_366 = arith.constant 0 : i32
        %dma_wait3A_367 = tpu.memref_slice %arg15[%dma_wait3A_354, %dma_wait3A_365, %dma_wait3A_366] : memref<3x8x1000xf32, #tpu.memory_space<vmem>> -> memref<1x8x1000xf32, #tpu.memory_space<vmem>>
        %dma_wait3A_368 = tpu.memref_squeeze %dma_wait3A_367 : memref<1x8x1000xf32, #tpu.memory_space<vmem>> -> memref<8x1000xf32, #tpu.memory_space<vmem>>
        tpu.wait_dma2 semaphore(%arg19 : memref<!tpu.dma_semaphore, #tpu.memory_space<semaphore_mem>>) src(%dma_wait3A_368 : memref<8x1000xf32, #tpu.memory_space<vmem>>) dst(%dma_wait3A_364 : memref<8x1000xf32, #tpu.memory_space<hbm>>)
        %while3A_369 = arith.constant 0 : i32
        %while3A_370 = arith.constant 0 : i32
        %while3A_371 = arith.subi %select_n3A_163, %while3A_370 : i32
        %while3A_372 = arith.addi %while3A_370, %while3A_371 : i32
        %while3A_373 = arith.constant 1 : i32
        %while3A_374 = arith.divsi %while3A_371, %while3A_373 : i32
        %while3A_375 = arith.muli %while3A_374, %while3A_373 : i32
        %while3A_376 = arith.addi %while3A_370, %while3A_375 : i32
        %while3A_377 = arith.constant 1 : i32
        scf.for %while3A_545 = %while3A_370 to %while3A_376 step %while3A_377  : i32 {
          %mul3A_546 = arith.constant 16 : i32
          %mul3A_547 = arith.muli %while3A_545, %mul3A_546 : i32
          %add3A_548 = vector.broadcast %mul3A_547 : i32 to vector<16xi32>
          %add3A_549 = arith.addi %add3A_548, %iota3A : vector<16xi32>
          %lt3A_550 = vector.broadcast %scan3A_135 : i32 to vector<16xi32>
          %lt3A_551 = arith.cmpi slt, %add3A_549, %lt3A_550 : vector<16xi32>
          %mul3A_552 = arith.constant 16 : i32
          %mul3A_553 = arith.muli %while3A_545, %mul3A_552 : i32
          %get3A = arith.index_cast %mul3A_553 : i32 to index
          %get3A_554 = tpu.vector_load %arg10[%get3A] {strides = array<i32>} : memref<1056xi32, #tpu.memory_space<vmem>>, vector<16xi32>,
          %broadcast_in_dim3A_555 = arith.constant 40 : i32
          %broadcast_in_dim3A_556 = vector.broadcast %broadcast_in_dim3A_555 : i32 to vector<16xi32>
          %gather3A = tpu.vector_load_idx %arg9[%add3A_549, %broadcast_in_dim3A_556] masked %lt3A_551 : memref<1024x64xf32, #tpu.memory_space<vmem>>[vector<16xi32>, vector<16xi32>], vector<16xf32>, vector<16xi1>
          %broadcast_in_dim3A_557 = arith.constant 2 : i32
          %broadcast_in_dim3A_558 = vector.broadcast %broadcast_in_dim3A_557 : i32 to vector<16xi32>
          %broadcast_in_dim3A_559 = arith.constant 0 : i32
          %broadcast_in_dim3A_560 = vector.broadcast %broadcast_in_dim3A_559 : i32 to vector<16xi32>
          tpu.vector_store_idx %arg15[%broadcast_in_dim3A_558, %broadcast_in_dim3A_560, %get3A_554], %gather3A masked %lt3A_551 : memref<3x8x1000xf32, #tpu.memory_space<vmem>>[vector<16xi32>, vector<16xi32>, vector<16xi32>], vector<16xf32>, vector<16xi1>
          %broadcast_in_dim3A_561 = arith.constant 41 : i32
          %broadcast_in_dim3A_562 = vector.broadcast %broadcast_in_dim3A_561 : i32 to vector<16xi32>
          %gather3A_563 = tpu.vector_load_idx %arg9[%add3A_549, %broadcast_in_dim3A_562] masked %lt3A_551 : memref<1024x64xf32, #tpu.memory_space<vmem>>[vector<16xi32>, vector<16xi32>], vector<16xf32>, vector<16xi1>
          %broadcast_in_dim3A_564 = arith.constant 2 : i32
          %broadcast_in_dim3A_565 = vector.broadcast %broadcast_in_dim3A_564 : i32 to vector<16xi32>
          %broadcast_in_dim3A_566 = arith.constant 1 : i32
          %broadcast_in_dim3A_567 = vector.broadcast %broadcast_in_dim3A_566 : i32 to vector<16xi32>
          tpu.vector_store_idx %arg15[%broadcast_in_dim3A_565, %broadcast_in_dim3A_567, %get3A_554], %gather3A_563 masked %lt3A_551 : memref<3x8x1000xf32, #tpu.memory_space<vmem>>[vector<16xi32>, vector<16xi32>, vector<16xi32>], vector<16xf32>, vector<16xi1>
          %broadcast_in_dim3A_568 = arith.constant 42 : i32
          %broadcast_in_dim3A_569 = vector.broadcast %broadcast_in_dim3A_568 : i32 to vector<16xi32>
          %gather3A_570 = tpu.vector_load_idx %arg9[%add3A_549, %broadcast_in_dim3A_569] masked %lt3A_551 : memref<1024x64xf32, #tpu.memory_space<vmem>>[vector<16xi32>, vector<16xi32>], vector<16xf32>, vector<16xi1>
          %broadcast_in_dim3A_571 = arith.constant 2 : i32
          %broadcast_in_dim3A_572 = vector.broadcast %broadcast_in_dim3A_571 : i32 to vector<16xi32>
          %broadcast_in_dim3A_573 = arith.constant 2 : i32
          %broadcast_in_dim3A_574 = vector.broadcast %broadcast_in_dim3A_573 : i32 to vector<16xi32>
          tpu.vector_store_idx %arg15[%broadcast_in_dim3A_572, %broadcast_in_dim3A_574, %get3A_554], %gather3A_570 masked %lt3A_551 : memref<3x8x1000xf32, #tpu.memory_space<vmem>>[vector<16xi32>, vector<16xi32>, vector<16xi32>], vector<16xf32>, vector<16xi1>
          %broadcast_in_dim3A_575 = arith.constant 43 : i32
          %broadcast_in_dim3A_576 = vector.broadcast %broadcast_in_dim3A_575 : i32 to vector<16xi32>
          %gather3A_577 = tpu.vector_load_idx %arg9[%add3A_549, %broadcast_in_dim3A_576] masked %lt3A_551 : memref<1024x64xf32, #tpu.memory_space<vmem>>[vector<16xi32>, vector<16xi32>], vector<16xf32>, vector<16xi1>
          %broadcast_in_dim3A_578 = arith.constant 2 : i32
          %broadcast_in_dim3A_579 = vector.broadcast %broadcast_in_dim3A_578 : i32 to vector<16xi32>
          %broadcast_in_dim3A_580 = arith.constant 3 : i32
          %broadcast_in_dim3A_581 = vector.broadcast %broadcast_in_dim3A_580 : i32 to vector<16xi32>
          tpu.vector_store_idx %arg15[%broadcast_in_dim3A_579, %broadcast_in_dim3A_581, %get3A_554], %gather3A_577 masked %lt3A_551 : memref<3x8x1000xf32, #tpu.memory_space<vmem>>[vector<16xi32>, vector<16xi32>, vector<16xi32>], vector<16xf32>, vector<16xi1>
          %broadcast_in_dim3A_582 = arith.constant 44 : i32
          %broadcast_in_dim3A_583 = vector.broadcast %broadcast_in_dim3A_582 : i32 to vector<16xi32>
          %gather3A_584 = tpu.vector_load_idx %arg9[%add3A_549, %broadcast_in_dim3A_583] masked %lt3A_551 : memref<1024x64xf32, #tpu.memory_space<vmem>>[vector<16xi32>, vector<16xi32>], vector<16xf32>, vector<16xi1>
          %broadcast_in_dim3A_585 = arith.constant 2 : i32
          %broadcast_in_dim3A_586 = vector.broadcast %broadcast_in_dim3A_585 : i32 to vector<16xi32>
          %broadcast_in_dim3A_587 = arith.constant 4 : i32
          %broadcast_in_dim3A_588 = vector.broadcast %broadcast_in_dim3A_587 : i32 to vector<16xi32>
          tpu.vector_store_idx %arg15[%broadcast_in_dim3A_586, %broadcast_in_dim3A_588, %get3A_554], %gather3A_584 masked %lt3A_551 : memref<3x8x1000xf32, #tpu.memory_space<vmem>>[vector<16xi32>, vector<16xi32>, vector<16xi32>], vector<16xf32>, vector<16xi1>
          %broadcast_in_dim3A_589 = arith.constant 45 : i32
          %broadcast_in_dim3A_590 = vector.broadcast %broadcast_in_dim3A_589 : i32 to vector<16xi32>
          %gather3A_591 = tpu.vector_load_idx %arg9[%add3A_549, %broadcast_in_dim3A_590] masked %lt3A_551 : memref<1024x64xf32, #tpu.memory_space<vmem>>[vector<16xi32>, vector<16xi32>], vector<16xf32>, vector<16xi1>
          %broadcast_in_dim3A_592 = arith.constant 2 : i32
          %broadcast_in_dim3A_593 = vector.broadcast %broadcast_in_dim3A_592 : i32 to vector<16xi32>
          %broadcast_in_dim3A_594 = arith.constant 5 : i32
          %broadcast_in_dim3A_595 = vector.broadcast %broadcast_in_dim3A_594 : i32 to vector<16xi32>
          tpu.vector_store_idx %arg15[%broadcast_in_dim3A_593, %broadcast_in_dim3A_595, %get3A_554], %gather3A_591 masked %lt3A_551 : memref<3x8x1000xf32, #tpu.memory_space<vmem>>[vector<16xi32>, vector<16xi32>, vector<16xi32>], vector<16xf32>, vector<16xi1>
          %broadcast_in_dim3A_596 = arith.constant 46 : i32
          %broadcast_in_dim3A_597 = vector.broadcast %broadcast_in_dim3A_596 : i32 to vector<16xi32>
          %gather3A_598 = tpu.vector_load_idx %arg9[%add3A_549, %broadcast_in_dim3A_597] masked %lt3A_551 : memref<1024x64xf32, #tpu.memory_space<vmem>>[vector<16xi32>, vector<16xi32>], vector<16xf32>, vector<16xi1>
          %broadcast_in_dim3A_599 = arith.constant 2 : i32
          %broadcast_in_dim3A_600 = vector.broadcast %broadcast_in_dim3A_599 : i32 to vector<16xi32>
          %broadcast_in_dim3A_601 = arith.constant 6 : i32
          %broadcast_in_dim3A_602 = vector.broadcast %broadcast_in_dim3A_601 : i32 to vector<16xi32>
          tpu.vector_store_idx %arg15[%broadcast_in_dim3A_600, %broadcast_in_dim3A_602, %get3A_554], %gather3A_598 masked %lt3A_551 : memref<3x8x1000xf32, #tpu.memory_space<vmem>>[vector<16xi32>, vector<16xi32>, vector<16xi32>], vector<16xf32>, vector<16xi1>
          %broadcast_in_dim3A_603 = arith.constant 47 : i32
          %broadcast_in_dim3A_604 = vector.broadcast %broadcast_in_dim3A_603 : i32 to vector<16xi32>
          %gather3A_605 = tpu.vector_load_idx %arg9[%add3A_549, %broadcast_in_dim3A_604] masked %lt3A_551 : memref<1024x64xf32, #tpu.memory_space<vmem>>[vector<16xi32>, vector<16xi32>], vector<16xf32>, vector<16xi1>
          %broadcast_in_dim3A_606 = arith.constant 2 : i32
          %broadcast_in_dim3A_607 = vector.broadcast %broadcast_in_dim3A_606 : i32 to vector<16xi32>
          %broadcast_in_dim3A_608 = arith.constant 7 : i32
          %broadcast_in_dim3A_609 = vector.broadcast %broadcast_in_dim3A_608 : i32 to vector<16xi32>
          tpu.vector_store_idx %arg15[%broadcast_in_dim3A_607, %broadcast_in_dim3A_609, %get3A_554], %gather3A_605 masked %lt3A_551 : memref<3x8x1000xf32, #tpu.memory_space<vmem>>[vector<16xi32>, vector<16xi32>, vector<16xi32>], vector<16xf32>, vector<16xi1>
        }
        %while3A_378 = arith.constant 1 : i32
        scf.for %while3A_545 = %while3A_376 to %while3A_372 step %while3A_378  : i32 {
          %mul3A_546 = arith.constant 16 : i32
          %mul3A_547 = arith.muli %while3A_545, %mul3A_546 : i32
          %add3A_548 = vector.broadcast %mul3A_547 : i32 to vector<16xi32>
          %add3A_549 = arith.addi %add3A_548, %iota3A : vector<16xi32>
          %lt3A_550 = vector.broadcast %scan3A_135 : i32 to vector<16xi32>
          %lt3A_551 = arith.cmpi slt, %add3A_549, %lt3A_550 : vector<16xi32>
          %mul3A_552 = arith.constant 16 : i32
          %mul3A_553 = arith.muli %while3A_545, %mul3A_552 : i32
          %get3A = arith.index_cast %mul3A_553 : i32 to index
          %get3A_554 = tpu.vector_load %arg10[%get3A] {strides = array<i32>} : memref<1056xi32, #tpu.memory_space<vmem>>, vector<16xi32>,
          %broadcast_in_dim3A_555 = arith.constant 40 : i32
          %broadcast_in_dim3A_556 = vector.broadcast %broadcast_in_dim3A_555 : i32 to vector<16xi32>
          %gather3A = tpu.vector_load_idx %arg9[%add3A_549, %broadcast_in_dim3A_556] masked %lt3A_551 : memref<1024x64xf32, #tpu.memory_space<vmem>>[vector<16xi32>, vector<16xi32>], vector<16xf32>, vector<16xi1>
          %broadcast_in_dim3A_557 = arith.constant 2 : i32
          %broadcast_in_dim3A_558 = vector.broadcast %broadcast_in_dim3A_557 : i32 to vector<16xi32>
          %broadcast_in_dim3A_559 = arith.constant 0 : i32
          %broadcast_in_dim3A_560 = vector.broadcast %broadcast_in_dim3A_559 : i32 to vector<16xi32>
          tpu.vector_store_idx %arg15[%broadcast_in_dim3A_558, %broadcast_in_dim3A_560, %get3A_554], %gather3A masked %lt3A_551 : memref<3x8x1000xf32, #tpu.memory_space<vmem>>[vector<16xi32>, vector<16xi32>, vector<16xi32>], vector<16xf32>, vector<16xi1>
          %broadcast_in_dim3A_561 = arith.constant 41 : i32
          %broadcast_in_dim3A_562 = vector.broadcast %broadcast_in_dim3A_561 : i32 to vector<16xi32>
          %gather3A_563 = tpu.vector_load_idx %arg9[%add3A_549, %broadcast_in_dim3A_562] masked %lt3A_551 : memref<1024x64xf32, #tpu.memory_space<vmem>>[vector<16xi32>, vector<16xi32>], vector<16xf32>, vector<16xi1>
          %broadcast_in_dim3A_564 = arith.constant 2 : i32
          %broadcast_in_dim3A_565 = vector.broadcast %broadcast_in_dim3A_564 : i32 to vector<16xi32>
          %broadcast_in_dim3A_566 = arith.constant 1 : i32
          %broadcast_in_dim3A_567 = vector.broadcast %broadcast_in_dim3A_566 : i32 to vector<16xi32>
          tpu.vector_store_idx %arg15[%broadcast_in_dim3A_565, %broadcast_in_dim3A_567, %get3A_554], %gather3A_563 masked %lt3A_551 : memref<3x8x1000xf32, #tpu.memory_space<vmem>>[vector<16xi32>, vector<16xi32>, vector<16xi32>], vector<16xf32>, vector<16xi1>
          %broadcast_in_dim3A_568 = arith.constant 42 : i32
          %broadcast_in_dim3A_569 = vector.broadcast %broadcast_in_dim3A_568 : i32 to vector<16xi32>
          %gather3A_570 = tpu.vector_load_idx %arg9[%add3A_549, %broadcast_in_dim3A_569] masked %lt3A_551 : memref<1024x64xf32, #tpu.memory_space<vmem>>[vector<16xi32>, vector<16xi32>], vector<16xf32>, vector<16xi1>
          %broadcast_in_dim3A_571 = arith.constant 2 : i32
          %broadcast_in_dim3A_572 = vector.broadcast %broadcast_in_dim3A_571 : i32 to vector<16xi32>
          %broadcast_in_dim3A_573 = arith.constant 2 : i32
          %broadcast_in_dim3A_574 = vector.broadcast %broadcast_in_dim3A_573 : i32 to vector<16xi32>
          tpu.vector_store_idx %arg15[%broadcast_in_dim3A_572, %broadcast_in_dim3A_574, %get3A_554], %gather3A_570 masked %lt3A_551 : memref<3x8x1000xf32, #tpu.memory_space<vmem>>[vector<16xi32>, vector<16xi32>, vector<16xi32>], vector<16xf32>, vector<16xi1>
          %broadcast_in_dim3A_575 = arith.constant 43 : i32
          %broadcast_in_dim3A_576 = vector.broadcast %broadcast_in_dim3A_575 : i32 to vector<16xi32>
          %gather3A_577 = tpu.vector_load_idx %arg9[%add3A_549, %broadcast_in_dim3A_576] masked %lt3A_551 : memref<1024x64xf32, #tpu.memory_space<vmem>>[vector<16xi32>, vector<16xi32>], vector<16xf32>, vector<16xi1>
          %broadcast_in_dim3A_578 = arith.constant 2 : i32
          %broadcast_in_dim3A_579 = vector.broadcast %broadcast_in_dim3A_578 : i32 to vector<16xi32>
          %broadcast_in_dim3A_580 = arith.constant 3 : i32
          %broadcast_in_dim3A_581 = vector.broadcast %broadcast_in_dim3A_580 : i32 to vector<16xi32>
          tpu.vector_store_idx %arg15[%broadcast_in_dim3A_579, %broadcast_in_dim3A_581, %get3A_554], %gather3A_577 masked %lt3A_551 : memref<3x8x1000xf32, #tpu.memory_space<vmem>>[vector<16xi32>, vector<16xi32>, vector<16xi32>], vector<16xf32>, vector<16xi1>
          %broadcast_in_dim3A_582 = arith.constant 44 : i32
          %broadcast_in_dim3A_583 = vector.broadcast %broadcast_in_dim3A_582 : i32 to vector<16xi32>
          %gather3A_584 = tpu.vector_load_idx %arg9[%add3A_549, %broadcast_in_dim3A_583] masked %lt3A_551 : memref<1024x64xf32, #tpu.memory_space<vmem>>[vector<16xi32>, vector<16xi32>], vector<16xf32>, vector<16xi1>
          %broadcast_in_dim3A_585 = arith.constant 2 : i32
          %broadcast_in_dim3A_586 = vector.broadcast %broadcast_in_dim3A_585 : i32 to vector<16xi32>
          %broadcast_in_dim3A_587 = arith.constant 4 : i32
          %broadcast_in_dim3A_588 = vector.broadcast %broadcast_in_dim3A_587 : i32 to vector<16xi32>
          tpu.vector_store_idx %arg15[%broadcast_in_dim3A_586, %broadcast_in_dim3A_588, %get3A_554], %gather3A_584 masked %lt3A_551 : memref<3x8x1000xf32, #tpu.memory_space<vmem>>[vector<16xi32>, vector<16xi32>, vector<16xi32>], vector<16xf32>, vector<16xi1>
          %broadcast_in_dim3A_589 = arith.constant 45 : i32
          %broadcast_in_dim3A_590 = vector.broadcast %broadcast_in_dim3A_589 : i32 to vector<16xi32>
          %gather3A_591 = tpu.vector_load_idx %arg9[%add3A_549, %broadcast_in_dim3A_590] masked %lt3A_551 : memref<1024x64xf32, #tpu.memory_space<vmem>>[vector<16xi32>, vector<16xi32>], vector<16xf32>, vector<16xi1>
          %broadcast_in_dim3A_592 = arith.constant 2 : i32
          %broadcast_in_dim3A_593 = vector.broadcast %broadcast_in_dim3A_592 : i32 to vector<16xi32>
          %broadcast_in_dim3A_594 = arith.constant 5 : i32
          %broadcast_in_dim3A_595 = vector.broadcast %broadcast_in_dim3A_594 : i32 to vector<16xi32>
          tpu.vector_store_idx %arg15[%broadcast_in_dim3A_593, %broadcast_in_dim3A_595, %get3A_554], %gather3A_591 masked %lt3A_551 : memref<3x8x1000xf32, #tpu.memory_space<vmem>>[vector<16xi32>, vector<16xi32>, vector<16xi32>], vector<16xf32>, vector<16xi1>
          %broadcast_in_dim3A_596 = arith.constant 46 : i32
          %broadcast_in_dim3A_597 = vector.broadcast %broadcast_in_dim3A_596 : i32 to vector<16xi32>
          %gather3A_598 = tpu.vector_load_idx %arg9[%add3A_549, %broadcast_in_dim3A_597] masked %lt3A_551 : memref<1024x64xf32, #tpu.memory_space<vmem>>[vector<16xi32>, vector<16xi32>], vector<16xf32>, vector<16xi1>
          %broadcast_in_dim3A_599 = arith.constant 2 : i32
          %broadcast_in_dim3A_600 = vector.broadcast %broadcast_in_dim3A_599 : i32 to vector<16xi32>
          %broadcast_in_dim3A_601 = arith.constant 6 : i32
          %broadcast_in_dim3A_602 = vector.broadcast %broadcast_in_dim3A_601 : i32 to vector<16xi32>
          tpu.vector_store_idx %arg15[%broadcast_in_dim3A_600, %broadcast_in_dim3A_602, %get3A_554], %gather3A_598 masked %lt3A_551 : memref<3x8x1000xf32, #tpu.memory_space<vmem>>[vector<16xi32>, vector<16xi32>, vector<16xi32>], vector<16xf32>, vector<16xi1>
          %broadcast_in_dim3A_603 = arith.constant 47 : i32
          %broadcast_in_dim3A_604 = vector.broadcast %broadcast_in_dim3A_603 : i32 to vector<16xi32>
          %gather3A_605 = tpu.vector_load_idx %arg9[%add3A_549, %broadcast_in_dim3A_604] masked %lt3A_551 : memref<1024x64xf32, #tpu.memory_space<vmem>>[vector<16xi32>, vector<16xi32>], vector<16xf32>, vector<16xi1>
          %broadcast_in_dim3A_606 = arith.constant 2 : i32
          %broadcast_in_dim3A_607 = vector.broadcast %broadcast_in_dim3A_606 : i32 to vector<16xi32>
          %broadcast_in_dim3A_608 = arith.constant 7 : i32
          %broadcast_in_dim3A_609 = vector.broadcast %broadcast_in_dim3A_608 : i32 to vector<16xi32>
          tpu.vector_store_idx %arg15[%broadcast_in_dim3A_607, %broadcast_in_dim3A_609, %get3A_554], %gather3A_605 masked %lt3A_551 : memref<3x8x1000xf32, #tpu.memory_space<vmem>>[vector<16xi32>, vector<16xi32>, vector<16xi32>], vector<16xf32>, vector<16xi1>
        }
        %mul3A_379 = arith.constant 500 : i32
        %mul3A_380 = arith.muli %add3A_129, %mul3A_379 : i32
        %dma_start3A_381 = arith.constant 2 : i32
        %dma_start3A_382 = arith.constant 0 : i32
        %dma_start3A_383 = arith.constant 0 : i32
        %dma_start3A_384 = tpu.memref_slice %arg15[%dma_start3A_381, %dma_start3A_382, %dma_start3A_383] : memref<3x8x1000xf32, #tpu.memory_space<vmem>> -> memref<1x8x1000xf32, #tpu.memory_space<vmem>>
        %dma_start3A_385 = tpu.memref_squeeze %dma_start3A_384 : memref<1x8x1000xf32, #tpu.memory_space<vmem>> -> memref<8x1000xf32, #tpu.memory_space<vmem>>
        %dma_start3A_386 = arith.constant 40 : i32
        %dma_start3A_387 = tpu.memref_slice %arg7[%select_n3A, %dma_start3A_386, %mul3A_380] : memref<4x64x250000xf32, #tpu.memory_space<hbm>> -> memref<1x8x1000xf32, #tpu.memory_space<hbm>>
        %dma_start3A_388 = tpu.memref_squeeze %dma_start3A_387 : memref<1x8x1000xf32, #tpu.memory_space<hbm>> -> memref<8x1000xf32, #tpu.memory_space<hbm>>
        %dma_start3A_389 = arith.constant 40 : i32
        %dma_start3A_390 = tpu.memref_slice %arg7[%select_n3A, %dma_start3A_389, %mul3A_380] : memref<4x64x250000xf32, #tpu.memory_space<hbm>> -> memref<1x8x1000xf32, #tpu.memory_space<hbm>>
        %dma_start3A_391 = tpu.memref_squeeze %dma_start3A_390 : memref<1x8x1000xf32, #tpu.memory_space<hbm>> -> memref<8x1000xf32, #tpu.memory_space<hbm>>
        %dma_start3A_392 = arith.constant 0 : i32
        %dma_start3A_393 = arith.constant 0 : i32
        %dma_start3A_394 = tpu.memref_slice %arg15[%dma_start3A_381, %dma_start3A_392, %dma_start3A_393] : memref<3x8x1000xf32, #tpu.memory_space<vmem>> -> memref<1x8x1000xf32, #tpu.memory_space<vmem>>
        %dma_start3A_395 = tpu.memref_squeeze %dma_start3A_394 : memref<1x8x1000xf32, #tpu.memory_space<vmem>> -> memref<8x1000xf32, #tpu.memory_space<vmem>>
        tpu.enqueue_dma source(%dma_start3A_395 : memref<8x1000xf32, #tpu.memory_space<vmem>>) target(%dma_start3A_391 : memref<8x1000xf32, #tpu.memory_space<hbm>>) target_semaphore(%arg19 : memref<!tpu.dma_semaphore, #tpu.memory_space<semaphore_mem>>)
        %mul3A_396 = arith.constant 500 : i32
        %mul3A_397 = arith.muli %add3A_129, %mul3A_396 : i32
        %dma_wait3A_398 = arith.constant 0 : i32
        %dma_wait3A_399 = arith.constant 0 : i32
        %dma_wait3A_400 = arith.constant 0 : i32
        %dma_wait3A_401 = tpu.memref_slice %arg15[%dma_wait3A_398, %dma_wait3A_399, %dma_wait3A_400] : memref<3x8x1000xf32, #tpu.memory_space<vmem>> -> memref<1x8x1000xf32, #tpu.memory_space<vmem>>
        %dma_wait3A_402 = tpu.memref_squeeze %dma_wait3A_401 : memref<1x8x1000xf32, #tpu.memory_space<vmem>> -> memref<8x1000xf32, #tpu.memory_space<vmem>>
        %dma_wait3A_403 = arith.constant 0 : i32
        %dma_wait3A_404 = tpu.memref_slice %arg7[%select_n3A, %dma_wait3A_403, %mul3A_397] : memref<4x64x250000xf32, #tpu.memory_space<hbm>> -> memref<1x8x1000xf32, #tpu.memory_space<hbm>>
        %dma_wait3A_405 = tpu.memref_squeeze %dma_wait3A_404 : memref<1x8x1000xf32, #tpu.memory_space<hbm>> -> memref<8x1000xf32, #tpu.memory_space<hbm>>
        %dma_wait3A_406 = arith.constant 0 : i32
        %dma_wait3A_407 = tpu.memref_slice %arg7[%select_n3A, %dma_wait3A_406, %mul3A_397] : memref<4x64x250000xf32, #tpu.memory_space<hbm>> -> memref<1x8x1000xf32, #tpu.memory_space<hbm>>
        %dma_wait3A_408 = tpu.memref_squeeze %dma_wait3A_407 : memref<1x8x1000xf32, #tpu.memory_space<hbm>> -> memref<8x1000xf32, #tpu.memory_space<hbm>>
        %dma_wait3A_409 = arith.constant 0 : i32
        %dma_wait3A_410 = arith.constant 0 : i32
        %dma_wait3A_411 = tpu.memref_slice %arg15[%dma_wait3A_398, %dma_wait3A_409, %dma_wait3A_410] : memref<3x8x1000xf32, #tpu.memory_space<vmem>> -> memref<1x8x1000xf32, #tpu.memory_space<vmem>>
        %dma_wait3A_412 = tpu.memref_squeeze %dma_wait3A_411 : memref<1x8x1000xf32, #tpu.memory_space<vmem>> -> memref<8x1000xf32, #tpu.memory_space<vmem>>
        tpu.wait_dma2 semaphore(%arg17 : memref<!tpu.dma_semaphore, #tpu.memory_space<semaphore_mem>>) src(%dma_wait3A_412 : memref<8x1000xf32, #tpu.memory_space<vmem>>) dst(%dma_wait3A_408 : memref<8x1000xf32, #tpu.memory_space<hbm>>)
        %while3A_413 = arith.constant 0 : i32
        %while3A_414 = arith.constant 0 : i32
        %while3A_415 = arith.subi %select_n3A_163, %while3A_414 : i32
        %while3A_416 = arith.addi %while3A_414, %while3A_415 : i32
        %while3A_417 = arith.constant 1 : i32
        %while3A_418 = arith.divsi %while3A_415, %while3A_417 : i32
        %while3A_419 = arith.muli %while3A_418, %while3A_417 : i32
        %while3A_420 = arith.addi %while3A_414, %while3A_419 : i32
        %while3A_421 = arith.constant 1 : i32
        scf.for %while3A_545 = %while3A_414 to %while3A_420 step %while3A_421  : i32 {
          %mul3A_546 = arith.constant 16 : i32
          %mul3A_547 = arith.muli %while3A_545, %mul3A_546 : i32
          %add3A_548 = vector.broadcast %mul3A_547 : i32 to vector<16xi32>
          %add3A_549 = arith.addi %add3A_548, %iota3A : vector<16xi32>
          %lt3A_550 = vector.broadcast %scan3A_135 : i32 to vector<16xi32>
          %lt3A_551 = arith.cmpi slt, %add3A_549, %lt3A_550 : vector<16xi32>
          %mul3A_552 = arith.constant 16 : i32
          %mul3A_553 = arith.muli %while3A_545, %mul3A_552 : i32
          %get3A = arith.index_cast %mul3A_553 : i32 to index
          %get3A_554 = tpu.vector_load %arg10[%get3A] {strides = array<i32>} : memref<1056xi32, #tpu.memory_space<vmem>>, vector<16xi32>,
          %broadcast_in_dim3A_555 = arith.constant 48 : i32
          %broadcast_in_dim3A_556 = vector.broadcast %broadcast_in_dim3A_555 : i32 to vector<16xi32>
          %gather3A = tpu.vector_load_idx %arg9[%add3A_549, %broadcast_in_dim3A_556] masked %lt3A_551 : memref<1024x64xf32, #tpu.memory_space<vmem>>[vector<16xi32>, vector<16xi32>], vector<16xf32>, vector<16xi1>
          %broadcast_in_dim3A_557 = arith.constant 0 : i32
          %broadcast_in_dim3A_558 = vector.broadcast %broadcast_in_dim3A_557 : i32 to vector<16xi32>
          %broadcast_in_dim3A_559 = arith.constant 0 : i32
          %broadcast_in_dim3A_560 = vector.broadcast %broadcast_in_dim3A_559 : i32 to vector<16xi32>
          tpu.vector_store_idx %arg15[%broadcast_in_dim3A_558, %broadcast_in_dim3A_560, %get3A_554], %gather3A masked %lt3A_551 : memref<3x8x1000xf32, #tpu.memory_space<vmem>>[vector<16xi32>, vector<16xi32>, vector<16xi32>], vector<16xf32>, vector<16xi1>
          %broadcast_in_dim3A_561 = arith.constant 49 : i32
          %broadcast_in_dim3A_562 = vector.broadcast %broadcast_in_dim3A_561 : i32 to vector<16xi32>
          %gather3A_563 = tpu.vector_load_idx %arg9[%add3A_549, %broadcast_in_dim3A_562] masked %lt3A_551 : memref<1024x64xf32, #tpu.memory_space<vmem>>[vector<16xi32>, vector<16xi32>], vector<16xf32>, vector<16xi1>
          %broadcast_in_dim3A_564 = arith.constant 0 : i32
          %broadcast_in_dim3A_565 = vector.broadcast %broadcast_in_dim3A_564 : i32 to vector<16xi32>
          %broadcast_in_dim3A_566 = arith.constant 1 : i32
          %broadcast_in_dim3A_567 = vector.broadcast %broadcast_in_dim3A_566 : i32 to vector<16xi32>
          tpu.vector_store_idx %arg15[%broadcast_in_dim3A_565, %broadcast_in_dim3A_567, %get3A_554], %gather3A_563 masked %lt3A_551 : memref<3x8x1000xf32, #tpu.memory_space<vmem>>[vector<16xi32>, vector<16xi32>, vector<16xi32>], vector<16xf32>, vector<16xi1>
          %broadcast_in_dim3A_568 = arith.constant 50 : i32
          %broadcast_in_dim3A_569 = vector.broadcast %broadcast_in_dim3A_568 : i32 to vector<16xi32>
          %gather3A_570 = tpu.vector_load_idx %arg9[%add3A_549, %broadcast_in_dim3A_569] masked %lt3A_551 : memref<1024x64xf32, #tpu.memory_space<vmem>>[vector<16xi32>, vector<16xi32>], vector<16xf32>, vector<16xi1>
          %broadcast_in_dim3A_571 = arith.constant 0 : i32
          %broadcast_in_dim3A_572 = vector.broadcast %broadcast_in_dim3A_571 : i32 to vector<16xi32>
          %broadcast_in_dim3A_573 = arith.constant 2 : i32
          %broadcast_in_dim3A_574 = vector.broadcast %broadcast_in_dim3A_573 : i32 to vector<16xi32>
          tpu.vector_store_idx %arg15[%broadcast_in_dim3A_572, %broadcast_in_dim3A_574, %get3A_554], %gather3A_570 masked %lt3A_551 : memref<3x8x1000xf32, #tpu.memory_space<vmem>>[vector<16xi32>, vector<16xi32>, vector<16xi32>], vector<16xf32>, vector<16xi1>
          %broadcast_in_dim3A_575 = arith.constant 51 : i32
          %broadcast_in_dim3A_576 = vector.broadcast %broadcast_in_dim3A_575 : i32 to vector<16xi32>
          %gather3A_577 = tpu.vector_load_idx %arg9[%add3A_549, %broadcast_in_dim3A_576] masked %lt3A_551 : memref<1024x64xf32, #tpu.memory_space<vmem>>[vector<16xi32>, vector<16xi32>], vector<16xf32>, vector<16xi1>
          %broadcast_in_dim3A_578 = arith.constant 0 : i32
          %broadcast_in_dim3A_579 = vector.broadcast %broadcast_in_dim3A_578 : i32 to vector<16xi32>
          %broadcast_in_dim3A_580 = arith.constant 3 : i32
          %broadcast_in_dim3A_581 = vector.broadcast %broadcast_in_dim3A_580 : i32 to vector<16xi32>
          tpu.vector_store_idx %arg15[%broadcast_in_dim3A_579, %broadcast_in_dim3A_581, %get3A_554], %gather3A_577 masked %lt3A_551 : memref<3x8x1000xf32, #tpu.memory_space<vmem>>[vector<16xi32>, vector<16xi32>, vector<16xi32>], vector<16xf32>, vector<16xi1>
          %broadcast_in_dim3A_582 = arith.constant 52 : i32
          %broadcast_in_dim3A_583 = vector.broadcast %broadcast_in_dim3A_582 : i32 to vector<16xi32>
          %gather3A_584 = tpu.vector_load_idx %arg9[%add3A_549, %broadcast_in_dim3A_583] masked %lt3A_551 : memref<1024x64xf32, #tpu.memory_space<vmem>>[vector<16xi32>, vector<16xi32>], vector<16xf32>, vector<16xi1>
          %broadcast_in_dim3A_585 = arith.constant 0 : i32
          %broadcast_in_dim3A_586 = vector.broadcast %broadcast_in_dim3A_585 : i32 to vector<16xi32>
          %broadcast_in_dim3A_587 = arith.constant 4 : i32
          %broadcast_in_dim3A_588 = vector.broadcast %broadcast_in_dim3A_587 : i32 to vector<16xi32>
          tpu.vector_store_idx %arg15[%broadcast_in_dim3A_586, %broadcast_in_dim3A_588, %get3A_554], %gather3A_584 masked %lt3A_551 : memref<3x8x1000xf32, #tpu.memory_space<vmem>>[vector<16xi32>, vector<16xi32>, vector<16xi32>], vector<16xf32>, vector<16xi1>
          %broadcast_in_dim3A_589 = arith.constant 53 : i32
          %broadcast_in_dim3A_590 = vector.broadcast %broadcast_in_dim3A_589 : i32 to vector<16xi32>
          %gather3A_591 = tpu.vector_load_idx %arg9[%add3A_549, %broadcast_in_dim3A_590] masked %lt3A_551 : memref<1024x64xf32, #tpu.memory_space<vmem>>[vector<16xi32>, vector<16xi32>], vector<16xf32>, vector<16xi1>
          %broadcast_in_dim3A_592 = arith.constant 0 : i32
          %broadcast_in_dim3A_593 = vector.broadcast %broadcast_in_dim3A_592 : i32 to vector<16xi32>
          %broadcast_in_dim3A_594 = arith.constant 5 : i32
          %broadcast_in_dim3A_595 = vector.broadcast %broadcast_in_dim3A_594 : i32 to vector<16xi32>
          tpu.vector_store_idx %arg15[%broadcast_in_dim3A_593, %broadcast_in_dim3A_595, %get3A_554], %gather3A_591 masked %lt3A_551 : memref<3x8x1000xf32, #tpu.memory_space<vmem>>[vector<16xi32>, vector<16xi32>, vector<16xi32>], vector<16xf32>, vector<16xi1>
          %broadcast_in_dim3A_596 = arith.constant 54 : i32
          %broadcast_in_dim3A_597 = vector.broadcast %broadcast_in_dim3A_596 : i32 to vector<16xi32>
          %gather3A_598 = tpu.vector_load_idx %arg9[%add3A_549, %broadcast_in_dim3A_597] masked %lt3A_551 : memref<1024x64xf32, #tpu.memory_space<vmem>>[vector<16xi32>, vector<16xi32>], vector<16xf32>, vector<16xi1>
          %broadcast_in_dim3A_599 = arith.constant 0 : i32
          %broadcast_in_dim3A_600 = vector.broadcast %broadcast_in_dim3A_599 : i32 to vector<16xi32>
          %broadcast_in_dim3A_601 = arith.constant 6 : i32
          %broadcast_in_dim3A_602 = vector.broadcast %broadcast_in_dim3A_601 : i32 to vector<16xi32>
          tpu.vector_store_idx %arg15[%broadcast_in_dim3A_600, %broadcast_in_dim3A_602, %get3A_554], %gather3A_598 masked %lt3A_551 : memref<3x8x1000xf32, #tpu.memory_space<vmem>>[vector<16xi32>, vector<16xi32>, vector<16xi32>], vector<16xf32>, vector<16xi1>
          %broadcast_in_dim3A_603 = arith.constant 55 : i32
          %broadcast_in_dim3A_604 = vector.broadcast %broadcast_in_dim3A_603 : i32 to vector<16xi32>
          %gather3A_605 = tpu.vector_load_idx %arg9[%add3A_549, %broadcast_in_dim3A_604] masked %lt3A_551 : memref<1024x64xf32, #tpu.memory_space<vmem>>[vector<16xi32>, vector<16xi32>], vector<16xf32>, vector<16xi1>
          %broadcast_in_dim3A_606 = arith.constant 0 : i32
          %broadcast_in_dim3A_607 = vector.broadcast %broadcast_in_dim3A_606 : i32 to vector<16xi32>
          %broadcast_in_dim3A_608 = arith.constant 7 : i32
          %broadcast_in_dim3A_609 = vector.broadcast %broadcast_in_dim3A_608 : i32 to vector<16xi32>
          tpu.vector_store_idx %arg15[%broadcast_in_dim3A_607, %broadcast_in_dim3A_609, %get3A_554], %gather3A_605 masked %lt3A_551 : memref<3x8x1000xf32, #tpu.memory_space<vmem>>[vector<16xi32>, vector<16xi32>, vector<16xi32>], vector<16xf32>, vector<16xi1>
        }
        %while3A_422 = arith.constant 1 : i32
        scf.for %while3A_545 = %while3A_420 to %while3A_416 step %while3A_422  : i32 {
          %mul3A_546 = arith.constant 16 : i32
          %mul3A_547 = arith.muli %while3A_545, %mul3A_546 : i32
          %add3A_548 = vector.broadcast %mul3A_547 : i32 to vector<16xi32>
          %add3A_549 = arith.addi %add3A_548, %iota3A : vector<16xi32>
          %lt3A_550 = vector.broadcast %scan3A_135 : i32 to vector<16xi32>
          %lt3A_551 = arith.cmpi slt, %add3A_549, %lt3A_550 : vector<16xi32>
          %mul3A_552 = arith.constant 16 : i32
          %mul3A_553 = arith.muli %while3A_545, %mul3A_552 : i32
          %get3A = arith.index_cast %mul3A_553 : i32 to index
          %get3A_554 = tpu.vector_load %arg10[%get3A] {strides = array<i32>} : memref<1056xi32, #tpu.memory_space<vmem>>, vector<16xi32>,
          %broadcast_in_dim3A_555 = arith.constant 48 : i32
          %broadcast_in_dim3A_556 = vector.broadcast %broadcast_in_dim3A_555 : i32 to vector<16xi32>
          %gather3A = tpu.vector_load_idx %arg9[%add3A_549, %broadcast_in_dim3A_556] masked %lt3A_551 : memref<1024x64xf32, #tpu.memory_space<vmem>>[vector<16xi32>, vector<16xi32>], vector<16xf32>, vector<16xi1>
          %broadcast_in_dim3A_557 = arith.constant 0 : i32
          %broadcast_in_dim3A_558 = vector.broadcast %broadcast_in_dim3A_557 : i32 to vector<16xi32>
          %broadcast_in_dim3A_559 = arith.constant 0 : i32
          %broadcast_in_dim3A_560 = vector.broadcast %broadcast_in_dim3A_559 : i32 to vector<16xi32>
          tpu.vector_store_idx %arg15[%broadcast_in_dim3A_558, %broadcast_in_dim3A_560, %get3A_554], %gather3A masked %lt3A_551 : memref<3x8x1000xf32, #tpu.memory_space<vmem>>[vector<16xi32>, vector<16xi32>, vector<16xi32>], vector<16xf32>, vector<16xi1>
          %broadcast_in_dim3A_561 = arith.constant 49 : i32
          %broadcast_in_dim3A_562 = vector.broadcast %broadcast_in_dim3A_561 : i32 to vector<16xi32>
          %gather3A_563 = tpu.vector_load_idx %arg9[%add3A_549, %broadcast_in_dim3A_562] masked %lt3A_551 : memref<1024x64xf32, #tpu.memory_space<vmem>>[vector<16xi32>, vector<16xi32>], vector<16xf32>, vector<16xi1>
          %broadcast_in_dim3A_564 = arith.constant 0 : i32
          %broadcast_in_dim3A_565 = vector.broadcast %broadcast_in_dim3A_564 : i32 to vector<16xi32>
          %broadcast_in_dim3A_566 = arith.constant 1 : i32
          %broadcast_in_dim3A_567 = vector.broadcast %broadcast_in_dim3A_566 : i32 to vector<16xi32>
          tpu.vector_store_idx %arg15[%broadcast_in_dim3A_565, %broadcast_in_dim3A_567, %get3A_554], %gather3A_563 masked %lt3A_551 : memref<3x8x1000xf32, #tpu.memory_space<vmem>>[vector<16xi32>, vector<16xi32>, vector<16xi32>], vector<16xf32>, vector<16xi1>
          %broadcast_in_dim3A_568 = arith.constant 50 : i32
          %broadcast_in_dim3A_569 = vector.broadcast %broadcast_in_dim3A_568 : i32 to vector<16xi32>
          %gather3A_570 = tpu.vector_load_idx %arg9[%add3A_549, %broadcast_in_dim3A_569] masked %lt3A_551 : memref<1024x64xf32, #tpu.memory_space<vmem>>[vector<16xi32>, vector<16xi32>], vector<16xf32>, vector<16xi1>
          %broadcast_in_dim3A_571 = arith.constant 0 : i32
          %broadcast_in_dim3A_572 = vector.broadcast %broadcast_in_dim3A_571 : i32 to vector<16xi32>
          %broadcast_in_dim3A_573 = arith.constant 2 : i32
          %broadcast_in_dim3A_574 = vector.broadcast %broadcast_in_dim3A_573 : i32 to vector<16xi32>
          tpu.vector_store_idx %arg15[%broadcast_in_dim3A_572, %broadcast_in_dim3A_574, %get3A_554], %gather3A_570 masked %lt3A_551 : memref<3x8x1000xf32, #tpu.memory_space<vmem>>[vector<16xi32>, vector<16xi32>, vector<16xi32>], vector<16xf32>, vector<16xi1>
          %broadcast_in_dim3A_575 = arith.constant 51 : i32
          %broadcast_in_dim3A_576 = vector.broadcast %broadcast_in_dim3A_575 : i32 to vector<16xi32>
          %gather3A_577 = tpu.vector_load_idx %arg9[%add3A_549, %broadcast_in_dim3A_576] masked %lt3A_551 : memref<1024x64xf32, #tpu.memory_space<vmem>>[vector<16xi32>, vector<16xi32>], vector<16xf32>, vector<16xi1>
          %broadcast_in_dim3A_578 = arith.constant 0 : i32
          %broadcast_in_dim3A_579 = vector.broadcast %broadcast_in_dim3A_578 : i32 to vector<16xi32>
          %broadcast_in_dim3A_580 = arith.constant 3 : i32
          %broadcast_in_dim3A_581 = vector.broadcast %broadcast_in_dim3A_580 : i32 to vector<16xi32>
          tpu.vector_store_idx %arg15[%broadcast_in_dim3A_579, %broadcast_in_dim3A_581, %get3A_554], %gather3A_577 masked %lt3A_551 : memref<3x8x1000xf32, #tpu.memory_space<vmem>>[vector<16xi32>, vector<16xi32>, vector<16xi32>], vector<16xf32>, vector<16xi1>
          %broadcast_in_dim3A_582 = arith.constant 52 : i32
          %broadcast_in_dim3A_583 = vector.broadcast %broadcast_in_dim3A_582 : i32 to vector<16xi32>
          %gather3A_584 = tpu.vector_load_idx %arg9[%add3A_549, %broadcast_in_dim3A_583] masked %lt3A_551 : memref<1024x64xf32, #tpu.memory_space<vmem>>[vector<16xi32>, vector<16xi32>], vector<16xf32>, vector<16xi1>
          %broadcast_in_dim3A_585 = arith.constant 0 : i32
          %broadcast_in_dim3A_586 = vector.broadcast %broadcast_in_dim3A_585 : i32 to vector<16xi32>
          %broadcast_in_dim3A_587 = arith.constant 4 : i32
          %broadcast_in_dim3A_588 = vector.broadcast %broadcast_in_dim3A_587 : i32 to vector<16xi32>
          tpu.vector_store_idx %arg15[%broadcast_in_dim3A_586, %broadcast_in_dim3A_588, %get3A_554], %gather3A_584 masked %lt3A_551 : memref<3x8x1000xf32, #tpu.memory_space<vmem>>[vector<16xi32>, vector<16xi32>, vector<16xi32>], vector<16xf32>, vector<16xi1>
          %broadcast_in_dim3A_589 = arith.constant 53 : i32
          %broadcast_in_dim3A_590 = vector.broadcast %broadcast_in_dim3A_589 : i32 to vector<16xi32>
          %gather3A_591 = tpu.vector_load_idx %arg9[%add3A_549, %broadcast_in_dim3A_590] masked %lt3A_551 : memref<1024x64xf32, #tpu.memory_space<vmem>>[vector<16xi32>, vector<16xi32>], vector<16xf32>, vector<16xi1>
          %broadcast_in_dim3A_592 = arith.constant 0 : i32
          %broadcast_in_dim3A_593 = vector.broadcast %broadcast_in_dim3A_592 : i32 to vector<16xi32>
          %broadcast_in_dim3A_594 = arith.constant 5 : i32
          %broadcast_in_dim3A_595 = vector.broadcast %broadcast_in_dim3A_594 : i32 to vector<16xi32>
          tpu.vector_store_idx %arg15[%broadcast_in_dim3A_593, %broadcast_in_dim3A_595, %get3A_554], %gather3A_591 masked %lt3A_551 : memref<3x8x1000xf32, #tpu.memory_space<vmem>>[vector<16xi32>, vector<16xi32>, vector<16xi32>], vector<16xf32>, vector<16xi1>
          %broadcast_in_dim3A_596 = arith.constant 54 : i32
          %broadcast_in_dim3A_597 = vector.broadcast %broadcast_in_dim3A_596 : i32 to vector<16xi32>
          %gather3A_598 = tpu.vector_load_idx %arg9[%add3A_549, %broadcast_in_dim3A_597] masked %lt3A_551 : memref<1024x64xf32, #tpu.memory_space<vmem>>[vector<16xi32>, vector<16xi32>], vector<16xf32>, vector<16xi1>
          %broadcast_in_dim3A_599 = arith.constant 0 : i32
          %broadcast_in_dim3A_600 = vector.broadcast %broadcast_in_dim3A_599 : i32 to vector<16xi32>
          %broadcast_in_dim3A_601 = arith.constant 6 : i32
          %broadcast_in_dim3A_602 = vector.broadcast %broadcast_in_dim3A_601 : i32 to vector<16xi32>
          tpu.vector_store_idx %arg15[%broadcast_in_dim3A_600, %broadcast_in_dim3A_602, %get3A_554], %gather3A_598 masked %lt3A_551 : memref<3x8x1000xf32, #tpu.memory_space<vmem>>[vector<16xi32>, vector<16xi32>, vector<16xi32>], vector<16xf32>, vector<16xi1>
          %broadcast_in_dim3A_603 = arith.constant 55 : i32
          %broadcast_in_dim3A_604 = vector.broadcast %broadcast_in_dim3A_603 : i32 to vector<16xi32>
          %gather3A_605 = tpu.vector_load_idx %arg9[%add3A_549, %broadcast_in_dim3A_604] masked %lt3A_551 : memref<1024x64xf32, #tpu.memory_space<vmem>>[vector<16xi32>, vector<16xi32>], vector<16xf32>, vector<16xi1>
          %broadcast_in_dim3A_606 = arith.constant 0 : i32
          %broadcast_in_dim3A_607 = vector.broadcast %broadcast_in_dim3A_606 : i32 to vector<16xi32>
          %broadcast_in_dim3A_608 = arith.constant 7 : i32
          %broadcast_in_dim3A_609 = vector.broadcast %broadcast_in_dim3A_608 : i32 to vector<16xi32>
          tpu.vector_store_idx %arg15[%broadcast_in_dim3A_607, %broadcast_in_dim3A_609, %get3A_554], %gather3A_605 masked %lt3A_551 : memref<3x8x1000xf32, #tpu.memory_space<vmem>>[vector<16xi32>, vector<16xi32>, vector<16xi32>], vector<16xf32>, vector<16xi1>
        }
        %mul3A_423 = arith.constant 500 : i32
        %mul3A_424 = arith.muli %add3A_129, %mul3A_423 : i32
        %dma_start3A_425 = arith.constant 0 : i32
        %dma_start3A_426 = arith.constant 0 : i32
        %dma_start3A_427 = arith.constant 0 : i32
        %dma_start3A_428 = tpu.memref_slice %arg15[%dma_start3A_425, %dma_start3A_426, %dma_start3A_427] : memref<3x8x1000xf32, #tpu.memory_space<vmem>> -> memref<1x8x1000xf32, #tpu.memory_space<vmem>>
        %dma_start3A_429 = tpu.memref_squeeze %dma_start3A_428 : memref<1x8x1000xf32, #tpu.memory_space<vmem>> -> memref<8x1000xf32, #tpu.memory_space<vmem>>
        %dma_start3A_430 = arith.constant 48 : i32
        %dma_start3A_431 = tpu.memref_slice %arg7[%select_n3A, %dma_start3A_430, %mul3A_424] : memref<4x64x250000xf32, #tpu.memory_space<hbm>> -> memref<1x8x1000xf32, #tpu.memory_space<hbm>>
        %dma_start3A_432 = tpu.memref_squeeze %dma_start3A_431 : memref<1x8x1000xf32, #tpu.memory_space<hbm>> -> memref<8x1000xf32, #tpu.memory_space<hbm>>
        %dma_start3A_433 = arith.constant 48 : i32
        %dma_start3A_434 = tpu.memref_slice %arg7[%select_n3A, %dma_start3A_433, %mul3A_424] : memref<4x64x250000xf32, #tpu.memory_space<hbm>> -> memref<1x8x1000xf32, #tpu.memory_space<hbm>>
        %dma_start3A_435 = tpu.memref_squeeze %dma_start3A_434 : memref<1x8x1000xf32, #tpu.memory_space<hbm>> -> memref<8x1000xf32, #tpu.memory_space<hbm>>
        %dma_start3A_436 = arith.constant 0 : i32
        %dma_start3A_437 = arith.constant 0 : i32
        %dma_start3A_438 = tpu.memref_slice %arg15[%dma_start3A_425, %dma_start3A_436, %dma_start3A_437] : memref<3x8x1000xf32, #tpu.memory_space<vmem>> -> memref<1x8x1000xf32, #tpu.memory_space<vmem>>
        %dma_start3A_439 = tpu.memref_squeeze %dma_start3A_438 : memref<1x8x1000xf32, #tpu.memory_space<vmem>> -> memref<8x1000xf32, #tpu.memory_space<vmem>>
        tpu.enqueue_dma source(%dma_start3A_439 : memref<8x1000xf32, #tpu.memory_space<vmem>>) target(%dma_start3A_435 : memref<8x1000xf32, #tpu.memory_space<hbm>>) target_semaphore(%arg17 : memref<!tpu.dma_semaphore, #tpu.memory_space<semaphore_mem>>)
        %mul3A_440 = arith.constant 500 : i32
        %mul3A_441 = arith.muli %add3A_129, %mul3A_440 : i32
        %dma_wait3A_442 = arith.constant 1 : i32
        %dma_wait3A_443 = arith.constant 0 : i32
        %dma_wait3A_444 = arith.constant 0 : i32
        %dma_wait3A_445 = tpu.memref_slice %arg15[%dma_wait3A_442, %dma_wait3A_443, %dma_wait3A_444] : memref<3x8x1000xf32, #tpu.memory_space<vmem>> -> memref<1x8x1000xf32, #tpu.memory_space<vmem>>
        %dma_wait3A_446 = tpu.memref_squeeze %dma_wait3A_445 : memref<1x8x1000xf32, #tpu.memory_space<vmem>> -> memref<8x1000xf32, #tpu.memory_space<vmem>>
        %dma_wait3A_447 = arith.constant 0 : i32
        %dma_wait3A_448 = tpu.memref_slice %arg7[%select_n3A, %dma_wait3A_447, %mul3A_441] : memref<4x64x250000xf32, #tpu.memory_space<hbm>> -> memref<1x8x1000xf32, #tpu.memory_space<hbm>>
        %dma_wait3A_449 = tpu.memref_squeeze %dma_wait3A_448 : memref<1x8x1000xf32, #tpu.memory_space<hbm>> -> memref<8x1000xf32, #tpu.memory_space<hbm>>
        %dma_wait3A_450 = arith.constant 0 : i32
        %dma_wait3A_451 = tpu.memref_slice %arg7[%select_n3A, %dma_wait3A_450, %mul3A_441] : memref<4x64x250000xf32, #tpu.memory_space<hbm>> -> memref<1x8x1000xf32, #tpu.memory_space<hbm>>
        %dma_wait3A_452 = tpu.memref_squeeze %dma_wait3A_451 : memref<1x8x1000xf32, #tpu.memory_space<hbm>> -> memref<8x1000xf32, #tpu.memory_space<hbm>>
        %dma_wait3A_453 = arith.constant 0 : i32
        %dma_wait3A_454 = arith.constant 0 : i32
        %dma_wait3A_455 = tpu.memref_slice %arg15[%dma_wait3A_442, %dma_wait3A_453, %dma_wait3A_454] : memref<3x8x1000xf32, #tpu.memory_space<vmem>> -> memref<1x8x1000xf32, #tpu.memory_space<vmem>>
        %dma_wait3A_456 = tpu.memref_squeeze %dma_wait3A_455 : memref<1x8x1000xf32, #tpu.memory_space<vmem>> -> memref<8x1000xf32, #tpu.memory_space<vmem>>
        tpu.wait_dma2 semaphore(%arg18 : memref<!tpu.dma_semaphore, #tpu.memory_space<semaphore_mem>>) src(%dma_wait3A_456 : memref<8x1000xf32, #tpu.memory_space<vmem>>) dst(%dma_wait3A_452 : memref<8x1000xf32, #tpu.memory_space<hbm>>)
        %while3A_457 = arith.constant 0 : i32
        %while3A_458 = arith.constant 0 : i32
        %while3A_459 = arith.subi %select_n3A_163, %while3A_458 : i32
        %while3A_460 = arith.addi %while3A_458, %while3A_459 : i32
        %while3A_461 = arith.constant 1 : i32
        %while3A_462 = arith.divsi %while3A_459, %while3A_461 : i32
        %while3A_463 = arith.muli %while3A_462, %while3A_461 : i32
        %while3A_464 = arith.addi %while3A_458, %while3A_463 : i32
        %while3A_465 = arith.constant 1 : i32
        scf.for %while3A_545 = %while3A_458 to %while3A_464 step %while3A_465  : i32 {
          %mul3A_546 = arith.constant 16 : i32
          %mul3A_547 = arith.muli %while3A_545, %mul3A_546 : i32
          %add3A_548 = vector.broadcast %mul3A_547 : i32 to vector<16xi32>
          %add3A_549 = arith.addi %add3A_548, %iota3A : vector<16xi32>
          %lt3A_550 = vector.broadcast %scan3A_135 : i32 to vector<16xi32>
          %lt3A_551 = arith.cmpi slt, %add3A_549, %lt3A_550 : vector<16xi32>
          %mul3A_552 = arith.constant 16 : i32
          %mul3A_553 = arith.muli %while3A_545, %mul3A_552 : i32
          %get3A = arith.index_cast %mul3A_553 : i32 to index
          %get3A_554 = tpu.vector_load %arg10[%get3A] {strides = array<i32>} : memref<1056xi32, #tpu.memory_space<vmem>>, vector<16xi32>,
          %broadcast_in_dim3A_555 = arith.constant 56 : i32
          %broadcast_in_dim3A_556 = vector.broadcast %broadcast_in_dim3A_555 : i32 to vector<16xi32>
          %gather3A = tpu.vector_load_idx %arg9[%add3A_549, %broadcast_in_dim3A_556] masked %lt3A_551 : memref<1024x64xf32, #tpu.memory_space<vmem>>[vector<16xi32>, vector<16xi32>], vector<16xf32>, vector<16xi1>
          %broadcast_in_dim3A_557 = arith.constant 1 : i32
          %broadcast_in_dim3A_558 = vector.broadcast %broadcast_in_dim3A_557 : i32 to vector<16xi32>
          %broadcast_in_dim3A_559 = arith.constant 0 : i32
          %broadcast_in_dim3A_560 = vector.broadcast %broadcast_in_dim3A_559 : i32 to vector<16xi32>
          tpu.vector_store_idx %arg15[%broadcast_in_dim3A_558, %broadcast_in_dim3A_560, %get3A_554], %gather3A masked %lt3A_551 : memref<3x8x1000xf32, #tpu.memory_space<vmem>>[vector<16xi32>, vector<16xi32>, vector<16xi32>], vector<16xf32>, vector<16xi1>
          %broadcast_in_dim3A_561 = arith.constant 57 : i32
          %broadcast_in_dim3A_562 = vector.broadcast %broadcast_in_dim3A_561 : i32 to vector<16xi32>
          %gather3A_563 = tpu.vector_load_idx %arg9[%add3A_549, %broadcast_in_dim3A_562] masked %lt3A_551 : memref<1024x64xf32, #tpu.memory_space<vmem>>[vector<16xi32>, vector<16xi32>], vector<16xf32>, vector<16xi1>
          %broadcast_in_dim3A_564 = arith.constant 1 : i32
          %broadcast_in_dim3A_565 = vector.broadcast %broadcast_in_dim3A_564 : i32 to vector<16xi32>
          %broadcast_in_dim3A_566 = arith.constant 1 : i32
          %broadcast_in_dim3A_567 = vector.broadcast %broadcast_in_dim3A_566 : i32 to vector<16xi32>
          tpu.vector_store_idx %arg15[%broadcast_in_dim3A_565, %broadcast_in_dim3A_567, %get3A_554], %gather3A_563 masked %lt3A_551 : memref<3x8x1000xf32, #tpu.memory_space<vmem>>[vector<16xi32>, vector<16xi32>, vector<16xi32>], vector<16xf32>, vector<16xi1>
          %broadcast_in_dim3A_568 = arith.constant 58 : i32
          %broadcast_in_dim3A_569 = vector.broadcast %broadcast_in_dim3A_568 : i32 to vector<16xi32>
          %gather3A_570 = tpu.vector_load_idx %arg9[%add3A_549, %broadcast_in_dim3A_569] masked %lt3A_551 : memref<1024x64xf32, #tpu.memory_space<vmem>>[vector<16xi32>, vector<16xi32>], vector<16xf32>, vector<16xi1>
          %broadcast_in_dim3A_571 = arith.constant 1 : i32
          %broadcast_in_dim3A_572 = vector.broadcast %broadcast_in_dim3A_571 : i32 to vector<16xi32>
          %broadcast_in_dim3A_573 = arith.constant 2 : i32
          %broadcast_in_dim3A_574 = vector.broadcast %broadcast_in_dim3A_573 : i32 to vector<16xi32>
          tpu.vector_store_idx %arg15[%broadcast_in_dim3A_572, %broadcast_in_dim3A_574, %get3A_554], %gather3A_570 masked %lt3A_551 : memref<3x8x1000xf32, #tpu.memory_space<vmem>>[vector<16xi32>, vector<16xi32>, vector<16xi32>], vector<16xf32>, vector<16xi1>
          %broadcast_in_dim3A_575 = arith.constant 59 : i32
          %broadcast_in_dim3A_576 = vector.broadcast %broadcast_in_dim3A_575 : i32 to vector<16xi32>
          %gather3A_577 = tpu.vector_load_idx %arg9[%add3A_549, %broadcast_in_dim3A_576] masked %lt3A_551 : memref<1024x64xf32, #tpu.memory_space<vmem>>[vector<16xi32>, vector<16xi32>], vector<16xf32>, vector<16xi1>
          %broadcast_in_dim3A_578 = arith.constant 1 : i32
          %broadcast_in_dim3A_579 = vector.broadcast %broadcast_in_dim3A_578 : i32 to vector<16xi32>
          %broadcast_in_dim3A_580 = arith.constant 3 : i32
          %broadcast_in_dim3A_581 = vector.broadcast %broadcast_in_dim3A_580 : i32 to vector<16xi32>
          tpu.vector_store_idx %arg15[%broadcast_in_dim3A_579, %broadcast_in_dim3A_581, %get3A_554], %gather3A_577 masked %lt3A_551 : memref<3x8x1000xf32, #tpu.memory_space<vmem>>[vector<16xi32>, vector<16xi32>, vector<16xi32>], vector<16xf32>, vector<16xi1>
          %broadcast_in_dim3A_582 = arith.constant 60 : i32
          %broadcast_in_dim3A_583 = vector.broadcast %broadcast_in_dim3A_582 : i32 to vector<16xi32>
          %gather3A_584 = tpu.vector_load_idx %arg9[%add3A_549, %broadcast_in_dim3A_583] masked %lt3A_551 : memref<1024x64xf32, #tpu.memory_space<vmem>>[vector<16xi32>, vector<16xi32>], vector<16xf32>, vector<16xi1>
          %broadcast_in_dim3A_585 = arith.constant 1 : i32
          %broadcast_in_dim3A_586 = vector.broadcast %broadcast_in_dim3A_585 : i32 to vector<16xi32>
          %broadcast_in_dim3A_587 = arith.constant 4 : i32
          %broadcast_in_dim3A_588 = vector.broadcast %broadcast_in_dim3A_587 : i32 to vector<16xi32>
          tpu.vector_store_idx %arg15[%broadcast_in_dim3A_586, %broadcast_in_dim3A_588, %get3A_554], %gather3A_584 masked %lt3A_551 : memref<3x8x1000xf32, #tpu.memory_space<vmem>>[vector<16xi32>, vector<16xi32>, vector<16xi32>], vector<16xf32>, vector<16xi1>
          %broadcast_in_dim3A_589 = arith.constant 61 : i32
          %broadcast_in_dim3A_590 = vector.broadcast %broadcast_in_dim3A_589 : i32 to vector<16xi32>
          %gather3A_591 = tpu.vector_load_idx %arg9[%add3A_549, %broadcast_in_dim3A_590] masked %lt3A_551 : memref<1024x64xf32, #tpu.memory_space<vmem>>[vector<16xi32>, vector<16xi32>], vector<16xf32>, vector<16xi1>
          %broadcast_in_dim3A_592 = arith.constant 1 : i32
          %broadcast_in_dim3A_593 = vector.broadcast %broadcast_in_dim3A_592 : i32 to vector<16xi32>
          %broadcast_in_dim3A_594 = arith.constant 5 : i32
          %broadcast_in_dim3A_595 = vector.broadcast %broadcast_in_dim3A_594 : i32 to vector<16xi32>
          tpu.vector_store_idx %arg15[%broadcast_in_dim3A_593, %broadcast_in_dim3A_595, %get3A_554], %gather3A_591 masked %lt3A_551 : memref<3x8x1000xf32, #tpu.memory_space<vmem>>[vector<16xi32>, vector<16xi32>, vector<16xi32>], vector<16xf32>, vector<16xi1>
          %broadcast_in_dim3A_596 = arith.constant 62 : i32
          %broadcast_in_dim3A_597 = vector.broadcast %broadcast_in_dim3A_596 : i32 to vector<16xi32>
          %gather3A_598 = tpu.vector_load_idx %arg9[%add3A_549, %broadcast_in_dim3A_597] masked %lt3A_551 : memref<1024x64xf32, #tpu.memory_space<vmem>>[vector<16xi32>, vector<16xi32>], vector<16xf32>, vector<16xi1>
          %broadcast_in_dim3A_599 = arith.constant 1 : i32
          %broadcast_in_dim3A_600 = vector.broadcast %broadcast_in_dim3A_599 : i32 to vector<16xi32>
          %broadcast_in_dim3A_601 = arith.constant 6 : i32
          %broadcast_in_dim3A_602 = vector.broadcast %broadcast_in_dim3A_601 : i32 to vector<16xi32>
          tpu.vector_store_idx %arg15[%broadcast_in_dim3A_600, %broadcast_in_dim3A_602, %get3A_554], %gather3A_598 masked %lt3A_551 : memref<3x8x1000xf32, #tpu.memory_space<vmem>>[vector<16xi32>, vector<16xi32>, vector<16xi32>], vector<16xf32>, vector<16xi1>
          %broadcast_in_dim3A_603 = arith.constant 63 : i32
          %broadcast_in_dim3A_604 = vector.broadcast %broadcast_in_dim3A_603 : i32 to vector<16xi32>
          %gather3A_605 = tpu.vector_load_idx %arg9[%add3A_549, %broadcast_in_dim3A_604] masked %lt3A_551 : memref<1024x64xf32, #tpu.memory_space<vmem>>[vector<16xi32>, vector<16xi32>], vector<16xf32>, vector<16xi1>
          %broadcast_in_dim3A_606 = arith.constant 1 : i32
          %broadcast_in_dim3A_607 = vector.broadcast %broadcast_in_dim3A_606 : i32 to vector<16xi32>
          %broadcast_in_dim3A_608 = arith.constant 7 : i32
          %broadcast_in_dim3A_609 = vector.broadcast %broadcast_in_dim3A_608 : i32 to vector<16xi32>
          tpu.vector_store_idx %arg15[%broadcast_in_dim3A_607, %broadcast_in_dim3A_609, %get3A_554], %gather3A_605 masked %lt3A_551 : memref<3x8x1000xf32, #tpu.memory_space<vmem>>[vector<16xi32>, vector<16xi32>, vector<16xi32>], vector<16xf32>, vector<16xi1>
        }
        %while3A_466 = arith.constant 1 : i32
        scf.for %while3A_545 = %while3A_464 to %while3A_460 step %while3A_466  : i32 {
          %mul3A_546 = arith.constant 16 : i32
          %mul3A_547 = arith.muli %while3A_545, %mul3A_546 : i32
          %add3A_548 = vector.broadcast %mul3A_547 : i32 to vector<16xi32>
          %add3A_549 = arith.addi %add3A_548, %iota3A : vector<16xi32>
          %lt3A_550 = vector.broadcast %scan3A_135 : i32 to vector<16xi32>
          %lt3A_551 = arith.cmpi slt, %add3A_549, %lt3A_550 : vector<16xi32>
          %mul3A_552 = arith.constant 16 : i32
          %mul3A_553 = arith.muli %while3A_545, %mul3A_552 : i32
          %get3A = arith.index_cast %mul3A_553 : i32 to index
          %get3A_554 = tpu.vector_load %arg10[%get3A] {strides = array<i32>} : memref<1056xi32, #tpu.memory_space<vmem>>, vector<16xi32>,
          %broadcast_in_dim3A_555 = arith.constant 56 : i32
          %broadcast_in_dim3A_556 = vector.broadcast %broadcast_in_dim3A_555 : i32 to vector<16xi32>
          %gather3A = tpu.vector_load_idx %arg9[%add3A_549, %broadcast_in_dim3A_556] masked %lt3A_551 : memref<1024x64xf32, #tpu.memory_space<vmem>>[vector<16xi32>, vector<16xi32>], vector<16xf32>, vector<16xi1>
          %broadcast_in_dim3A_557 = arith.constant 1 : i32
          %broadcast_in_dim3A_558 = vector.broadcast %broadcast_in_dim3A_557 : i32 to vector<16xi32>
          %broadcast_in_dim3A_559 = arith.constant 0 : i32
          %broadcast_in_dim3A_560 = vector.broadcast %broadcast_in_dim3A_559 : i32 to vector<16xi32>
          tpu.vector_store_idx %arg15[%broadcast_in_dim3A_558, %broadcast_in_dim3A_560, %get3A_554], %gather3A masked %lt3A_551 : memref<3x8x1000xf32, #tpu.memory_space<vmem>>[vector<16xi32>, vector<16xi32>, vector<16xi32>], vector<16xf32>, vector<16xi1>
          %broadcast_in_dim3A_561 = arith.constant 57 : i32
          %broadcast_in_dim3A_562 = vector.broadcast %broadcast_in_dim3A_561 : i32 to vector<16xi32>
          %gather3A_563 = tpu.vector_load_idx %arg9[%add3A_549, %broadcast_in_dim3A_562] masked %lt3A_551 : memref<1024x64xf32, #tpu.memory_space<vmem>>[vector<16xi32>, vector<16xi32>], vector<16xf32>, vector<16xi1>
          %broadcast_in_dim3A_564 = arith.constant 1 : i32
          %broadcast_in_dim3A_565 = vector.broadcast %broadcast_in_dim3A_564 : i32 to vector<16xi32>
          %broadcast_in_dim3A_566 = arith.constant 1 : i32
          %broadcast_in_dim3A_567 = vector.broadcast %broadcast_in_dim3A_566 : i32 to vector<16xi32>
          tpu.vector_store_idx %arg15[%broadcast_in_dim3A_565, %broadcast_in_dim3A_567, %get3A_554], %gather3A_563 masked %lt3A_551 : memref<3x8x1000xf32, #tpu.memory_space<vmem>>[vector<16xi32>, vector<16xi32>, vector<16xi32>], vector<16xf32>, vector<16xi1>
          %broadcast_in_dim3A_568 = arith.constant 58 : i32
          %broadcast_in_dim3A_569 = vector.broadcast %broadcast_in_dim3A_568 : i32 to vector<16xi32>
          %gather3A_570 = tpu.vector_load_idx %arg9[%add3A_549, %broadcast_in_dim3A_569] masked %lt3A_551 : memref<1024x64xf32, #tpu.memory_space<vmem>>[vector<16xi32>, vector<16xi32>], vector<16xf32>, vector<16xi1>
          %broadcast_in_dim3A_571 = arith.constant 1 : i32
          %broadcast_in_dim3A_572 = vector.broadcast %broadcast_in_dim3A_571 : i32 to vector<16xi32>
          %broadcast_in_dim3A_573 = arith.constant 2 : i32
          %broadcast_in_dim3A_574 = vector.broadcast %broadcast_in_dim3A_573 : i32 to vector<16xi32>
          tpu.vector_store_idx %arg15[%broadcast_in_dim3A_572, %broadcast_in_dim3A_574, %get3A_554], %gather3A_570 masked %lt3A_551 : memref<3x8x1000xf32, #tpu.memory_space<vmem>>[vector<16xi32>, vector<16xi32>, vector<16xi32>], vector<16xf32>, vector<16xi1>
          %broadcast_in_dim3A_575 = arith.constant 59 : i32
          %broadcast_in_dim3A_576 = vector.broadcast %broadcast_in_dim3A_575 : i32 to vector<16xi32>
          %gather3A_577 = tpu.vector_load_idx %arg9[%add3A_549, %broadcast_in_dim3A_576] masked %lt3A_551 : memref<1024x64xf32, #tpu.memory_space<vmem>>[vector<16xi32>, vector<16xi32>], vector<16xf32>, vector<16xi1>
          %broadcast_in_dim3A_578 = arith.constant 1 : i32
          %broadcast_in_dim3A_579 = vector.broadcast %broadcast_in_dim3A_578 : i32 to vector<16xi32>
          %broadcast_in_dim3A_580 = arith.constant 3 : i32
          %broadcast_in_dim3A_581 = vector.broadcast %broadcast_in_dim3A_580 : i32 to vector<16xi32>
          tpu.vector_store_idx %arg15[%broadcast_in_dim3A_579, %broadcast_in_dim3A_581, %get3A_554], %gather3A_577 masked %lt3A_551 : memref<3x8x1000xf32, #tpu.memory_space<vmem>>[vector<16xi32>, vector<16xi32>, vector<16xi32>], vector<16xf32>, vector<16xi1>
          %broadcast_in_dim3A_582 = arith.constant 60 : i32
          %broadcast_in_dim3A_583 = vector.broadcast %broadcast_in_dim3A_582 : i32 to vector<16xi32>
          %gather3A_584 = tpu.vector_load_idx %arg9[%add3A_549, %broadcast_in_dim3A_583] masked %lt3A_551 : memref<1024x64xf32, #tpu.memory_space<vmem>>[vector<16xi32>, vector<16xi32>], vector<16xf32>, vector<16xi1>
          %broadcast_in_dim3A_585 = arith.constant 1 : i32
          %broadcast_in_dim3A_586 = vector.broadcast %broadcast_in_dim3A_585 : i32 to vector<16xi32>
          %broadcast_in_dim3A_587 = arith.constant 4 : i32
          %broadcast_in_dim3A_588 = vector.broadcast %broadcast_in_dim3A_587 : i32 to vector<16xi32>
          tpu.vector_store_idx %arg15[%broadcast_in_dim3A_586, %broadcast_in_dim3A_588, %get3A_554], %gather3A_584 masked %lt3A_551 : memref<3x8x1000xf32, #tpu.memory_space<vmem>>[vector<16xi32>, vector<16xi32>, vector<16xi32>], vector<16xf32>, vector<16xi1>
          %broadcast_in_dim3A_589 = arith.constant 61 : i32
          %broadcast_in_dim3A_590 = vector.broadcast %broadcast_in_dim3A_589 : i32 to vector<16xi32>
          %gather3A_591 = tpu.vector_load_idx %arg9[%add3A_549, %broadcast_in_dim3A_590] masked %lt3A_551 : memref<1024x64xf32, #tpu.memory_space<vmem>>[vector<16xi32>, vector<16xi32>], vector<16xf32>, vector<16xi1>
          %broadcast_in_dim3A_592 = arith.constant 1 : i32
          %broadcast_in_dim3A_593 = vector.broadcast %broadcast_in_dim3A_592 : i32 to vector<16xi32>
          %broadcast_in_dim3A_594 = arith.constant 5 : i32
          %broadcast_in_dim3A_595 = vector.broadcast %broadcast_in_dim3A_594 : i32 to vector<16xi32>
          tpu.vector_store_idx %arg15[%broadcast_in_dim3A_593, %broadcast_in_dim3A_595, %get3A_554], %gather3A_591 masked %lt3A_551 : memref<3x8x1000xf32, #tpu.memory_space<vmem>>[vector<16xi32>, vector<16xi32>, vector<16xi32>], vector<16xf32>, vector<16xi1>
          %broadcast_in_dim3A_596 = arith.constant 62 : i32
          %broadcast_in_dim3A_597 = vector.broadcast %broadcast_in_dim3A_596 : i32 to vector<16xi32>
          %gather3A_598 = tpu.vector_load_idx %arg9[%add3A_549, %broadcast_in_dim3A_597] masked %lt3A_551 : memref<1024x64xf32, #tpu.memory_space<vmem>>[vector<16xi32>, vector<16xi32>], vector<16xf32>, vector<16xi1>
          %broadcast_in_dim3A_599 = arith.constant 1 : i32
          %broadcast_in_dim3A_600 = vector.broadcast %broadcast_in_dim3A_599 : i32 to vector<16xi32>
          %broadcast_in_dim3A_601 = arith.constant 6 : i32
          %broadcast_in_dim3A_602 = vector.broadcast %broadcast_in_dim3A_601 : i32 to vector<16xi32>
          tpu.vector_store_idx %arg15[%broadcast_in_dim3A_600, %broadcast_in_dim3A_602, %get3A_554], %gather3A_598 masked %lt3A_551 : memref<3x8x1000xf32, #tpu.memory_space<vmem>>[vector<16xi32>, vector<16xi32>, vector<16xi32>], vector<16xf32>, vector<16xi1>
          %broadcast_in_dim3A_603 = arith.constant 63 : i32
          %broadcast_in_dim3A_604 = vector.broadcast %broadcast_in_dim3A_603 : i32 to vector<16xi32>
          %gather3A_605 = tpu.vector_load_idx %arg9[%add3A_549, %broadcast_in_dim3A_604] masked %lt3A_551 : memref<1024x64xf32, #tpu.memory_space<vmem>>[vector<16xi32>, vector<16xi32>], vector<16xf32>, vector<16xi1>
          %broadcast_in_dim3A_606 = arith.constant 1 : i32
          %broadcast_in_dim3A_607 = vector.broadcast %broadcast_in_dim3A_606 : i32 to vector<16xi32>
          %broadcast_in_dim3A_608 = arith.constant 7 : i32
          %broadcast_in_dim3A_609 = vector.broadcast %broadcast_in_dim3A_608 : i32 to vector<16xi32>
          tpu.vector_store_idx %arg15[%broadcast_in_dim3A_607, %broadcast_in_dim3A_609, %get3A_554], %gather3A_605 masked %lt3A_551 : memref<3x8x1000xf32, #tpu.memory_space<vmem>>[vector<16xi32>, vector<16xi32>, vector<16xi32>], vector<16xf32>, vector<16xi1>
        }
        %mul3A_467 = arith.constant 500 : i32
        %mul3A_468 = arith.muli %add3A_129, %mul3A_467 : i32
        %dma_start3A_469 = arith.constant 1 : i32
        %dma_start3A_470 = arith.constant 0 : i32
        %dma_start3A_471 = arith.constant 0 : i32
        %dma_start3A_472 = tpu.memref_slice %arg15[%dma_start3A_469, %dma_start3A_470, %dma_start3A_471] : memref<3x8x1000xf32, #tpu.memory_space<vmem>> -> memref<1x8x1000xf32, #tpu.memory_space<vmem>>
        %dma_start3A_473 = tpu.memref_squeeze %dma_start3A_472 : memref<1x8x1000xf32, #tpu.memory_space<vmem>> -> memref<8x1000xf32, #tpu.memory_space<vmem>>
        %dma_start3A_474 = arith.constant 56 : i32
        %dma_start3A_475 = tpu.memref_slice %arg7[%select_n3A, %dma_start3A_474, %mul3A_468] : memref<4x64x250000xf32, #tpu.memory_space<hbm>> -> memref<1x8x1000xf32, #tpu.memory_space<hbm>>
        %dma_start3A_476 = tpu.memref_squeeze %dma_start3A_475 : memref<1x8x1000xf32, #tpu.memory_space<hbm>> -> memref<8x1000xf32, #tpu.memory_space<hbm>>
        %dma_start3A_477 = arith.constant 56 : i32
        %dma_start3A_478 = tpu.memref_slice %arg7[%select_n3A, %dma_start3A_477, %mul3A_468] : memref<4x64x250000xf32, #tpu.memory_space<hbm>> -> memref<1x8x1000xf32, #tpu.memory_space<hbm>>
        %dma_start3A_479 = tpu.memref_squeeze %dma_start3A_478 : memref<1x8x1000xf32, #tpu.memory_space<hbm>> -> memref<8x1000xf32, #tpu.memory_space<hbm>>
        %dma_start3A_480 = arith.constant 0 : i32
        %dma_start3A_481 = arith.constant 0 : i32
        %dma_start3A_482 = tpu.memref_slice %arg15[%dma_start3A_469, %dma_start3A_480, %dma_start3A_481] : memref<3x8x1000xf32, #tpu.memory_space<vmem>> -> memref<1x8x1000xf32, #tpu.memory_space<vmem>>
        %dma_start3A_483 = tpu.memref_squeeze %dma_start3A_482 : memref<1x8x1000xf32, #tpu.memory_space<vmem>> -> memref<8x1000xf32, #tpu.memory_space<vmem>>
        tpu.enqueue_dma source(%dma_start3A_483 : memref<8x1000xf32, #tpu.memory_space<vmem>>) target(%dma_start3A_479 : memref<8x1000xf32, #tpu.memory_space<hbm>>) target_semaphore(%arg18 : memref<!tpu.dma_semaphore, #tpu.memory_space<semaphore_mem>>)
        %mul3A_484 = arith.constant 500 : i32
        %mul3A_485 = arith.muli %add3A_129, %mul3A_484 : i32
        %dma_wait3A_486 = arith.constant 2 : i32
        %dma_wait3A_487 = arith.constant 0 : i32
        %dma_wait3A_488 = arith.constant 0 : i32
        %dma_wait3A_489 = tpu.memref_slice %arg15[%dma_wait3A_486, %dma_wait3A_487, %dma_wait3A_488] : memref<3x8x1000xf32, #tpu.memory_space<vmem>> -> memref<1x8x1000xf32, #tpu.memory_space<vmem>>
        %dma_wait3A_490 = tpu.memref_squeeze %dma_wait3A_489 : memref<1x8x1000xf32, #tpu.memory_space<vmem>> -> memref<8x1000xf32, #tpu.memory_space<vmem>>
        %dma_wait3A_491 = arith.constant 0 : i32
        %dma_wait3A_492 = tpu.memref_slice %arg7[%select_n3A, %dma_wait3A_491, %mul3A_485] : memref<4x64x250000xf32, #tpu.memory_space<hbm>> -> memref<1x8x1000xf32, #tpu.memory_space<hbm>>
        %dma_wait3A_493 = tpu.memref_squeeze %dma_wait3A_492 : memref<1x8x1000xf32, #tpu.memory_space<hbm>> -> memref<8x1000xf32, #tpu.memory_space<hbm>>
        %dma_wait3A_494 = arith.constant 0 : i32
        %dma_wait3A_495 = tpu.memref_slice %arg7[%select_n3A, %dma_wait3A_494, %mul3A_485] : memref<4x64x250000xf32, #tpu.memory_space<hbm>> -> memref<1x8x1000xf32, #tpu.memory_space<hbm>>
        %dma_wait3A_496 = tpu.memref_squeeze %dma_wait3A_495 : memref<1x8x1000xf32, #tpu.memory_space<hbm>> -> memref<8x1000xf32, #tpu.memory_space<hbm>>
        %dma_wait3A_497 = arith.constant 0 : i32
        %dma_wait3A_498 = arith.constant 0 : i32
        %dma_wait3A_499 = tpu.memref_slice %arg15[%dma_wait3A_486, %dma_wait3A_497, %dma_wait3A_498] : memref<3x8x1000xf32, #tpu.memory_space<vmem>> -> memref<1x8x1000xf32, #tpu.memory_space<vmem>>
        %dma_wait3A_500 = tpu.memref_squeeze %dma_wait3A_499 : memref<1x8x1000xf32, #tpu.memory_space<vmem>> -> memref<8x1000xf32, #tpu.memory_space<vmem>>
        tpu.wait_dma2 semaphore(%arg19 : memref<!tpu.dma_semaphore, #tpu.memory_space<semaphore_mem>>) src(%dma_wait3A_500 : memref<8x1000xf32, #tpu.memory_space<vmem>>) dst(%dma_wait3A_496 : memref<8x1000xf32, #tpu.memory_space<hbm>>)
        %mul3A_501 = arith.constant 500 : i32
        %mul3A_502 = arith.muli %add3A_129, %mul3A_501 : i32
        %dma_wait3A_503 = arith.constant 0 : i32
        %dma_wait3A_504 = arith.constant 0 : i32
        %dma_wait3A_505 = arith.constant 0 : i32
        %dma_wait3A_506 = tpu.memref_slice %arg15[%dma_wait3A_503, %dma_wait3A_504, %dma_wait3A_505] : memref<3x8x1000xf32, #tpu.memory_space<vmem>> -> memref<1x8x1000xf32, #tpu.memory_space<vmem>>
        %dma_wait3A_507 = tpu.memref_squeeze %dma_wait3A_506 : memref<1x8x1000xf32, #tpu.memory_space<vmem>> -> memref<8x1000xf32, #tpu.memory_space<vmem>>
        %dma_wait3A_508 = arith.constant 0 : i32
        %dma_wait3A_509 = tpu.memref_slice %arg7[%select_n3A, %dma_wait3A_508, %mul3A_502] : memref<4x64x250000xf32, #tpu.memory_space<hbm>> -> memref<1x8x1000xf32, #tpu.memory_space<hbm>>
        %dma_wait3A_510 = tpu.memref_squeeze %dma_wait3A_509 : memref<1x8x1000xf32, #tpu.memory_space<hbm>> -> memref<8x1000xf32, #tpu.memory_space<hbm>>
        %dma_wait3A_511 = arith.constant 0 : i32
        %dma_wait3A_512 = tpu.memref_slice %arg7[%select_n3A, %dma_wait3A_511, %mul3A_502] : memref<4x64x250000xf32, #tpu.memory_space<hbm>> -> memref<1x8x1000xf32, #tpu.memory_space<hbm>>
        %dma_wait3A_513 = tpu.memref_squeeze %dma_wait3A_512 : memref<1x8x1000xf32, #tpu.memory_space<hbm>> -> memref<8x1000xf32, #tpu.memory_space<hbm>>
        %dma_wait3A_514 = arith.constant 0 : i32
        %dma_wait3A_515 = arith.constant 0 : i32
        %dma_wait3A_516 = tpu.memref_slice %arg15[%dma_wait3A_503, %dma_wait3A_514, %dma_wait3A_515] : memref<3x8x1000xf32, #tpu.memory_space<vmem>> -> memref<1x8x1000xf32, #tpu.memory_space<vmem>>
        %dma_wait3A_517 = tpu.memref_squeeze %dma_wait3A_516 : memref<1x8x1000xf32, #tpu.memory_space<vmem>> -> memref<8x1000xf32, #tpu.memory_space<vmem>>
        tpu.wait_dma2 semaphore(%arg17 : memref<!tpu.dma_semaphore, #tpu.memory_space<semaphore_mem>>) src(%dma_wait3A_517 : memref<8x1000xf32, #tpu.memory_space<vmem>>) dst(%dma_wait3A_513 : memref<8x1000xf32, #tpu.memory_space<hbm>>)
        %mul3A_518 = arith.constant 500 : i32
        %mul3A_519 = arith.muli %add3A_129, %mul3A_518 : i32
        %dma_wait3A_520 = arith.constant 1 : i32
        %dma_wait3A_521 = arith.constant 0 : i32
        %dma_wait3A_522 = arith.constant 0 : i32
        %dma_wait3A_523 = tpu.memref_slice %arg15[%dma_wait3A_520, %dma_wait3A_521, %dma_wait3A_522] : memref<3x8x1000xf32, #tpu.memory_space<vmem>> -> memref<1x8x1000xf32, #tpu.memory_space<vmem>>
        %dma_wait3A_524 = tpu.memref_squeeze %dma_wait3A_523 : memref<1x8x1000xf32, #tpu.memory_space<vmem>> -> memref<8x1000xf32, #tpu.memory_space<vmem>>
        %dma_wait3A_525 = arith.constant 0 : i32
        %dma_wait3A_526 = tpu.memref_slice %arg7[%select_n3A, %dma_wait3A_525, %mul3A_519] : memref<4x64x250000xf32, #tpu.memory_space<hbm>> -> memref<1x8x1000xf32, #tpu.memory_space<hbm>>
        %dma_wait3A_527 = tpu.memref_squeeze %dma_wait3A_526 : memref<1x8x1000xf32, #tpu.memory_space<hbm>> -> memref<8x1000xf32, #tpu.memory_space<hbm>>
        %dma_wait3A_528 = arith.constant 0 : i32
        %dma_wait3A_529 = tpu.memref_slice %arg7[%select_n3A, %dma_wait3A_528, %mul3A_519] : memref<4x64x250000xf32, #tpu.memory_space<hbm>> -> memref<1x8x1000xf32, #tpu.memory_space<hbm>>
        %dma_wait3A_530 = tpu.memref_squeeze %dma_wait3A_529 : memref<1x8x1000xf32, #tpu.memory_space<hbm>> -> memref<8x1000xf32, #tpu.memory_space<hbm>>
        %dma_wait3A_531 = arith.constant 0 : i32
        %dma_wait3A_532 = arith.constant 0 : i32
        %dma_wait3A_533 = tpu.memref_slice %arg15[%dma_wait3A_520, %dma_wait3A_531, %dma_wait3A_532] : memref<3x8x1000xf32, #tpu.memory_space<vmem>> -> memref<1x8x1000xf32, #tpu.memory_space<vmem>>
        %dma_wait3A_534 = tpu.memref_squeeze %dma_wait3A_533 : memref<1x8x1000xf32, #tpu.memory_space<vmem>> -> memref<8x1000xf32, #tpu.memory_space<vmem>>
        tpu.wait_dma2 semaphore(%arg18 : memref<!tpu.dma_semaphore, #tpu.memory_space<semaphore_mem>>) src(%dma_wait3A_534 : memref<8x1000xf32, #tpu.memory_space<vmem>>) dst(%dma_wait3A_530 : memref<8x1000xf32, #tpu.memory_space<hbm>>)
        %while3A_535 = arith.constant 0 : i32
        %while3A_536 = arith.constant 0 : i32
        %while3A_537 = arith.subi %select_n3A_163, %while3A_536 : i32
        %while3A_538 = arith.addi %while3A_536, %while3A_537 : i32
        %while3A_539 = arith.constant 1 : i32
        %while3A_540 = arith.divsi %while3A_537, %while3A_539 : i32
        %while3A_541 = arith.muli %while3A_540, %while3A_539 : i32
        %while3A_542 = arith.addi %while3A_536, %while3A_541 : i32
        %while3A_543 = arith.constant 1 : i32
        scf.for %while3A_545 = %while3A_536 to %while3A_542 step %while3A_543  : i32 {
          %mul3A_546 = arith.constant 16 : i32
          %mul3A_547 = arith.muli %while3A_545, %mul3A_546 : i32
          %add3A_548 = vector.broadcast %mul3A_547 : i32 to vector<16xi32>
          %add3A_549 = arith.addi %add3A_548, %iota3A : vector<16xi32>
          %lt3A_550 = vector.broadcast %scan3A_135 : i32 to vector<16xi32>
          %lt3A_551 = arith.cmpi slt, %add3A_549, %lt3A_550 : vector<16xi32>
          %mul3A_552 = arith.constant 16 : i32
          %mul3A_553 = arith.muli %while3A_545, %mul3A_552 : i32
          %get3A = arith.index_cast %mul3A_553 : i32 to index
          %get3A_554 = tpu.vector_load %arg10[%get3A] {strides = array<i32>} : memref<1056xi32, #tpu.memory_space<vmem>>, vector<16xi32>,
          %broadcast_in_dim3A_555 = arith.constant 0.000000e+00 : f32
          %broadcast_in_dim3A_556 = vector.broadcast %broadcast_in_dim3A_555 : f32 to vector<16xf32>
          %broadcast_in_dim3A_557 = arith.constant 0 : i32
          %broadcast_in_dim3A_558 = vector.broadcast %broadcast_in_dim3A_557 : i32 to vector<16xi32>
          %broadcast_in_dim3A_559 = arith.constant 0 : i32
          %broadcast_in_dim3A_560 = vector.broadcast %broadcast_in_dim3A_559 : i32 to vector<16xi32>
          tpu.vector_store_idx %arg15[%broadcast_in_dim3A_558, %broadcast_in_dim3A_560, %get3A_554], %broadcast_in_dim3A_556 masked %lt3A_551 : memref<3x8x1000xf32, #tpu.memory_space<vmem>>[vector<16xi32>, vector<16xi32>, vector<16xi32>], vector<16xf32>, vector<16xi1>
          %broadcast_in_dim3A_561 = arith.constant 0 : i32
          %broadcast_in_dim3A_562 = vector.broadcast %broadcast_in_dim3A_561 : i32 to vector<16xi32>
          %broadcast_in_dim3A_563 = arith.constant 1 : i32
          %broadcast_in_dim3A_564 = vector.broadcast %broadcast_in_dim3A_563 : i32 to vector<16xi32>
          tpu.vector_store_idx %arg15[%broadcast_in_dim3A_562, %broadcast_in_dim3A_564, %get3A_554], %broadcast_in_dim3A_556 masked %lt3A_551 : memref<3x8x1000xf32, #tpu.memory_space<vmem>>[vector<16xi32>, vector<16xi32>, vector<16xi32>], vector<16xf32>, vector<16xi1>
          %broadcast_in_dim3A_565 = arith.constant 0 : i32
          %broadcast_in_dim3A_566 = vector.broadcast %broadcast_in_dim3A_565 : i32 to vector<16xi32>
          %broadcast_in_dim3A_567 = arith.constant 2 : i32
          %broadcast_in_dim3A_568 = vector.broadcast %broadcast_in_dim3A_567 : i32 to vector<16xi32>
          tpu.vector_store_idx %arg15[%broadcast_in_dim3A_566, %broadcast_in_dim3A_568, %get3A_554], %broadcast_in_dim3A_556 masked %lt3A_551 : memref<3x8x1000xf32, #tpu.memory_space<vmem>>[vector<16xi32>, vector<16xi32>, vector<16xi32>], vector<16xf32>, vector<16xi1>
          %broadcast_in_dim3A_569 = arith.constant 0 : i32
          %broadcast_in_dim3A_570 = vector.broadcast %broadcast_in_dim3A_569 : i32 to vector<16xi32>
          %broadcast_in_dim3A_571 = arith.constant 3 : i32
          %broadcast_in_dim3A_572 = vector.broadcast %broadcast_in_dim3A_571 : i32 to vector<16xi32>
          tpu.vector_store_idx %arg15[%broadcast_in_dim3A_570, %broadcast_in_dim3A_572, %get3A_554], %broadcast_in_dim3A_556 masked %lt3A_551 : memref<3x8x1000xf32, #tpu.memory_space<vmem>>[vector<16xi32>, vector<16xi32>, vector<16xi32>], vector<16xf32>, vector<16xi1>
          %broadcast_in_dim3A_573 = arith.constant 0 : i32
          %broadcast_in_dim3A_574 = vector.broadcast %broadcast_in_dim3A_573 : i32 to vector<16xi32>
          %broadcast_in_dim3A_575 = arith.constant 4 : i32
          %broadcast_in_dim3A_576 = vector.broadcast %broadcast_in_dim3A_575 : i32 to vector<16xi32>
          tpu.vector_store_idx %arg15[%broadcast_in_dim3A_574, %broadcast_in_dim3A_576, %get3A_554], %broadcast_in_dim3A_556 masked %lt3A_551 : memref<3x8x1000xf32, #tpu.memory_space<vmem>>[vector<16xi32>, vector<16xi32>, vector<16xi32>], vector<16xf32>, vector<16xi1>
          %broadcast_in_dim3A_577 = arith.constant 0 : i32
          %broadcast_in_dim3A_578 = vector.broadcast %broadcast_in_dim3A_577 : i32 to vector<16xi32>
          %broadcast_in_dim3A_579 = arith.constant 5 : i32
          %broadcast_in_dim3A_580 = vector.broadcast %broadcast_in_dim3A_579 : i32 to vector<16xi32>
          tpu.vector_store_idx %arg15[%broadcast_in_dim3A_578, %broadcast_in_dim3A_580, %get3A_554], %broadcast_in_dim3A_556 masked %lt3A_551 : memref<3x8x1000xf32, #tpu.memory_space<vmem>>[vector<16xi32>, vector<16xi32>, vector<16xi32>], vector<16xf32>, vector<16xi1>
          %broadcast_in_dim3A_581 = arith.constant 0 : i32
          %broadcast_in_dim3A_582 = vector.broadcast %broadcast_in_dim3A_581 : i32 to vector<16xi32>
          %broadcast_in_dim3A_583 = arith.constant 6 : i32
          %broadcast_in_dim3A_584 = vector.broadcast %broadcast_in_dim3A_583 : i32 to vector<16xi32>
          tpu.vector_store_idx %arg15[%broadcast_in_dim3A_582, %broadcast_in_dim3A_584, %get3A_554], %broadcast_in_dim3A_556 masked %lt3A_551 : memref<3x8x1000xf32, #tpu.memory_space<vmem>>[vector<16xi32>, vector<16xi32>, vector<16xi32>], vector<16xf32>, vector<16xi1>
          %broadcast_in_dim3A_585 = arith.constant 0 : i32
          %broadcast_in_dim3A_586 = vector.broadcast %broadcast_in_dim3A_585 : i32 to vector<16xi32>
          %broadcast_in_dim3A_587 = arith.constant 7 : i32
          %broadcast_in_dim3A_588 = vector.broadcast %broadcast_in_dim3A_587 : i32 to vector<16xi32>
          tpu.vector_store_idx %arg15[%broadcast_in_dim3A_586, %broadcast_in_dim3A_588, %get3A_554], %broadcast_in_dim3A_556 masked %lt3A_551 : memref<3x8x1000xf32, #tpu.memory_space<vmem>>[vector<16xi32>, vector<16xi32>, vector<16xi32>], vector<16xf32>, vector<16xi1>
          %broadcast_in_dim3A_589 = arith.constant 1 : i32
          %broadcast_in_dim3A_590 = vector.broadcast %broadcast_in_dim3A_589 : i32 to vector<16xi32>
          %broadcast_in_dim3A_591 = arith.constant 0 : i32
          %broadcast_in_dim3A_592 = vector.broadcast %broadcast_in_dim3A_591 : i32 to vector<16xi32>
          tpu.vector_store_idx %arg15[%broadcast_in_dim3A_590, %broadcast_in_dim3A_592, %get3A_554], %broadcast_in_dim3A_556 masked %lt3A_551 : memref<3x8x1000xf32, #tpu.memory_space<vmem>>[vector<16xi32>, vector<16xi32>, vector<16xi32>], vector<16xf32>, vector<16xi1>
          %broadcast_in_dim3A_593 = arith.constant 1 : i32
          %broadcast_in_dim3A_594 = vector.broadcast %broadcast_in_dim3A_593 : i32 to vector<16xi32>
          %broadcast_in_dim3A_595 = arith.constant 1 : i32
          %broadcast_in_dim3A_596 = vector.broadcast %broadcast_in_dim3A_595 : i32 to vector<16xi32>
          tpu.vector_store_idx %arg15[%broadcast_in_dim3A_594, %broadcast_in_dim3A_596, %get3A_554], %broadcast_in_dim3A_556 masked %lt3A_551 : memref<3x8x1000xf32, #tpu.memory_space<vmem>>[vector<16xi32>, vector<16xi32>, vector<16xi32>], vector<16xf32>, vector<16xi1>
          %broadcast_in_dim3A_597 = arith.constant 1 : i32
          %broadcast_in_dim3A_598 = vector.broadcast %broadcast_in_dim3A_597 : i32 to vector<16xi32>
          %broadcast_in_dim3A_599 = arith.constant 2 : i32
          %broadcast_in_dim3A_600 = vector.broadcast %broadcast_in_dim3A_599 : i32 to vector<16xi32>
          tpu.vector_store_idx %arg15[%broadcast_in_dim3A_598, %broadcast_in_dim3A_600, %get3A_554], %broadcast_in_dim3A_556 masked %lt3A_551 : memref<3x8x1000xf32, #tpu.memory_space<vmem>>[vector<16xi32>, vector<16xi32>, vector<16xi32>], vector<16xf32>, vector<16xi1>
          %broadcast_in_dim3A_601 = arith.constant 1 : i32
          %broadcast_in_dim3A_602 = vector.broadcast %broadcast_in_dim3A_601 : i32 to vector<16xi32>
          %broadcast_in_dim3A_603 = arith.constant 3 : i32
          %broadcast_in_dim3A_604 = vector.broadcast %broadcast_in_dim3A_603 : i32 to vector<16xi32>
          tpu.vector_store_idx %arg15[%broadcast_in_dim3A_602, %broadcast_in_dim3A_604, %get3A_554], %broadcast_in_dim3A_556 masked %lt3A_551 : memref<3x8x1000xf32, #tpu.memory_space<vmem>>[vector<16xi32>, vector<16xi32>, vector<16xi32>], vector<16xf32>, vector<16xi1>
          %broadcast_in_dim3A_605 = arith.constant 1 : i32
          %broadcast_in_dim3A_606 = vector.broadcast %broadcast_in_dim3A_605 : i32 to vector<16xi32>
          %broadcast_in_dim3A_607 = arith.constant 4 : i32
          %broadcast_in_dim3A_608 = vector.broadcast %broadcast_in_dim3A_607 : i32 to vector<16xi32>
          tpu.vector_store_idx %arg15[%broadcast_in_dim3A_606, %broadcast_in_dim3A_608, %get3A_554], %broadcast_in_dim3A_556 masked %lt3A_551 : memref<3x8x1000xf32, #tpu.memory_space<vmem>>[vector<16xi32>, vector<16xi32>, vector<16xi32>], vector<16xf32>, vector<16xi1>
          %broadcast_in_dim3A_609 = arith.constant 1 : i32
          %broadcast_in_dim3A_610 = vector.broadcast %broadcast_in_dim3A_609 : i32 to vector<16xi32>
          %broadcast_in_dim3A_611 = arith.constant 5 : i32
          %broadcast_in_dim3A_612 = vector.broadcast %broadcast_in_dim3A_611 : i32 to vector<16xi32>
          tpu.vector_store_idx %arg15[%broadcast_in_dim3A_610, %broadcast_in_dim3A_612, %get3A_554], %broadcast_in_dim3A_556 masked %lt3A_551 : memref<3x8x1000xf32, #tpu.memory_space<vmem>>[vector<16xi32>, vector<16xi32>, vector<16xi32>], vector<16xf32>, vector<16xi1>
          %broadcast_in_dim3A_613 = arith.constant 1 : i32
          %broadcast_in_dim3A_614 = vector.broadcast %broadcast_in_dim3A_613 : i32 to vector<16xi32>
          %broadcast_in_dim3A_615 = arith.constant 6 : i32
          %broadcast_in_dim3A_616 = vector.broadcast %broadcast_in_dim3A_615 : i32 to vector<16xi32>
          tpu.vector_store_idx %arg15[%broadcast_in_dim3A_614, %broadcast_in_dim3A_616, %get3A_554], %broadcast_in_dim3A_556 masked %lt3A_551 : memref<3x8x1000xf32, #tpu.memory_space<vmem>>[vector<16xi32>, vector<16xi32>, vector<16xi32>], vector<16xf32>, vector<16xi1>
          %broadcast_in_dim3A_617 = arith.constant 1 : i32
          %broadcast_in_dim3A_618 = vector.broadcast %broadcast_in_dim3A_617 : i32 to vector<16xi32>
          %broadcast_in_dim3A_619 = arith.constant 7 : i32
          %broadcast_in_dim3A_620 = vector.broadcast %broadcast_in_dim3A_619 : i32 to vector<16xi32>
          tpu.vector_store_idx %arg15[%broadcast_in_dim3A_618, %broadcast_in_dim3A_620, %get3A_554], %broadcast_in_dim3A_556 masked %lt3A_551 : memref<3x8x1000xf32, #tpu.memory_space<vmem>>[vector<16xi32>, vector<16xi32>, vector<16xi32>], vector<16xf32>, vector<16xi1>
          %broadcast_in_dim3A_621 = arith.constant 2 : i32
          %broadcast_in_dim3A_622 = vector.broadcast %broadcast_in_dim3A_621 : i32 to vector<16xi32>
          %broadcast_in_dim3A_623 = arith.constant 0 : i32
          %broadcast_in_dim3A_624 = vector.broadcast %broadcast_in_dim3A_623 : i32 to vector<16xi32>
          tpu.vector_store_idx %arg15[%broadcast_in_dim3A_622, %broadcast_in_dim3A_624, %get3A_554], %broadcast_in_dim3A_556 masked %lt3A_551 : memref<3x8x1000xf32, #tpu.memory_space<vmem>>[vector<16xi32>, vector<16xi32>, vector<16xi32>], vector<16xf32>, vector<16xi1>
          %broadcast_in_dim3A_625 = arith.constant 2 : i32
          %broadcast_in_dim3A_626 = vector.broadcast %broadcast_in_dim3A_625 : i32 to vector<16xi32>
          %broadcast_in_dim3A_627 = arith.constant 1 : i32
          %broadcast_in_dim3A_628 = vector.broadcast %broadcast_in_dim3A_627 : i32 to vector<16xi32>
          tpu.vector_store_idx %arg15[%broadcast_in_dim3A_626, %broadcast_in_dim3A_628, %get3A_554], %broadcast_in_dim3A_556 masked %lt3A_551 : memref<3x8x1000xf32, #tpu.memory_space<vmem>>[vector<16xi32>, vector<16xi32>, vector<16xi32>], vector<16xf32>, vector<16xi1>
          %broadcast_in_dim3A_629 = arith.constant 2 : i32
          %broadcast_in_dim3A_630 = vector.broadcast %broadcast_in_dim3A_629 : i32 to vector<16xi32>
          %broadcast_in_dim3A_631 = arith.constant 2 : i32
          %broadcast_in_dim3A_632 = vector.broadcast %broadcast_in_dim3A_631 : i32 to vector<16xi32>
          tpu.vector_store_idx %arg15[%broadcast_in_dim3A_630, %broadcast_in_dim3A_632, %get3A_554], %broadcast_in_dim3A_556 masked %lt3A_551 : memref<3x8x1000xf32, #tpu.memory_space<vmem>>[vector<16xi32>, vector<16xi32>, vector<16xi32>], vector<16xf32>, vector<16xi1>
          %broadcast_in_dim3A_633 = arith.constant 2 : i32
          %broadcast_in_dim3A_634 = vector.broadcast %broadcast_in_dim3A_633 : i32 to vector<16xi32>
          %broadcast_in_dim3A_635 = arith.constant 3 : i32
          %broadcast_in_dim3A_636 = vector.broadcast %broadcast_in_dim3A_635 : i32 to vector<16xi32>
          tpu.vector_store_idx %arg15[%broadcast_in_dim3A_634, %broadcast_in_dim3A_636, %get3A_554], %broadcast_in_dim3A_556 masked %lt3A_551 : memref<3x8x1000xf32, #tpu.memory_space<vmem>>[vector<16xi32>, vector<16xi32>, vector<16xi32>], vector<16xf32>, vector<16xi1>
          %broadcast_in_dim3A_637 = arith.constant 2 : i32
          %broadcast_in_dim3A_638 = vector.broadcast %broadcast_in_dim3A_637 : i32 to vector<16xi32>
          %broadcast_in_dim3A_639 = arith.constant 4 : i32
          %broadcast_in_dim3A_640 = vector.broadcast %broadcast_in_dim3A_639 : i32 to vector<16xi32>
          tpu.vector_store_idx %arg15[%broadcast_in_dim3A_638, %broadcast_in_dim3A_640, %get3A_554], %broadcast_in_dim3A_556 masked %lt3A_551 : memref<3x8x1000xf32, #tpu.memory_space<vmem>>[vector<16xi32>, vector<16xi32>, vector<16xi32>], vector<16xf32>, vector<16xi1>
          %broadcast_in_dim3A_641 = arith.constant 2 : i32
          %broadcast_in_dim3A_642 = vector.broadcast %broadcast_in_dim3A_641 : i32 to vector<16xi32>
          %broadcast_in_dim3A_643 = arith.constant 5 : i32
          %broadcast_in_dim3A_644 = vector.broadcast %broadcast_in_dim3A_643 : i32 to vector<16xi32>
          tpu.vector_store_idx %arg15[%broadcast_in_dim3A_642, %broadcast_in_dim3A_644, %get3A_554], %broadcast_in_dim3A_556 masked %lt3A_551 : memref<3x8x1000xf32, #tpu.memory_space<vmem>>[vector<16xi32>, vector<16xi32>, vector<16xi32>], vector<16xf32>, vector<16xi1>
          %broadcast_in_dim3A_645 = arith.constant 2 : i32
          %broadcast_in_dim3A_646 = vector.broadcast %broadcast_in_dim3A_645 : i32 to vector<16xi32>
          %broadcast_in_dim3A_647 = arith.constant 6 : i32
          %broadcast_in_dim3A_648 = vector.broadcast %broadcast_in_dim3A_647 : i32 to vector<16xi32>
          tpu.vector_store_idx %arg15[%broadcast_in_dim3A_646, %broadcast_in_dim3A_648, %get3A_554], %broadcast_in_dim3A_556 masked %lt3A_551 : memref<3x8x1000xf32, #tpu.memory_space<vmem>>[vector<16xi32>, vector<16xi32>, vector<16xi32>], vector<16xf32>, vector<16xi1>
          %broadcast_in_dim3A_649 = arith.constant 2 : i32
          %broadcast_in_dim3A_650 = vector.broadcast %broadcast_in_dim3A_649 : i32 to vector<16xi32>
          %broadcast_in_dim3A_651 = arith.constant 7 : i32
          %broadcast_in_dim3A_652 = vector.broadcast %broadcast_in_dim3A_651 : i32 to vector<16xi32>
          tpu.vector_store_idx %arg15[%broadcast_in_dim3A_650, %broadcast_in_dim3A_652, %get3A_554], %broadcast_in_dim3A_556 masked %lt3A_551 : memref<3x8x1000xf32, #tpu.memory_space<vmem>>[vector<16xi32>, vector<16xi32>, vector<16xi32>], vector<16xf32>, vector<16xi1>
        }
        %while3A_544 = arith.constant 1 : i32
        scf.for %while3A_545 = %while3A_542 to %while3A_538 step %while3A_544  : i32 {
          %mul3A_546 = arith.constant 16 : i32
          %mul3A_547 = arith.muli %while3A_545, %mul3A_546 : i32
          %add3A_548 = vector.broadcast %mul3A_547 : i32 to vector<16xi32>
          %add3A_549 = arith.addi %add3A_548, %iota3A : vector<16xi32>
          %lt3A_550 = vector.broadcast %scan3A_135 : i32 to vector<16xi32>
          %lt3A_551 = arith.cmpi slt, %add3A_549, %lt3A_550 : vector<16xi32>
          %mul3A_552 = arith.constant 16 : i32
          %mul3A_553 = arith.muli %while3A_545, %mul3A_552 : i32
          %get3A = arith.index_cast %mul3A_553 : i32 to index
          %get3A_554 = tpu.vector_load %arg10[%get3A] {strides = array<i32>} : memref<1056xi32, #tpu.memory_space<vmem>>, vector<16xi32>,
          %broadcast_in_dim3A_555 = arith.constant 0.000000e+00 : f32
          %broadcast_in_dim3A_556 = vector.broadcast %broadcast_in_dim3A_555 : f32 to vector<16xf32>
          %broadcast_in_dim3A_557 = arith.constant 0 : i32
          %broadcast_in_dim3A_558 = vector.broadcast %broadcast_in_dim3A_557 : i32 to vector<16xi32>
          %broadcast_in_dim3A_559 = arith.constant 0 : i32
          %broadcast_in_dim3A_560 = vector.broadcast %broadcast_in_dim3A_559 : i32 to vector<16xi32>
          tpu.vector_store_idx %arg15[%broadcast_in_dim3A_558, %broadcast_in_dim3A_560, %get3A_554], %broadcast_in_dim3A_556 masked %lt3A_551 : memref<3x8x1000xf32, #tpu.memory_space<vmem>>[vector<16xi32>, vector<16xi32>, vector<16xi32>], vector<16xf32>, vector<16xi1>
          %broadcast_in_dim3A_561 = arith.constant 0 : i32
          %broadcast_in_dim3A_562 = vector.broadcast %broadcast_in_dim3A_561 : i32 to vector<16xi32>
          %broadcast_in_dim3A_563 = arith.constant 1 : i32
          %broadcast_in_dim3A_564 = vector.broadcast %broadcast_in_dim3A_563 : i32 to vector<16xi32>
          tpu.vector_store_idx %arg15[%broadcast_in_dim3A_562, %broadcast_in_dim3A_564, %get3A_554], %broadcast_in_dim3A_556 masked %lt3A_551 : memref<3x8x1000xf32, #tpu.memory_space<vmem>>[vector<16xi32>, vector<16xi32>, vector<16xi32>], vector<16xf32>, vector<16xi1>
          %broadcast_in_dim3A_565 = arith.constant 0 : i32
          %broadcast_in_dim3A_566 = vector.broadcast %broadcast_in_dim3A_565 : i32 to vector<16xi32>
          %broadcast_in_dim3A_567 = arith.constant 2 : i32
          %broadcast_in_dim3A_568 = vector.broadcast %broadcast_in_dim3A_567 : i32 to vector<16xi32>
          tpu.vector_store_idx %arg15[%broadcast_in_dim3A_566, %broadcast_in_dim3A_568, %get3A_554], %broadcast_in_dim3A_556 masked %lt3A_551 : memref<3x8x1000xf32, #tpu.memory_space<vmem>>[vector<16xi32>, vector<16xi32>, vector<16xi32>], vector<16xf32>, vector<16xi1>
          %broadcast_in_dim3A_569 = arith.constant 0 : i32
          %broadcast_in_dim3A_570 = vector.broadcast %broadcast_in_dim3A_569 : i32 to vector<16xi32>
          %broadcast_in_dim3A_571 = arith.constant 3 : i32
          %broadcast_in_dim3A_572 = vector.broadcast %broadcast_in_dim3A_571 : i32 to vector<16xi32>
          tpu.vector_store_idx %arg15[%broadcast_in_dim3A_570, %broadcast_in_dim3A_572, %get3A_554], %broadcast_in_dim3A_556 masked %lt3A_551 : memref<3x8x1000xf32, #tpu.memory_space<vmem>>[vector<16xi32>, vector<16xi32>, vector<16xi32>], vector<16xf32>, vector<16xi1>
          %broadcast_in_dim3A_573 = arith.constant 0 : i32
          %broadcast_in_dim3A_574 = vector.broadcast %broadcast_in_dim3A_573 : i32 to vector<16xi32>
          %broadcast_in_dim3A_575 = arith.constant 4 : i32
          %broadcast_in_dim3A_576 = vector.broadcast %broadcast_in_dim3A_575 : i32 to vector<16xi32>
          tpu.vector_store_idx %arg15[%broadcast_in_dim3A_574, %broadcast_in_dim3A_576, %get3A_554], %broadcast_in_dim3A_556 masked %lt3A_551 : memref<3x8x1000xf32, #tpu.memory_space<vmem>>[vector<16xi32>, vector<16xi32>, vector<16xi32>], vector<16xf32>, vector<16xi1>
          %broadcast_in_dim3A_577 = arith.constant 0 : i32
          %broadcast_in_dim3A_578 = vector.broadcast %broadcast_in_dim3A_577 : i32 to vector<16xi32>
          %broadcast_in_dim3A_579 = arith.constant 5 : i32
          %broadcast_in_dim3A_580 = vector.broadcast %broadcast_in_dim3A_579 : i32 to vector<16xi32>
          tpu.vector_store_idx %arg15[%broadcast_in_dim3A_578, %broadcast_in_dim3A_580, %get3A_554], %broadcast_in_dim3A_556 masked %lt3A_551 : memref<3x8x1000xf32, #tpu.memory_space<vmem>>[vector<16xi32>, vector<16xi32>, vector<16xi32>], vector<16xf32>, vector<16xi1>
          %broadcast_in_dim3A_581 = arith.constant 0 : i32
          %broadcast_in_dim3A_582 = vector.broadcast %broadcast_in_dim3A_581 : i32 to vector<16xi32>
          %broadcast_in_dim3A_583 = arith.constant 6 : i32
          %broadcast_in_dim3A_584 = vector.broadcast %broadcast_in_dim3A_583 : i32 to vector<16xi32>
          tpu.vector_store_idx %arg15[%broadcast_in_dim3A_582, %broadcast_in_dim3A_584, %get3A_554], %broadcast_in_dim3A_556 masked %lt3A_551 : memref<3x8x1000xf32, #tpu.memory_space<vmem>>[vector<16xi32>, vector<16xi32>, vector<16xi32>], vector<16xf32>, vector<16xi1>
          %broadcast_in_dim3A_585 = arith.constant 0 : i32
          %broadcast_in_dim3A_586 = vector.broadcast %broadcast_in_dim3A_585 : i32 to vector<16xi32>
          %broadcast_in_dim3A_587 = arith.constant 7 : i32
          %broadcast_in_dim3A_588 = vector.broadcast %broadcast_in_dim3A_587 : i32 to vector<16xi32>
          tpu.vector_store_idx %arg15[%broadcast_in_dim3A_586, %broadcast_in_dim3A_588, %get3A_554], %broadcast_in_dim3A_556 masked %lt3A_551 : memref<3x8x1000xf32, #tpu.memory_space<vmem>>[vector<16xi32>, vector<16xi32>, vector<16xi32>], vector<16xf32>, vector<16xi1>
          %broadcast_in_dim3A_589 = arith.constant 1 : i32
          %broadcast_in_dim3A_590 = vector.broadcast %broadcast_in_dim3A_589 : i32 to vector<16xi32>
          %broadcast_in_dim3A_591 = arith.constant 0 : i32
          %broadcast_in_dim3A_592 = vector.broadcast %broadcast_in_dim3A_591 : i32 to vector<16xi32>
          tpu.vector_store_idx %arg15[%broadcast_in_dim3A_590, %broadcast_in_dim3A_592, %get3A_554], %broadcast_in_dim3A_556 masked %lt3A_551 : memref<3x8x1000xf32, #tpu.memory_space<vmem>>[vector<16xi32>, vector<16xi32>, vector<16xi32>], vector<16xf32>, vector<16xi1>
          %broadcast_in_dim3A_593 = arith.constant 1 : i32
          %broadcast_in_dim3A_594 = vector.broadcast %broadcast_in_dim3A_593 : i32 to vector<16xi32>
          %broadcast_in_dim3A_595 = arith.constant 1 : i32
          %broadcast_in_dim3A_596 = vector.broadcast %broadcast_in_dim3A_595 : i32 to vector<16xi32>
          tpu.vector_store_idx %arg15[%broadcast_in_dim3A_594, %broadcast_in_dim3A_596, %get3A_554], %broadcast_in_dim3A_556 masked %lt3A_551 : memref<3x8x1000xf32, #tpu.memory_space<vmem>>[vector<16xi32>, vector<16xi32>, vector<16xi32>], vector<16xf32>, vector<16xi1>
          %broadcast_in_dim3A_597 = arith.constant 1 : i32
          %broadcast_in_dim3A_598 = vector.broadcast %broadcast_in_dim3A_597 : i32 to vector<16xi32>
          %broadcast_in_dim3A_599 = arith.constant 2 : i32
          %broadcast_in_dim3A_600 = vector.broadcast %broadcast_in_dim3A_599 : i32 to vector<16xi32>
          tpu.vector_store_idx %arg15[%broadcast_in_dim3A_598, %broadcast_in_dim3A_600, %get3A_554], %broadcast_in_dim3A_556 masked %lt3A_551 : memref<3x8x1000xf32, #tpu.memory_space<vmem>>[vector<16xi32>, vector<16xi32>, vector<16xi32>], vector<16xf32>, vector<16xi1>
          %broadcast_in_dim3A_601 = arith.constant 1 : i32
          %broadcast_in_dim3A_602 = vector.broadcast %broadcast_in_dim3A_601 : i32 to vector<16xi32>
          %broadcast_in_dim3A_603 = arith.constant 3 : i32
          %broadcast_in_dim3A_604 = vector.broadcast %broadcast_in_dim3A_603 : i32 to vector<16xi32>
          tpu.vector_store_idx %arg15[%broadcast_in_dim3A_602, %broadcast_in_dim3A_604, %get3A_554], %broadcast_in_dim3A_556 masked %lt3A_551 : memref<3x8x1000xf32, #tpu.memory_space<vmem>>[vector<16xi32>, vector<16xi32>, vector<16xi32>], vector<16xf32>, vector<16xi1>
          %broadcast_in_dim3A_605 = arith.constant 1 : i32
          %broadcast_in_dim3A_606 = vector.broadcast %broadcast_in_dim3A_605 : i32 to vector<16xi32>
          %broadcast_in_dim3A_607 = arith.constant 4 : i32
          %broadcast_in_dim3A_608 = vector.broadcast %broadcast_in_dim3A_607 : i32 to vector<16xi32>
          tpu.vector_store_idx %arg15[%broadcast_in_dim3A_606, %broadcast_in_dim3A_608, %get3A_554], %broadcast_in_dim3A_556 masked %lt3A_551 : memref<3x8x1000xf32, #tpu.memory_space<vmem>>[vector<16xi32>, vector<16xi32>, vector<16xi32>], vector<16xf32>, vector<16xi1>
          %broadcast_in_dim3A_609 = arith.constant 1 : i32
          %broadcast_in_dim3A_610 = vector.broadcast %broadcast_in_dim3A_609 : i32 to vector<16xi32>
          %broadcast_in_dim3A_611 = arith.constant 5 : i32
          %broadcast_in_dim3A_612 = vector.broadcast %broadcast_in_dim3A_611 : i32 to vector<16xi32>
          tpu.vector_store_idx %arg15[%broadcast_in_dim3A_610, %broadcast_in_dim3A_612, %get3A_554], %broadcast_in_dim3A_556 masked %lt3A_551 : memref<3x8x1000xf32, #tpu.memory_space<vmem>>[vector<16xi32>, vector<16xi32>, vector<16xi32>], vector<16xf32>, vector<16xi1>
          %broadcast_in_dim3A_613 = arith.constant 1 : i32
          %broadcast_in_dim3A_614 = vector.broadcast %broadcast_in_dim3A_613 : i32 to vector<16xi32>
          %broadcast_in_dim3A_615 = arith.constant 6 : i32
          %broadcast_in_dim3A_616 = vector.broadcast %broadcast_in_dim3A_615 : i32 to vector<16xi32>
          tpu.vector_store_idx %arg15[%broadcast_in_dim3A_614, %broadcast_in_dim3A_616, %get3A_554], %broadcast_in_dim3A_556 masked %lt3A_551 : memref<3x8x1000xf32, #tpu.memory_space<vmem>>[vector<16xi32>, vector<16xi32>, vector<16xi32>], vector<16xf32>, vector<16xi1>
          %broadcast_in_dim3A_617 = arith.constant 1 : i32
          %broadcast_in_dim3A_618 = vector.broadcast %broadcast_in_dim3A_617 : i32 to vector<16xi32>
          %broadcast_in_dim3A_619 = arith.constant 7 : i32
          %broadcast_in_dim3A_620 = vector.broadcast %broadcast_in_dim3A_619 : i32 to vector<16xi32>
          tpu.vector_store_idx %arg15[%broadcast_in_dim3A_618, %broadcast_in_dim3A_620, %get3A_554], %broadcast_in_dim3A_556 masked %lt3A_551 : memref<3x8x1000xf32, #tpu.memory_space<vmem>>[vector<16xi32>, vector<16xi32>, vector<16xi32>], vector<16xf32>, vector<16xi1>
          %broadcast_in_dim3A_621 = arith.constant 2 : i32
          %broadcast_in_dim3A_622 = vector.broadcast %broadcast_in_dim3A_621 : i32 to vector<16xi32>
          %broadcast_in_dim3A_623 = arith.constant 0 : i32
          %broadcast_in_dim3A_624 = vector.broadcast %broadcast_in_dim3A_623 : i32 to vector<16xi32>
          tpu.vector_store_idx %arg15[%broadcast_in_dim3A_622, %broadcast_in_dim3A_624, %get3A_554], %broadcast_in_dim3A_556 masked %lt3A_551 : memref<3x8x1000xf32, #tpu.memory_space<vmem>>[vector<16xi32>, vector<16xi32>, vector<16xi32>], vector<16xf32>, vector<16xi1>
          %broadcast_in_dim3A_625 = arith.constant 2 : i32
          %broadcast_in_dim3A_626 = vector.broadcast %broadcast_in_dim3A_625 : i32 to vector<16xi32>
          %broadcast_in_dim3A_627 = arith.constant 1 : i32
          %broadcast_in_dim3A_628 = vector.broadcast %broadcast_in_dim3A_627 : i32 to vector<16xi32>
          tpu.vector_store_idx %arg15[%broadcast_in_dim3A_626, %broadcast_in_dim3A_628, %get3A_554], %broadcast_in_dim3A_556 masked %lt3A_551 : memref<3x8x1000xf32, #tpu.memory_space<vmem>>[vector<16xi32>, vector<16xi32>, vector<16xi32>], vector<16xf32>, vector<16xi1>
          %broadcast_in_dim3A_629 = arith.constant 2 : i32
          %broadcast_in_dim3A_630 = vector.broadcast %broadcast_in_dim3A_629 : i32 to vector<16xi32>
          %broadcast_in_dim3A_631 = arith.constant 2 : i32
          %broadcast_in_dim3A_632 = vector.broadcast %broadcast_in_dim3A_631 : i32 to vector<16xi32>
          tpu.vector_store_idx %arg15[%broadcast_in_dim3A_630, %broadcast_in_dim3A_632, %get3A_554], %broadcast_in_dim3A_556 masked %lt3A_551 : memref<3x8x1000xf32, #tpu.memory_space<vmem>>[vector<16xi32>, vector<16xi32>, vector<16xi32>], vector<16xf32>, vector<16xi1>
          %broadcast_in_dim3A_633 = arith.constant 2 : i32
          %broadcast_in_dim3A_634 = vector.broadcast %broadcast_in_dim3A_633 : i32 to vector<16xi32>
          %broadcast_in_dim3A_635 = arith.constant 3 : i32
          %broadcast_in_dim3A_636 = vector.broadcast %broadcast_in_dim3A_635 : i32 to vector<16xi32>
          tpu.vector_store_idx %arg15[%broadcast_in_dim3A_634, %broadcast_in_dim3A_636, %get3A_554], %broadcast_in_dim3A_556 masked %lt3A_551 : memref<3x8x1000xf32, #tpu.memory_space<vmem>>[vector<16xi32>, vector<16xi32>, vector<16xi32>], vector<16xf32>, vector<16xi1>
          %broadcast_in_dim3A_637 = arith.constant 2 : i32
          %broadcast_in_dim3A_638 = vector.broadcast %broadcast_in_dim3A_637 : i32 to vector<16xi32>
          %broadcast_in_dim3A_639 = arith.constant 4 : i32
          %broadcast_in_dim3A_640 = vector.broadcast %broadcast_in_dim3A_639 : i32 to vector<16xi32>
          tpu.vector_store_idx %arg15[%broadcast_in_dim3A_638, %broadcast_in_dim3A_640, %get3A_554], %broadcast_in_dim3A_556 masked %lt3A_551 : memref<3x8x1000xf32, #tpu.memory_space<vmem>>[vector<16xi32>, vector<16xi32>, vector<16xi32>], vector<16xf32>, vector<16xi1>
          %broadcast_in_dim3A_641 = arith.constant 2 : i32
          %broadcast_in_dim3A_642 = vector.broadcast %broadcast_in_dim3A_641 : i32 to vector<16xi32>
          %broadcast_in_dim3A_643 = arith.constant 5 : i32
          %broadcast_in_dim3A_644 = vector.broadcast %broadcast_in_dim3A_643 : i32 to vector<16xi32>
          tpu.vector_store_idx %arg15[%broadcast_in_dim3A_642, %broadcast_in_dim3A_644, %get3A_554], %broadcast_in_dim3A_556 masked %lt3A_551 : memref<3x8x1000xf32, #tpu.memory_space<vmem>>[vector<16xi32>, vector<16xi32>, vector<16xi32>], vector<16xf32>, vector<16xi1>
          %broadcast_in_dim3A_645 = arith.constant 2 : i32
          %broadcast_in_dim3A_646 = vector.broadcast %broadcast_in_dim3A_645 : i32 to vector<16xi32>
          %broadcast_in_dim3A_647 = arith.constant 6 : i32
          %broadcast_in_dim3A_648 = vector.broadcast %broadcast_in_dim3A_647 : i32 to vector<16xi32>
          tpu.vector_store_idx %arg15[%broadcast_in_dim3A_646, %broadcast_in_dim3A_648, %get3A_554], %broadcast_in_dim3A_556 masked %lt3A_551 : memref<3x8x1000xf32, #tpu.memory_space<vmem>>[vector<16xi32>, vector<16xi32>, vector<16xi32>], vector<16xf32>, vector<16xi1>
          %broadcast_in_dim3A_649 = arith.constant 2 : i32
          %broadcast_in_dim3A_650 = vector.broadcast %broadcast_in_dim3A_649 : i32 to vector<16xi32>
          %broadcast_in_dim3A_651 = arith.constant 7 : i32
          %broadcast_in_dim3A_652 = vector.broadcast %broadcast_in_dim3A_651 : i32 to vector<16xi32>
          tpu.vector_store_idx %arg15[%broadcast_in_dim3A_650, %broadcast_in_dim3A_652, %get3A_554], %broadcast_in_dim3A_556 masked %lt3A_551 : memref<3x8x1000xf32, #tpu.memory_space<vmem>>[vector<16xi32>, vector<16xi32>, vector<16xi32>], vector<16xf32>, vector<16xi1>
        }
      } else {
      }
    }
    %scan3A_98 = arith.constant 32 : i32
    return
  }
}

</mosaic_0001>

<sc_bundles>
// kernel: kernel.3.cloned.1.call-start
scs
__scs_entry_jumppad:
0x0: {  	(pc) =	sbr.rel $0x88, $3  }
0x1: {  	(tag) =	ssettag $0x0;
	lr =	simm.s32 $0x1  }
0x2: {  	[smem:$0x3F9F] =	sst lr;
	_ =	strace $0xD0000000  }
0x3: {  	_ = 	snop  }
0x4: {  	_ = 	snop  }
0x5: {  	_ = 	snop  }
0x6: {  	_ = 	snop  }
0x7: {  	_ = 	snop  }
__scs_overlays_trampoline_lowered:
0x8: {  	[smem:$0x3FAE] =	sst s0  }
0x9: {  	[smem:$0x3FAF] =	sst s1  }
0xa: {  	[smem:$0x3FB0] =	sst s2  }
0xb: {  	[smem:$0x3FB1] =	sst s3  }
0xc: {  	[smem:$0x3FB2] =	sst s4  }
0xd: {  	[smem:$0x3FB3] =	sst s5  }
0xe: {  	[smem:$0x3FB4] =	sst s6  }
0xf: {  	[smem:$0x3FB5] =	sst s7  }
0x10: {  	[smem:$0x3FB6] =	sst s8  }
0x11: {  	[smem:$0x3FB7] =	sst s9;
	s0 =	simm.s32 @!p0 $0x0  }
0x12: {  	s1 =	sld [smem:$0x3F9D];
	s0 =	simm.s32 @p0 $0x1  }
0x13: {  	[smem:$0x3FB8] =	sst s0;
	s0 =	simm.s32 @!p1 $0x0  }
0x14: {  	s2 =	sld [smem:$0x3F9C];
	s0 =	simm.s32 @p1 $0x1  }
0x15: {  	[smem:$0x3FB9] =	sst s0;
	s0 =	simm.s32 @!p2 $0x0  }
0x16: {  	s3 =	sld [smem:$0x3FDB];
	s0 =	simm.s32 @p2 $0x1  }
0x17: {  	s4 =	simm.s32 $0x1BF5;
	[smem:$0x3FBB] =	sst s0  }
0x18: {  	s0 =	sld [smem:$0x3F9E];
	_ =	swait.ge [sflag:s4], $0x0  }
0x19: {  	s7 =	sld [smem:$0x3F9F]  }
0x1a: {  	s8 =	sadd.s32 $0xFFFFE003, lr  }
0x1b: {  	s9 =	sadd.s32 $0xFFFFFEF7, lr;
	s5 =	simm.s32 $0xFFFFFFFF;
	p2 =	slt.u32 s8, $0xFFFFF086  }
0x1c: {  	p1 =	slt.u32 s9, $0xF7A;
	s5 =	simm.s32 @!p2 $0x0  }
0x1d: {  	s5 =	simm.s32 @p1 $0x1;
	p0 =	seq.s32 s7, s2  }
0x1e: {  	s7 =	smul.u32 @!p0 $0xF7A, s2;
	p2 =	seq.s32 @!p0 s5, $0x0  }
0x1f: {  	s9 =	smul.u32 $0xF7A, s1;
	s8 =	simm.s32 @!p0 $0x1BF5;
	p2 =	por !p2, p0  }
0x20: {  	[sflag:s8] =	ssyncset.s32 @!p0 $0xFFFFF086;
	s6 =	sadd.s32 @!p0 s3, s7;
	s7 =	simm.s32 @!p0 $0x108  }
0x21: {  	s3 =	sadd.s32 s3, s9;
	s6 =	sadd.s32 @!p0 $0x88, s6;
	s7 =	simm.s32 @p2 $0x1082  }
0x22: {  	[simem:s7], [sflag:s8] =	dma.local @!p0 [hbm:s6], $0xF7A  }
0x23: {  	s9 =	sor.u32 $0xD0000000, s2;
	s6 =	simm.s32 $0x108;
	_ =	swait.ge @!p0 [sflag:s8], $0x0  }
0x24: {  	s3 =	sadd.s32 $0x88, s3;
	s6 =	simm.s32 @!p1 $0x1082;
	[sflag:s4] =	ssyncset.s32 $0xFFFFF086  }
0x25: {  	[simem:s6], [sflag:s4] =	dma.local [hbm:s3], $0xF7A  }
0x26: {  	[smem:$0x3F9F] =	sst s1;
	(tag) =	ssettag s2;
	_ =	strace s9  }
0x27: {  	s1 =	sld [smem:$0x3FAF]  }
0x28: {  	s2 =	sld [smem:$0x3FB0]  }
0x29: {  	s4 =	sld [smem:$0x3FB2]  }
0x2a: {  	p0 =	seq.s32 s5, $0x0;
	s5 =	sld [smem:$0x3FB3]  }
0x2b: {  	s6 =	sld [smem:$0x3FB4]  }
0x2c: {  	s7 =	sld [smem:$0x3FB5]  }
0x2d: {  	s3 =	simm.s32 $0x108;
	s8 =	sld [smem:$0x3FB6]  }
0x2e: {  	s3 =	simm.s32 @!p0 $0x1082;
	s9 =	sld [smem:$0x3FB7]  }
0x2f: {  	lr =	sadd.s32 s0, s3;
	s0 =	sld [smem:$0x3FAE]  }
0x30: {  	s3 =	sld [smem:$0x3FB1]  }
0x31: {  	[smem:$0x3FBA] =	sst s10  }
0x32: {  	s10 =	sld [smem:$0x3FB8];
	_ =	sdelay $0x3  }
0x33: {  	p0 =	seq.s32 s10, $0x1;
	s10 =	sld [smem:$0x3FBA];
	_ =	sdelay $0x3  }
0x34: {  	[smem:$0x3FBA] =	sst s10  }
0x35: {  	s10 =	sld [smem:$0x3FB9];
	_ =	sdelay $0x3  }
0x36: {  	p1 =	seq.s32 s10, $0x1;
	s10 =	sld [smem:$0x3FBA];
	_ =	sdelay $0x3  }
0x37: {  	[smem:$0x3FBA] =	sst s10  }
0x38: {  	s10 =	sld [smem:$0x3FBB]  }
0x39: {  	_ = 	snop;
	(pc) =	sbr.ind lr, $3  }
0x3a: {  	_ = 	snop  }
0x3b: {  	_ = 	snop  }
0x3c: {  	p2 =	seq.s32 s10, $0x1;
	s10 =	sld [smem:$0x3FBA]  }
0x3d: {  	_ =	shalt  }
0x3e: {  	_ =	shalt  }
0x3f: {  	_ =	shalt  }
0x40: {  	_ =	shalt  }
0x41: {  	_ =	shalt  }
0x42: {  	_ =	shalt  }
0x43: {  	_ =	shalt  }
0x44: {  	_ =	shalt  }
0x45: {  	_ =	shalt  }
0x46: {  	_ =	shalt  }
0x47: {  	_ =	shalt  }
0x48: {  	_ =	shalt  }
0x49: {  	_ =	shalt  }
0x4a: {  	_ =	shalt  }
0x4b: {  	_ =	shalt  }
0x4c: {  	_ =	shalt  }
0x4d: {  	_ =	shalt  }
0x4e: {  	_ =	shalt  }
0x4f: {  	_ =	shalt  }
0x50: {  	_ =	shalt  }
0x51: {  	_ =	shalt  }
0x52: {  	_ =	shalt  }
0x53: {  	_ =	shalt  }
0x54: {  	_ =	shalt  }
0x55: {  	_ =	shalt  }
0x56: {  	_ =	shalt  }
0x57: {  	_ =	shalt  }
0x58: {  	_ =	shalt  }
0x59: {  	_ =	shalt  }
0x5a: {  	_ =	shalt  }
0x5b: {  	_ =	shalt  }
0x5c: {  	_ =	shalt  }
0x5d: {  	_ =	shalt  }
0x5e: {  	_ =	shalt  }
0x5f: {  	_ =	shalt  }
0x60: {  	_ =	shalt  }
0x61: {  	_ =	shalt  }
0x62: {  	_ =	shalt  }
0x63: {  	_ =	shalt  }
0x64: {  	_ =	shalt  }
0x65: {  	_ =	shalt  }
0x66: {  	_ =	shalt  }
0x67: {  	_ =	shalt  }
0x68: {  	_ =	shalt  }
0x69: {  	_ =	shalt  }
0x6a: {  	_ =	shalt  }
0x6b: {  	_ =	shalt  }
0x6c: {  	_ =	shalt  }
0x6d: {  	_ =	shalt  }
0x6e: {  	_ =	shalt  }
0x6f: {  	_ =	shalt  }
0x70: {  	_ =	shalt  }
0x71: {  	_ =	shalt  }
0x72: {  	_ =	shalt  }
0x73: {  	_ =	shalt  }
0x74: {  	_ =	shalt  }
0x75: {  	_ =	shalt  }
0x76: {  	_ =	shalt  }
0x77: {  	_ =	shalt  }
0x78: {  	_ =	shalt  }
0x79: {  	_ =	shalt  }
0x7a: {  	_ =	shalt  }
0x7b: {  	_ =	shalt  }
0x7c: {  	_ =	shalt  }
0x7d: {  	_ =	shalt  }
0x7e: {  	_ =	shalt  }
0x7f: {  	_ =	shalt  }
0x80: {  	_ =	shalt  }
0x81: {  	_ =	shalt  }
0x82: {  	_ =	shalt  }
0x83: {  	_ =	shalt  }
0x84: {  	_ =	shalt  }
0x85: {  	_ =	shalt  }
0x86: {  	_ =	shalt  }
0x87: {  	_ =	shalt  }
.Lfunc_end0:
.L_simem_size_0:
called_computation.1_lowered:
.L_overlay_start_0:
0x88: {  	s2 =	sld [smem:$0x3FD9]  }
0x89: {  	s3 =	sld [smem:$0x3FFE];
	_ =	sdelay $0x1  }
0x8a: {  	s1 =	srdreg.scid  }
0x8b: {  	s0 =	sand.u32 $0x1, s1  }
0x8c: {  	s17 =	sshll.u32 s0, $0xA;
	s2 =	sadd.s32 s3, s2  }
0x8d: {  	s2 =	sadd.s32 s2, s17  }
0x8e: {  	[smem:$0x3FC6] =	sst s2  }
0x8f: {  	_ = 	snop  }
0x90: {  	s2 =	sld [smem:$0x3FD0];
	(tm) =	ssettm $0x1  }
0x91: {  	s18 =	sld [smem:$0x3FFB];
	_ =	sdelay $0x3  }
0x92: {  	_ =	strace s18  }
0x93: {  	s3 =	sld [smem:$0x3FFC];
	_ =	sdelay $0x3  }
0x94: {  	_ =	strace s3  }
0x95: {  	s3 =	sld [smem:$0x3FFD];
	_ =	sdelay $0x3  }
0x96: {  	_ =	strace s3  }
0x97: {  	_ =	strace $0x8FFFFFFF  }
0x98: {  	s19 =	sld [smem:$0x3FDB];
	_ =	sdelay $0x1  }
0x99: {  	s4 =	simm.s32 $_scs_section_size  }
0x9a: {  	s5 =	simm.s32 $_size__tile_overlayer_lowered;
	s6 =	simm.s32 $_tile_overlayer_lowered  }
0x9b: {  	s22 =	simm.s32 $0x1BFF;
	s21 =	sshll.u32 s6, $0x1;
	s3 =	sadd.s32 s4, s19  }
0x9c: {  	s7 =	simm.s32 $0x0;
	s20 =	sshll.u32 s5, $0x1;
	s5 =	sadd.s32 s21, s3  }
0x9d: {  	[timem:s7], [sflag:s22] =	dma.local [hbm:s5], s20  }
0x9e: {  	_ =	swait.ge [sflag:s22], s20  }
0x9f: {  	s4 =	ssub.s32 $0x0, s20;
	[sflag:s22] =	ssyncset.done $0x0  }
0xa0: {  	[sflag:s22] =	ssyncadd.s32 s4;
	_ =	sdelay $0x1  }
0xa1: {  	s23 =	simm.s32 $0x1B8B  }
0xa2: {  	_ =	swait.ge [sflag:s23], $0x1  }
0xa3: {  	[sflag:s23] =	ssyncset.done $0x0  }
0xa4: {  	s25 =	simm.s32 $0x1B8E;
	s24 =	sld [smem:$0x3FFE];
	[sflag:s23] =	ssyncadd.s32 $0xFFFFFFFF  }
0xa5: {  	s26 =	simm.s32 $execute0_lowered;
	[smem:$0x3FD2] =	sst s25  }
0xa6: {  	s5 =	sshll.u32 s26, $0x1;
	_ =	strace $0x80000046;
	[dreg:$0x1] =	wrdreg $0xFFFFFFFF  }
0xa7: {  	s28 =	simm.s32 $_size_execute0_lowered;
	s3 =	sadd.s32 s3, s5;
	[dreg:$0x0] =	wrdreg $0x0  }
0xa8: {  	s5 =	sshll.u32 s28, $0x1;
	[dreg:$0x2] =	wrdreg s3  }
0xa9: {  	[dreg:$0x3] =	wrdreg s5  }
0xaa: {  	[dreg:$0x4] =	wrdreg $0xC0  }
0xab: {  	_ =	task [dreg:s7], $0x5FFFF  }
0xac: {  	[dreg:$0x1] =	wrdreg $0xFFFFFFFF  }
0xad: {  	[dreg:$0x0] =	wrdreg $0x60  }
0xae: {  	[dreg:$0x2] =	wrdreg s24  }
0xaf: {  	[dreg:$0x3] =	wrdreg s2  }
0xb0: {  	[dreg:$0x4] =	wrdreg $0x9  }
0xb1: {  	_ =	task.clear_ibuf [dreg:s7], $0x5FFFF;
	_ =	strace $0x90000046  }
0xb2: {  	s29 =	simm.s32 $0x9;
	_ =	strace $0x80000048  }
0xb3: {  	_ =	swait.ge [sflag:s29], $0x1  }
0xb4: {  	[sflag:s29] =	ssyncadd.s32 $0xFFFFFFFF  }
0xb5: {  	_ =	strace $0x90000048  }
0xb6: {  	_ =	sfence  }
0xb7: {  	s30 =	sld [smem:$0x0];
	_ =	sdelay $0x2  }
0xb8: {  	s31 =	sshll.u32 s1, $0xD;
	s1 =	sshrl.u32 s1, $0x2  }
0xb9: {  	s3 =	sand.u32 $0x4000, s31;
	s1 =	sadd.s32 s1, s30  }
0xba: {  	s0 =	sor.u32 s3, s0;
	s1 =	sshll.u32 s1, $0x11  }
0xbb: {  	s0 =	sor.u32 s1, s0  }
0xbc: {  	s0 =	sadd.s32 $0x8F2B, s0  }
0xbd: {  	[sflag:s0] =	ssyncadd.remote.s32 $0x1  }
0xbe: {  	_ =	sfence.sel $0xFFFF  }
0xbf: {  	[dreg:$0x0] =	wrdreg $0xFFFFFFFF;
	(pc) =	sbr.abs _section_cstart, $3  }
0xc0: {  	[dreg:$0x1] =	wrdreg $0xFFFFFFFF  }
0xc1: {  	_ =	task.clear_ibuf [dreg:s7], $0x2FFFF;
	_ =	strace $0x9FFFFFFF  }
0xc2: {  	(tm) =	ssettm $0x7FFFFFFF  }
0xc3: {  	_ =	shalt  }
tec
execute0_lowered:
.L_overlay_start_1:
0x0: {  	(tag) =	ssettag $0x1  }
0x1: {  	s0 =	rddreg [dreg:$0x0]  }
0x2: {  	s1 =	rddreg [dreg:$0x1];
	s2 =	simm.s32 $0x0;
	s3 =	srdreg.scid  }
0x3: {  	s6 =	stileid.u32;
	s12 =	simm.s32 $0x19810;
	s13 =	simm.s32 $0x1B750  }
0x4: {  	s14 =	simm.s32 $0x1D690;
	s15 =	simm.s32 $0x2;
	s16 =	simm.s32 $0x3  }
0x5: {  	s17 =	simm.s32 $0x4;
	s21 =	simm.s32 $0x5;
	s22 =	simm.s32 $0x1  }
0x6: {  	s23 =	simm.s32 $0x7D10;
	s24 =	simm.s32 $0x3E8;
	[smem:$0x7FF] =	sst s2  }
0x7: {  	s4 =	sadd.s32 $0x8400, s0;
	s5 =	sadd.s32 $0x5C00, s0;
	s3 =	sand.u32 $0x1, s3  }
0x8: {  	s7 =	sshll.u32 s6, $0x5;
	s6 =	sadd.s32 $0x3400, s0;
	s8 =	sadd.s32 $0xC00, s0  }
.Ltmp0:
0x9: {  	s9 =	ssub.s32 $0x2, s3;
	s3 =	sshll.u32 s3, $0x4;
	(pc) =	sbr.rel .LBB2_1-.Ltmp0, $4  }
0xa: {  	s0 =	sadd.s32 $0xA4800, s0;
	s10 =	sshrl.u32 s9, $0x1;
	s7 =	sor.u32 s3, s7  }
0xb: {  	_ =	strace $0x80000047;
	s29 =	ssub.s32 s9, s10;
	s30 =	sxor.u32 $0x1F4, s7  }
0xc: {  	v2 =	vimm.s32 $0xFFFFFFFF;
	v3 =	vlaneseq.u32;
	vm0 =	vmmov $0xffff;
	[dreg:$0x3] =	wrdreg s0;
	s10 =	smin.u32 s30, $0x10;
	s31 =	smax.u32 s29, $0x1  }
0xd: {  	s25 =	simm.s32 $0x3D090;
	v4 =	vimm.f32 $0.0e+00;
	s3 =	simm.s32 $0x0;
	v0 =	vmov s7;
	[dreg:$0x4] =	wrdreg s31;
	v1 =	vmov s10  }
.LBB2_74:
0xe: {  	s3 =	rddreg [dreg:$0x5]  }
0xf: {  	s0 =	rddreg [dreg:$0x4];
	s3 =	sadd.s32 $0x1, s3  }
0x10: {  	p0 =	sne.s32 s3, s0  }
.Ltmp1:
0x11: {  	_ = 	snop;
	(pc) =	sbr.rel @!p0 .LBB2_75-.Ltmp1, $1  }
0x12: {  	_ =	sdelay $0x3  }
.LBB2_1:
0x13: {  	[dreg:$0x5] =	wrdreg s3;
	s0 =	simm.s32 $0x40;
	s3 =	simm.s32 $0x0  }
.LBB2_2:
0x14: {  	p0 =	sne.s32 s0, $0x1F400;
	[tilespmem:s3+$0x0] =	vst v2;
	s3 =	smov.u32 s0;
	s0 =	sadd.s32 $0x40, s0  }
.Ltmp2:
0x15: {  	(pc) =	sbr.rel @p0 .LBB2_2-.Ltmp2, $2  }
0x16: {  	_ =	sdelay $0x2  }
0x17: {  	s3 =	sshra.s32 s3, $0x2  }
0x18: {  	[tilespmem:s3+$0x0] =	vst v2;
	s0 =	simm.s32 $0x0;
	s28 =	rddreg [dreg:$0x3]  }
0x19: {  	[tilespmem:s12], [sflag:$0x2] =	stream.linear.gather [hbm4b:s28+s0], $0x1F40, $0x38;
	[tilespmem:$0x1F5D0] =	vst v63  }
0x1a: {  	_ = 	snop  }
0x1b: {  	[tilespmem:s13], [sflag:$0x3] =	stream.linear.gather [hbm4b:s28+s0], $0x1F40, $0x38;
	[tilespmem:$0x1F5D0] =	vst v63  }
0x1c: {  	_ = 	snop  }
0x1d: {  	[tilespmem:s14], [sflag:$0x4] =	stream.linear.gather [hbm4b:s28+s0], $0x1F40, $0x38;
	[tilespmem:$0x1F5D0] =	vst v63  }
0x1e: {  	_ =	swait.ge [sflag:s15], $0x1F40  }
0x1f: {  	[sflag:s15] =	ssyncset.done $0x0  }
0x20: {  	[sflag:s15] =	ssyncadd.s32 $0xFFFFE0C0  }
0x21: {  	_ =	swait.ge [sflag:s16], $0x1F40  }
0x22: {  	[sflag:s16] =	ssyncset.done $0x0  }
0x23: {  	[sflag:s16] =	ssyncadd.s32 $0xFFFFE0C0  }
0x24: {  	_ =	swait.ge [sflag:s17], $0x1F40  }
0x25: {  	[sflag:s17] =	ssyncset.done $0x0  }
0x26: {  	s29 =	simm.s32 $0x18550;
	[sflag:s17] =	ssyncadd.s32 $0xFFFFE0C0  }
0x27: {  	[tilespmem:s29], [sflag:$0x5] =	stream.linear.gather [hbm4b:s5+s0], $0x320, $0x38;
	[tilespmem:$0x1F5D0] =	vst v63  }
0x28: {  	s30 =	simm.s32 $0x18B90  }
0x29: {  	[tilespmem:s30], [sflag:$0x5] =	stream.linear.gather [hbm4b:s6+s0], $0x320, $0x38;
	[tilespmem:$0x1F5D0] =	vst v63  }
0x2a: {  	s31 =	simm.s32 $0x191D0;
	s3 =	simm.s32 $0x0  }
0x2b: {  	[tilespmem:s31], [sflag:$0x5] =	stream.linear.gather [hbm4b:s8+s0], $0x320, $0x38;
	[tilespmem:$0x1F5D0] =	vst v63  }
.LBB2_4:
0x2c: {  	_ =	swait.ge [sflag:s21], $0x320;
	s9 =	smov.u32 s3;
	s11 =	sand.u32 $0x1, s3  }
0x2d: {  	s3 =	sadd.s32 $0x1, s3;
	[sflag:s21] =	ssyncset.done $0x0;
	p0 =	seq.s32 s9, $0x63  }
0x2e: {  	p1 =	seq.s32 s11, $0x1;
	s11 =	simm.s32 $0x320;
	[sflag:s21] =	ssyncadd.s32 $0xFFFFFCE0  }
0x2f: {  	s9 =	sand.u32 @!p0 $0x1, s3;
	s18 =	smul.u32 @!p0 $0x64, s3;
	_ =	swait.ge [sflag:s21], $0x320  }
0x30: {  	s11 =	simm.s32 @!p1 $0x0;
	s26 =	simm.s32 @!p0 $0x0;
	[sflag:s21] =	ssyncset.done $0x0  }
0x31: {  	p2 =	seq.s32 @!p0 s9, $0x1;
	s9 =	simm.s32 @!p0 $0x320;
	[sflag:s21] =	ssyncadd.s32 $0xFFFFFCE0  }
0x32: {  	s29 =	sadd.s32 $0x191D0, s11;
	p2 =	por !p2, p0;
	_ =	swait.ge [sflag:s21], $0x320  }
0x33: {  	s30 =	sadd.s32 $0x18B90, s11;
	s9 =	simm.s32 @p2 $0x0;
	[sflag:s21] =	ssyncset.done $0x0  }
0x34: {  	s20 =	sadd.s32 @!p0 s5, s18;
	s19 =	sadd.s32 @!p0 $0x18550, s9;
	[sflag:s21] =	ssyncadd.s32 $0xFFFFFCE0  }
0x35: {  	v5 =	vmov s29;
	[tilespmem:s19], [sflag:$0x5] =	stream.linear.gather @!p0 [hbm4b:s20+s26], $0x320, $0x38;
	[tilespmem:$0x1F5D0] =	vst v63  }
0x36: {  	s28 =	sadd.s32 @!p0 s6, s18;
	v6 =	vmov s30;
	s20 =	sadd.s32 @!p0 $0x18B90, s9  }
0x37: {  	[tilespmem:s20], [sflag:$0x5] =	stream.linear.gather @!p0 [hbm4b:s28+s26], $0x320, $0x38;
	[tilespmem:$0x1F5D0] =	vst v63  }
0x38: {  	s31 =	simm.s32 $0x0;
	s18 =	sadd.s32 @!p0 s8, s18;
	s9 =	sadd.s32 @!p0 $0x191D0, s9  }
0x39: {  	[tilespmem:s9], [sflag:$0x5] =	stream.linear.gather @!p0 [hbm4b:s18+s26], $0x320, $0x38;
	[tilespmem:$0x1F5D0] =	vst v63  }
0x3a: {  	v8 =	vld.idx.msk [tilespmem:v5+s31+$0x0 ss:$0x1], $0xffff  }
0x3b: {  	v7 =	vld.idx.msk [tilespmem:v6+s31+$0x0 ss:$0x1], $0xffff;
	_ =	sdelay $0x4  }
0x3c: {  	v9 =	vsub.s32 v7, v0;
	vm1 =	vgt.s32 v7, $0x0;
	vm2 =	vgt.s32 v8, $0x0  }
0x3d: {  	vm1 =	vmor vm1, vm2;
	vm2 =	vgt.s32 v9, $0xFFFFFFFF  }
0x3e: {  	vm1 =	vmand vm2, vm1;
	vm2 =	vlt.s32 v9, v1  }
0x3f: {  	vm1 =	vmand vm2, vm1  }
0x40: {  	v7 =	vmpcnt.ones.xlane vm1;
	_ =	sdelay $0x1  }
0x41: {  	(v2sf) =	vpush v7, $0x0;
	_ =	sdelay $0x1  }
0x42: {  	s11 =	sadd.s32 $0x18550, s11  }
0x43: {  	v7 =	vmov s11;
	_ =	sdelay $0x4  }
0x44: {  	v10 =	vld.idx.msk [tilespmem:v7+s31+$0x0 ss:$0x1], $0xffff;
	_ =	sdelay $0x4  }
0x45: {  	vm2 =	vgt.s32 v10, $0x0  }
0x46: {  	v10 =	vnsel vm2, $0x0, v10  }
0x47: {  	v9 =	vmul.u32 $0x1F4, v9;
	v10 =	vmin.u32 v10, $0x3;
	s9 =	spop (v2sf)  }
0x48: {  	v10 =	vmul.u32 $0x1F40, v10;
	p0 =	slt.s32 s9, $0x1  }
0x49: {  	v8 =	vadd.s32 v8, v9;
	p1 =	sne.s32 @!p0 s9, $0x1  }
0x4a: {  	v8 =	vadd.s32 v10, v8;
	p2 =	por !p1, p0  }
0x4b: {  	v9 =	vor.u32 s0, v3;
	v10 =	vshll.u32 @!p2 v8, $0x11  }
0x4c: {  	v10 =	vor.u32 @!p2 v9, v10  }
0x4d: {  	v10 =	vnsel @!p2 vm1, $0xFFFFFFFF, v10  }
0x4e: {  	(xrf1) =	vsort.ascd.msk.u32 @!p2 $0xffff, v10, v9;
	_ =	sdelay $0x6  }
0x4f: {  	v11 =	vimm.s32 @!p2 $0x87654321  }
0x50: {  	v11 =	vunpack.c.l.s4.s8 @!p2 v11  }
0x51: {  	v10 =	vimm.s32 @!p2 $0xFFEDCBA9  }
0x52: {  	v11 =	vunpack.c.0.s8.s32 @!p2 v11;
	v10 =	vunpack.c.l.s4.s8 @!p2 v10;
	_ =	sdelay $0x1  }
0x53: {  	v10 =	vunpack.c.0.s8.s32 @!p2 v10;
	_ =	sdelay $0x1  }
0x54: {  	v10 =	vcombine.low @!p2 v11, v10;
	v11, v12, _ =	vpop @!p2 (xrf1)  }
0x55: {  	v13 =	vshrl.u32 @!p2 v11, $0x11  }
0x56: {  	v10 =	vperm.xlane @!p2 v13, v10;
	_ =	sdelay $0x1  }
0x57: {  	vm3 =	vcmask @!p2 $0x3F3C;
	vm2 =	vne.s32 @!p2 v13, v10  }
0x58: {  	vm2 =	vmor @!p2 vm2, vm3;
	vm3 =	vne.s32 @!p2 v11, $0xFFFFFFFF  }
0x59: {  	vm2 =	vmand @!p2 vm3, vm2;
	_ =	sdelay $0x4  }
0x5a: {  	p1 =	por p1, p0;
	s9 =	simm.s32 @!p2 $0x0  }
0x5b: {  	s19 =	smov.u32 s0;
	s18 =	simm.s32 $0x40;
	[tilespmem:v13+s9+$0x0] =	vst.idx.msk @!p2 vm2, v12;
	s9 =	simm.s32 @!p1 $0x0  }
.LBB2_5:
0x5c: {  	s11 =	sshra.s32 s18, $0x2;
	[tilespmem:v8+s9+$0x0] =	vst.idx.msk @!p1 vm1, v9  }
0x5d: {  	v8 =	vld.idx.msk [tilespmem:v5+s11+$0x0 ss:$0x1], $0xffff  }
0x5e: {  	s18 =	sadd.s32 $0x40, s18;
	v9 =	vld.idx.msk [tilespmem:v6+s11+$0x0 ss:$0x1], $0xffff  }
0x5f: {  	p0 =	seq.s32 s18, $0xC80;
	_ =	sdelay $0x4  }
0x60: {  	vm2 =	vgt.s32 v8, $0x0;
	v10 =	vsub.s32 v9, v0;
	vm1 =	vgt.s32 v9, $0x0  }
0x61: {  	vm1 =	vmor vm1, vm2;
	vm2 =	vgt.s32 v10, $0xFFFFFFFF  }
0x62: {  	vm1 =	vmand vm2, vm1;
	vm2 =	vlt.s32 v10, v1  }
0x63: {  	vm1 =	vmand vm2, vm1  }
0x64: {  	v9 =	vmpcnt.ones.xlane vm1;
	_ =	sdelay $0x1  }
0x65: {  	(v2sf) =	vpush v9, $0x0;
	_ =	sdelay $0x6  }
0x66: {  	v9 =	vld.idx.msk [tilespmem:v7+s11+$0x0 ss:$0x1], $0xffff;
	_ =	sdelay $0x5  }
0x67: {  	vm2 =	vgt.s32 v9, $0x0  }
0x68: {  	v9 =	vnsel vm2, $0x0, v9  }
0x69: {  	v10 =	vmul.u32 $0x1F4, v10;
	v9 =	vmin.u32 v9, $0x3;
	s9 =	spop (v2sf)  }
0x6a: {  	v9 =	vmul.u32 $0x1F40, v9;
	p1 =	slt.s32 s9, $0x1  }
0x6b: {  	v8 =	vadd.s32 v8, v10;
	p2 =	sne.s32 @!p1 s9, $0x1  }
0x6c: {  	s19 =	sadd.s32 $0x10, s19;
	v8 =	vadd.s32 v9, v8;
	p3 =	por !p2, p1  }
0x6d: {  	v9 =	vor.u32 s19, v3;
	v10 =	vshll.u32 @!p3 v8, $0x11  }
0x6e: {  	v10 =	vor.u32 @!p3 v9, v10  }
0x6f: {  	v10 =	vnsel @!p3 vm1, $0xFFFFFFFF, v10  }
0x70: {  	(xrf1) =	vsort.ascd.msk.u32 @!p3 $0xffff, v10, v9;
	_ =	sdelay $0x8  }
0x71: {  	v11 =	vimm.s32 @!p3 $0x87654321;
	v10 =	vimm.s32 @!p3 $0xFFEDCBA9  }
0x72: {  	v11 =	vunpack.c.l.s4.s8 @!p3 v11;
	v10 =	vunpack.c.l.s4.s8 @!p3 v10;
	_ =	sdelay $0x1  }
0x73: {  	v13 =	vunpack.c.0.s8.s32 @!p3 v11;
	v10 =	vunpack.c.0.s8.s32 @!p3 v10;
	_ =	sdelay $0x1  }
0x74: {  	v10 =	vcombine.low @!p3 v13, v10;
	v11, v12, _ =	vpop @!p3 (xrf1)  }
0x75: {  	v13 =	vshrl.u32 @!p3 v11, $0x11  }
0x76: {  	v10 =	vperm.xlane @!p3 v13, v10;
	_ =	sdelay $0x1  }
0x77: {  	vm3 =	vcmask @!p3 $0x3F3C;
	vm2 =	vne.s32 @!p3 v13, v10  }
0x78: {  	vm2 =	vmor @!p3 vm2, vm3;
	vm3 =	vne.s32 @!p3 v11, $0xFFFFFFFF  }
0x79: {  	vm2 =	vmand @!p3 vm3, vm2;
	_ =	sdelay $0x1  }
.Ltmp3:
0x7a: {  	(pc) =	sbr.rel @!p0 .LBB2_5-.Ltmp3, $3  }
0x7b: {  	_ =	sdelay $0x1  }
0x7c: {  	p1 =	por p2, p1;
	s9 =	simm.s32 @!p3 $0x0  }
0x7d: {  	[tilespmem:v13+s9+$0x0] =	vst.idx.msk @!p3 vm2, v12;
	s9 =	simm.s32 @!p1 $0x0  }
0x7e: {  	p0 =	seq.s32 s3, $0x64  }
.Ltmp4:
0x7f: {  	_ = 	snop;
	(pc) =	sbr.rel @!p0 .LBB2_4-.Ltmp4, $2  }
0x80: {  	_ =	sdelay $0x2  }
0x81: {  	[tilespmem:v8+s9+$0x0] =	vst.idx.msk @!p1 vm1, v9;
	s0 =	sadd.s32 $0x320, s0;
	s28 =	simm.s32 $0x0  }
.Ltmp5:
0x82: {  	(pc) =	sbr.rel .LBB2_8-.Ltmp5, $2  }
0x83: {  	_ =	sdelay $0x2  }
0x84: {  	s29 =	simm.s32 $0x0;
	s30 =	simm.s32 $0x0  }
.LBB2_72:
0x85: {  	_ =	sdelay $0x4  }
0x86: {  	[tilespmem:v6+s12+$0x0] =	vst.idx.msk vm1, v4  }
.LBB2_73:
0x87: {  	s30 =	sadd.s32 $0x1, s30  }
0x88: {  	p0 =	sne.s32 s30, $0x20  }
.Ltmp6:
0x89: {  	_ = 	snop;
	(pc) =	sbr.rel @!p0 .LBB2_74-.Ltmp6, $2  }
0x8a: {  	_ =	sdelay $0x2  }
0x8b: {  	s29 =	sadd.s32 $0x1, s29  }
.LBB2_8:
0x8c: {  	s0 =	sshll.u32 s30, $0x1  }
0x8d: {  	s3 =	sand.u32 $0xE, s0  }
0x8e: {  	p0 =	sge.u32 s3, s10  }
.Ltmp7:
0x8f: {  	_ = 	snop;
	(pc) =	sbr.rel @p0 .LBB2_73-.Ltmp7, $1  }
0x90: {  	_ =	sdelay $0x3  }
0x91: {  	s18 =	sshrl.u32 s30, $0x3  }
0x92: {  	s9 =	sand.u32 $0x7, s29;
	s0 =	smul.u32 $0x7D00, s18  }
0x93: {  	s9 =	smul.u32 $0xFA0, s9;
	_ =	sdelay $0x1  }
0x94: {  	s0 =	sadd.s32 s9, s0  }
0x95: {  	s0 =	sshra.s32 s0, $0x2  }
0x96: {  	v5 =	vld [tilespmem:s0+$0x0];
	_ =	sdelay $0x3  }
0x97: {  	v6 =	vor.u32 s28, v3  }
0x98: {  	vm2 =	vlt.u32 v6, $0x3E8;
	vm1 =	vgt.s32 v5, $0xFFFFFFFF  }
0x99: {  	vm1 =	vmand vm2, vm1  }
0x9a: {  	v7 =	vmpcnt.ones.xlane vm1;
	_ =	sdelay $0x1  }
0x9b: {  	(v2sf) =	vpush v7, $0x0;
	_ =	sdelay $0x4  }
0x9c: {  	[tilespmem:s28+$0x17D10] =	vst.msk vm1, v6  }
0x9d: {  	s9 =	sadd.s32 $0x10, s0;
	[tilespmem:s28+$0x18130] =	vst.msk vm1, v5  }
0x9e: {  	s11 =	simm.s32 $0x10;
	s19 =	simm.s32 $0x20;
	s0 =	simm.s32 $0x0;
	v5 =	vld [tilespmem:s9+$0x0]  }
.LBB2_10:
0x9f: {  	p0 =	sne.s32 s19, $0x3E0;
	_ =	sdelay $0x2  }
0xa0: {  	v6 =	vor.u32 s11, v3;
	s11 =	smov.u32 s19  }
0xa1: {  	vm2 =	vlt.u32 v6, $0x3E8;
	vm1 =	vgt.s32 v5, $0xFFFFFFFF  }
0xa2: {  	vm1 =	vmand vm2, vm1  }
0xa3: {  	v7 =	vmpcnt.ones.xlane vm1  }
0xa4: {  	s20 =	spop (v2sf)  }
0xa5: {  	(v2sf) =	vpush v7, $0x0;
	s0 =	sadd.s32 s0, s20  }
0xa6: {  	[tilespmem:s0+$0x17D10] =	vst.msk vm1, v6  }
0xa7: {  	[tilespmem:s0+$0x18130] =	vst.msk vm1, v5  }
.Ltmp8:
0xa8: {  	(pc) =	sbr.rel @p0 .LBB2_10-.Ltmp8, $3  }
0xa9: {  	_ =	sdelay $0x1  }
0xaa: {  	s9 =	sadd.s32 $0x10, s9  }
0xab: {  	s19 =	sadd.s32 $0x10, s19;
	v5 =	vld [tilespmem:s9+$0x0]  }
0xac: {  	_ =	sdelay $0x2  }
0xad: {  	v6 =	vor.u32 s11, v3  }
0xae: {  	vm2 =	vlt.u32 v6, $0x3E8;
	vm1 =	vgt.s32 v5, $0xFFFFFFFF  }
0xaf: {  	vm1 =	vmand vm2, vm1  }
0xb0: {  	v7 =	vmpcnt.ones.xlane vm1;
	_ =	sdelay $0x1  }
0xb1: {  	(v2sf) =	vpush v7, $0x0;
	_ =	sdelay $0xd  }
0xb2: {  	s9 =	spop (v2sf)  }
0xb3: {  	s9 =	sadd.s32 s0, s9;
	s19 =	spop (v2sf)  }
0xb4: {  	s31 =	sadd.s32 s9, s19  }
0xb5: {  	s0 =	sadd.s32 $0xF, s31  }
0xb6: {  	s20 =	sand.u32 $0xF, s0  }
0xb7: {  	s26 =	sshra.s32 s0, $0x1F;
	p1 =	slt.s32 s0, $0x1;
	p0 =	sne.s32 s20, $0x0  }
0xb8: {  	s11 =	sshrl.u32 s26, $0x1C;
	p0 =	por !p1, !p0  }
0xb9: {  	s0 =	sadd.s32 s11, s0;
	s11 =	simm.s32 $0x1;
	p0 =	por !p0, !p0  }
0xba: {  	s0 =	sshra.s32 s0, $0x4;
	s11 =	simm.s32 @!p0 $0x0  }
0xbb: {  	s0 =	ssub.s32 s0, s11  }
0xbc: {  	p0 =	slt.s32 s0, $0x1  }
.Ltmp9:
0xbd: {  	_ = 	snop;
	(pc) =	sbr.rel @p0 .LBB2_25-.Ltmp9, $4  }
0xbe: {  	_ = 	snop  }
0xbf: {  	[tilespmem:s9+$0x17D10] =	vst.msk vm1, v6  }
0xc0: {  	[tilespmem:s9+$0x18130] =	vst.msk vm1, v5  }
0xc1: {  	[tilespmem:s31+$0x18130] =	vst v3  }
0xc2: {  	p1 =	seq.s32 s0, $0x1  }
.Ltmp10:
0xc3: {  	_ = 	snop;
	(pc) =	sbr.rel @p1 .LBB2_13-.Ltmp10, $3  }
0xc4: {  	_ =	sdelay $0x1  }
0xc5: {  	s9 =	simm.s32 $0x18130  }
0xc6: {  	s11 =	simm.s32 $0x7D10;
	p2 =	por $0x0, $0x0;
	v5 =	vld [tilespmem:s9+$0x0];
	s9 =	sadd.s32 $0xFFFFFFFF, s0  }
0xc7: {  	_ =	sdelay $0x3  }
0xc8: {  	p3 =	seq.s32 s9, $0x1  }
.Ltmp11:
0xc9: {  	_ = 	snop;
	(pc) =	sbr.rel @p3 .LBB2_15-.Ltmp11, $4  }
0xca: {  	_ = 	snop  }
0xcb: {  	s20 =	simm.s32 $0x18140  }
0xcc: {  	[tilespmem:s11], [sflag:$0x1] =	stream.indirect_vreg.gather [hbm4b:s4+s2], $0x40, v5, vm0, $0xb8;
	[tilespmem:$0x1F5D0] =	vst v63  }
0xcd: {  	s26 =	sadd.s32 $0xFFFFFFFF, s9;
	p2 =	por $0x1, $0x1;
	s19 =	simm.s32 $0x7D10;
	v5 =	vld [tilespmem:s20+$0x0]  }
.LBB2_16:
0xce: {  	p3 =	seq.s32 s26, $0x1;
	_ =	sdelay $0x3  }
.Ltmp12:
0xcf: {  	(pc) =	sbr.rel @!p3 .LBB2_16-.Ltmp12, $4  }
0xd0: {  	_ = 	snop  }
0xd1: {  	s20 =	sadd.s32 $0x10, s20;
	s19 =	sadd.s32 $0x400, s19  }
0xd2: {  	[tilespmem:s19], [sflag:$0x1] =	stream.indirect_vreg.gather [hbm4b:s4+s2], $0x40, v5, vm0, $0xb8;
	[tilespmem:$0x1F5D0] =	vst v63  }
0xd3: {  	s26 =	sadd.s32 $0xFFFFFFFF, s26;
	v5 =	vld [tilespmem:s20+$0x0]  }
.LBB2_17:
0xd4: {  	_ =	sdelay $0x5  }
.Ltmp13:
0xd5: {  	s19 =	sadd.s32 @p2 $0x400, s19;
	(pc) =	sbr.rel @p1 .LBB2_19-.Ltmp13, $4  }
0xd6: {  	s11 =	smov.u32 @p2 s19  }
0xd7: {  	[tilespmem:s11], [sflag:$0x1] =	stream.indirect_vreg.gather [hbm4b:s4+s2], $0x40, v5, vm0, $0xb8;
	[tilespmem:$0x1F5D0] =	vst v63  }
0xd8: {  	_ =	swait.ge [sflag:s22], $0x400  }
0xd9: {  	[sflag:s22] =	ssyncset.done $0x0  }
.LBB2_18:
0xda: {  	p1 =	seq.s32 s9, $0x1;
	s9 =	sadd.s32 $0xFFFFFFFF, s9;
	[sflag:s22] =	ssyncadd.s32 $0xFFFFFC00  }
.Ltmp14:
0xdb: {  	(pc) =	sbr.rel @!p1 .LBB2_18-.Ltmp14, $3  }
0xdc: {  	_ =	sdelay $0x1  }
0xdd: {  	_ =	swait.ge [sflag:s22], $0x400  }
0xde: {  	[sflag:s22] =	ssyncset.done $0x0  }
.LBB2_19:
0xdf: {  	p2 =	sne.s32 s0, $0x1  }
.Ltmp15:
0xe0: {  	_ = 	snop;
	(pc) =	sbr.rel @!p2 .LBB2_20-.Ltmp15, $4  }
0xe1: {  	_ = 	snop  }
0xe2: {  	s9 =	simm.s32 $0x0  }
0xe3: {  	[sflag:s22] =	ssyncadd.s32 $0xFFFFFC00;
	v6 =	vmov s31;
	v5 =	vor.u32 s9, v3  }
0xe4: {  	s19 =	simm.s32 $0x17D10;
	s11 =	sadd.s32 $0xFFFFFFFF, s0;
	p1 =	por $0x0, $0x0;
	vm2 =	vlt.s32 v5, v6;
	v5 =	vshll.u32 v5, $0x6  }
0xe5: {  	_ =	sdelay $0x1  }
0xe6: {  	v8 =	vld [tilespmem:s19+$0x0];
	_ =	sdelay $0x2  }
0xe7: {  	v7 =	vld.idx.msk [tilespmem:v5+s23+$0x0], vm2  }
0xe8: {  	v9 =	vor.u32 $0x1, v5;
	_ =	sdelay $0x3  }
0xe9: {  	[tilespmem:v8+s12+$0x0] =	vst.idx.msk vm2, v7  }
0xea: {  	v7 =	vld.idx.msk [tilespmem:v9+s23+$0x0], vm2;
	v9 =	vadd.s32 $0x3E8, v8  }
0xeb: {  	v10 =	vor.u32 $0x2, v5;
	_ =	sdelay $0x3  }
0xec: {  	[tilespmem:v9+s12+$0x0] =	vst.idx.msk vm2, v7  }
0xed: {  	v9 =	vadd.s32 $0x7D0, v8;
	v7 =	vld.idx.msk [tilespmem:v10+s23+$0x0], vm2  }
0xee: {  	v10 =	vor.u32 $0x3, v5;
	_ =	sdelay $0x3  }
0xef: {  	[tilespmem:v9+s12+$0x0] =	vst.idx.msk vm2, v7  }
0xf0: {  	v9 =	vadd.s32 $0xBB8, v8;
	v7 =	vld.idx.msk [tilespmem:v10+s23+$0x0], vm2  }
0xf1: {  	v10 =	vor.u32 $0x4, v5;
	_ =	sdelay $0x3  }
0xf2: {  	[tilespmem:v9+s12+$0x0] =	vst.idx.msk vm2, v7  }
0xf3: {  	v9 =	vadd.s32 $0xFA0, v8;
	v7 =	vld.idx.msk [tilespmem:v10+s23+$0x0], vm2  }
0xf4: {  	v10 =	vor.u32 $0x5, v5;
	_ =	sdelay $0x3  }
0xf5: {  	[tilespmem:v9+s12+$0x0] =	vst.idx.msk vm2, v7  }
0xf6: {  	v9 =	vadd.s32 $0x1388, v8;
	v7 =	vld.idx.msk [tilespmem:v10+s23+$0x0], vm2  }
0xf7: {  	v10 =	vor.u32 $0x6, v5;
	_ =	sdelay $0x3  }
0xf8: {  	[tilespmem:v9+s12+$0x0] =	vst.idx.msk vm2, v7  }
0xf9: {  	v9 =	vadd.s32 $0x1770, v8;
	v7 =	vld.idx.msk [tilespmem:v10+s23+$0x0], vm2  }
0xfa: {  	v5 =	vor.u32 $0x7, v5;
	_ =	sdelay $0x2  }
0xfb: {  	p2 =	sne.s32 s11, $0x1  }
.Ltmp16:
0xfc: {  	vm1 =	vmmov vm2;
	[tilespmem:v9+s12+$0x0] =	vst.idx.msk vm2, v7;
	(pc) =	sbr.rel @!p2 .LBB2_22-.Ltmp16, $4  }
0xfd: {  	v8 =	vadd.s32 $0x1B58, v8;
	v7 =	vld.idx.msk [tilespmem:v5+s23+$0x0], vm2  }
0xfe: {  	s9 =	simm.s32 $0x10  }
0xff: {  	v9 =	vor.u32 s9, v3  }
0x100: {  	s11 =	sadd.s32 $0xFFFFFFFF, s11;
	p1 =	por $0x1, $0x1;
	s20 =	simm.s32 $0x17D10;
	vm2 =	vlt.s32 v9, v6;
	v5 =	vshll.u32 v9, $0x6  }
.LBB2_23:
0x101: {  	_ = 	snop  }
0x102: {  	p2 =	sne.s32 s11, $0x1;
	s11 =	sadd.s32 $0xFFFFFFFF, s11;
	[tilespmem:v8+s12+$0x0] =	vst.idx.msk vm1, v7;
	s20 =	sadd.s32 $0x10, s20;
	vm1 =	vmmov vm2  }
0x103: {  	v8 =	vld [tilespmem:s20+$0x0];
	_ =	sdelay $0x1  }
0x104: {  	v7 =	vld.idx.msk [tilespmem:v5+s23+$0x0], vm2;
	_ =	sdelay $0x1  }
0x105: {  	v9 =	vor.u32 $0x1, v5;
	_ =	sdelay $0x3  }
0x106: {  	[tilespmem:v8+s12+$0x0] =	vst.idx.msk vm2, v7  }
0x107: {  	v7 =	vld.idx.msk [tilespmem:v9+s23+$0x0], vm2  }
0x108: {  	v9 =	vadd.s32 $0x3E8, v8  }
0x109: {  	v10 =	vor.u32 $0x2, v5;
	_ =	sdelay $0x3  }
0x10a: {  	[tilespmem:v9+s12+$0x0] =	vst.idx.msk vm2, v7  }
0x10b: {  	v7 =	vld.idx.msk [tilespmem:v10+s23+$0x0], vm2  }
0x10c: {  	v9 =	vadd.s32 $0x7D0, v8  }
0x10d: {  	v10 =	vor.u32 $0x3, v5;
	_ =	sdelay $0x3  }
0x10e: {  	[tilespmem:v9+s12+$0x0] =	vst.idx.msk vm2, v7  }
0x10f: {  	v7 =	vld.idx.msk [tilespmem:v10+s23+$0x0], vm2  }
0x110: {  	v9 =	vadd.s32 $0xBB8, v8  }
0x111: {  	v10 =	vor.u32 $0x4, v5;
	_ =	sdelay $0x3  }
0x112: {  	[tilespmem:v9+s12+$0x0] =	vst.idx.msk vm2, v7  }
0x113: {  	v7 =	vld.idx.msk [tilespmem:v10+s23+$0x0], vm2  }
0x114: {  	v9 =	vadd.s32 $0xFA0, v8  }
0x115: {  	v10 =	vor.u32 $0x5, v5;
	_ =	sdelay $0x3  }
0x116: {  	[tilespmem:v9+s12+$0x0] =	vst.idx.msk vm1, v7  }
0x117: {  	v7 =	vld.idx.msk [tilespmem:v10+s23+$0x0], vm1  }
0x118: {  	v9 =	vadd.s32 $0x1388, v8  }
0x119: {  	v10 =	vor.u32 $0x6, v5;
	_ =	sdelay $0x3  }
0x11a: {  	[tilespmem:v9+s12+$0x0] =	vst.idx.msk vm1, v7  }
0x11b: {  	v7 =	vld.idx.msk [tilespmem:v10+s23+$0x0], vm1  }
0x11c: {  	v9 =	vadd.s32 $0x1770, v8  }
0x11d: {  	v5 =	vor.u32 $0x7, v5;
	_ =	sdelay $0x3  }
0x11e: {  	[tilespmem:v9+s12+$0x0] =	vst.idx.msk vm1, v7  }
.Ltmp17:
0x11f: {  	v7 =	vld.idx.msk [tilespmem:v5+s23+$0x0], vm1;
	(pc) =	sbr.rel @p2 .LBB2_23-.Ltmp17, $4  }
0x120: {  	s9 =	sadd.s32 $0x10, s9;
	v8 =	vadd.s32 $0x1B58, v8  }
0x121: {  	v5 =	vor.u32 s9, v3  }
0x122: {  	vm2 =	vlt.s32 v5, v6  }
0x123: {  	v5 =	vshll.u32 v5, $0x6  }
.LBB2_24:
0x124: {  	_ =	sdelay $0x3  }
0x125: {  	s9 =	sadd.s32 @p1 $0x10, s20  }
0x126: {  	[tilespmem:v8+s12+$0x0] =	vst.idx.msk @p1 vm1, v7;
	s19 =	smov.u32 @p1 s9  }
0x127: {  	v6 =	vld [tilespmem:s19+$0x0];
	_ =	sdelay $0x2  }
0x128: {  	v7 =	vld.idx.msk [tilespmem:v5+s23+$0x0], vm2  }
0x129: {  	v53 =	vor.u32 $0x1, v5;
	_ =	sdelay $0x3  }
0x12a: {  	[tilespmem:v6+s12+$0x0] =	vst.idx.msk vm2, v7  }
0x12b: {  	v54 =	vadd.s32 $0x3E8, v6;
	v7 =	vld.idx.msk [tilespmem:v53+s23+$0x0], vm2  }
0x12c: {  	v9 =	vor.u32 $0x2, v5;
	_ =	sdelay $0x3  }
0x12d: {  	[tilespmem:v54+s12+$0x0] =	vst.idx.msk vm2, v7  }
0x12e: {  	v55 =	vadd.s32 $0x7D0, v6;
	v7 =	vld.idx.msk [tilespmem:v9+s23+$0x0], vm2  }
0x12f: {  	v56 =	vor.u32 $0x3, v5;
	_ =	sdelay $0x3  }
0x130: {  	[tilespmem:v55+s12+$0x0] =	vst.idx.msk vm2, v7  }
0x131: {  	v57 =	vadd.s32 $0xBB8, v6;
	v7 =	vld.idx.msk [tilespmem:v56+s23+$0x0], vm2  }
0x132: {  	v58 =	vor.u32 $0x4, v5;
	_ =	sdelay $0x3  }
0x133: {  	[tilespmem:v57+s12+$0x0] =	vst.idx.msk vm2, v7  }
0x134: {  	v59 =	vadd.s32 $0xFA0, v6;
	v7 =	vld.idx.msk [tilespmem:v58+s23+$0x0], vm2  }
0x135: {  	v60 =	vor.u32 $0x5, v5;
	_ =	sdelay $0x3  }
0x136: {  	[tilespmem:v59+s12+$0x0] =	vst.idx.msk vm2, v7  }
0x137: {  	v61 =	vadd.s32 $0x1388, v6;
	v7 =	vld.idx.msk [tilespmem:v60+s23+$0x0], vm2  }
0x138: {  	v62 =	vor.u32 $0x6, v5;
	_ =	sdelay $0x3  }
0x139: {  	[tilespmem:v61+s12+$0x0] =	vst.idx.msk vm2, v7  }
0x13a: {  	v63 =	vadd.s32 $0x1770, v6;
	v7 =	vld.idx.msk [tilespmem:v62+s23+$0x0], vm2  }
0x13b: {  	v5 =	vor.u32 $0x7, v5;
	_ =	sdelay $0x3  }
0x13c: {  	[tilespmem:v63+s12+$0x0] =	vst.idx.msk vm2, v7  }
0x13d: {  	v6 =	vadd.s32 $0x1B58, v6;
	v5 =	vld.idx.msk [tilespmem:v5+s23+$0x0], vm2;
	_ =	sdelay $0x4  }
0x13e: {  	vm1 =	vmmov vm2;
	[tilespmem:v6+s12+$0x0] =	vst.idx.msk vm2, v5  }
.LBB2_25:
0x13f: {  	s3 =	sor.u32 s7, s3;
	s9 =	smul.u32 $0xF42400, s18  }
0x140: {  	s3 =	smul.u32 $0x1F4, s3  }
.Ltmp18:
0x141: {  	_ = 	snop;
	(pc) =	sbr.rel @p0 .LBB2_36-.Ltmp18, $4  }
0x142: {  	s3 =	sadd.s32 s9, s3  }
0x143: {  	s3 =	sshrl.u32 s3, $0x3  }
0x144: {  	v5 =	vmov s31;
	p1 =	sne.s32 s0, $0x1;
	s31 =	sadd.s32 $0xFFFFFFFF, s0;
	s3 =	sadd.s32 s1, s3  }
0x145: {  	[hbm4b:s3+s24] =	stream.strided.scatter [tilespmem:s12], [sflag:$0x2], $0x1F40, s25, s24, $0x38;
	[tilespmem:$0x1F5D0] =	vst v63  }
.Ltmp19:
0x146: {  	(pc) =	sbr.rel @!p1 .LBB2_30-.Ltmp19, $4  }
0x147: {  	s9 =	simm.s32 $0x0  }
0x148: {  	v6 =	vor.u32 s9, v3  }
0x149: {  	s18 =	simm.s32 $0x17D10;
	s19 =	sadd.s32 $0xFFFFFFFF, s0;
	vm1 =	vlt.s32 v6, v5;
	v6 =	vshll.u32 v6, $0x6  }
0x14a: {  	p2 =	por $0x0, $0x0;
	s11 =	simm.s32 $0x17D10;
	p3 =	por $0x0, $0x0;
	v7 =	vmov v6;
	vm3 =	vmmov vm1  }
0x14b: {  	v7 =	vor.u32 $0x8, v6;
	v9 =	vld [tilespmem:s18+$0x0];
	_ =	sdelay $0x4  }
0x14c: {  	v7 =	vld.idx.msk [tilespmem:v7+s23+$0x0], vm1;
	v8 =	vadd.s32 $0x1F40, v9  }
0x14d: {  	v10 =	vor.u32 $0x9, v6;
	_ =	sdelay $0x3  }
0x14e: {  	[tilespmem:v8+s12+$0x0] =	vst.idx.msk vm1, v7  }
0x14f: {  	v8 =	vadd.s32 $0x2328, v9;
	v7 =	vld.idx.msk [tilespmem:v10+s23+$0x0], vm1  }
0x150: {  	v10 =	vor.u32 $0xA, v6;
	_ =	sdelay $0x3  }
0x151: {  	[tilespmem:v8+s12+$0x0] =	vst.idx.msk vm1, v7  }
0x152: {  	v8 =	vadd.s32 $0x2710, v9;
	v7 =	vld.idx.msk [tilespmem:v10+s23+$0x0], vm1  }
0x153: {  	v10 =	vor.u32 $0xB, v6;
	_ =	sdelay $0x3  }
0x154: {  	[tilespmem:v8+s12+$0x0] =	vst.idx.msk vm1, v7  }
0x155: {  	v8 =	vadd.s32 $0x2AF8, v9;
	v7 =	vld.idx.msk [tilespmem:v10+s23+$0x0], vm1  }
0x156: {  	v10 =	vor.u32 $0xC, v6;
	_ =	sdelay $0x3  }
0x157: {  	[tilespmem:v8+s12+$0x0] =	vst.idx.msk vm1, v7  }
0x158: {  	v8 =	vadd.s32 $0x2EE0, v9;
	v7 =	vld.idx.msk [tilespmem:v10+s23+$0x0], vm1  }
0x159: {  	v10 =	vor.u32 $0xD, v6;
	_ =	sdelay $0x3  }
0x15a: {  	[tilespmem:v8+s12+$0x0] =	vst.idx.msk vm1, v7  }
0x15b: {  	v8 =	vadd.s32 $0x32C8, v9;
	v7 =	vld.idx.msk [tilespmem:v10+s23+$0x0], vm1  }
0x15c: {  	v10 =	vor.u32 $0xE, v6;
	_ =	sdelay $0x3  }
0x15d: {  	[tilespmem:v8+s12+$0x0] =	vst.idx.msk vm1, v7  }
0x15e: {  	v8 =	vadd.s32 $0x36B0, v9;
	v7 =	vld.idx.msk [tilespmem:v10+s23+$0x0], vm1  }
0x15f: {  	v10 =	vor.u32 $0xF, v6;
	_ =	sdelay $0x3  }
0x160: {  	vm2 =	vmmov vm1;
	p4 =	sne.s32 s19, $0x1;
	[tilespmem:v8+s12+$0x0] =	vst.idx.msk vm1, v7  }
.Ltmp20:
0x161: {  	v9 =	vadd.s32 $0x3A98, v9;
	v8 =	vld.idx.msk [tilespmem:v10+s23+$0x0], vm1;
	(pc) =	sbr.rel @!p4 .LBB2_28-.Ltmp20, $4  }
0x162: {  	_ = 	snop  }
0x163: {  	s20 =	simm.s32 $0x10  }
0x164: {  	v7 =	vor.u32 s20, v3  }
0x165: {  	s9 =	sadd.s32 $0xFFFFFFFF, s19;
	p3 =	por $0x1, $0x1;
	s11 =	simm.s32 $0x17D10;
	vm3 =	vlt.s32 v7, v5;
	v7 =	vshll.u32 v7, $0x6  }
.LBB2_29:
0x166: {  	p4 =	sne.s32 s9, $0x1;
	s9 =	sadd.s32 $0xFFFFFFFF, s9;
	v10 =	vor.u32 $0x8, v7;
	[tilespmem:v9+s12+$0x0] =	vst.idx.msk vm2, v8;
	s11 =	sadd.s32 $0x10, s11;
	vm2 =	vmmov vm3  }
0x167: {  	v9 =	vld [tilespmem:s11+$0x0];
	_ =	sdelay $0x3  }
0x168: {  	v8 =	vld.idx.msk [tilespmem:v10+s23+$0x0], vm3  }
0x169: {  	v10 =	vadd.s32 $0x1F40, v9  }
0x16a: {  	v11 =	vor.u32 $0x9, v7;
	_ =	sdelay $0x3  }
0x16b: {  	[tilespmem:v10+s12+$0x0] =	vst.idx.msk vm3, v8  }
0x16c: {  	v8 =	vld.idx.msk [tilespmem:v11+s23+$0x0], vm3  }
0x16d: {  	v10 =	vadd.s32 $0x2328, v9  }
0x16e: {  	v11 =	vor.u32 $0xA, v7;
	_ =	sdelay $0x3  }
0x16f: {  	[tilespmem:v10+s12+$0x0] =	vst.idx.msk vm3, v8  }
0x170: {  	v8 =	vld.idx.msk [tilespmem:v11+s23+$0x0], vm3  }
0x171: {  	v10 =	vadd.s32 $0x2710, v9  }
0x172: {  	v11 =	vor.u32 $0xB, v7;
	_ =	sdelay $0x3  }
0x173: {  	[tilespmem:v10+s12+$0x0] =	vst.idx.msk vm3, v8  }
0x174: {  	v8 =	vld.idx.msk [tilespmem:v11+s23+$0x0], vm3  }
0x175: {  	v10 =	vadd.s32 $0x2AF8, v9  }
0x176: {  	v11 =	vor.u32 $0xC, v7;
	_ =	sdelay $0x3  }
0x177: {  	[tilespmem:v10+s12+$0x0] =	vst.idx.msk vm3, v8  }
0x178: {  	v8 =	vld.idx.msk [tilespmem:v11+s23+$0x0], vm3  }
0x179: {  	v10 =	vadd.s32 $0x2EE0, v9  }
0x17a: {  	v11 =	vor.u32 $0xD, v7;
	_ =	sdelay $0x3  }
0x17b: {  	[tilespmem:v10+s12+$0x0] =	vst.idx.msk vm2, v8  }
0x17c: {  	v8 =	vld.idx.msk [tilespmem:v11+s23+$0x0], vm2  }
0x17d: {  	v10 =	vadd.s32 $0x32C8, v9  }
0x17e: {  	v11 =	vor.u32 $0xE, v7;
	_ =	sdelay $0x3  }
0x17f: {  	[tilespmem:v10+s12+$0x0] =	vst.idx.msk vm2, v8  }
0x180: {  	v8 =	vld.idx.msk [tilespmem:v11+s23+$0x0], vm2  }
0x181: {  	v10 =	vadd.s32 $0x36B0, v9  }
0x182: {  	v7 =	vor.u32 $0xF, v7;
	_ =	sdelay $0x3  }
0x183: {  	[tilespmem:v10+s12+$0x0] =	vst.idx.msk vm2, v8  }
0x184: {  	v8 =	vld.idx.msk [tilespmem:v7+s23+$0x0], vm2  }
.Ltmp21:
0x185: {  	v9 =	vadd.s32 $0x3A98, v9;
	(pc) =	sbr.rel @p4 .LBB2_29-.Ltmp21, $4  }
0x186: {  	_ = 	snop  }
0x187: {  	s20 =	sadd.s32 $0x10, s20  }
0x188: {  	v7 =	vor.u32 s20, v3  }
0x189: {  	vm3 =	vlt.s32 v7, v5;
	v7 =	vshll.u32 v7, $0x6  }
.LBB2_30:
0x18a: {  	_ =	sdelay $0x3  }
0x18b: {  	s9 =	sadd.s32 @p3 $0x10, s11;
	s11 =	simm.s32 $0x17D10  }
0x18c: {  	[tilespmem:v9+s12+$0x0] =	vst.idx.msk @p3 vm2, v8;
	s11 =	smov.u32 @p3 s9  }
0x18d: {  	v8 =	vor.u32 $0x8, v7;
	v9 =	vld [tilespmem:s11+$0x0];
	_ =	sdelay $0x4  }
0x18e: {  	v8 =	vld.idx.msk [tilespmem:v8+s23+$0x0], vm3;
	v10 =	vadd.s32 $0x1F40, v9  }
0x18f: {  	v11 =	vor.u32 $0x9, v7;
	_ =	sdelay $0x3  }
0x190: {  	[tilespmem:v10+s12+$0x0] =	vst.idx.msk vm3, v8  }
0x191: {  	v53 =	vadd.s32 $0x2328, v9;
	v8 =	vld.idx.msk [tilespmem:v11+s23+$0x0], vm3  }
0x192: {  	v54 =	vor.u32 $0xA, v7;
	_ =	sdelay $0x3  }
0x193: {  	[tilespmem:v53+s12+$0x0] =	vst.idx.msk vm3, v8  }
0x194: {  	v55 =	vadd.s32 $0x2710, v9;
	v8 =	vld.idx.msk [tilespmem:v54+s23+$0x0], vm3  }
0x195: {  	v56 =	vor.u32 $0xB, v7;
	_ =	sdelay $0x3  }
0x196: {  	[tilespmem:v55+s12+$0x0] =	vst.idx.msk vm3, v8  }
0x197: {  	v57 =	vadd.s32 $0x2AF8, v9;
	v8 =	vld.idx.msk [tilespmem:v56+s23+$0x0], vm3  }
0x198: {  	v58 =	vor.u32 $0xC, v7;
	_ =	sdelay $0x3  }
0x199: {  	[tilespmem:v57+s12+$0x0] =	vst.idx.msk vm3, v8  }
0x19a: {  	v59 =	vadd.s32 $0x2EE0, v9;
	v8 =	vld.idx.msk [tilespmem:v58+s23+$0x0], vm3  }
0x19b: {  	v60 =	vor.u32 $0xD, v7;
	_ =	sdelay $0x3  }
0x19c: {  	[tilespmem:v59+s12+$0x0] =	vst.idx.msk vm3, v8  }
0x19d: {  	v61 =	vadd.s32 $0x32C8, v9;
	v8 =	vld.idx.msk [tilespmem:v60+s23+$0x0], vm3  }
0x19e: {  	v62 =	vor.u32 $0xE, v7;
	_ =	sdelay $0x3  }
0x19f: {  	[tilespmem:v61+s12+$0x0] =	vst.idx.msk vm3, v8  }
0x1a0: {  	v63 =	vadd.s32 $0x36B0, v9;
	v8 =	vld.idx.msk [tilespmem:v62+s23+$0x0], vm3  }
0x1a1: {  	v7 =	vor.u32 $0xF, v7;
	_ =	sdelay $0x3  }
0x1a2: {  	[tilespmem:v63+s12+$0x0] =	vst.idx.msk vm3, v8  }
0x1a3: {  	v8 =	vadd.s32 $0x3A98, v9;
	v7 =	vld.idx.msk [tilespmem:v7+s23+$0x0], vm3  }
0x1a4: {  	p3 =	seq.s32 s0, $0x1  }
.Ltmp22:
0x1a5: {  	_ = 	snop;
	(pc) =	sbr.rel @p3 .LBB2_31-.Ltmp22, $3  }
0x1a6: {  	_ =	sdelay $0x1  }
0x1a7: {  	s26 =	sadd.s32 $0x3D090, s3;
	[tilespmem:v8+s12+$0x0] =	vst.idx.msk vm3, v7  }
0x1a8: {  	vm2 =	vmmov vm3;
	[hbm4b:s26+s24] =	stream.strided.scatter [tilespmem:s13], [sflag:$0x3], $0x1F40, s25, s24, $0x38;
	[tilespmem:$0x1F5D0] =	vst v63  }
0x1a9: {  	v7 =	vor.u32 $0x10, v6;
	v8 =	vld [tilespmem:s18+$0x0];
	_ =	sdelay $0x4  }
0x1aa: {  	v7 =	vld.idx.msk [tilespmem:v7+s23+$0x0], vm1;
	v9 =	vadd.s32 $0x3E80, v8  }
0x1ab: {  	v10 =	vor.u32 $0x11, v6;
	_ =	sdelay $0x3  }
0x1ac: {  	[tilespmem:v9+s12+$0x0] =	vst.idx.msk vm1, v7  }
0x1ad: {  	v9 =	vadd.s32 $0x4268, v8;
	v7 =	vld.idx.msk [tilespmem:v10+s23+$0x0], vm1  }
0x1ae: {  	v10 =	vor.u32 $0x12, v6;
	_ =	sdelay $0x3  }
0x1af: {  	[tilespmem:v9+s12+$0x0] =	vst.idx.msk vm1, v7  }
0x1b0: {  	v9 =	vadd.s32 $0x4650, v8;
	v7 =	vld.idx.msk [tilespmem:v10+s23+$0x0], vm1  }
0x1b1: {  	v10 =	vor.u32 $0x13, v6;
	_ =	sdelay $0x3  }
0x1b2: {  	[tilespmem:v9+s12+$0x0] =	vst.idx.msk vm1, v7  }
0x1b3: {  	v9 =	vadd.s32 $0x4A38, v8;
	v7 =	vld.idx.msk [tilespmem:v10+s23+$0x0], vm1  }
0x1b4: {  	v10 =	vor.u32 $0x14, v6;
	_ =	sdelay $0x3  }
0x1b5: {  	[tilespmem:v9+s12+$0x0] =	vst.idx.msk vm1, v7  }
0x1b6: {  	v9 =	vadd.s32 $0x4E20, v8;
	v7 =	vld.idx.msk [tilespmem:v10+s23+$0x0], vm1  }
0x1b7: {  	v10 =	vor.u32 $0x15, v6;
	_ =	sdelay $0x3  }
0x1b8: {  	[tilespmem:v9+s12+$0x0] =	vst.idx.msk vm1, v7  }
0x1b9: {  	v9 =	vadd.s32 $0x5208, v8;
	v7 =	vld.idx.msk [tilespmem:v10+s23+$0x0], vm1  }
0x1ba: {  	v10 =	vor.u32 $0x16, v6;
	_ =	sdelay $0x3  }
0x1bb: {  	[tilespmem:v9+s12+$0x0] =	vst.idx.msk vm1, v7  }
0x1bc: {  	v9 =	vadd.s32 $0x55F0, v8;
	v7 =	vld.idx.msk [tilespmem:v10+s23+$0x0], vm1  }
0x1bd: {  	v6 =	vor.u32 $0x17, v6;
	_ =	sdelay $0x3  }
0x1be: {  	vm2 =	vmmov vm1;
	p3 =	seq.s32 s19, $0x1;
	[tilespmem:v9+s12+$0x0] =	vst.idx.msk vm1, v7  }
.Ltmp23:
0x1bf: {  	v8 =	vadd.s32 $0x59D8, v8;
	v7 =	vld.idx.msk [tilespmem:v6+s23+$0x0], vm1;
	(pc) =	sbr.rel @p3 .LBB2_33-.Ltmp23, $4  }
0x1c0: {  	_ = 	snop  }
0x1c1: {  	s20 =	simm.s32 $0x10  }
0x1c2: {  	v9 =	vor.u32 s20, v3  }
0x1c3: {  	s9 =	sadd.s32 $0xFFFFFFFF, s19;
	p2 =	por $0x1, $0x1;
	s11 =	simm.s32 $0x17D10;
	vm1 =	vlt.s32 v9, v5;
	v6 =	vshll.u32 v9, $0x6  }
.LBB2_34:
0x1c4: {  	p3 =	seq.s32 s9, $0x1;
	s9 =	sadd.s32 $0xFFFFFFFF, s9;
	v9 =	vor.u32 $0x10, v6;
	[tilespmem:v8+s12+$0x0] =	vst.idx.msk vm2, v7;
	s11 =	sadd.s32 $0x10, s11;
	vm2 =	vmmov vm1  }
0x1c5: {  	v8 =	vld [tilespmem:s11+$0x0];
	_ =	sdelay $0x3  }
0x1c6: {  	v7 =	vld.idx.msk [tilespmem:v9+s23+$0x0], vm1  }
0x1c7: {  	v9 =	vadd.s32 $0x3E80, v8  }
0x1c8: {  	v10 =	vor.u32 $0x11, v6;
	_ =	sdelay $0x3  }
0x1c9: {  	[tilespmem:v9+s12+$0x0] =	vst.idx.msk vm1, v7  }
0x1ca: {  	v7 =	vld.idx.msk [tilespmem:v10+s23+$0x0], vm1  }
0x1cb: {  	v9 =	vadd.s32 $0x4268, v8  }
0x1cc: {  	v10 =	vor.u32 $0x12, v6;
	_ =	sdelay $0x3  }
0x1cd: {  	[tilespmem:v9+s12+$0x0] =	vst.idx.msk vm1, v7  }
0x1ce: {  	v7 =	vld.idx.msk [tilespmem:v10+s23+$0x0], vm1  }
0x1cf: {  	v9 =	vadd.s32 $0x4650, v8  }
0x1d0: {  	v10 =	vor.u32 $0x13, v6;
	_ =	sdelay $0x3  }
0x1d1: {  	[tilespmem:v9+s12+$0x0] =	vst.idx.msk vm1, v7  }
0x1d2: {  	v7 =	vld.idx.msk [tilespmem:v10+s23+$0x0], vm1  }
0x1d3: {  	v9 =	vadd.s32 $0x4A38, v8  }
0x1d4: {  	v10 =	vor.u32 $0x14, v6;
	_ =	sdelay $0x3  }
0x1d5: {  	[tilespmem:v9+s12+$0x0] =	vst.idx.msk vm1, v7  }
0x1d6: {  	v7 =	vld.idx.msk [tilespmem:v10+s23+$0x0], vm1  }
0x1d7: {  	v9 =	vadd.s32 $0x4E20, v8  }
0x1d8: {  	v10 =	vor.u32 $0x15, v6;
	_ =	sdelay $0x3  }
0x1d9: {  	[tilespmem:v9+s12+$0x0] =	vst.idx.msk vm2, v7  }
0x1da: {  	v7 =	vld.idx.msk [tilespmem:v10+s23+$0x0], vm2  }
0x1db: {  	v9 =	vadd.s32 $0x5208, v8  }
0x1dc: {  	v10 =	vor.u32 $0x16, v6;
	_ =	sdelay $0x3  }
0x1dd: {  	[tilespmem:v9+s12+$0x0] =	vst.idx.msk vm2, v7  }
0x1de: {  	v7 =	vld.idx.msk [tilespmem:v10+s23+$0x0], vm2  }
0x1df: {  	v9 =	vadd.s32 $0x55F0, v8  }
0x1e0: {  	v6 =	vor.u32 $0x17, v6;
	_ =	sdelay $0x3  }
0x1e1: {  	[tilespmem:v9+s12+$0x0] =	vst.idx.msk vm2, v7  }
0x1e2: {  	v7 =	vld.idx.msk [tilespmem:v6+s23+$0x0], vm2  }
.Ltmp24:
0x1e3: {  	v8 =	vadd.s32 $0x59D8, v8;
	(pc) =	sbr.rel @!p3 .LBB2_34-.Ltmp24, $4  }
0x1e4: {  	_ = 	snop  }
0x1e5: {  	s20 =	sadd.s32 $0x10, s20  }
0x1e6: {  	v6 =	vor.u32 s20, v3  }
0x1e7: {  	vm1 =	vlt.s32 v6, v5;
	v6 =	vshll.u32 v6, $0x6  }
.LBB2_35:
0x1e8: {  	_ =	sdelay $0x3  }
0x1e9: {  	s9 =	sadd.s32 @p2 $0x10, s11  }
0x1ea: {  	[tilespmem:v8+s12+$0x0] =	vst.idx.msk @p2 vm2, v7;
	s18 =	smov.u32 @p2 s9  }
0x1eb: {  	v7 =	vor.u32 $0x10, v6;
	v8 =	vld [tilespmem:s18+$0x0];
	_ =	sdelay $0x4  }
0x1ec: {  	v7 =	vld.idx.msk [tilespmem:v7+s23+$0x0], vm1;
	v9 =	vadd.s32 $0x3E80, v8  }
0x1ed: {  	v10 =	vor.u32 $0x11, v6;
	_ =	sdelay $0x3  }
0x1ee: {  	[tilespmem:v9+s12+$0x0] =	vst.idx.msk vm1, v7  }
0x1ef: {  	v53 =	vadd.s32 $0x4268, v8;
	v7 =	vld.idx.msk [tilespmem:v10+s23+$0x0], vm1  }
0x1f0: {  	v54 =	vor.u32 $0x12, v6;
	_ =	sdelay $0x3  }
0x1f1: {  	[tilespmem:v53+s12+$0x0] =	vst.idx.msk vm1, v7  }
0x1f2: {  	v55 =	vadd.s32 $0x4650, v8;
	v7 =	vld.idx.msk [tilespmem:v54+s23+$0x0], vm1  }
0x1f3: {  	v56 =	vor.u32 $0x13, v6;
	_ =	sdelay $0x3  }
0x1f4: {  	[tilespmem:v55+s12+$0x0] =	vst.idx.msk vm1, v7  }
0x1f5: {  	v57 =	vadd.s32 $0x4A38, v8;
	v7 =	vld.idx.msk [tilespmem:v56+s23+$0x0], vm1  }
0x1f6: {  	v58 =	vor.u32 $0x14, v6;
	_ =	sdelay $0x3  }
0x1f7: {  	[tilespmem:v57+s12+$0x0] =	vst.idx.msk vm1, v7  }
0x1f8: {  	v59 =	vadd.s32 $0x4E20, v8;
	v7 =	vld.idx.msk [tilespmem:v58+s23+$0x0], vm1  }
0x1f9: {  	v60 =	vor.u32 $0x15, v6;
	_ =	sdelay $0x3  }
0x1fa: {  	[tilespmem:v59+s12+$0x0] =	vst.idx.msk vm1, v7  }
0x1fb: {  	v61 =	vadd.s32 $0x5208, v8;
	v7 =	vld.idx.msk [tilespmem:v60+s23+$0x0], vm1  }
0x1fc: {  	v62 =	vor.u32 $0x16, v6;
	_ =	sdelay $0x3  }
0x1fd: {  	[tilespmem:v61+s12+$0x0] =	vst.idx.msk vm1, v7  }
0x1fe: {  	v63 =	vadd.s32 $0x55F0, v8;
	v7 =	vld.idx.msk [tilespmem:v62+s23+$0x0], vm1  }
0x1ff: {  	v6 =	vor.u32 $0x17, v6;
	_ =	sdelay $0x3  }
0x200: {  	[tilespmem:v63+s12+$0x0] =	vst.idx.msk vm1, v7  }
0x201: {  	v7 =	vadd.s32 $0x59D8, v8;
	v6 =	vld.idx.msk [tilespmem:v6+s23+$0x0], vm1  }
.Ltmp25:
0x202: {  	_ = 	snop;
	(pc) =	sbr.rel .LBB2_37-.Ltmp25, $2  }
0x203: {  	_ =	sdelay $0x2  }
0x204: {  	vm2 =	vmmov vm1;
	[tilespmem:v7+s12+$0x0] =	vst.idx.msk vm1, v6  }
.LBB2_36:
0x205: {  	s9 =	sadd.s32 $0x3D090, s3  }
0x206: {  	[hbm4b:s9+s24] =	stream.strided.scatter [tilespmem:s13], [sflag:$0x3], $0x1F40, s25, s24, $0x38;
	[tilespmem:$0x1F5D0] =	vst v63  }
.LBB2_37:
.Ltmp26:
0x207: {  	s9 =	sadd.s32 $0x7A120, s3;
	(pc) =	sbr.rel @p0 .LBB2_49-.Ltmp26, $4  }
0x208: {  	[hbm4b:s9+s24] =	stream.strided.scatter [tilespmem:s14], [sflag:$0x4], $0x1F40, s25, s24, $0x38;
	[tilespmem:$0x1F5D0] =	vst v63  }
0x209: {  	_ =	swait.ge [sflag:s15], $0x1F40  }
0x20a: {  	[sflag:s15] =	ssyncset.done $0x0  }
0x20b: {  	[sflag:s15] =	ssyncadd.s32 $0xFFFFE0C0  }
.Ltmp27:
0x20c: {  	(pc) =	sbr.rel @!p1 .LBB2_39-.Ltmp27, $4  }
0x20d: {  	s9 =	simm.s32 $0x0  }
0x20e: {  	v7 =	vor.u32 s9, v3  }
0x20f: {  	v6 =	vshll.u32 v7, $0x6  }
0x210: {  	s18 =	simm.s32 $0x17D10;
	s19 =	sadd.s32 $0xFFFFFFFF, s0;
	p2 =	por $0x0, $0x0;
	vm1 =	vlt.s32 v7, v5;
	v8 =	vor.u32 $0x18, v6  }
0x211: {  	_ =	sdelay $0x1  }
0x212: {  	v10 =	vld [tilespmem:s18+$0x0];
	_ =	sdelay $0x2  }
0x213: {  	v7 =	vld.idx.msk [tilespmem:v8+s23+$0x0], vm1  }
0x214: {  	v8 =	vor.u32 $0x19, v6;
	_ =	sdelay $0x3  }
0x215: {  	[tilespmem:v10+s12+$0x0] =	vst.idx.msk vm1, v7  }
0x216: {  	v7 =	vld.idx.msk [tilespmem:v8+s23+$0x0], vm1;
	v8 =	vadd.s32 $0x3E8, v10  }
0x217: {  	v9 =	vor.u32 $0x1A, v6;
	_ =	sdelay $0x3  }
0x218: {  	[tilespmem:v8+s12+$0x0] =	vst.idx.msk vm1, v7  }
0x219: {  	v8 =	vadd.s32 $0x7D0, v10;
	v7 =	vld.idx.msk [tilespmem:v9+s23+$0x0], vm1  }
0x21a: {  	v9 =	vor.u32 $0x1B, v6;
	_ =	sdelay $0x3  }
0x21b: {  	[tilespmem:v8+s12+$0x0] =	vst.idx.msk vm1, v7  }
0x21c: {  	v8 =	vadd.s32 $0xBB8, v10;
	v7 =	vld.idx.msk [tilespmem:v9+s23+$0x0], vm1  }
0x21d: {  	v9 =	vor.u32 $0x1C, v6;
	_ =	sdelay $0x3  }
0x21e: {  	[tilespmem:v8+s12+$0x0] =	vst.idx.msk vm1, v7  }
0x21f: {  	v8 =	vadd.s32 $0xFA0, v10;
	v7 =	vld.idx.msk [tilespmem:v9+s23+$0x0], vm1  }
0x220: {  	v9 =	vor.u32 $0x1D, v6;
	_ =	sdelay $0x3  }
0x221: {  	[tilespmem:v8+s12+$0x0] =	vst.idx.msk vm1, v7  }
0x222: {  	v8 =	vadd.s32 $0x1388, v10;
	v7 =	vld.idx.msk [tilespmem:v9+s23+$0x0], vm1  }
0x223: {  	v9 =	vor.u32 $0x1E, v6;
	_ =	sdelay $0x3  }
0x224: {  	[tilespmem:v8+s12+$0x0] =	vst.idx.msk vm1, v7  }
0x225: {  	v8 =	vadd.s32 $0x1770, v10;
	v7 =	vld.idx.msk [tilespmem:v9+s23+$0x0], vm1  }
0x226: {  	v9 =	vor.u32 $0x1F, v6;
	_ =	sdelay $0x2  }
0x227: {  	p4 =	sne.s32 s19, $0x1  }
.Ltmp28:
0x228: {  	vm2 =	vmmov vm1;
	[tilespmem:v8+s12+$0x0] =	vst.idx.msk vm1, v7;
	(pc) =	sbr.rel @!p4 .LBB2_41-.Ltmp28, $4  }
0x229: {  	s11 =	simm.s32 $0x10;
	v10 =	vadd.s32 $0x1B58, v10;
	v9 =	vld.idx.msk [tilespmem:v9+s23+$0x0], vm1  }
0x22a: {  	v11 =	vor.u32 s11, v3  }
0x22b: {  	v7 =	vshll.u32 v11, $0x6  }
0x22c: {  	s20 =	sadd.s32 $0xFFFFFFFF, s19;
	p3 =	por $0x1, $0x1;
	s9 =	simm.s32 $0x17D10;
	vm3 =	vlt.s32 v11, v5;
	v8 =	vor.u32 $0x18, v7  }
.LBB2_42:
0x22d: {  	_ = 	snop  }
0x22e: {  	p4 =	sne.s32 s20, $0x1;
	s20 =	sadd.s32 $0xFFFFFFFF, s20;
	[tilespmem:v10+s12+$0x0] =	vst.idx.msk vm2, v9;
	s9 =	sadd.s32 $0x10, s9;
	vm2 =	vmmov vm3  }
0x22f: {  	v10 =	vld [tilespmem:s9+$0x0];
	_ =	sdelay $0x1  }
0x230: {  	v8 =	vld.idx.msk [tilespmem:v8+s23+$0x0], vm3;
	_ =	sdelay $0x1  }
0x231: {  	v9 =	vor.u32 $0x19, v7;
	_ =	sdelay $0x3  }
0x232: {  	[tilespmem:v10+s12+$0x0] =	vst.idx.msk vm3, v8  }
0x233: {  	v8 =	vld.idx.msk [tilespmem:v9+s23+$0x0], vm3  }
0x234: {  	v9 =	vadd.s32 $0x3E8, v10  }
0x235: {  	v11 =	vor.u32 $0x1A, v7;
	_ =	sdelay $0x3  }
0x236: {  	[tilespmem:v9+s12+$0x0] =	vst.idx.msk vm3, v8  }
0x237: {  	v8 =	vld.idx.msk [tilespmem:v11+s23+$0x0], vm3  }
0x238: {  	v9 =	vadd.s32 $0x7D0, v10  }
0x239: {  	v11 =	vor.u32 $0x1B, v7;
	_ =	sdelay $0x3  }
0x23a: {  	[tilespmem:v9+s12+$0x0] =	vst.idx.msk vm3, v8  }
0x23b: {  	v8 =	vld.idx.msk [tilespmem:v11+s23+$0x0], vm3  }
0x23c: {  	v9 =	vadd.s32 $0xBB8, v10  }
0x23d: {  	v11 =	vor.u32 $0x1C, v7;
	_ =	sdelay $0x3  }
0x23e: {  	[tilespmem:v9+s12+$0x0] =	vst.idx.msk vm3, v8  }
0x23f: {  	v8 =	vld.idx.msk [tilespmem:v11+s23+$0x0], vm3  }
0x240: {  	v9 =	vadd.s32 $0xFA0, v10  }
0x241: {  	v11 =	vor.u32 $0x1D, v7;
	_ =	sdelay $0x3  }
0x242: {  	[tilespmem:v9+s12+$0x0] =	vst.idx.msk vm2, v8  }
0x243: {  	v8 =	vld.idx.msk [tilespmem:v11+s23+$0x0], vm2  }
0x244: {  	v9 =	vadd.s32 $0x1388, v10  }
0x245: {  	v11 =	vor.u32 $0x1E, v7;
	_ =	sdelay $0x3  }
0x246: {  	[tilespmem:v9+s12+$0x0] =	vst.idx.msk vm2, v8  }
0x247: {  	v8 =	vld.idx.msk [tilespmem:v11+s23+$0x0], vm2  }
0x248: {  	v9 =	vadd.s32 $0x1770, v10  }
0x249: {  	v7 =	vor.u32 $0x1F, v7;
	_ =	sdelay $0x3  }
0x24a: {  	[tilespmem:v9+s12+$0x0] =	vst.idx.msk vm2, v8  }
.Ltmp29:
0x24b: {  	v9 =	vld.idx.msk [tilespmem:v7+s23+$0x0], vm2;
	(pc) =	sbr.rel @p4 .LBB2_42-.Ltmp29, $4  }
0x24c: {  	s11 =	sadd.s32 $0x10, s11;
	v10 =	vadd.s32 $0x1B58, v10  }
0x24d: {  	v7 =	vor.u32 s11, v3  }
0x24e: {  	vm3 =	vlt.s32 v7, v5;
	v7 =	vshll.u32 v7, $0x6  }
0x24f: {  	v8 =	vor.u32 $0x18, v7  }
.LBB2_43:
0x250: {  	_ =	sdelay $0x3  }
0x251: {  	s9 =	sadd.s32 @p3 $0x10, s9;
	s11 =	simm.s32 $0x17D10  }
0x252: {  	[tilespmem:v10+s12+$0x0] =	vst.idx.msk @p3 vm2, v9;
	s11 =	smov.u32 @p3 s9  }
0x253: {  	v9 =	vld [tilespmem:s11+$0x0];
	_ =	sdelay $0x2  }
0x254: {  	v8 =	vld.idx.msk [tilespmem:v8+s23+$0x0], vm3  }
0x255: {  	v53 =	vor.u32 $0x19, v7;
	_ =	sdelay $0x3  }
0x256: {  	[tilespmem:v9+s12+$0x0] =	vst.idx.msk vm3, v8  }
0x257: {  	v54 =	vadd.s32 $0x3E8, v9;
	v8 =	vld.idx.msk [tilespmem:v53+s23+$0x0], vm3  }
0x258: {  	v11 =	vor.u32 $0x1A, v7;
	_ =	sdelay $0x3  }
0x259: {  	[tilespmem:v54+s12+$0x0] =	vst.idx.msk vm3, v8  }
0x25a: {  	v55 =	vadd.s32 $0x7D0, v9;
	v8 =	vld.idx.msk [tilespmem:v11+s23+$0x0], vm3  }
0x25b: {  	v56 =	vor.u32 $0x1B, v7;
	_ =	sdelay $0x3  }
0x25c: {  	[tilespmem:v55+s12+$0x0] =	vst.idx.msk vm3, v8  }
0x25d: {  	v57 =	vadd.s32 $0xBB8, v9;
	v8 =	vld.idx.msk [tilespmem:v56+s23+$0x0], vm3  }
0x25e: {  	v58 =	vor.u32 $0x1C, v7;
	_ =	sdelay $0x3  }
0x25f: {  	[tilespmem:v57+s12+$0x0] =	vst.idx.msk vm3, v8  }
0x260: {  	v59 =	vadd.s32 $0xFA0, v9;
	v8 =	vld.idx.msk [tilespmem:v58+s23+$0x0], vm3  }
0x261: {  	v60 =	vor.u32 $0x1D, v7;
	_ =	sdelay $0x3  }
0x262: {  	[tilespmem:v59+s12+$0x0] =	vst.idx.msk vm3, v8  }
0x263: {  	v61 =	vadd.s32 $0x1388, v9;
	v8 =	vld.idx.msk [tilespmem:v60+s23+$0x0], vm3  }
0x264: {  	v62 =	vor.u32 $0x1E, v7;
	_ =	sdelay $0x3  }
0x265: {  	[tilespmem:v61+s12+$0x0] =	vst.idx.msk vm3, v8  }
0x266: {  	v63 =	vadd.s32 $0x1770, v9;
	v8 =	vld.idx.msk [tilespmem:v62+s23+$0x0], vm3  }
0x267: {  	v7 =	vor.u32 $0x1F, v7;
	_ =	sdelay $0x3  }
0x268: {  	[tilespmem:v63+s12+$0x0] =	vst.idx.msk vm3, v8  }
0x269: {  	v8 =	vadd.s32 $0x1B58, v9;
	v7 =	vld.idx.msk [tilespmem:v7+s23+$0x0], vm3;
	_ =	sdelay $0x3  }
0x26a: {  	p3 =	seq.s32 s0, $0x1  }
.Ltmp30:
0x26b: {  	s26 =	sadd.s32 $0xB71B0, s3;
	[tilespmem:v8+s12+$0x0] =	vst.idx.msk vm3, v7;
	(pc) =	sbr.rel @p3 .LBB2_44-.Ltmp30, $4  }
0x26c: {  	[hbm4b:s26+s24] =	stream.strided.scatter [tilespmem:s12], [sflag:$0x2], $0x1F40, s25, s24, $0x38;
	[tilespmem:$0x1F5D0] =	vst v63  }
0x26d: {  	_ =	swait.ge [sflag:s16], $0x1F40  }
0x26e: {  	[sflag:s16] =	ssyncset.done $0x0  }
0x26f: {  	vm2 =	vmmov vm3;
	[sflag:s16] =	ssyncadd.s32 $0xFFFFE0C0  }
0x270: {  	v7 =	vor.u32 $0x20, v6;
	v8 =	vld [tilespmem:s18+$0x0];
	_ =	sdelay $0x4  }
0x271: {  	v7 =	vld.idx.msk [tilespmem:v7+s23+$0x0], vm1;
	v9 =	vadd.s32 $0x1F40, v8  }
0x272: {  	v10 =	vor.u32 $0x21, v6;
	_ =	sdelay $0x3  }
0x273: {  	[tilespmem:v9+s12+$0x0] =	vst.idx.msk vm1, v7  }
0x274: {  	v9 =	vadd.s32 $0x2328, v8;
	v7 =	vld.idx.msk [tilespmem:v10+s23+$0x0], vm1  }
0x275: {  	v10 =	vor.u32 $0x22, v6;
	_ =	sdelay $0x3  }
0x276: {  	[tilespmem:v9+s12+$0x0] =	vst.idx.msk vm1, v7  }
0x277: {  	v9 =	vadd.s32 $0x2710, v8;
	v7 =	vld.idx.msk [tilespmem:v10+s23+$0x0], vm1  }
0x278: {  	v10 =	vor.u32 $0x23, v6;
	_ =	sdelay $0x3  }
0x279: {  	[tilespmem:v9+s12+$0x0] =	vst.idx.msk vm1, v7  }
0x27a: {  	v9 =	vadd.s32 $0x2AF8, v8;
	v7 =	vld.idx.msk [tilespmem:v10+s23+$0x0], vm1  }
0x27b: {  	v10 =	vor.u32 $0x24, v6;
	_ =	sdelay $0x3  }
0x27c: {  	[tilespmem:v9+s12+$0x0] =	vst.idx.msk vm1, v7  }
0x27d: {  	v9 =	vadd.s32 $0x2EE0, v8;
	v7 =	vld.idx.msk [tilespmem:v10+s23+$0x0], vm1  }
0x27e: {  	v10 =	vor.u32 $0x25, v6;
	_ =	sdelay $0x3  }
0x27f: {  	[tilespmem:v9+s12+$0x0] =	vst.idx.msk vm1, v7  }
0x280: {  	v9 =	vadd.s32 $0x32C8, v8;
	v7 =	vld.idx.msk [tilespmem:v10+s23+$0x0], vm1  }
0x281: {  	v10 =	vor.u32 $0x26, v6;
	_ =	sdelay $0x3  }
0x282: {  	[tilespmem:v9+s12+$0x0] =	vst.idx.msk vm1, v7  }
0x283: {  	v9 =	vadd.s32 $0x36B0, v8;
	v7 =	vld.idx.msk [tilespmem:v10+s23+$0x0], vm1  }
0x284: {  	v6 =	vor.u32 $0x27, v6;
	_ =	sdelay $0x3  }
0x285: {  	vm2 =	vmmov vm1;
	p3 =	seq.s32 s19, $0x1;
	[tilespmem:v9+s12+$0x0] =	vst.idx.msk vm1, v7  }
.Ltmp31:
0x286: {  	v8 =	vadd.s32 $0x3A98, v8;
	v7 =	vld.idx.msk [tilespmem:v6+s23+$0x0], vm1;
	(pc) =	sbr.rel @p3 .LBB2_46-.Ltmp31, $4  }
0x287: {  	_ = 	snop  }
0x288: {  	s20 =	simm.s32 $0x10  }
0x289: {  	v9 =	vor.u32 s20, v3  }
0x28a: {  	s9 =	sadd.s32 $0xFFFFFFFF, s19;
	p2 =	por $0x1, $0x1;
	s11 =	simm.s32 $0x17D10;
	vm1 =	vlt.s32 v9, v5;
	v6 =	vshll.u32 v9, $0x6  }
.LBB2_47:
0x28b: {  	p3 =	seq.s32 s9, $0x1;
	s9 =	sadd.s32 $0xFFFFFFFF, s9;
	v9 =	vor.u32 $0x20, v6;
	[tilespmem:v8+s12+$0x0] =	vst.idx.msk vm2, v7;
	s11 =	sadd.s32 $0x10, s11;
	vm2 =	vmmov vm1  }
0x28c: {  	v8 =	vld [tilespmem:s11+$0x0];
	_ =	sdelay $0x3  }
0x28d: {  	v7 =	vld.idx.msk [tilespmem:v9+s23+$0x0], vm1  }
0x28e: {  	v9 =	vadd.s32 $0x1F40, v8  }
0x28f: {  	v10 =	vor.u32 $0x21, v6;
	_ =	sdelay $0x3  }
0x290: {  	[tilespmem:v9+s12+$0x0] =	vst.idx.msk vm1, v7  }
0x291: {  	v7 =	vld.idx.msk [tilespmem:v10+s23+$0x0], vm1  }
0x292: {  	v9 =	vadd.s32 $0x2328, v8  }
0x293: {  	v10 =	vor.u32 $0x22, v6;
	_ =	sdelay $0x3  }
0x294: {  	[tilespmem:v9+s12+$0x0] =	vst.idx.msk vm1, v7  }
0x295: {  	v7 =	vld.idx.msk [tilespmem:v10+s23+$0x0], vm1  }
0x296: {  	v9 =	vadd.s32 $0x2710, v8  }
0x297: {  	v10 =	vor.u32 $0x23, v6;
	_ =	sdelay $0x3  }
0x298: {  	[tilespmem:v9+s12+$0x0] =	vst.idx.msk vm1, v7  }
0x299: {  	v7 =	vld.idx.msk [tilespmem:v10+s23+$0x0], vm1  }
0x29a: {  	v9 =	vadd.s32 $0x2AF8, v8  }
0x29b: {  	v10 =	vor.u32 $0x24, v6;
	_ =	sdelay $0x3  }
0x29c: {  	[tilespmem:v9+s12+$0x0] =	vst.idx.msk vm1, v7  }
0x29d: {  	v7 =	vld.idx.msk [tilespmem:v10+s23+$0x0], vm1  }
0x29e: {  	v9 =	vadd.s32 $0x2EE0, v8  }
0x29f: {  	v10 =	vor.u32 $0x25, v6;
	_ =	sdelay $0x3  }
0x2a0: {  	[tilespmem:v9+s12+$0x0] =	vst.idx.msk vm2, v7  }
0x2a1: {  	v7 =	vld.idx.msk [tilespmem:v10+s23+$0x0], vm2  }
0x2a2: {  	v9 =	vadd.s32 $0x32C8, v8  }
0x2a3: {  	v10 =	vor.u32 $0x26, v6;
	_ =	sdelay $0x3  }
0x2a4: {  	[tilespmem:v9+s12+$0x0] =	vst.idx.msk vm2, v7  }
0x2a5: {  	v7 =	vld.idx.msk [tilespmem:v10+s23+$0x0], vm2  }
0x2a6: {  	v9 =	vadd.s32 $0x36B0, v8  }
0x2a7: {  	v6 =	vor.u32 $0x27, v6;
	_ =	sdelay $0x3  }
0x2a8: {  	[tilespmem:v9+s12+$0x0] =	vst.idx.msk vm2, v7  }
0x2a9: {  	v7 =	vld.idx.msk [tilespmem:v6+s23+$0x0], vm2  }
.Ltmp32:
0x2aa: {  	v8 =	vadd.s32 $0x3A98, v8;
	(pc) =	sbr.rel @!p3 .LBB2_47-.Ltmp32, $4  }
0x2ab: {  	_ = 	snop  }
0x2ac: {  	s20 =	sadd.s32 $0x10, s20  }
0x2ad: {  	v6 =	vor.u32 s20, v3  }
0x2ae: {  	vm1 =	vlt.s32 v6, v5;
	v6 =	vshll.u32 v6, $0x6  }
.LBB2_48:
0x2af: {  	_ =	sdelay $0x3  }
0x2b0: {  	s9 =	sadd.s32 @p2 $0x10, s11  }
0x2b1: {  	[tilespmem:v8+s12+$0x0] =	vst.idx.msk @p2 vm2, v7;
	s18 =	smov.u32 @p2 s9  }
0x2b2: {  	v7 =	vor.u32 $0x20, v6;
	v8 =	vld [tilespmem:s18+$0x0];
	_ =	sdelay $0x4  }
0x2b3: {  	v7 =	vld.idx.msk [tilespmem:v7+s23+$0x0], vm1;
	v9 =	vadd.s32 $0x1F40, v8  }
0x2b4: {  	v10 =	vor.u32 $0x21, v6;
	_ =	sdelay $0x3  }
0x2b5: {  	[tilespmem:v9+s12+$0x0] =	vst.idx.msk vm1, v7  }
0x2b6: {  	v53 =	vadd.s32 $0x2328, v8;
	v7 =	vld.idx.msk [tilespmem:v10+s23+$0x0], vm1  }
0x2b7: {  	v54 =	vor.u32 $0x22, v6;
	_ =	sdelay $0x3  }
0x2b8: {  	[tilespmem:v53+s12+$0x0] =	vst.idx.msk vm1, v7  }
0x2b9: {  	v55 =	vadd.s32 $0x2710, v8;
	v7 =	vld.idx.msk [tilespmem:v54+s23+$0x0], vm1  }
0x2ba: {  	v56 =	vor.u32 $0x23, v6;
	_ =	sdelay $0x3  }
0x2bb: {  	[tilespmem:v55+s12+$0x0] =	vst.idx.msk vm1, v7  }
0x2bc: {  	v57 =	vadd.s32 $0x2AF8, v8;
	v7 =	vld.idx.msk [tilespmem:v56+s23+$0x0], vm1  }
0x2bd: {  	v58 =	vor.u32 $0x24, v6;
	_ =	sdelay $0x3  }
0x2be: {  	[tilespmem:v57+s12+$0x0] =	vst.idx.msk vm1, v7  }
0x2bf: {  	v59 =	vadd.s32 $0x2EE0, v8;
	v7 =	vld.idx.msk [tilespmem:v58+s23+$0x0], vm1  }
0x2c0: {  	v60 =	vor.u32 $0x25, v6;
	_ =	sdelay $0x3  }
0x2c1: {  	[tilespmem:v59+s12+$0x0] =	vst.idx.msk vm1, v7  }
0x2c2: {  	v61 =	vadd.s32 $0x32C8, v8;
	v7 =	vld.idx.msk [tilespmem:v60+s23+$0x0], vm1  }
0x2c3: {  	v62 =	vor.u32 $0x26, v6;
	_ =	sdelay $0x3  }
0x2c4: {  	[tilespmem:v61+s12+$0x0] =	vst.idx.msk vm1, v7  }
0x2c5: {  	v63 =	vadd.s32 $0x36B0, v8;
	v7 =	vld.idx.msk [tilespmem:v62+s23+$0x0], vm1  }
0x2c6: {  	v6 =	vor.u32 $0x27, v6;
	_ =	sdelay $0x3  }
0x2c7: {  	[tilespmem:v63+s12+$0x0] =	vst.idx.msk vm1, v7  }
0x2c8: {  	v7 =	vadd.s32 $0x3A98, v8;
	v6 =	vld.idx.msk [tilespmem:v6+s23+$0x0], vm1  }
.Ltmp33:
0x2c9: {  	_ = 	snop;
	(pc) =	sbr.rel .LBB2_50-.Ltmp33, $2  }
0x2ca: {  	_ =	sdelay $0x2  }
0x2cb: {  	vm2 =	vmmov vm1;
	[tilespmem:v7+s12+$0x0] =	vst.idx.msk vm1, v6  }
.LBB2_49:
0x2cc: {  	s9 =	sadd.s32 $0xB71B0, s3  }
0x2cd: {  	[hbm4b:s9+s24] =	stream.strided.scatter [tilespmem:s12], [sflag:$0x2], $0x1F40, s25, s24, $0x38;
	[tilespmem:$0x1F5D0] =	vst v63  }
0x2ce: {  	_ =	swait.ge [sflag:s16], $0x1F40  }
0x2cf: {  	[sflag:s16] =	ssyncset.done $0x0  }
0x2d0: {  	[sflag:s16] =	ssyncadd.s32 $0xFFFFE0C0  }
.LBB2_50:
.Ltmp34:
0x2d1: {  	s9 =	sadd.s32 $0xF4240, s3;
	(pc) =	sbr.rel @p0 .LBB2_61-.Ltmp34, $4  }
0x2d2: {  	[hbm4b:s9+s24] =	stream.strided.scatter [tilespmem:s13], [sflag:$0x3], $0x1F40, s25, s24, $0x38;
	[tilespmem:$0x1F5D0] =	vst v63  }
0x2d3: {  	_ =	swait.ge [sflag:s17], $0x1F40  }
0x2d4: {  	[sflag:s17] =	ssyncset.done $0x0  }
0x2d5: {  	[sflag:s17] =	ssyncadd.s32 $0xFFFFE0C0  }
.Ltmp35:
0x2d6: {  	(pc) =	sbr.rel @!p1 .LBB2_55-.Ltmp35, $4  }
0x2d7: {  	s9 =	simm.s32 $0x0  }
0x2d8: {  	v6 =	vor.u32 s9, v3  }
0x2d9: {  	s18 =	simm.s32 $0x17D10;
	s19 =	sadd.s32 $0xFFFFFFFF, s0;
	vm1 =	vlt.s32 v6, v5;
	v6 =	vshll.u32 v6, $0x6  }
0x2da: {  	p2 =	por $0x0, $0x0;
	s11 =	simm.s32 $0x17D10;
	p3 =	por $0x0, $0x0;
	v7 =	vmov v6;
	vm3 =	vmmov vm1  }
0x2db: {  	v7 =	vor.u32 $0x28, v6;
	v9 =	vld [tilespmem:s18+$0x0];
	_ =	sdelay $0x4  }
0x2dc: {  	v7 =	vld.idx.msk [tilespmem:v7+s23+$0x0], vm1;
	v8 =	vadd.s32 $0x3E80, v9  }
0x2dd: {  	v10 =	vor.u32 $0x29, v6;
	_ =	sdelay $0x3  }
0x2de: {  	[tilespmem:v8+s12+$0x0] =	vst.idx.msk vm1, v7  }
0x2df: {  	v8 =	vadd.s32 $0x4268, v9;
	v7 =	vld.idx.msk [tilespmem:v10+s23+$0x0], vm1  }
0x2e0: {  	v10 =	vor.u32 $0x2A, v6;
	_ =	sdelay $0x3  }
0x2e1: {  	[tilespmem:v8+s12+$0x0] =	vst.idx.msk vm1, v7  }
0x2e2: {  	v8 =	vadd.s32 $0x4650, v9;
	v7 =	vld.idx.msk [tilespmem:v10+s23+$0x0], vm1  }
0x2e3: {  	v10 =	vor.u32 $0x2B, v6;
	_ =	sdelay $0x3  }
0x2e4: {  	[tilespmem:v8+s12+$0x0] =	vst.idx.msk vm1, v7  }
0x2e5: {  	v8 =	vadd.s32 $0x4A38, v9;
	v7 =	vld.idx.msk [tilespmem:v10+s23+$0x0], vm1  }
0x2e6: {  	v10 =	vor.u32 $0x2C, v6;
	_ =	sdelay $0x3  }
0x2e7: {  	[tilespmem:v8+s12+$0x0] =	vst.idx.msk vm1, v7  }
0x2e8: {  	v8 =	vadd.s32 $0x4E20, v9;
	v7 =	vld.idx.msk [tilespmem:v10+s23+$0x0], vm1  }
0x2e9: {  	v10 =	vor.u32 $0x2D, v6;
	_ =	sdelay $0x3  }
0x2ea: {  	[tilespmem:v8+s12+$0x0] =	vst.idx.msk vm1, v7  }
0x2eb: {  	v8 =	vadd.s32 $0x5208, v9;
	v7 =	vld.idx.msk [tilespmem:v10+s23+$0x0], vm1  }
0x2ec: {  	v10 =	vor.u32 $0x2E, v6;
	_ =	sdelay $0x3  }
0x2ed: {  	[tilespmem:v8+s12+$0x0] =	vst.idx.msk vm1, v7  }
0x2ee: {  	v8 =	vadd.s32 $0x55F0, v9;
	v7 =	vld.idx.msk [tilespmem:v10+s23+$0x0], vm1  }
0x2ef: {  	v10 =	vor.u32 $0x2F, v6;
	_ =	sdelay $0x3  }
0x2f0: {  	vm2 =	vmmov vm1;
	p4 =	sne.s32 s19, $0x1;
	[tilespmem:v8+s12+$0x0] =	vst.idx.msk vm1, v7  }
.Ltmp36:
0x2f1: {  	v9 =	vadd.s32 $0x59D8, v9;
	v8 =	vld.idx.msk [tilespmem:v10+s23+$0x0], vm1;
	(pc) =	sbr.rel @!p4 .LBB2_53-.Ltmp36, $4  }
0x2f2: {  	_ = 	snop  }
0x2f3: {  	s20 =	simm.s32 $0x10  }
0x2f4: {  	v7 =	vor.u32 s20, v3  }
0x2f5: {  	s9 =	sadd.s32 $0xFFFFFFFF, s19;
	p3 =	por $0x1, $0x1;
	s11 =	simm.s32 $0x17D10;
	vm3 =	vlt.s32 v7, v5;
	v7 =	vshll.u32 v7, $0x6  }
.LBB2_54:
0x2f6: {  	p4 =	sne.s32 s9, $0x1;
	s9 =	sadd.s32 $0xFFFFFFFF, s9;
	v10 =	vor.u32 $0x28, v7;
	[tilespmem:v9+s12+$0x0] =	vst.idx.msk vm2, v8;
	s11 =	sadd.s32 $0x10, s11;
	vm2 =	vmmov vm3  }
0x2f7: {  	v9 =	vld [tilespmem:s11+$0x0];
	_ =	sdelay $0x3  }
0x2f8: {  	v8 =	vld.idx.msk [tilespmem:v10+s23+$0x0], vm3  }
0x2f9: {  	v10 =	vadd.s32 $0x3E80, v9  }
0x2fa: {  	v11 =	vor.u32 $0x29, v7;
	_ =	sdelay $0x3  }
0x2fb: {  	[tilespmem:v10+s12+$0x0] =	vst.idx.msk vm3, v8  }
0x2fc: {  	v8 =	vld.idx.msk [tilespmem:v11+s23+$0x0], vm3  }
0x2fd: {  	v10 =	vadd.s32 $0x4268, v9  }
0x2fe: {  	v11 =	vor.u32 $0x2A, v7;
	_ =	sdelay $0x3  }
0x2ff: {  	[tilespmem:v10+s12+$0x0] =	vst.idx.msk vm3, v8  }
0x300: {  	v8 =	vld.idx.msk [tilespmem:v11+s23+$0x0], vm3  }
0x301: {  	v10 =	vadd.s32 $0x4650, v9  }
0x302: {  	v11 =	vor.u32 $0x2B, v7;
	_ =	sdelay $0x3  }
0x303: {  	[tilespmem:v10+s12+$0x0] =	vst.idx.msk vm3, v8  }
0x304: {  	v8 =	vld.idx.msk [tilespmem:v11+s23+$0x0], vm3  }
0x305: {  	v10 =	vadd.s32 $0x4A38, v9  }
0x306: {  	v11 =	vor.u32 $0x2C, v7;
	_ =	sdelay $0x3  }
0x307: {  	[tilespmem:v10+s12+$0x0] =	vst.idx.msk vm3, v8  }
0x308: {  	v8 =	vld.idx.msk [tilespmem:v11+s23+$0x0], vm3  }
0x309: {  	v10 =	vadd.s32 $0x4E20, v9  }
0x30a: {  	v11 =	vor.u32 $0x2D, v7;
	_ =	sdelay $0x3  }
0x30b: {  	[tilespmem:v10+s12+$0x0] =	vst.idx.msk vm2, v8  }
0x30c: {  	v8 =	vld.idx.msk [tilespmem:v11+s23+$0x0], vm2  }
0x30d: {  	v10 =	vadd.s32 $0x5208, v9  }
0x30e: {  	v11 =	vor.u32 $0x2E, v7;
	_ =	sdelay $0x3  }
0x30f: {  	[tilespmem:v10+s12+$0x0] =	vst.idx.msk vm2, v8  }
0x310: {  	v8 =	vld.idx.msk [tilespmem:v11+s23+$0x0], vm2  }
0x311: {  	v10 =	vadd.s32 $0x55F0, v9  }
0x312: {  	v7 =	vor.u32 $0x2F, v7;
	_ =	sdelay $0x3  }
0x313: {  	[tilespmem:v10+s12+$0x0] =	vst.idx.msk vm2, v8  }
0x314: {  	v8 =	vld.idx.msk [tilespmem:v7+s23+$0x0], vm2  }
.Ltmp37:
0x315: {  	v9 =	vadd.s32 $0x59D8, v9;
	(pc) =	sbr.rel @p4 .LBB2_54-.Ltmp37, $4  }
0x316: {  	_ = 	snop  }
0x317: {  	s20 =	sadd.s32 $0x10, s20  }
0x318: {  	v7 =	vor.u32 s20, v3  }
0x319: {  	vm3 =	vlt.s32 v7, v5;
	v7 =	vshll.u32 v7, $0x6  }
.LBB2_55:
0x31a: {  	_ =	sdelay $0x3  }
0x31b: {  	s9 =	sadd.s32 @p3 $0x10, s11;
	s11 =	simm.s32 $0x17D10  }
0x31c: {  	[tilespmem:v9+s12+$0x0] =	vst.idx.msk @p3 vm2, v8;
	s11 =	smov.u32 @p3 s9  }
0x31d: {  	v8 =	vor.u32 $0x28, v7;
	v9 =	vld [tilespmem:s11+$0x0];
	_ =	sdelay $0x4  }
0x31e: {  	v8 =	vld.idx.msk [tilespmem:v8+s23+$0x0], vm3;
	v10 =	vadd.s32 $0x3E80, v9  }
0x31f: {  	v11 =	vor.u32 $0x29, v7;
	_ =	sdelay $0x3  }
0x320: {  	[tilespmem:v10+s12+$0x0] =	vst.idx.msk vm3, v8  }
0x321: {  	v53 =	vadd.s32 $0x4268, v9;
	v8 =	vld.idx.msk [tilespmem:v11+s23+$0x0], vm3  }
0x322: {  	v54 =	vor.u32 $0x2A, v7;
	_ =	sdelay $0x3  }
0x323: {  	[tilespmem:v53+s12+$0x0] =	vst.idx.msk vm3, v8  }
0x324: {  	v55 =	vadd.s32 $0x4650, v9;
	v8 =	vld.idx.msk [tilespmem:v54+s23+$0x0], vm3  }
0x325: {  	v56 =	vor.u32 $0x2B, v7;
	_ =	sdelay $0x3  }
0x326: {  	[tilespmem:v55+s12+$0x0] =	vst.idx.msk vm3, v8  }
0x327: {  	v57 =	vadd.s32 $0x4A38, v9;
	v8 =	vld.idx.msk [tilespmem:v56+s23+$0x0], vm3  }
0x328: {  	v58 =	vor.u32 $0x2C, v7;
	_ =	sdelay $0x3  }
0x329: {  	[tilespmem:v57+s12+$0x0] =	vst.idx.msk vm3, v8  }
0x32a: {  	v59 =	vadd.s32 $0x4E20, v9;
	v8 =	vld.idx.msk [tilespmem:v58+s23+$0x0], vm3  }
0x32b: {  	v60 =	vor.u32 $0x2D, v7;
	_ =	sdelay $0x3  }
0x32c: {  	[tilespmem:v59+s12+$0x0] =	vst.idx.msk vm3, v8  }
0x32d: {  	v61 =	vadd.s32 $0x5208, v9;
	v8 =	vld.idx.msk [tilespmem:v60+s23+$0x0], vm3  }
0x32e: {  	v62 =	vor.u32 $0x2E, v7;
	_ =	sdelay $0x3  }
0x32f: {  	[tilespmem:v61+s12+$0x0] =	vst.idx.msk vm3, v8  }
0x330: {  	v63 =	vadd.s32 $0x55F0, v9;
	v8 =	vld.idx.msk [tilespmem:v62+s23+$0x0], vm3  }
0x331: {  	v7 =	vor.u32 $0x2F, v7;
	_ =	sdelay $0x3  }
0x332: {  	[tilespmem:v63+s12+$0x0] =	vst.idx.msk vm3, v8  }
0x333: {  	v8 =	vadd.s32 $0x59D8, v9;
	v7 =	vld.idx.msk [tilespmem:v7+s23+$0x0], vm3;
	_ =	sdelay $0x3  }
0x334: {  	p3 =	seq.s32 s0, $0x1  }
.Ltmp38:
0x335: {  	s26 =	sadd.s32 $0x1312D0, s3;
	[tilespmem:v8+s12+$0x0] =	vst.idx.msk vm3, v7;
	(pc) =	sbr.rel @p3 .LBB2_56-.Ltmp38, $4  }
0x336: {  	[hbm4b:s26+s24] =	stream.strided.scatter [tilespmem:s14], [sflag:$0x4], $0x1F40, s25, s24, $0x38;
	[tilespmem:$0x1F5D0] =	vst v63  }
0x337: {  	_ =	swait.ge [sflag:s15], $0x1F40  }
0x338: {  	[sflag:s15] =	ssyncset.done $0x0  }
0x339: {  	vm2 =	vmmov vm3;
	v7 =	vor.u32 $0x30, v6;
	[sflag:s15] =	ssyncadd.s32 $0xFFFFE0C0  }
0x33a: {  	_ =	sdelay $0x1  }
0x33b: {  	v9 =	vld [tilespmem:s18+$0x0];
	_ =	sdelay $0x2  }
0x33c: {  	v7 =	vld.idx.msk [tilespmem:v7+s23+$0x0], vm1  }
0x33d: {  	v8 =	vor.u32 $0x31, v6;
	_ =	sdelay $0x3  }
0x33e: {  	[tilespmem:v9+s12+$0x0] =	vst.idx.msk vm1, v7  }
0x33f: {  	v7 =	vld.idx.msk [tilespmem:v8+s23+$0x0], vm1;
	v8 =	vadd.s32 $0x3E8, v9  }
0x340: {  	v10 =	vor.u32 $0x32, v6;
	_ =	sdelay $0x3  }
0x341: {  	[tilespmem:v8+s12+$0x0] =	vst.idx.msk vm1, v7  }
0x342: {  	v8 =	vadd.s32 $0x7D0, v9;
	v7 =	vld.idx.msk [tilespmem:v10+s23+$0x0], vm1  }
0x343: {  	v10 =	vor.u32 $0x33, v6;
	_ =	sdelay $0x3  }
0x344: {  	[tilespmem:v8+s12+$0x0] =	vst.idx.msk vm1, v7  }
0x345: {  	v8 =	vadd.s32 $0xBB8, v9;
	v7 =	vld.idx.msk [tilespmem:v10+s23+$0x0], vm1  }
0x346: {  	v10 =	vor.u32 $0x34, v6;
	_ =	sdelay $0x3  }
0x347: {  	[tilespmem:v8+s12+$0x0] =	vst.idx.msk vm1, v7  }
0x348: {  	v8 =	vadd.s32 $0xFA0, v9;
	v7 =	vld.idx.msk [tilespmem:v10+s23+$0x0], vm1  }
0x349: {  	v10 =	vor.u32 $0x35, v6;
	_ =	sdelay $0x3  }
0x34a: {  	[tilespmem:v8+s12+$0x0] =	vst.idx.msk vm1, v7  }
0x34b: {  	v8 =	vadd.s32 $0x1388, v9;
	v7 =	vld.idx.msk [tilespmem:v10+s23+$0x0], vm1  }
0x34c: {  	v10 =	vor.u32 $0x36, v6;
	_ =	sdelay $0x3  }
0x34d: {  	[tilespmem:v8+s12+$0x0] =	vst.idx.msk vm1, v7  }
0x34e: {  	v8 =	vadd.s32 $0x1770, v9;
	v7 =	vld.idx.msk [tilespmem:v10+s23+$0x0], vm1  }
0x34f: {  	v10 =	vor.u32 $0x37, v6;
	_ =	sdelay $0x2  }
0x350: {  	p3 =	seq.s32 s19, $0x1  }
.Ltmp39:
0x351: {  	vm2 =	vmmov vm1;
	[tilespmem:v8+s12+$0x0] =	vst.idx.msk vm1, v7;
	(pc) =	sbr.rel @p3 .LBB2_58-.Ltmp39, $4  }
0x352: {  	s11 =	simm.s32 $0x10;
	v9 =	vadd.s32 $0x1B58, v9;
	v8 =	vld.idx.msk [tilespmem:v10+s23+$0x0], vm1  }
0x353: {  	v11 =	vor.u32 s11, v3  }
0x354: {  	v6 =	vshll.u32 v11, $0x6  }
0x355: {  	s9 =	sadd.s32 $0xFFFFFFFF, s19;
	p2 =	por $0x1, $0x1;
	s19 =	simm.s32 $0x17D10;
	v7 =	vor.u32 $0x30, v6;
	vm1 =	vlt.s32 v11, v5  }
.LBB2_59:
0x356: {  	_ = 	snop  }
0x357: {  	p3 =	seq.s32 s9, $0x1;
	s9 =	sadd.s32 $0xFFFFFFFF, s9;
	[tilespmem:v9+s12+$0x0] =	vst.idx.msk vm2, v8;
	s19 =	sadd.s32 $0x10, s19;
	vm2 =	vmmov vm1  }
0x358: {  	v9 =	vld [tilespmem:s19+$0x0];
	_ =	sdelay $0x1  }
0x359: {  	v7 =	vld.idx.msk [tilespmem:v7+s23+$0x0], vm1;
	_ =	sdelay $0x1  }
0x35a: {  	v8 =	vor.u32 $0x31, v6;
	_ =	sdelay $0x3  }
0x35b: {  	[tilespmem:v9+s12+$0x0] =	vst.idx.msk vm1, v7  }
0x35c: {  	v7 =	vld.idx.msk [tilespmem:v8+s23+$0x0], vm1  }
0x35d: {  	v8 =	vadd.s32 $0x3E8, v9  }
0x35e: {  	v10 =	vor.u32 $0x32, v6;
	_ =	sdelay $0x3  }
0x35f: {  	[tilespmem:v8+s12+$0x0] =	vst.idx.msk vm1, v7  }
0x360: {  	v7 =	vld.idx.msk [tilespmem:v10+s23+$0x0], vm1  }
0x361: {  	v8 =	vadd.s32 $0x7D0, v9  }
0x362: {  	v10 =	vor.u32 $0x33, v6;
	_ =	sdelay $0x3  }
0x363: {  	[tilespmem:v8+s12+$0x0] =	vst.idx.msk vm1, v7  }
0x364: {  	v7 =	vld.idx.msk [tilespmem:v10+s23+$0x0], vm1  }
0x365: {  	v8 =	vadd.s32 $0xBB8, v9  }
0x366: {  	v10 =	vor.u32 $0x34, v6;
	_ =	sdelay $0x3  }
0x367: {  	[tilespmem:v8+s12+$0x0] =	vst.idx.msk vm1, v7  }
0x368: {  	v7 =	vld.idx.msk [tilespmem:v10+s23+$0x0], vm1  }
0x369: {  	v8 =	vadd.s32 $0xFA0, v9  }
0x36a: {  	v10 =	vor.u32 $0x35, v6;
	_ =	sdelay $0x3  }
0x36b: {  	[tilespmem:v8+s12+$0x0] =	vst.idx.msk vm2, v7  }
0x36c: {  	v7 =	vld.idx.msk [tilespmem:v10+s23+$0x0], vm2  }
0x36d: {  	v8 =	vadd.s32 $0x1388, v9  }
0x36e: {  	v10 =	vor.u32 $0x36, v6;
	_ =	sdelay $0x3  }
0x36f: {  	[tilespmem:v8+s12+$0x0] =	vst.idx.msk vm2, v7  }
0x370: {  	v7 =	vld.idx.msk [tilespmem:v10+s23+$0x0], vm2  }
0x371: {  	v8 =	vadd.s32 $0x1770, v9  }
0x372: {  	v6 =	vor.u32 $0x37, v6;
	_ =	sdelay $0x3  }
0x373: {  	[tilespmem:v8+s12+$0x0] =	vst.idx.msk vm2, v7  }
.Ltmp40:
0x374: {  	v8 =	vld.idx.msk [tilespmem:v6+s23+$0x0], vm2;
	(pc) =	sbr.rel @!p3 .LBB2_59-.Ltmp40, $4  }
0x375: {  	s11 =	sadd.s32 $0x10, s11;
	v9 =	vadd.s32 $0x1B58, v9  }
0x376: {  	v6 =	vor.u32 s11, v3  }
0x377: {  	vm1 =	vlt.s32 v6, v5;
	v6 =	vshll.u32 v6, $0x6  }
0x378: {  	v7 =	vor.u32 $0x30, v6  }
.LBB2_60:
0x379: {  	_ =	sdelay $0x3  }
0x37a: {  	s9 =	sadd.s32 @p2 $0x10, s19  }
0x37b: {  	[tilespmem:v9+s12+$0x0] =	vst.idx.msk @p2 vm2, v8;
	s18 =	smov.u32 @p2 s9  }
0x37c: {  	v8 =	vld [tilespmem:s18+$0x0];
	_ =	sdelay $0x2  }
0x37d: {  	v7 =	vld.idx.msk [tilespmem:v7+s23+$0x0], vm1  }
0x37e: {  	v53 =	vor.u32 $0x31, v6;
	_ =	sdelay $0x3  }
0x37f: {  	[tilespmem:v8+s12+$0x0] =	vst.idx.msk vm1, v7  }
0x380: {  	v54 =	vadd.s32 $0x3E8, v8;
	v7 =	vld.idx.msk [tilespmem:v53+s23+$0x0], vm1  }
0x381: {  	v10 =	vor.u32 $0x32, v6;
	_ =	sdelay $0x3  }
0x382: {  	[tilespmem:v54+s12+$0x0] =	vst.idx.msk vm1, v7  }
0x383: {  	v55 =	vadd.s32 $0x7D0, v8;
	v7 =	vld.idx.msk [tilespmem:v10+s23+$0x0], vm1  }
0x384: {  	v56 =	vor.u32 $0x33, v6;
	_ =	sdelay $0x3  }
0x385: {  	[tilespmem:v55+s12+$0x0] =	vst.idx.msk vm1, v7  }
0x386: {  	v57 =	vadd.s32 $0xBB8, v8;
	v7 =	vld.idx.msk [tilespmem:v56+s23+$0x0], vm1  }
0x387: {  	v58 =	vor.u32 $0x34, v6;
	_ =	sdelay $0x3  }
0x388: {  	[tilespmem:v57+s12+$0x0] =	vst.idx.msk vm1, v7  }
0x389: {  	v59 =	vadd.s32 $0xFA0, v8;
	v7 =	vld.idx.msk [tilespmem:v58+s23+$0x0], vm1  }
0x38a: {  	v60 =	vor.u32 $0x35, v6;
	_ =	sdelay $0x3  }
0x38b: {  	[tilespmem:v59+s12+$0x0] =	vst.idx.msk vm1, v7  }
0x38c: {  	v61 =	vadd.s32 $0x1388, v8;
	v7 =	vld.idx.msk [tilespmem:v60+s23+$0x0], vm1  }
0x38d: {  	v62 =	vor.u32 $0x36, v6;
	_ =	sdelay $0x3  }
0x38e: {  	[tilespmem:v61+s12+$0x0] =	vst.idx.msk vm1, v7  }
0x38f: {  	v63 =	vadd.s32 $0x1770, v8;
	v7 =	vld.idx.msk [tilespmem:v62+s23+$0x0], vm1  }
0x390: {  	v6 =	vor.u32 $0x37, v6;
	_ =	sdelay $0x3  }
0x391: {  	[tilespmem:v63+s12+$0x0] =	vst.idx.msk vm1, v7  }
0x392: {  	v7 =	vadd.s32 $0x1B58, v8;
	v6 =	vld.idx.msk [tilespmem:v6+s23+$0x0], vm1  }
.Ltmp41:
0x393: {  	_ = 	snop;
	(pc) =	sbr.rel .LBB2_62-.Ltmp41, $2  }
0x394: {  	_ =	sdelay $0x2  }
0x395: {  	vm2 =	vmmov vm1;
	[tilespmem:v7+s12+$0x0] =	vst.idx.msk vm1, v6  }
.LBB2_61:
0x396: {  	s9 =	sadd.s32 $0x1312D0, s3  }
0x397: {  	[hbm4b:s9+s24] =	stream.strided.scatter [tilespmem:s14], [sflag:$0x4], $0x1F40, s25, s24, $0x38;
	[tilespmem:$0x1F5D0] =	vst v63  }
0x398: {  	_ =	swait.ge [sflag:s15], $0x1F40  }
0x399: {  	[sflag:s15] =	ssyncset.done $0x0  }
0x39a: {  	[sflag:s15] =	ssyncadd.s32 $0xFFFFE0C0  }
.LBB2_62:
.Ltmp42:
0x39b: {  	s9 =	sadd.s32 $0x16E360, s3;
	(pc) =	sbr.rel @p0 .LBB2_69-.Ltmp42, $4  }
0x39c: {  	[hbm4b:s9+s24] =	stream.strided.scatter [tilespmem:s12], [sflag:$0x2], $0x1F40, s25, s24, $0x38;
	[tilespmem:$0x1F5D0] =	vst v63  }
0x39d: {  	_ =	swait.ge [sflag:s16], $0x1F40  }
0x39e: {  	[sflag:s16] =	ssyncset.done $0x0  }
0x39f: {  	[sflag:s16] =	ssyncadd.s32 $0xFFFFE0C0  }
.Ltmp43:
0x3a0: {  	(pc) =	sbr.rel @!p1 .LBB2_64-.Ltmp43, $4  }
0x3a1: {  	_ = 	snop  }
0x3a2: {  	s9 =	simm.s32 $0x0  }
0x3a3: {  	v6 =	vor.u32 s9, v3  }
0x3a4: {  	s18 =	simm.s32 $0x17D10;
	p2 =	por $0x0, $0x0;
	s9 =	sadd.s32 $0xFFFFFFFF, s0;
	vm2 =	vlt.s32 v6, v5;
	v6 =	vshll.u32 v6, $0x6  }
0x3a5: {  	v7 =	vor.u32 $0x38, v6;
	v8 =	vld [tilespmem:s18+$0x0];
	_ =	sdelay $0x4  }
0x3a6: {  	v7 =	vld.idx.msk [tilespmem:v7+s23+$0x0], vm2;
	v9 =	vadd.s32 $0x1F40, v8  }
0x3a7: {  	v10 =	vor.u32 $0x39, v6;
	_ =	sdelay $0x3  }
0x3a8: {  	[tilespmem:v9+s12+$0x0] =	vst.idx.msk vm2, v7  }
0x3a9: {  	v9 =	vadd.s32 $0x2328, v8;
	v7 =	vld.idx.msk [tilespmem:v10+s23+$0x0], vm2  }
0x3aa: {  	v10 =	vor.u32 $0x3A, v6;
	_ =	sdelay $0x3  }
0x3ab: {  	[tilespmem:v9+s12+$0x0] =	vst.idx.msk vm2, v7  }
0x3ac: {  	v9 =	vadd.s32 $0x2710, v8;
	v7 =	vld.idx.msk [tilespmem:v10+s23+$0x0], vm2  }
0x3ad: {  	v10 =	vor.u32 $0x3B, v6;
	_ =	sdelay $0x3  }
0x3ae: {  	[tilespmem:v9+s12+$0x0] =	vst.idx.msk vm2, v7  }
0x3af: {  	v9 =	vadd.s32 $0x2AF8, v8;
	v7 =	vld.idx.msk [tilespmem:v10+s23+$0x0], vm2  }
0x3b0: {  	v10 =	vor.u32 $0x3C, v6;
	_ =	sdelay $0x3  }
0x3b1: {  	[tilespmem:v9+s12+$0x0] =	vst.idx.msk vm2, v7  }
0x3b2: {  	v9 =	vadd.s32 $0x2EE0, v8;
	v7 =	vld.idx.msk [tilespmem:v10+s23+$0x0], vm2  }
0x3b3: {  	v10 =	vor.u32 $0x3D, v6;
	_ =	sdelay $0x3  }
0x3b4: {  	[tilespmem:v9+s12+$0x0] =	vst.idx.msk vm2, v7  }
0x3b5: {  	v9 =	vadd.s32 $0x32C8, v8;
	v7 =	vld.idx.msk [tilespmem:v10+s23+$0x0], vm2  }
0x3b6: {  	v10 =	vor.u32 $0x3E, v6;
	_ =	sdelay $0x3  }
0x3b7: {  	[tilespmem:v9+s12+$0x0] =	vst.idx.msk vm2, v7  }
0x3b8: {  	v9 =	vadd.s32 $0x36B0, v8;
	v7 =	vld.idx.msk [tilespmem:v10+s23+$0x0], vm2  }
0x3b9: {  	v6 =	vor.u32 $0x3F, v6;
	_ =	sdelay $0x3  }
0x3ba: {  	vm1 =	vmmov vm2;
	p3 =	sne.s32 s9, $0x1;
	[tilespmem:v9+s12+$0x0] =	vst.idx.msk vm2, v7  }
.Ltmp44:
0x3bb: {  	v8 =	vadd.s32 $0x3A98, v8;
	v7 =	vld.idx.msk [tilespmem:v6+s23+$0x0], vm2;
	(pc) =	sbr.rel @!p3 .LBB2_66-.Ltmp44, $4  }
0x3bc: {  	_ = 	snop  }
0x3bd: {  	s0 =	simm.s32 $0x10  }
0x3be: {  	v9 =	vor.u32 s0, v3  }
0x3bf: {  	s9 =	sadd.s32 $0xFFFFFFFF, s9;
	p2 =	por $0x1, $0x1;
	s11 =	simm.s32 $0x17D10;
	vm2 =	vlt.s32 v9, v5;
	v6 =	vshll.u32 v9, $0x6  }
.LBB2_67:
0x3c0: {  	p3 =	sne.s32 s9, $0x1;
	s9 =	sadd.s32 $0xFFFFFFFF, s9;
	v9 =	vor.u32 $0x38, v6;
	[tilespmem:v8+s12+$0x0] =	vst.idx.msk vm1, v7;
	s11 =	sadd.s32 $0x10, s11;
	vm1 =	vmmov vm2  }
0x3c1: {  	v8 =	vld [tilespmem:s11+$0x0];
	_ =	sdelay $0x3  }
0x3c2: {  	v7 =	vld.idx.msk [tilespmem:v9+s23+$0x0], vm2  }
0x3c3: {  	v9 =	vadd.s32 $0x1F40, v8  }
0x3c4: {  	v10 =	vor.u32 $0x39, v6;
	_ =	sdelay $0x3  }
0x3c5: {  	[tilespmem:v9+s12+$0x0] =	vst.idx.msk vm2, v7  }
0x3c6: {  	v7 =	vld.idx.msk [tilespmem:v10+s23+$0x0], vm2  }
0x3c7: {  	v9 =	vadd.s32 $0x2328, v8  }
0x3c8: {  	v10 =	vor.u32 $0x3A, v6;
	_ =	sdelay $0x3  }
0x3c9: {  	[tilespmem:v9+s12+$0x0] =	vst.idx.msk vm2, v7  }
0x3ca: {  	v7 =	vld.idx.msk [tilespmem:v10+s23+$0x0], vm2  }
0x3cb: {  	v9 =	vadd.s32 $0x2710, v8  }
0x3cc: {  	v10 =	vor.u32 $0x3B, v6;
	_ =	sdelay $0x3  }
0x3cd: {  	[tilespmem:v9+s12+$0x0] =	vst.idx.msk vm2, v7  }
0x3ce: {  	v7 =	vld.idx.msk [tilespmem:v10+s23+$0x0], vm2  }
0x3cf: {  	v9 =	vadd.s32 $0x2AF8, v8  }
0x3d0: {  	v10 =	vor.u32 $0x3C, v6;
	_ =	sdelay $0x3  }
0x3d1: {  	[tilespmem:v9+s12+$0x0] =	vst.idx.msk vm2, v7  }
0x3d2: {  	v7 =	vld.idx.msk [tilespmem:v10+s23+$0x0], vm2  }
0x3d3: {  	v9 =	vadd.s32 $0x2EE0, v8  }
0x3d4: {  	v10 =	vor.u32 $0x3D, v6;
	_ =	sdelay $0x3  }
0x3d5: {  	[tilespmem:v9+s12+$0x0] =	vst.idx.msk vm1, v7  }
0x3d6: {  	v7 =	vld.idx.msk [tilespmem:v10+s23+$0x0], vm1  }
0x3d7: {  	v9 =	vadd.s32 $0x32C8, v8  }
0x3d8: {  	v10 =	vor.u32 $0x3E, v6;
	_ =	sdelay $0x3  }
0x3d9: {  	[tilespmem:v9+s12+$0x0] =	vst.idx.msk vm1, v7  }
0x3da: {  	v7 =	vld.idx.msk [tilespmem:v10+s23+$0x0], vm1  }
0x3db: {  	v9 =	vadd.s32 $0x36B0, v8  }
0x3dc: {  	v6 =	vor.u32 $0x3F, v6;
	_ =	sdelay $0x3  }
0x3dd: {  	[tilespmem:v9+s12+$0x0] =	vst.idx.msk vm1, v7  }
0x3de: {  	v7 =	vld.idx.msk [tilespmem:v6+s23+$0x0], vm1  }
.Ltmp45:
0x3df: {  	v8 =	vadd.s32 $0x3A98, v8;
	(pc) =	sbr.rel @p3 .LBB2_67-.Ltmp45, $4  }
0x3e0: {  	_ = 	snop  }
0x3e1: {  	s0 =	sadd.s32 $0x10, s0  }
0x3e2: {  	v6 =	vor.u32 s0, v3  }
0x3e3: {  	vm2 =	vlt.s32 v6, v5;
	v6 =	vshll.u32 v6, $0x6  }
.LBB2_68:
0x3e4: {  	_ =	sdelay $0x3  }
0x3e5: {  	s0 =	sadd.s32 @p2 $0x10, s11  }
0x3e6: {  	[tilespmem:v8+s12+$0x0] =	vst.idx.msk @p2 vm1, v7;
	s18 =	smov.u32 @p2 s0  }
0x3e7: {  	v7 =	vor.u32 $0x38, v6;
	v8 =	vld [tilespmem:s18+$0x0];
	_ =	sdelay $0x4  }
0x3e8: {  	v7 =	vld.idx.msk [tilespmem:v7+s23+$0x0], vm2;
	v9 =	vadd.s32 $0x1F40, v8  }
0x3e9: {  	v10 =	vor.u32 $0x39, v6;
	_ =	sdelay $0x3  }
0x3ea: {  	[tilespmem:v9+s12+$0x0] =	vst.idx.msk vm2, v7  }
0x3eb: {  	v53 =	vadd.s32 $0x2328, v8;
	v7 =	vld.idx.msk [tilespmem:v10+s23+$0x0], vm2  }
0x3ec: {  	v54 =	vor.u32 $0x3A, v6;
	_ =	sdelay $0x3  }
0x3ed: {  	[tilespmem:v53+s12+$0x0] =	vst.idx.msk vm2, v7  }
0x3ee: {  	v55 =	vadd.s32 $0x2710, v8;
	v7 =	vld.idx.msk [tilespmem:v54+s23+$0x0], vm2  }
0x3ef: {  	v56 =	vor.u32 $0x3B, v6;
	_ =	sdelay $0x3  }
0x3f0: {  	[tilespmem:v55+s12+$0x0] =	vst.idx.msk vm2, v7  }
0x3f1: {  	v57 =	vadd.s32 $0x2AF8, v8;
	v7 =	vld.idx.msk [tilespmem:v56+s23+$0x0], vm2  }
0x3f2: {  	v58 =	vor.u32 $0x3C, v6;
	_ =	sdelay $0x3  }
0x3f3: {  	[tilespmem:v57+s12+$0x0] =	vst.idx.msk vm2, v7  }
0x3f4: {  	v59 =	vadd.s32 $0x2EE0, v8;
	v7 =	vld.idx.msk [tilespmem:v58+s23+$0x0], vm2  }
0x3f5: {  	v60 =	vor.u32 $0x3D, v6;
	_ =	sdelay $0x3  }
0x3f6: {  	[tilespmem:v59+s12+$0x0] =	vst.idx.msk vm2, v7  }
0x3f7: {  	v61 =	vadd.s32 $0x32C8, v8;
	v7 =	vld.idx.msk [tilespmem:v60+s23+$0x0], vm2  }
0x3f8: {  	v62 =	vor.u32 $0x3E, v6;
	_ =	sdelay $0x3  }
0x3f9: {  	[tilespmem:v61+s12+$0x0] =	vst.idx.msk vm2, v7  }
0x3fa: {  	v63 =	vadd.s32 $0x36B0, v8;
	v7 =	vld.idx.msk [tilespmem:v62+s23+$0x0], vm2  }
0x3fb: {  	v6 =	vor.u32 $0x3F, v6;
	_ =	sdelay $0x3  }
0x3fc: {  	[tilespmem:v63+s12+$0x0] =	vst.idx.msk vm2, v7  }
0x3fd: {  	v7 =	vadd.s32 $0x3A98, v8;
	v6 =	vld.idx.msk [tilespmem:v6+s23+$0x0], vm2;
	_ =	sdelay $0x4  }
0x3fe: {  	vm1 =	vmmov vm2;
	[tilespmem:v7+s12+$0x0] =	vst.idx.msk vm2, v6  }
.LBB2_69:
0x3ff: {  	s0 =	sadd.s32 $0x1AB3F0, s3  }
0x400: {  	[hbm4b:s0+s24] =	stream.strided.scatter [tilespmem:s13], [sflag:$0x3], $0x1F40, s25, s24, $0x38;
	[tilespmem:$0x1F5D0] =	vst v63  }
0x401: {  	_ =	swait.ge [sflag:s17], $0x1F40  }
0x402: {  	[sflag:s17] =	ssyncset.done $0x0  }
0x403: {  	[sflag:s17] =	ssyncadd.s32 $0xFFFFE0C0  }
0x404: {  	_ =	swait.ge [sflag:s15], $0x1F40  }
.Ltmp46:
0x405: {  	[sflag:s15] =	ssyncset.done $0x0;
	(pc) =	sbr.rel @p0 .LBB2_73-.Ltmp46, $4  }
0x406: {  	[sflag:s15] =	ssyncadd.s32 $0xFFFFE0C0  }
0x407: {  	_ =	swait.ge [sflag:s16], $0x1F40  }
0x408: {  	[sflag:s16] =	ssyncset.done $0x0  }
0x409: {  	[sflag:s16] =	ssyncadd.s32 $0xFFFFE0C0  }
0x40a: {  	s0 =	simm.s32 $0x17D10  }
0x40b: {  	v6 =	vld [tilespmem:s0+$0x0]  }
0x40c: {  	s3 =	simm.s32 $0x0  }
0x40d: {  	v7 =	vor.u32 s3, v3  }
0x40e: {  	vm1 =	vlt.s32 v7, v5;
	_ =	sdelay $0x1  }
0x40f: {  	v7 =	vadd.s32 $0x3E8, v6  }
0x410: {  	v8 =	vadd.s32 $0x7D0, v6  }
0x411: {  	v9 =	vadd.s32 $0xBB8, v6  }
0x412: {  	v10 =	vadd.s32 $0xFA0, v6  }
0x413: {  	v11 =	vadd.s32 $0x1388, v6;
	[tilespmem:v6+s12+$0x0] =	vst.idx.msk vm1, v4  }
0x414: {  	[tilespmem:v7+s12+$0x0] =	vst.idx.msk vm1, v4;
	v7 =	vadd.s32 $0x1770, v6  }
0x415: {  	[tilespmem:v8+s12+$0x0] =	vst.idx.msk vm1, v4;
	v8 =	vadd.s32 $0x1B58, v6  }
0x416: {  	v55 =	vadd.s32 $0x1F40, v6;
	[tilespmem:v9+s12+$0x0] =	vst.idx.msk vm1, v4  }
0x417: {  	v56 =	vadd.s32 $0x2328, v6;
	[tilespmem:v10+s12+$0x0] =	vst.idx.msk vm1, v4  }
0x418: {  	v57 =	vadd.s32 $0x2710, v6;
	[tilespmem:v11+s12+$0x0] =	vst.idx.msk vm1, v4  }
0x419: {  	[tilespmem:v7+s12+$0x0] =	vst.idx.msk vm1, v4;
	v7 =	vadd.s32 $0x2AF8, v6  }
0x41a: {  	[tilespmem:v8+s12+$0x0] =	vst.idx.msk vm1, v4;
	v8 =	vadd.s32 $0x2EE0, v6  }
0x41b: {  	v58 =	vadd.s32 $0x32C8, v6;
	[tilespmem:v55+s12+$0x0] =	vst.idx.msk vm1, v4  }
0x41c: {  	v59 =	vadd.s32 $0x36B0, v6;
	[tilespmem:v56+s12+$0x0] =	vst.idx.msk vm1, v4  }
0x41d: {  	v60 =	vadd.s32 $0x3A98, v6;
	[tilespmem:v57+s12+$0x0] =	vst.idx.msk vm1, v4  }
0x41e: {  	[tilespmem:v7+s12+$0x0] =	vst.idx.msk vm1, v4;
	v7 =	vadd.s32 $0x3E80, v6  }
0x41f: {  	[tilespmem:v8+s12+$0x0] =	vst.idx.msk vm1, v4;
	v8 =	vadd.s32 $0x4268, v6  }
0x420: {  	v61 =	vadd.s32 $0x4650, v6;
	[tilespmem:v58+s12+$0x0] =	vst.idx.msk vm1, v4  }
0x421: {  	v62 =	vadd.s32 $0x4A38, v6;
	[tilespmem:v59+s12+$0x0] =	vst.idx.msk vm1, v4  }
0x422: {  	v63 =	vadd.s32 $0x4E20, v6;
	[tilespmem:v60+s12+$0x0] =	vst.idx.msk vm1, v4  }
0x423: {  	[tilespmem:v7+s12+$0x0] =	vst.idx.msk vm1, v4;
	v7 =	vadd.s32 $0x5208, v6  }
0x424: {  	[tilespmem:v8+s12+$0x0] =	vst.idx.msk vm1, v4;
	v8 =	vadd.s32 $0x55F0, v6  }
.Ltmp47:
0x425: {  	v6 =	vadd.s32 $0x59D8, v6;
	[tilespmem:v61+s12+$0x0] =	vst.idx.msk vm1, v4;
	(pc) =	sbr.rel @!p1 .LBB2_72-.Ltmp47, $4  }
0x426: {  	[tilespmem:v62+s12+$0x0] =	vst.idx.msk vm1, v4  }
0x427: {  	[tilespmem:v63+s12+$0x0] =	vst.idx.msk vm1, v4  }
0x428: {  	[tilespmem:v7+s12+$0x0] =	vst.idx.msk vm1, v4  }
0x429: {  	[tilespmem:v8+s12+$0x0] =	vst.idx.msk vm1, v4  }
.LBB2_71:
0x42a: {  	p0 =	sne.s32 s31, $0x1;
	[tilespmem:v6+s12+$0x0] =	vst.idx.msk vm1, v4;
	s0 =	sadd.s32 $0x10, s0;
	s3 =	sadd.s32 $0x10, s3  }
0x42b: {  	s31 =	sadd.s32 $0xFFFFFFFF, s31;
	v6 =	vld [tilespmem:s0+$0x0];
	_ =	sdelay $0x1  }
0x42c: {  	v7 =	vor.u32 s3, v3  }
0x42d: {  	vm1 =	vlt.s32 v7, v5;
	_ =	sdelay $0x1  }
0x42e: {  	v7 =	vadd.s32 $0x3E8, v6  }
0x42f: {  	v8 =	vadd.s32 $0x7D0, v6  }
0x430: {  	v9 =	vadd.s32 $0xBB8, v6  }
0x431: {  	v10 =	vadd.s32 $0xFA0, v6  }
0x432: {  	v11 =	vadd.s32 $0x1388, v6;
	[tilespmem:v6+s12+$0x0] =	vst.idx.msk vm1, v4  }
0x433: {  	[tilespmem:v7+s12+$0x0] =	vst.idx.msk vm1, v4;
	v7 =	vadd.s32 $0x1770, v6  }
0x434: {  	[tilespmem:v8+s12+$0x0] =	vst.idx.msk vm1, v4;
	v8 =	vadd.s32 $0x1B58, v6  }
0x435: {  	[tilespmem:v9+s12+$0x0] =	vst.idx.msk vm1, v4;
	v9 =	vadd.s32 $0x1F40, v6  }
0x436: {  	[tilespmem:v10+s12+$0x0] =	vst.idx.msk vm1, v4;
	v10 =	vadd.s32 $0x2328, v6  }
0x437: {  	[tilespmem:v11+s12+$0x0] =	vst.idx.msk vm1, v4;
	v11 =	vadd.s32 $0x2710, v6  }
0x438: {  	[tilespmem:v7+s12+$0x0] =	vst.idx.msk vm1, v4;
	v7 =	vadd.s32 $0x2AF8, v6  }
0x439: {  	[tilespmem:v8+s12+$0x0] =	vst.idx.msk vm1, v4;
	v8 =	vadd.s32 $0x2EE0, v6  }
0x43a: {  	[tilespmem:v9+s12+$0x0] =	vst.idx.msk vm1, v4;
	v9 =	vadd.s32 $0x32C8, v6  }
0x43b: {  	[tilespmem:v10+s12+$0x0] =	vst.idx.msk vm1, v4;
	v10 =	vadd.s32 $0x36B0, v6  }
0x43c: {  	[tilespmem:v11+s12+$0x0] =	vst.idx.msk vm1, v4;
	v11 =	vadd.s32 $0x3A98, v6  }
0x43d: {  	[tilespmem:v7+s12+$0x0] =	vst.idx.msk vm1, v4;
	v7 =	vadd.s32 $0x3E80, v6  }
0x43e: {  	[tilespmem:v8+s12+$0x0] =	vst.idx.msk vm1, v4;
	v8 =	vadd.s32 $0x4268, v6  }
0x43f: {  	[tilespmem:v9+s12+$0x0] =	vst.idx.msk vm1, v4;
	v9 =	vadd.s32 $0x4650, v6  }
0x440: {  	[tilespmem:v10+s12+$0x0] =	vst.idx.msk vm1, v4;
	v10 =	vadd.s32 $0x4A38, v6  }
0x441: {  	[tilespmem:v11+s12+$0x0] =	vst.idx.msk vm1, v4;
	v11 =	vadd.s32 $0x4E20, v6  }
0x442: {  	[tilespmem:v7+s12+$0x0] =	vst.idx.msk vm1, v4;
	v7 =	vadd.s32 $0x5208, v6  }
0x443: {  	[tilespmem:v8+s12+$0x0] =	vst.idx.msk vm1, v4;
	v8 =	vadd.s32 $0x55F0, v6  }
.Ltmp48:
0x444: {  	v6 =	vadd.s32 $0x59D8, v6;
	[tilespmem:v9+s12+$0x0] =	vst.idx.msk vm1, v4;
	(pc) =	sbr.rel @p0 .LBB2_71-.Ltmp48, $4  }
0x445: {  	[tilespmem:v10+s12+$0x0] =	vst.idx.msk vm1, v4  }
0x446: {  	[tilespmem:v11+s12+$0x0] =	vst.idx.msk vm1, v4  }
0x447: {  	[tilespmem:v7+s12+$0x0] =	vst.idx.msk vm1, v4  }
0x448: {  	[tilespmem:v8+s12+$0x0] =	vst.idx.msk vm1, v4  }
.Ltmp49:
0x449: {  	_ = 	snop;
	(pc) =	sbr.rel .LBB2_72-.Ltmp49, $1  }
0x44a: {  	_ =	sdelay $0x3  }
.LBB2_13:
.Ltmp50:
0x44b: {  	(pc) =	sbr.rel .LBB2_17-.Ltmp50, $2  }
0x44c: {  	_ =	sdelay $0x2  }
0x44d: {  	s19 =	simm.s32 $0x7D10  }
.LBB2_20:
.Ltmp51:
0x44e: {  	(pc) =	sbr.rel .LBB2_24-.Ltmp51, $2  }
0x44f: {  	_ =	sdelay $0x2  }
0x450: {  	s20 =	simm.s32 $0x17D10  }
.LBB2_31:
.Ltmp52:
0x451: {  	(pc) =	sbr.rel .LBB2_35-.Ltmp52, $2  }
0x452: {  	_ =	sdelay $0x2  }
0x453: {  	s11 =	simm.s32 $0x17D10  }
.LBB2_39:
.Ltmp53:
0x454: {  	(pc) =	sbr.rel .LBB2_43-.Ltmp53, $2  }
0x455: {  	_ =	sdelay $0x2  }
0x456: {  	s9 =	simm.s32 $0x17D10;
	vm3 =	vmmov vm1;
	v7 =	vmov v6;
	p3 =	por $0x0, $0x0  }
.LBB2_44:
.Ltmp54:
0x457: {  	(pc) =	sbr.rel .LBB2_48-.Ltmp54, $2  }
0x458: {  	_ =	sdelay $0x2  }
0x459: {  	s11 =	simm.s32 $0x17D10  }
.LBB2_56:
.Ltmp55:
0x45a: {  	(pc) =	sbr.rel .LBB2_60-.Ltmp55, $2  }
0x45b: {  	_ =	sdelay $0x2  }
0x45c: {  	s19 =	simm.s32 $0x17D10  }
.LBB2_64:
.Ltmp56:
0x45d: {  	(pc) =	sbr.rel .LBB2_68-.Ltmp56, $2  }
0x45e: {  	_ =	sdelay $0x2  }
0x45f: {  	s11 =	simm.s32 $0x17D10  }
.LBB2_15:
.Ltmp57:
0x460: {  	(pc) =	sbr.rel .LBB2_17-.Ltmp57, $2  }
0x461: {  	_ =	sdelay $0x2  }
0x462: {  	s19 =	simm.s32 $0x7D10  }
.LBB2_22:
.Ltmp58:
0x463: {  	(pc) =	sbr.rel .LBB2_24-.Ltmp58, $2  }
0x464: {  	_ =	sdelay $0x2  }
0x465: {  	s20 =	simm.s32 $0x17D10  }
.LBB2_28:
.Ltmp59:
0x466: {  	(pc) =	sbr.rel .LBB2_30-.Ltmp59, $2  }
0x467: {  	_ =	sdelay $0x2  }
0x468: {  	s11 =	simm.s32 $0x17D10  }
.LBB2_33:
.Ltmp60:
0x469: {  	(pc) =	sbr.rel .LBB2_35-.Ltmp60, $2  }
0x46a: {  	_ =	sdelay $0x2  }
0x46b: {  	s11 =	simm.s32 $0x17D10  }
.LBB2_41:
.Ltmp61:
0x46c: {  	(pc) =	sbr.rel .LBB2_43-.Ltmp61, $2  }
0x46d: {  	_ =	sdelay $0x2  }
0x46e: {  	s9 =	simm.s32 $0x17D10  }
.LBB2_46:
.Ltmp62:
0x46f: {  	(pc) =	sbr.rel .LBB2_48-.Ltmp62, $2  }
0x470: {  	_ =	sdelay $0x2  }
0x471: {  	s11 =	simm.s32 $0x17D10  }
.LBB2_53:
.Ltmp63:
0x472: {  	(pc) =	sbr.rel .LBB2_55-.Ltmp63, $2  }
0x473: {  	_ =	sdelay $0x2  }
0x474: {  	s11 =	simm.s32 $0x17D10  }
.LBB2_58:
.Ltmp64:
0x475: {  	(pc) =	sbr.rel .LBB2_60-.Ltmp64, $2  }
0x476: {  	_ =	sdelay $0x2  }
0x477: {  	s19 =	simm.s32 $0x17D10  }
.LBB2_66:
.Ltmp65:
0x478: {  	(pc) =	sbr.rel .LBB2_68-.Ltmp65, $2  }
0x479: {  	_ =	sdelay $0x2  }
0x47a: {  	s11 =	simm.s32 $0x17D10  }
.LBB2_75:
0x47b: {  	_ =	sfence.sel $0x180000  }
0x47c: {  	[bflag:$0x0] =	sbarrier.arrive $0xFFFF  }
0x47d: {  	_ =	strace $0x90000047  }
0x47e: {  	s0 =	stileid.u32;
	[bflag:$0x2] =	sbarrier.arrive $0xFFFF  }
0x47f: {  	p0 =	sne.s32 s0, $0x0;
	s0 =	rddreg [dreg:$0x2]  }
0x480: {  	s0 =	sadd.s32 @!p0 $0x100000, s0  }
0x481: {  	[sflag:s0] =	ssyncadd.tile.s32 @!p0 $0x1;
	_ =	shalt  }
.Lfunc_end2:
_tile_overlayer_lowered:
.L_overlay_start_2:
0x482: {  	(tag) =	ssettag $0x2  }
0x483: {  	s0 =	rddreg [dreg:$0x0];
	s2 =	stileid.u32  }
0x484: {  	s1 =	rddreg [dreg:$0x1];
	p0 =	sne.s32 s2, $0x0  }
0x485: {  	s3 =	rddreg [dreg:$0x2];
	[bflag:$0x3] =	sbarrier.arrive $0xFFFF;
	s2 =	simm.s32 @!p0 $0x1C06  }
0x486: {  	[timem:s3], [sflag:s2] =	dma.local @!p0 [hbm:s0], s1  }
0x487: {  	s0 =	simm.s32 @!p0 $0x6  }
0x488: {  	_ =	swait.ge @!p0 [sflag:s0], s1  }
0x489: {  	s1 =	ssub.s32 @!p0 $0x0, s1;
	[sflag:s0] =	ssyncset.done @!p0 $0x0  }
0x48a: {  	[sflag:s0] =	ssyncadd.s32 @!p0 s1  }
0x48b: {  	[bflag:$0x3] =	sbarrier.arrive $0xFFFF  }
0x48c: {  	_ =	shalt  }

// kernel: sparse-core-data-format-call.cloned.1.call-start
scs
called_computation_lowered:
.L_overlay_start_0:
0x0: {  	s2 =	sld [smem:$0x3FD9]  }
0x1: {  	s3 =	sld [smem:$0x3FFE];
	_ =	sdelay $0x1  }
0x2: {  	s1 =	srdreg.scid  }
0x3: {  	s0 =	sand.u32 $0x1, s1  }
0x4: {  	s18 =	sshll.u32 s0, $0xA;
	s2 =	sadd.s32 s3, s2  }
0x5: {  	s2 =	sadd.s32 s2, s18  }
0x6: {  	[smem:$0x3FC6] =	sst s2  }
0x7: {  	_ = 	snop  }
0x8: {  	s2 =	sld [smem:$0x3FD0];
	(tm) =	ssettm $0x1  }
0x9: {  	s19 =	sld [smem:$0x3FFB];
	_ =	sdelay $0x3  }
0xa: {  	_ =	strace s19  }
0xb: {  	s3 =	sld [smem:$0x3FFC];
	_ =	sdelay $0x3  }
0xc: {  	_ =	strace s3  }
0xd: {  	s3 =	sld [smem:$0x3FFD];
	_ =	sdelay $0x3  }
0xe: {  	_ =	strace s3  }
0xf: {  	_ =	strace $0x8FFFFFFF  }
0x10: {  	s20 =	sld [smem:$0x3FDB];
	_ =	sdelay $0x1  }
0x11: {  	s4 =	simm.s32 $_scs_section_size  }
0x12: {  	s5 =	simm.s32 $_size__tile_overlayer_lowered;
	s6 =	simm.s32 $_tile_overlayer_lowered  }
0x13: {  	s23 =	simm.s32 $0x1BFF;
	s22 =	sshll.u32 s6, $0x1;
	s3 =	sadd.s32 s4, s20  }
0x14: {  	s7 =	simm.s32 $0x0;
	s21 =	sshll.u32 s5, $0x1;
	s5 =	sadd.s32 s22, s3  }
0x15: {  	[timem:s7], [sflag:s23] =	dma.local [hbm:s5], s21  }
0x16: {  	_ =	swait.ge [sflag:s23], s21  }
0x17: {  	s4 =	ssub.s32 $0x0, s21;
	[sflag:s23] =	ssyncset.done $0x0  }
0x18: {  	[sflag:s23] =	ssyncadd.s32 s4;
	_ =	sdelay $0x1  }
0x19: {  	s24 =	simm.s32 $0x1B8B  }
0x1a: {  	_ =	swait.ge [sflag:s24], $0x1  }
0x1b: {  	[sflag:s24] =	ssyncset.done $0x0  }
0x1c: {  	s26 =	simm.s32 $0x1B8E;
	s25 =	sld [smem:$0x3FFE];
	[sflag:s24] =	ssyncadd.s32 $0xFFFFFFFF  }
0x1d: {  	s27 =	simm.s32 $execute0_lowered;
	[smem:$0x3FD2] =	sst s26  }
0x1e: {  	s5 =	sshll.u32 s27, $0x1;
	_ =	strace $0x80000049;
	[dreg:$0x1] =	wrdreg $0xFFFFFFFF  }
0x1f: {  	s28 =	simm.s32 $_size_execute0_lowered;
	s3 =	sadd.s32 s3, s5;
	[dreg:$0x0] =	wrdreg $0x0  }
0x20: {  	s5 =	sshll.u32 s28, $0x1;
	[dreg:$0x2] =	wrdreg s3  }
0x21: {  	[dreg:$0x3] =	wrdreg s5  }
0x22: {  	[dreg:$0x4] =	wrdreg $0xC0  }
0x23: {  	_ =	task [dreg:s7], $0x5FFFF  }
0x24: {  	[dreg:$0x1] =	wrdreg $0xFFFFFFFF  }
0x25: {  	[dreg:$0x0] =	wrdreg $0x60  }
0x26: {  	[dreg:$0x2] =	wrdreg s25  }
0x27: {  	[dreg:$0x3] =	wrdreg s2  }
0x28: {  	[dreg:$0x4] =	wrdreg $0x9  }
0x29: {  	_ =	task.clear_ibuf [dreg:s7], $0x5FFFF;
	_ =	strace $0x90000049  }
0x2a: {  	s29 =	simm.s32 $0x9;
	_ =	strace $0x8000004B  }
0x2b: {  	_ =	swait.ge [sflag:s29], $0x1  }
0x2c: {  	[sflag:s29] =	ssyncadd.s32 $0xFFFFFFFF  }
0x2d: {  	_ =	strace $0x9000004B  }
0x2e: {  	_ =	sfence  }
0x2f: {  	s30 =	sld [smem:$0x0];
	_ =	sdelay $0x2  }
0x30: {  	s31 =	sshll.u32 s1, $0xD;
	s1 =	sshrl.u32 s1, $0x2  }
0x31: {  	s3 =	sand.u32 $0x4000, s31;
	s1 =	sadd.s32 s1, s30  }
0x32: {  	s0 =	sor.u32 s3, s0;
	s1 =	sshll.u32 s1, $0x11  }
0x33: {  	s0 =	sor.u32 s1, s0  }
0x34: {  	s0 =	sadd.s32 $0x8F2B, s0  }
0x35: {  	[sflag:s0] =	ssyncadd.remote.s32 $0x1  }
0x36: {  	_ =	sfence.sel $0xFFFF  }
0x37: {  	[dreg:$0x0] =	wrdreg $0xFFFFFFFF;
	(pc) =	sbr.abs _section_cstart, $3  }
0x38: {  	[dreg:$0x1] =	wrdreg $0xFFFFFFFF  }
0x39: {  	_ =	task.clear_ibuf [dreg:s7], $0x2FFFF;
	_ =	strace $0x9FFFFFFF  }
0x3a: {  	(tm) =	ssettm $0x7FFFFFFF  }
0x3b: {  	_ =	shalt  }
tec
execute0_lowered:
.L_overlay_start_1:
0x0: {  	(tag) =	ssettag $0x1  }
0x1: {  	s3 =	rddreg [dreg:$0x0]  }
0x2: {  	s2 =	rddreg [dreg:$0x1]  }
0x3: {  	s0 =	rddreg [dreg:$0x2];
	_ =	strace $0x8000004A;
	s1 =	stileid.u32  }
0x4: {  	s6 =	srdreg.scid;
	s10 =	simm.s32 $0x2;
	s18 =	simm.s32 $0x0  }
0x5: {  	s11 =	simm.s32 $0x1000;
	s16 =	simm.s32 $0x0;
	s17 =	simm.s32 $0x0  }
0x6: {  	s19 =	simm.s32 $0x0;
	s13 =	simm.s32 $0x0;
	s15 =	simm.s32 $0x0  }
0x7: {  	s3 =	sadd.s32 $0xA4C00, s3;
	s5 =	sshrl.u32 s1, $0x1;
	s4 =	sand.u32 $0x3, s1  }
0x8: {  	s7 =	sshll.u32 s1, $0x7;
	s8 =	sshll.u32 s6, $0xB;
	s5 =	sand.u32 $0x2, s5  }
.Ltmp0:
0x9: {  	s6 =	simm.s32 $0x1;
	s9 =	ssub.s32 $0x1F4, s5;
	(pc) =	sbr.rel .LBB1_1-.Ltmp0, $4  }
0xa: {  	s7 =	sor.u32 s7, s8;
	[sflag:s6] =	ssyncpa.u1 $0x0;
	s31 =	sshrl.u32 s9, $0x1  }
0xb: {  	s14 =	smov.u32 s4;
	s9 =	sshrl.u32 s9, $0x2;
	s8 =	sand.u32 $0x1, s31  }
0xc: {  	s7 =	sand.u32 $0xC00, s7;
	[sflag:s10] =	ssyncpa.u1 $0x0;
	s8 =	sadd.s32 s9, s8  }
0xd: {  	s10 =	simm.s32 $0x400;
	s12 =	smov.u32 s5;
	s9 =	sadd.s32 $0x1, s8  }
.LBB1_7:
0xe: {  	s20 =	sadd.s32 $0x4, s12  }
0xf: {  	s16 =	sadd.s32 $0x40, s13;
	s21 =	smov.u32 s13;
	p1 =	sgt.s32 s20, $0x1F3  }
0x10: {  	s21 =	smov.u32 @p1 s16  }
0x11: {  	s22 =	smov.u32 s14;
	s16 =	sadd.s32 $0x4, s14;
	p2 =	sgt.s32 s21, $0x3F  }
0x12: {  	s22 =	smov.u32 @p2 s16  }
0x13: {  	s20 =	smov.u32 @p1 s5;
	p1 =	sgt.s32 s22, $0x3  }
0x14: {  	p0 =	slt.u32 s15, $0x2;
	s22 =	smov.u32 @p1 s4;
	p1 =	sne.s32 s15, s9  }
.Ltmp1:
0x15: {  	s18 =	simm.s32 @!p0 $0x2;
	(pc) =	sbr.rel @!p1 .LBB1_8-.Ltmp1, $4  }
0x16: {  	s17 =	smov.u32 s13;
	s19 =	smov.u32 s14;
	_ =	swait.ge @!p0 [sflag:s18], $0x4000  }
0x17: {  	[sflag:s18] =	ssyncset.done @!p0 $0x0;
	s21 =	simm.s32 @p2 $0x0;
	s16 =	smov.u32 s12  }
0x18: {  	[sflag:s18] =	ssyncadd.s32 @!p0 $0xFFFFC000;
	s18 =	smov.u32 s7;
	s12 =	smov.u32 s20  }
0x19: {  	s13 =	smov.u32 s21;
	s15 =	sadd.s32 $0x1, s15;
	s14 =	smov.u32 s22  }
.LBB1_1:
0x1a: {  	p0 =	sge.u32 s15, s8  }
0x1b: {  	s20 =	sshll.u32 @!p0 s12, $0x9;
	s21 =	sshll.u32 @!p0 s12, $0x7  }
0x1c: {  	s20 =	sand.u32 @!p0 $0xFFFFF000, s20;
	s21 =	sand.u32 @!p0 $0x200, s21  }
0x1d: {  	s20 =	sor.u32 @!p0 s21, s20  }
0x1e: {  	s20 =	sor.u32 @!p0 s7, s20  }
0x1f: {  	s20 =	sshrl.u32 @!p0 s20, $0x9  }
0x20: {  	s21 =	smulhi.u32 @!p0 $0x820821, s20  }
0x21: {  	s22 =	smul.u32 @!p0 $0x1F8000, s14  }
0x22: {  	s21 =	smul.u32 @!p0 $0x1F8, s21  }
0x23: {  	s31 =	sadd.s32 $0xFFFFFFFF, s15;
	s23 =	sxor.u32 @!p0 $0xFFFFFFFF, s15;
	s24 =	smul.u32 @!p0 $0x7E00, s13  }
0x24: {  	s22 =	sadd.s32 @!p0 s3, s22;
	s20 =	ssub.s32 @!p0 s20, s21;
	s21 =	sshll.u32 @!p0 s12, $0x4  }
0x25: {  	s23 =	sshll.u32 @!p0 s23, $0xE;
	s22 =	sadd.s32 @!p0 s24, s22;
	s21 =	sand.u32 @!p0 $0x30, s21  }
0x26: {  	s23 =	sand.u32 @!p0 $0x4000, s23;
	s20 =	sshll.u32 @!p0 s20, $0x6;
	s21 =	sadd.s32 @!p0 s21, s22  }
0x27: {  	s22 =	simm.s32 @!p0 $0x3F000;
	s20 =	sadd.s32 @!p0 s20, s21;
	s21 =	simm.s32 @!p0 $0x100  }
0x28: {  	[tilespmem:s23], [sflag:$0x1] =	stream.strided.gather @!p0 [hbm4b:s20+s21], $0x4000, s22, s21, $0x38;
	[tilespmem:$0x10000] =	vst v63  }
0x29: {  	p0 =	sge.u32 s31, s8  }
.Ltmp2:
0x2a: {  	_ = 	snop;
	(pc) =	sbr.rel @p0 .LBB1_7-.Ltmp2, $1  }
0x2b: {  	_ =	sdelay $0x3  }
0x2c: {  	_ =	swait.ge [sflag:s6], $0x4000;
	s20 =	sshll.u32 s15, $0xE  }
0x2d: {  	[sflag:s6] =	ssyncset.done $0x0;
	s21 =	sand.u32 $0x4000, s20  }
0x2e: {  	s22 =	simm.s32 $0x0;
	[sflag:s6] =	ssyncadd.s32 $0xFFFFC000;
	s20 =	sor.u32 $0x8000, s21  }
.LBB1_3:
0x2f: {  	s23 =	sshll.u32 s22, $0x8  }
0x30: {  	s23 =	sand.u32 $0x3FFFFF00, s23  }
0x31: {  	s24 =	sshll.u32 s22, $0x7;
	s23 =	sadd.s32 s23, s21  }
0x32: {  	s24 =	sand.u32 $0x3FFFFF80, s24;
	v0 =	vmov s23  }
0x33: {  	s24 =	sadd.s32 s24, s20  }
0x34: {  	p0 =	por $0x1, $0x1;
	v1 =	vmov s24;
	s23 =	simm.s32 $0x0  }
.LBB1_4:
0x35: {  	s24 =	sshll.u32 s23, $0x7  }
0x36: {  	s24 =	sand.u32 $0x3FFFFF80, s24  }
0x37: {  	v2 =	vld.idx.msk [tilespmem:v0+s24+$0x0 ss:$0x1], $0xffff  }
0x38: {  	v3 =	vld.idx.msk [tilespmem:v0+s24+$0x10 ss:$0x1], $0xffff  }
0x39: {  	v4 =	vld.idx.msk [tilespmem:v0+s24+$0x20 ss:$0x1], $0xffff  }
0x3a: {  	s31 =	sshll.u32 s23, $0xD;
	v5 =	vld.idx.msk [tilespmem:v0+s24+$0x30 ss:$0x1], $0xffff  }
0x3b: {  	s23 =	sand.u32 $0x3FFFE000, s31;
	v6 =	vld.idx.msk [tilespmem:v0+s24+$0x40 ss:$0x1], $0xffff  }
0x3c: {  	v63 =	vld.idx.msk [tilespmem:v0+s24+$0x70 ss:$0x1], $0xffff;
	[tilespmem:v1+s23+$0x0 ss:$0x1] =	vst.idx.msk $0xffff, v2  }
0x3d: {  	v2 =	vld.idx.msk [tilespmem:v0+s24+$0x50 ss:$0x1], $0xffff;
	[tilespmem:v1+s23+$0x10 ss:$0x1] =	vst.idx.msk $0xffff, v3  }
0x3e: {  	p1 =	por p0, p0;
	v3 =	vld.idx.msk [tilespmem:v0+s24+$0x60 ss:$0x1], $0xffff;
	[tilespmem:v1+s23+$0x20 ss:$0x1] =	vst.idx.msk $0xffff, v4  }
.Ltmp3:
0x3f: {  	[tilespmem:v1+s23+$0x30 ss:$0x1] =	vst.idx.msk $0xffff, v5;
	(pc) =	sbr.rel @p1 .LBB1_4-.Ltmp3, $4  }
0x40: {  	[tilespmem:v1+s23+$0x40 ss:$0x1] =	vst.idx.msk $0xffff, v6  }
0x41: {  	[tilespmem:v1+s23+$0x70 ss:$0x1] =	vst.idx.msk $0xffff, v63  }
0x42: {  	[tilespmem:v1+s23+$0x50 ss:$0x1] =	vst.idx.msk $0xffff, v2  }
0x43: {  	p0 =	por $0x0, $0x0;
	[tilespmem:v1+s23+$0x60 ss:$0x1] =	vst.idx.msk $0xffff, v3;
	s23 =	simm.s32 $0x1  }
0x44: {  	s22 =	sadd.s32 $0x1, s22  }
0x45: {  	p0 =	sne.s32 s22, $0x40  }
.Ltmp4:
0x46: {  	_ = 	snop;
	(pc) =	sbr.rel @p0 .LBB1_3-.Ltmp4, $1  }
0x47: {  	_ =	sdelay $0x3  }
0x48: {  	s21 =	sshll.u32 s17, $0x9  }
0x49: {  	s22 =	sshll.u32 s17, $0x7;
	s19 =	smul.u32 $0x1F4000, s19;
	s16 =	sshll.u32 s16, $0xC  }
0x4a: {  	s31 =	sshll.u32 s17, $0x4;
	s21 =	sand.u32 $0x7000, s21;
	s30 =	sand.u32 $0x200, s22  }
.Ltmp5:
0x4b: {  	s18 =	sor.u32 s18, s21;
	s19 =	sadd.s32 s2, s19;
	(pc) =	sbr.rel .LBB1_7-.Ltmp5, $4  }
0x4c: {  	s17 =	sand.u32 $0x30, s31;
	s18 =	sor.u32 s30, s18;
	s16 =	sadd.s32 s16, s19  }
0x4d: {  	s18 =	sshrl.u32 s18, $0x3;
	s16 =	sadd.s32 s17, s16  }
0x4e: {  	s16 =	sadd.s32 s18, s16  }
0x4f: {  	[hbm4b:s16+s10] =	stream.strided.scatter [tilespmem:s20], [sflag:$0x2], $0x4000, s11, s10, $0x38;
	[tilespmem:$0x10000] =	vst v63  }
.LBB1_8:
0x50: {  	_ =	sfence.sel $0x180000  }
0x51: {  	s2 =	simm.s32 $0x1;
	[bflag:$0x0] =	sbarrier.arrive $0xFFFF  }
0x52: {  	s31 =	simm.s32 $0x2;
	[sflag:s2] =	ssyncpa.u1 $0x1  }
0x53: {  	[sflag:s31] =	ssyncpa.u1 $0x1  }
0x54: {  	p0 =	sne.s32 s1, $0x0;
	_ =	strace $0x9000004A  }
0x55: {  	s0 =	sadd.s32 @!p0 $0x100000, s0;
	[bflag:$0x2] =	sbarrier.arrive $0xFFFF  }
0x56: {  	[sflag:s0] =	ssyncadd.tile.s32 @!p0 $0x1;
	_ =	shalt  }
.Lfunc_end1:
_tile_overlayer_lowered:
.L_overlay_start_2:
0x57: {  	(tag) =	ssettag $0x2  }
0x58: {  	s0 =	rddreg [dreg:$0x0];
	s2 =	stileid.u32  }
0x59: {  	s1 =	rddreg [dreg:$0x1];
	p0 =	sne.s32 s2, $0x0  }
0x5a: {  	s3 =	rddreg [dreg:$0x2];
	[bflag:$0x3] =	sbarrier.arrive $0xFFFF;
	s2 =	simm.s32 @!p0 $0x1C01  }
0x5b: {  	[timem:s3], [sflag:s2] =	dma.local @!p0 [hbm:s0], s1  }
0x5c: {  	s0 =	simm.s32 @!p0 $0x1  }
0x5d: {  	_ =	swait.ge @!p0 [sflag:s0], s1  }
0x5e: {  	s1 =	ssub.s32 @!p0 $0x0, s1;
	[sflag:s0] =	ssyncset.done @!p0 $0x0  }
0x5f: {  	[sflag:s0] =	ssyncadd.s32 @!p0 s1  }
0x60: {  	[bflag:$0x3] =	sbarrier.arrive $0xFFFF  }
0x61: {  	_ =	shalt  }

</sc_bundles>
